<compile_context>
chip_gen: v7x
topology: tpu7x:2x2x1
jax: 0.10.2.dev20260603
libtpu: 0.0.44.dev20260713+nightly
codegen_flags: <defaults>
</compile_context>

<pallas_src>
import functools

import jax
import jax.numpy as jnp
from jax import lax
from jax.experimental import pallas as pl
from jax.experimental.pallas import tpu as pltpu
from jax.experimental.pallas import tpu_sc as plsc

F32 = jnp.float32
I32 = jnp.int32
HI = lax.Precision.HIGHEST

_NB_ROWS = 1000


def _dot(a, b):
    return jnp.dot(a, b, precision=HI, preferred_element_type=F32)


def _dot_mlp(a, b):
    return jnp.dot(a, b, preferred_element_type=F32)


def _select_rows(oh, table):
    a = table.astype(jnp.bfloat16).astype(F32)
    b = (table - a).astype(jnp.bfloat16).astype(F32)
    c = table - a - b
    return (_dot_mlp(oh, a) + _dot_mlp(oh, b)) + _dot_mlp(oh, c)


def _make_sc_edge(n, e, emb):
    nc, ns = 2, 16
    ch = 128
    total_chunks = e // ch
    base = total_chunks // (nc * ns)
    rem = total_chunks % (nc * ns)
    stripe = (n // 8 // ns) * 8
    sub = stripe // 6
    tail = n - ns * stripe
    mesh = plsc.VectorSubcoreMesh(core_axis_name="c", subcore_axis_name="s")

    @functools.partial(
        pl.kernel,
        out_type=jax.ShapeDtypeStruct((nc * n, emb), F32),
        mesh=mesh,
        scratch_types=[
            pltpu.VMEM_SHARED((n, emb), F32),
            pltpu.VMEM((ch,), I32),
            pltpu.VMEM((ch,), I32),
            pltpu.VMEM((ch,), I32),
            pltpu.VMEM((ch, emb), F32),
            pltpu.VMEM((ch, emb), F32),
            pltpu.SemaphoreType.DMA,
            pltpu.SemaphoreType.DMA,
        ],
    )
    def sc_edge(h_hbm, ctab_hbm, src_hbm, dst_hbm, code_hbm, out_hbm,
                aggr_sh, srcv, codev, dstv, hbuf, ebuf, sem1, sem2):
        cc = lax.axis_index("c")
        ss = lax.axis_index("s")
        wid = cc * ns + ss

        def zrow(r, carry):
            for c in range(emb // 16):
                hbuf[r, pl.ds(c * 16, 16)] = jnp.zeros((16,), F32)
            return carry

        lax.fori_loop(0, sub, zrow, 0)
        r0 = ss * stripe
        for t in range(stripe // sub):
            pltpu.sync_copy(hbuf.at[pl.ds(0, sub)],
                            aggr_sh.at[pl.ds(r0 + t * sub, sub)])

        @pl.when(ss == 0)
        def _():
            pltpu.sync_copy(hbuf.at[pl.ds(0, tail)],
                            aggr_sh.at[pl.ds(ns * stripe, tail)])

        plsc.subcore_barrier()

        ntrips = base + (wid < rem).astype(I32)
        start = wid * base + jnp.minimum(wid, rem)

        def chunk(j, carry):
            e0 = (start + j) * ch
            pltpu.sync_copy(src_hbm.at[pl.ds(e0, ch)], srcv)
            pltpu.sync_copy(code_hbm.at[pl.ds(e0, ch)], codev)
            pltpu.sync_copy(dst_hbm.at[pl.ds(e0, ch)], dstv)
            cp1 = pltpu.async_copy(h_hbm.at[srcv], hbuf, sem1)
            cp2 = pltpu.async_copy(ctab_hbm.at[codev], ebuf, sem2)
            cp1.wait()
            cp2.wait()

            def mrow(r, c2):
                for c in range(emb // 16):
                    sl = pl.ds(c * 16, 16)
                    hbuf[r, sl] = jnp.maximum(hbuf[r, sl] + ebuf[r, sl], 0.0)
                return c2

            lax.fori_loop(0, ch, mrow, 0)
            pltpu.sync_copy(hbuf, aggr_sh.at[dstv], add=True)
            return carry

        lax.fori_loop(0, ntrips, chunk, 0)
        plsc.subcore_barrier()

        for t in range(stripe // sub):
            rr = r0 + t * sub
            pltpu.sync_copy(aggr_sh.at[pl.ds(rr, sub)],
                            out_hbm.at[pl.ds(cc * n + rr, sub)])

        @pl.when(ss == 0)
        def _():
            pltpu.sync_copy(aggr_sh.at[pl.ds(ns * stripe, tail)],
                            out_hbm.at[pl.ds(cc * n + ns * stripe, tail)])

    return sc_edge


def _prep_nodes(x, atom_emb):
    n = x.shape[0]
    nb = n // _NB_ROWS

    def body(x_ref, emb_ref, out_ref):
        xb = x_ref[...]
        io = lax.broadcasted_iota(I32, (_NB_ROWS, 128), 1)
        acc = None
        for f in range(9):
            sel = _select_rows((xb[:, f:f + 1] == io).astype(F32), emb_ref[f])
            acc = sel if acc is None else acc + sel
        out_ref[...] = acc

    return pl.pallas_call(
        body,
        grid=(nb,),
        in_specs=[pl.BlockSpec((_NB_ROWS, 9), lambda i: (i, 0)),
                  pl.BlockSpec((9, 128, 128), lambda i: (0, 0, 0))],
        out_specs=pl.BlockSpec((_NB_ROWS, 128), lambda i: (i, 0)),
        out_shape=jax.ShapeDtypeStruct((n, 128), F32),
    )(x, atom_emb)


def _build_ctab(bond_emb):
    nl = bond_emb.shape[0]

    def body(b_ref, out_ref):
        b = b_ref[0]
        r = lax.broadcasted_iota(I32, (4096, 16), 0)
        t = lax.broadcasted_iota(I32, (4096, 16), 1)
        digits = (r // 256, (r // 16) % 16, r % 16)
        acc = None
        for q in range(3):
            sel = _select_rows((digits[q] == t).astype(F32), b[q])
            acc = sel if acc is None else acc + sel
        out_ref[0] = acc

    return pl.pallas_call(
        body,
        grid=(nl,),
        in_specs=[pl.BlockSpec((1, 3, 16, 128), lambda l: (l, 0, 0, 0))],
        out_specs=pl.BlockSpec((1, 4096, 128), lambda l: (l, 0, 0)),
        out_shape=jax.ShapeDtypeStruct((nl, 4096, 128), F32),
    )(bond_emb)


def _build_code(ea3):
    nr = ea3.shape[1]

    def body(a_ref, o_ref):
        a = a_ref[...]
        o_ref[...] = a[0] * 256 + a[1] * 16 + a[2]

    return pl.pallas_call(
        body,
        in_specs=[pl.BlockSpec((3, nr, 128), lambda: (0, 0, 0))],
        out_specs=pl.BlockSpec((nr, 128), lambda: (0, 0)),
        out_shape=jax.ShapeDtypeStruct((nr, 128), I32),
    )(ea3)


def _mlp1_stats(h, aggr2, w1, b1, epsv):
    n = h.shape[0]
    nb = n // _NB_ROWS

    def body(e_ref, h_ref, a_ref, w_ref, b_ref, u_ref, s_ref):
        i = pl.program_id(0)
        hh = (1.0 + e_ref[0]) * h_ref[...] + a_ref[0] + a_ref[1]
        u = _dot_mlp(hh, w_ref[...]) + b_ref[...]
        u_ref[...] = u
        upd = jnp.concatenate(
            [jnp.sum(u, axis=0, keepdims=True),
             jnp.sum(u * u, axis=0, keepdims=True)], axis=0)

        @pl.when(i == 0)
        def _():
            s_ref[...] = upd

        @pl.when(i > 0)
        def _():
            s_ref[...] = s_ref[...] + upd

    return pl.pallas_call(
        body,
        grid=(nb,),
        in_specs=[pl.BlockSpec(memory_space=pltpu.SMEM),
                  pl.BlockSpec((_NB_ROWS, 128), lambda i: (i, 0)),
                  pl.BlockSpec((2, _NB_ROWS, 128), lambda i: (0, i, 0)),
                  pl.BlockSpec((128, 256), lambda i: (0, 0)),
                  pl.BlockSpec((1, 256), lambda i: (0, 0))],
        out_specs=[pl.BlockSpec((_NB_ROWS, 256), lambda i: (i, 0)),
                   pl.BlockSpec((2, 256), lambda i: (0, 0))],
        out_shape=[jax.ShapeDtypeStruct((n, 256), F32),
                   jax.ShapeDtypeStruct((2, 256), F32)],
    )(epsv, h, aggr2, w1, b1)


def _bn1_mlp2(u, stats, g1, be1, w2, b2):
    n = u.shape[0]
    nb = n // _NB_ROWS
    inv_n = 1.0 / n

    def body(u_ref, s_ref, g_ref, be_ref, w_ref, b_ref, y_ref, s2_ref):
        i = pl.program_id(0)
        s = s_ref[...]
        m = s[0:1, :] * inv_n
        v = s[1:2, :] * inv_n - m * m
        z = jnp.maximum(
            g_ref[...] * (u_ref[...] - m) / jnp.sqrt(v + 1e-5) + be_ref[...],
            0.0)
        y = _dot_mlp(z, w_ref[...]) + b_ref[...]
        y_ref[...] = y
        upd = jnp.concatenate(
            [jnp.sum(y, axis=0, keepdims=True),
             jnp.sum(y * y, axis=0, keepdims=True)], axis=0)

        @pl.when(i == 0)
        def _():
            s2_ref[...] = upd

        @pl.when(i > 0)
        def _():
            s2_ref[...] = s2_ref[...] + upd

    return pl.pallas_call(
        body,
        grid=(nb,),
        in_specs=[pl.BlockSpec((_NB_ROWS, 256), lambda i: (i, 0)),
                  pl.BlockSpec((2, 256), lambda i: (0, 0)),
                  pl.BlockSpec((1, 256), lambda i: (0, 0)),
                  pl.BlockSpec((1, 256), lambda i: (0, 0)),
                  pl.BlockSpec((256, 128), lambda i: (0, 0)),
                  pl.BlockSpec((1, 128), lambda i: (0, 0))],
        out_specs=[pl.BlockSpec((_NB_ROWS, 128), lambda i: (i, 0)),
                   pl.BlockSpec((2, 128), lambda i: (0, 0))],
        out_shape=[jax.ShapeDtypeStruct((n, 128), F32),
                   jax.ShapeDtypeStruct((2, 128), F32)],
    )(u, stats, g1, be1, w2, b2)


def _finalize0(y, stats, g, b, vrow):
    n = y.shape[0]
    nb = n // _NB_ROWS
    inv_n = 1.0 / n

    def body(y_ref, s_ref, g_ref, b_ref, v_ref, o_ref):
        s = s_ref[...]
        m = s[0:1, :] * inv_n
        v = s[1:2, :] * inv_n - m * m
        post = jnp.maximum(
            g_ref[...] * (y_ref[...] - m) / jnp.sqrt(v + 1e-5) + b_ref[...],
            0.0)
        o_ref[...] = post + v_ref[...]

    return pl.pallas_call(
        body,
        grid=(nb,),
        in_specs=[pl.BlockSpec((_NB_ROWS, 128), lambda i: (i, 0)),
                  pl.BlockSpec((2, 128), lambda i: (0, 0)),
                  pl.BlockSpec((1, 128), lambda i: (0, 0)),
                  pl.BlockSpec((1, 128), lambda i: (0, 0)),
                  pl.BlockSpec((1, 128), lambda i: (0, 0))],
        out_specs=pl.BlockSpec((_NB_ROWS, 128), lambda i: (i, 0)),
        out_shape=jax.ShapeDtypeStruct((n, 128), F32),
    )(y, stats, g, b, vrow)


def _finalize1(y, stats, g, b, batch2d):
    n = y.shape[0]
    nb = n // _NB_ROWS
    inv_n = 1.0 / n

    def body(y_ref, s_ref, g_ref, b_ref, bt_ref, o_ref, p_ref):
        i = pl.program_id(0)
        s = s_ref[...]
        m = s[0:1, :] * inv_n
        v = s[1:2, :] * inv_n - m * m
        post = jnp.maximum(
            g_ref[...] * (y_ref[...] - m) / jnp.sqrt(v + 1e-5) + b_ref[...],
            0.0)
        o_ref[...] = post
        io = lax.broadcasted_iota(I32, (_NB_ROWS, 128), 1)
        oh = (bt_ref[...] == io).astype(F32)
        upd = lax.dot_general(oh, post, (((0,), (0,)), ((), ())),
                              precision=HI, preferred_element_type=F32)

        @pl.when(i == 0)
        def _():
            p_ref[...] = upd

        @pl.when(i > 0)
        def _():
            p_ref[...] = p_ref[...] + upd

    return pl.pallas_call(
        body,
        grid=(nb,),
        in_specs=[pl.BlockSpec((_NB_ROWS, 128), lambda i: (i, 0)),
                  pl.BlockSpec((2, 128), lambda i: (0, 0)),
                  pl.BlockSpec((1, 128), lambda i: (0, 0)),
                  pl.BlockSpec((1, 128), lambda i: (0, 0)),
                  pl.BlockSpec((_NB_ROWS, 1), lambda i: (i, 0))],
        out_specs=[pl.BlockSpec((_NB_ROWS, 128), lambda i: (i, 0)),
                   pl.BlockSpec((128, 128), lambda i: (0, 0))],
        out_shape=[jax.ShapeDtypeStruct((n, 128), F32),
                   jax.ShapeDtypeStruct((128, 128), F32)],
    )(y, stats, g, b, batch2d)


def _finalize2(y, stats, g, b):
    n = y.shape[0]
    nb = n // _NB_ROWS
    inv_n = 1.0 / n

    def body(y_ref, s_ref, g_ref, b_ref, o_ref):
        s = s_ref[...]
        m = s[0:1, :] * inv_n
        v = s[1:2, :] * inv_n - m * m
        o_ref[...] = (g_ref[...] * (y_ref[...] - m) / jnp.sqrt(v + 1e-5)
                      + b_ref[...])

    return pl.pallas_call(
        body,
        grid=(nb,),
        in_specs=[pl.BlockSpec((_NB_ROWS, 128), lambda i: (i, 0)),
                  pl.BlockSpec((2, 128), lambda i: (0, 0)),
                  pl.BlockSpec((1, 128), lambda i: (0, 0)),
                  pl.BlockSpec((1, 128), lambda i: (0, 0))],
        out_specs=pl.BlockSpec((_NB_ROWS, 128), lambda i: (i, 0)),
        out_shape=jax.ShapeDtypeStruct((n, 128), F32),
    )(y, stats, g, b)


def _virtual(pooled, batch2d, vrow, wv1, bv1, gv1, bev1, wv2, bv2, gv2, bev2):
    n = batch2d.shape[0]

    def body(p_ref, bt_ref, v_ref, w1_ref, b1_ref, g1_ref, e1_ref,
             w2_ref, b2_ref, g2_ref, e2_ref, o_ref):
        ng = bt_ref[n - 1, 0] + 1
        rows = lax.broadcasted_iota(I32, (128, 1), 0)
        gm = (rows < ng).astype(F32)
        cnt = ng.astype(F32)
        hv = p_ref[...] + v_ref[...]

        def mbn(a, g_, e_):
            m = jnp.sum(a * gm, axis=0, keepdims=True) / cnt
            c = (a - m) * gm
            v = jnp.sum(c * c, axis=0, keepdims=True) / cnt
            return g_ * (a - m) / jnp.sqrt(v + 1e-5) + e_

        a = _dot_mlp(hv, w1_ref[...]) + b1_ref[...]
        a = jnp.maximum(mbn(a, g1_ref[...], e1_ref[...]), 0.0)
        b = _dot_mlp(a, w2_ref[...]) + b2_ref[...]
        o_ref[...] = jnp.maximum(mbn(b, g2_ref[...], e2_ref[...]), 0.0)

    full = lambda s: pl.BlockSpec(s, lambda: tuple(0 for _ in s))
    return pl.pallas_call(
        body,
        in_specs=[full((128, 128)), full((n, 1)), full((1, 128)),
                  full((128, 256)), full((1, 256)), full((1, 256)),
                  full((1, 256)), full((256, 128)), full((1, 128)),
                  full((1, 128)), full((1, 128))],
        out_specs=full((128, 128)),
        out_shape=jax.ShapeDtypeStruct((128, 128), F32),
    )(pooled, batch2d, vrow, wv1, bv1, gv1, bev1, wv2, bv2, gv2, bev2)


def _add_vfeat(post, vfeat, batch2d):
    n = post.shape[0]
    nb = n // _NB_ROWS

    def body(p_ref, v_ref, bt_ref, o_ref):
        io = lax.broadcasted_iota(I32, (_NB_ROWS, 128), 1)
        oh = (bt_ref[...] == io).astype(F32)
        o_ref[...] = p_ref[...] + _select_rows(oh, v_ref[...])

    return pl.pallas_call(
        body,
        grid=(nb,),
        in_specs=[pl.BlockSpec((_NB_ROWS, 128), lambda i: (i, 0)),
                  pl.BlockSpec((128, 128), lambda i: (0, 0)),
                  pl.BlockSpec((_NB_ROWS, 1), lambda i: (i, 0))],
        out_specs=pl.BlockSpec((_NB_ROWS, 128), lambda i: (i, 0)),
        out_shape=jax.ShapeDtypeStruct((n, 128), F32),
    )(post, vfeat, batch2d)


def kernel(x, edge_index, edge_attr, batch, atom_emb, bond_emb, eps, W1, b1,
           g1, be1, W2, b2, g_out, b_out, v_emb, Wv1, bv1, gv1, bev1, Wv2,
           bv2, gv2, bev2):
    n, e = x.shape[0], edge_index.shape[1]
    x = x.astype(I32)
    edge_index = edge_index.astype(I32)
    edge_attr = edge_attr.astype(I32)
    batch = batch.astype(I32)
    src, dst = edge_index[0], edge_index[1]
    batch2d = batch.reshape(n, 1)

    code = _build_code(edge_attr.T.reshape(3, e // 128, 128)).reshape(e)
    ctab = _build_ctab(bond_emb)
    h0 = _prep_nodes(x, atom_emb)
    sc_edge = _make_sc_edge(n, e, 128)
    vrow = v_emb.reshape(1, 128)

    def gine_mlp(h, l):
        ag = sc_edge(h, ctab[l], src, dst, code).reshape(2, n, 128)
        u, s1 = _mlp1_stats(h, ag, W1[l], b1[l].reshape(1, -1),
                            eps[l].reshape(1))
        return _bn1_mlp2(u, s1, g1[l].reshape(1, -1), be1[l].reshape(1, -1),
                         W2[l], b2[l].reshape(1, -1))

    y0, st0 = gine_mlp(h0, 0)
    h1 = _finalize0(y0, st0, g_out[0].reshape(1, -1), b_out[0].reshape(1, -1),
                    vrow)
    y1, st1 = gine_mlp(h1, 1)
    post1, pooled = _finalize1(y1, st1, g_out[1].reshape(1, -1),
                               b_out[1].reshape(1, -1), batch2d)
    vf = _virtual(pooled, batch2d, vrow, Wv1, bv1.reshape(1, -1),
                  gv1.reshape(1, -1), bev1.reshape(1, -1), Wv2,
                  bv2.reshape(1, -1), gv2.reshape(1, -1), bev2.reshape(1, -1))
    h2 = _add_vfeat(post1, vf, batch2d)
    y2, st2 = gine_mlp(h2, 2)
    return _finalize2(y2, st2, g_out[2].reshape(1, -1), b_out[2].reshape(1, -1))

# --- scband reference (transcript-rebuilt; emitter-appended) ---
"""Pipeline reference for scband-v-ginmol-head-encoder-28278064677193 (READ-ONLY COPY).

The authoritative reference and input builder live on the scoring server;
editing this copy changes nothing except your own understanding.
"""

import jax, jax.numpy as jnp
import numpy as np

NUM_LAYER = 3
EMB = 128
N_NODES = 10000
N_EDGES = 320000
NUM_GRAPHS_MAX = 128


def setup_inputs(seed: int = 0) -> dict:
    key = jax.random.key(seed)
    ks = jax.random.split(key, 16)
    s = 0.05
    inp = {}
    inp["x"] = jax.random.randint(ks[0], (N_NODES, 9), 0, 128)
    inp["edge_index"] = jax.random.randint(ks[1], (2, N_EDGES), 0, N_NODES)
    inp["edge_attr"] = jax.random.randint(ks[2], (N_EDGES, 3), 0, 16)
    inp["batch"] = jnp.sort(jax.random.randint(ks[3], (N_NODES,), 0, NUM_GRAPHS_MAX))
    inp["atom_emb"] = jax.random.normal(ks[4], (9, 128, EMB), dtype=jnp.float32) * s
    inp["bond_emb"] = jax.random.normal(ks[5], (NUM_LAYER, 3, 16, EMB), dtype=jnp.float32) * s
    inp["eps"] = jnp.zeros((NUM_LAYER,), jnp.float32)
    inp["W1"] = jax.random.normal(ks[6], (NUM_LAYER, EMB, 2 * EMB), dtype=jnp.float32) * s
    inp["b1"] = jnp.zeros((NUM_LAYER, 2 * EMB), jnp.float32)
    inp["g1"] = jnp.ones((NUM_LAYER, 2 * EMB), jnp.float32)
    inp["be1"] = jnp.zeros((NUM_LAYER, 2 * EMB), jnp.float32)
    inp["W2"] = jax.random.normal(ks[7], (NUM_LAYER, 2 * EMB, EMB), dtype=jnp.float32) * s
    inp["b2"] = jnp.zeros((NUM_LAYER, EMB), jnp.float32)
    inp["g_out"] = jnp.ones((NUM_LAYER, EMB), jnp.float32)
    inp["b_out"] = jnp.zeros((NUM_LAYER, EMB), jnp.float32)
    inp["v_emb"] = jax.random.normal(ks[8], (EMB,), dtype=jnp.float32) * s
    inp["Wv1"] = jax.random.normal(ks[9], (EMB, 2 * EMB), dtype=jnp.float32) * s
    inp["bv1"] = jnp.zeros((2 * EMB,), jnp.float32)
    inp["gv1"] = jnp.ones((2 * EMB,), jnp.float32)
    inp["bev1"] = jnp.zeros((2 * EMB,), jnp.float32)
    inp["Wv2"] = jax.random.normal(ks[10], (2 * EMB, EMB), dtype=jnp.float32) * s
    inp["bv2"] = jnp.zeros((EMB,), jnp.float32)
    inp["gv2"] = jnp.ones((EMB,), jnp.float32)
    inp["bev2"] = jnp.zeros((EMB,), jnp.float32)
    return inp


def _bn(h, g, b):
    m = h.mean(axis=0)
    v = h.var(axis=0)
    return g * (h - m) / jnp.sqrt(v + 1e-5) + b


def _bn_masked(h, g, b, mask, cnt):
    m = (h * mask).sum(axis=0) / cnt
    c = (h - m) * mask
    v = (c * c).sum(axis=0) / cnt
    return g * (h - m) / jnp.sqrt(v + 1e-5) + b


def reference(x, edge_index, edge_attr, batch, atom_emb, bond_emb, eps, W1, b1, g1, be1, W2, b2, g_out, b_out, v_emb, Wv1, bv1, gv1, bev1, Wv2, bv2, gv2, bev2):
    n = x.shape[0]
    num_graphs = batch[-1] + 1
    gmask = (jnp.arange(NUM_GRAPHS_MAX) < num_graphs).astype(jnp.float32)[:, None]
    gcnt = num_graphs.astype(jnp.float32)
    src, dst = edge_index[0], edge_index[1]

    def gine(h, i):
        ee = bond_emb[i, 0][edge_attr[:, 0]] + bond_emb[i, 1][edge_attr[:, 1]] + bond_emb[i, 2][edge_attr[:, 2]]
        mess = jax.nn.relu(h[src] + ee)
        aggr = jax.ops.segment_sum(mess, dst, num_segments=n)
        hh = (1.0 + eps[i]) * h + aggr
        hh = jax.nn.relu(_bn(hh @ W1[i] + b1[i], g1[i], be1[i]))
        return hh @ W2[i] + b2[i]

    h = atom_emb[0][x[:, 0]]
    for f in range(1, 9):
        h = h + atom_emb[f][x[:, f]]
    vfeat = jnp.tile(v_emb[None, :], (NUM_GRAPHS_MAX, 1))
    post = jax.nn.relu(_bn(gine(h, 0), g_out[0], b_out[0]))
    for i in range(NUM_LAYER - 1):
        post = post + vfeat[batch]
        post = _bn(gine(post, i + 1), g_out[i + 1], b_out[i + 1])
        if i < NUM_LAYER - 2:
            post = jax.nn.relu(post)
            pooled = jax.ops.segment_sum(post, batch, num_segments=NUM_GRAPHS_MAX)
            hv = pooled + vfeat
            hv = jax.nn.relu(_bn_masked(hv @ Wv1 + bv1, gv1, bev1, gmask, gcnt))
            vfeat = jax.nn.relu(_bn_masked(hv @ Wv2 + bv2, gv2, bev2, gmask, gcnt))
    return post

if __name__ == "__main__":
    import jax
    _d = setup_inputs()
    print(jax.jit(kernel)(*tuple(_d.values())))

</pallas_src>

<mosaic_0001>
#map = affine_map<(d0, d1) -> (0, 0)>
#map1 = affine_map<(d0, d1) -> (0)>
module attributes {stable_mosaic.version = 14 : i64} {
  func.func @sc_edge(%arg0: i32, %arg1: i32, %arg2: memref<10000x128xf32, #tpu.memory_space<hbm>>, %arg3: memref<4096x128xf32, #tpu.memory_space<hbm>>, %arg4: memref<320000xi32, #tpu.memory_space<hbm>>, %arg5: memref<320000xi32, #tpu.memory_space<hbm>>, %arg6: memref<320000xi32, #tpu.memory_space<hbm>>, %arg7: memref<20000x128xf32, #tpu.memory_space<hbm>>, %arg8: memref<10000x128xf32, #tpu.memory_space<vmem_shared>>, %arg9: memref<128xi32, #tpu.memory_space<vmem>>, %arg10: memref<128xi32, #tpu.memory_space<vmem>>, %arg11: memref<128xi32, #tpu.memory_space<vmem>>, %arg12: memref<128x128xf32, #tpu.memory_space<vmem>>, %arg13: memref<128x128xf32, #tpu.memory_space<vmem>>, %arg14: memref<!tpu.dma_semaphore, #tpu.memory_space<semaphore_mem>>, %arg15: memref<!tpu.dma_semaphore, #tpu.memory_space<semaphore_mem>>) attributes {dimension_semantics = [#tpu.dimension_semantics<core_parallel>, #tpu.dimension_semantics<subcore_parallel>], iteration_bounds = array<i64: 2, 16>, scalar_prefetch = 0 : i64, scratch_operands = 8 : i64, tpu.core_type = #tpu.core_type<sc_vector_subcore>, window_params = [{transform_indices = #map}, {transform_indices = #map}, {transform_indices = #map1}, {transform_indices = #map1}, {transform_indices = #map1}, {transform_indices = #map}]} {
    %mul3A = arith.constant 16 : i32
    %mul3A_0 = arith.muli %arg0, %mul3A : i32
    %add3A = arith.addi %mul3A_0, %arg1 : i32
    %scan3A = arith.constant 0 : i32
    %scan3A_1 = arith.constant 0 : i32
    %scan3A_2 = arith.constant 104 : i32
    %scan3A_3 = arith.addi %scan3A_1, %scan3A_2 : i32
    %scan3A_4 = arith.constant 1 : i32
    scf.for %scan3A_75 = %scan3A_1 to %scan3A_3 step %scan3A_4  : i32 {
      %broadcast_in_dim3A = arith.constant 0.000000e+00 : f32
      %broadcast_in_dim3A_76 = vector.broadcast %broadcast_in_dim3A : f32 to vector<16xf32>
      %swap3A = arith.index_cast %scan3A_75 : i32 to index
      %swap3A_77 = arith.constant 0 : index
      %swap3A_78 = tpu.vector_load %arg12[%swap3A, %swap3A_77] {strides = array<i32>} : memref<128x128xf32, #tpu.memory_space<vmem>>, vector<1x16xf32>,
      %swap3A_79 = vector.shape_cast %swap3A_78 : vector<1x16xf32> to vector<16xf32>
      %swap3A_80 = vector.shape_cast %broadcast_in_dim3A_76 : vector<16xf32> to vector<1x16xf32>
      tpu.vector_store %arg12[%swap3A, %swap3A_77], %swap3A_80 {strides = array<i32>} : memref<128x128xf32, #tpu.memory_space<vmem>>, vector<1x16xf32>,
      %broadcast_in_dim3A_81 = arith.constant 0.000000e+00 : f32
      %broadcast_in_dim3A_82 = vector.broadcast %broadcast_in_dim3A_81 : f32 to vector<16xf32>
      %swap3A_83 = arith.index_cast %scan3A_75 : i32 to index
      %swap3A_84 = arith.constant 16 : index
      %swap3A_85 = tpu.vector_load %arg12[%swap3A_83, %swap3A_84] {strides = array<i32>} : memref<128x128xf32, #tpu.memory_space<vmem>>, vector<1x16xf32>,
      %swap3A_86 = vector.shape_cast %swap3A_85 : vector<1x16xf32> to vector<16xf32>
      %swap3A_87 = vector.shape_cast %broadcast_in_dim3A_82 : vector<16xf32> to vector<1x16xf32>
      tpu.vector_store %arg12[%swap3A_83, %swap3A_84], %swap3A_87 {strides = array<i32>} : memref<128x128xf32, #tpu.memory_space<vmem>>, vector<1x16xf32>,
      %broadcast_in_dim3A_88 = arith.constant 0.000000e+00 : f32
      %broadcast_in_dim3A_89 = vector.broadcast %broadcast_in_dim3A_88 : f32 to vector<16xf32>
      %swap3A_90 = arith.index_cast %scan3A_75 : i32 to index
      %swap3A_91 = arith.constant 32 : index
      %swap3A_92 = tpu.vector_load %arg12[%swap3A_90, %swap3A_91] {strides = array<i32>} : memref<128x128xf32, #tpu.memory_space<vmem>>, vector<1x16xf32>,
      %swap3A_93 = vector.shape_cast %swap3A_92 : vector<1x16xf32> to vector<16xf32>
      %swap3A_94 = vector.shape_cast %broadcast_in_dim3A_89 : vector<16xf32> to vector<1x16xf32>
      tpu.vector_store %arg12[%swap3A_90, %swap3A_91], %swap3A_94 {strides = array<i32>} : memref<128x128xf32, #tpu.memory_space<vmem>>, vector<1x16xf32>,
      %broadcast_in_dim3A_95 = arith.constant 0.000000e+00 : f32
      %broadcast_in_dim3A_96 = vector.broadcast %broadcast_in_dim3A_95 : f32 to vector<16xf32>
      %swap3A_97 = arith.index_cast %scan3A_75 : i32 to index
      %swap3A_98 = arith.constant 48 : index
      %swap3A_99 = tpu.vector_load %arg12[%swap3A_97, %swap3A_98] {strides = array<i32>} : memref<128x128xf32, #tpu.memory_space<vmem>>, vector<1x16xf32>,
      %swap3A_100 = vector.shape_cast %swap3A_99 : vector<1x16xf32> to vector<16xf32>
      %swap3A_101 = vector.shape_cast %broadcast_in_dim3A_96 : vector<16xf32> to vector<1x16xf32>
      tpu.vector_store %arg12[%swap3A_97, %swap3A_98], %swap3A_101 {strides = array<i32>} : memref<128x128xf32, #tpu.memory_space<vmem>>, vector<1x16xf32>,
      %broadcast_in_dim3A_102 = arith.constant 0.000000e+00 : f32
      %broadcast_in_dim3A_103 = vector.broadcast %broadcast_in_dim3A_102 : f32 to vector<16xf32>
      %swap3A_104 = arith.index_cast %scan3A_75 : i32 to index
      %swap3A_105 = arith.constant 64 : index
      %swap3A_106 = tpu.vector_load %arg12[%swap3A_104, %swap3A_105] {strides = array<i32>} : memref<128x128xf32, #tpu.memory_space<vmem>>, vector<1x16xf32>,
      %swap3A_107 = vector.shape_cast %swap3A_106 : vector<1x16xf32> to vector<16xf32>
      %swap3A_108 = vector.shape_cast %broadcast_in_dim3A_103 : vector<16xf32> to vector<1x16xf32>
      tpu.vector_store %arg12[%swap3A_104, %swap3A_105], %swap3A_108 {strides = array<i32>} : memref<128x128xf32, #tpu.memory_space<vmem>>, vector<1x16xf32>,
      %broadcast_in_dim3A_109 = arith.constant 0.000000e+00 : f32
      %broadcast_in_dim3A_110 = vector.broadcast %broadcast_in_dim3A_109 : f32 to vector<16xf32>
      %swap3A_111 = arith.index_cast %scan3A_75 : i32 to index
      %swap3A_112 = arith.constant 80 : index
      %swap3A_113 = tpu.vector_load %arg12[%swap3A_111, %swap3A_112] {strides = array<i32>} : memref<128x128xf32, #tpu.memory_space<vmem>>, vector<1x16xf32>,
      %swap3A_114 = vector.shape_cast %swap3A_113 : vector<1x16xf32> to vector<16xf32>
      %swap3A_115 = vector.shape_cast %broadcast_in_dim3A_110 : vector<16xf32> to vector<1x16xf32>
      tpu.vector_store %arg12[%swap3A_111, %swap3A_112], %swap3A_115 {strides = array<i32>} : memref<128x128xf32, #tpu.memory_space<vmem>>, vector<1x16xf32>,
      %broadcast_in_dim3A_116 = arith.constant 0.000000e+00 : f32
      %broadcast_in_dim3A_117 = vector.broadcast %broadcast_in_dim3A_116 : f32 to vector<16xf32>
      %swap3A_118 = arith.index_cast %scan3A_75 : i32 to index
      %swap3A_119 = arith.constant 96 : index
      %swap3A_120 = tpu.vector_load %arg12[%swap3A_118, %swap3A_119] {strides = array<i32>} : memref<128x128xf32, #tpu.memory_space<vmem>>, vector<1x16xf32>,
      %swap3A_121 = vector.shape_cast %swap3A_120 : vector<1x16xf32> to vector<16xf32>
      %swap3A_122 = vector.shape_cast %broadcast_in_dim3A_117 : vector<16xf32> to vector<1x16xf32>
      tpu.vector_store %arg12[%swap3A_118, %swap3A_119], %swap3A_122 {strides = array<i32>} : memref<128x128xf32, #tpu.memory_space<vmem>>, vector<1x16xf32>,
      %broadcast_in_dim3A_123 = arith.constant 0.000000e+00 : f32
      %broadcast_in_dim3A_124 = vector.broadcast %broadcast_in_dim3A_123 : f32 to vector<16xf32>
      %swap3A_125 = arith.index_cast %scan3A_75 : i32 to index
      %swap3A_126 = arith.constant 112 : index
      %swap3A_127 = tpu.vector_load %arg12[%swap3A_125, %swap3A_126] {strides = array<i32>} : memref<128x128xf32, #tpu.memory_space<vmem>>, vector<1x16xf32>,
      %swap3A_128 = vector.shape_cast %swap3A_127 : vector<1x16xf32> to vector<16xf32>
      %swap3A_129 = vector.shape_cast %broadcast_in_dim3A_124 : vector<16xf32> to vector<1x16xf32>
      tpu.vector_store %arg12[%swap3A_125, %swap3A_126], %swap3A_129 {strides = array<i32>} : memref<128x128xf32, #tpu.memory_space<vmem>>, vector<1x16xf32>,
    }
    %scan3A_5 = arith.constant 104 : i32
    %mul3A_6 = arith.constant 624 : i32
    %mul3A_7 = arith.muli %arg1, %mul3A_6 : i32
    %add3A_8 = arith.constant 0 : i32
    %add3A_9 = arith.addi %mul3A_7, %add3A_8 : i32
    "tpu.region"() ({
      %run_scoped3A = tpu.sem_alloc : memref<!tpu.dma_semaphore, #tpu.memory_space<semaphore_mem>>
      %dma_start3A = arith.constant 0 : i32
      %dma_start3A_75 = arith.constant 0 : i32
      %dma_start3A_76 = tpu.memref_slice %arg12[%dma_start3A, %dma_start3A_75] : memref<128x128xf32, #tpu.memory_space<vmem>> -> memref<104x128xf32, #tpu.memory_space<vmem>>
      %dma_start3A_77 = arith.constant 0 : i32
      %dma_start3A_78 = tpu.memref_slice %arg8[%add3A_9, %dma_start3A_77] : memref<10000x128xf32, #tpu.memory_space<vmem_shared>> -> memref<104x128xf32, #tpu.memory_space<vmem_shared>>
      %dma_start3A_79 = arith.constant 0 : i32
      %dma_start3A_80 = tpu.memref_slice %arg8[%add3A_9, %dma_start3A_79] : memref<10000x128xf32, #tpu.memory_space<vmem_shared>> -> memref<104x128xf32, #tpu.memory_space<vmem_shared>>
      %dma_start3A_81 = arith.constant 0 : i32
      %dma_start3A_82 = arith.constant 0 : i32
      %dma_start3A_83 = tpu.memref_slice %arg12[%dma_start3A_81, %dma_start3A_82] : memref<128x128xf32, #tpu.memory_space<vmem>> -> memref<104x128xf32, #tpu.memory_space<vmem>>
      tpu.enqueue_dma source(%dma_start3A_83 : memref<104x128xf32, #tpu.memory_space<vmem>>) target(%dma_start3A_80 : memref<104x128xf32, #tpu.memory_space<vmem_shared>>) target_semaphore(%run_scoped3A : memref<!tpu.dma_semaphore, #tpu.memory_space<semaphore_mem>>)
      %dma_wait3A = arith.constant 0 : i32
      %dma_wait3A_84 = arith.constant 0 : i32
      %dma_wait3A_85 = tpu.memref_slice %arg12[%dma_wait3A, %dma_wait3A_84] : memref<128x128xf32, #tpu.memory_space<vmem>> -> memref<104x128xf32, #tpu.memory_space<vmem>>
      %dma_wait3A_86 = arith.constant 0 : i32
      %dma_wait3A_87 = tpu.memref_slice %arg8[%add3A_9, %dma_wait3A_86] : memref<10000x128xf32, #tpu.memory_space<vmem_shared>> -> memref<104x128xf32, #tpu.memory_space<vmem_shared>>
      %dma_wait3A_88 = arith.constant 0 : i32
      %dma_wait3A_89 = tpu.memref_slice %arg8[%add3A_9, %dma_wait3A_88] : memref<10000x128xf32, #tpu.memory_space<vmem_shared>> -> memref<104x128xf32, #tpu.memory_space<vmem_shared>>
      %dma_wait3A_90 = arith.constant 0 : i32
      %dma_wait3A_91 = arith.constant 0 : i32
      %dma_wait3A_92 = tpu.memref_slice %arg12[%dma_wait3A_90, %dma_wait3A_91] : memref<128x128xf32, #tpu.memory_space<vmem>> -> memref<104x128xf32, #tpu.memory_space<vmem>>
      tpu.wait_dma2 semaphore(%run_scoped3A : memref<!tpu.dma_semaphore, #tpu.memory_space<semaphore_mem>>) src(%dma_wait3A_92 : memref<104x128xf32, #tpu.memory_space<vmem>>) dst(%dma_wait3A_89 : memref<104x128xf32, #tpu.memory_space<vmem_shared>>)
      tpu.yield
    }) : () -> ()
    %add3A_10 = arith.constant 104 : i32
    %add3A_11 = arith.addi %mul3A_7, %add3A_10 : i32
    "tpu.region"() ({
      %run_scoped3A = tpu.sem_alloc : memref<!tpu.dma_semaphore, #tpu.memory_space<semaphore_mem>>
      %dma_start3A = arith.constant 0 : i32
      %dma_start3A_75 = arith.constant 0 : i32
      %dma_start3A_76 = tpu.memref_slice %arg12[%dma_start3A, %dma_start3A_75] : memref<128x128xf32, #tpu.memory_space<vmem>> -> memref<104x128xf32, #tpu.memory_space<vmem>>
      %dma_start3A_77 = arith.constant 0 : i32
      %dma_start3A_78 = tpu.memref_slice %arg8[%add3A_11, %dma_start3A_77] : memref<10000x128xf32, #tpu.memory_space<vmem_shared>> -> memref<104x128xf32, #tpu.memory_space<vmem_shared>>
      %dma_start3A_79 = arith.constant 0 : i32
      %dma_start3A_80 = tpu.memref_slice %arg8[%add3A_11, %dma_start3A_79] : memref<10000x128xf32, #tpu.memory_space<vmem_shared>> -> memref<104x128xf32, #tpu.memory_space<vmem_shared>>
      %dma_start3A_81 = arith.constant 0 : i32
      %dma_start3A_82 = arith.constant 0 : i32
      %dma_start3A_83 = tpu.memref_slice %arg12[%dma_start3A_81, %dma_start3A_82] : memref<128x128xf32, #tpu.memory_space<vmem>> -> memref<104x128xf32, #tpu.memory_space<vmem>>
      tpu.enqueue_dma source(%dma_start3A_83 : memref<104x128xf32, #tpu.memory_space<vmem>>) target(%dma_start3A_80 : memref<104x128xf32, #tpu.memory_space<vmem_shared>>) target_semaphore(%run_scoped3A : memref<!tpu.dma_semaphore, #tpu.memory_space<semaphore_mem>>)
      %dma_wait3A = arith.constant 0 : i32
      %dma_wait3A_84 = arith.constant 0 : i32
      %dma_wait3A_85 = tpu.memref_slice %arg12[%dma_wait3A, %dma_wait3A_84] : memref<128x128xf32, #tpu.memory_space<vmem>> -> memref<104x128xf32, #tpu.memory_space<vmem>>
      %dma_wait3A_86 = arith.constant 0 : i32
      %dma_wait3A_87 = tpu.memref_slice %arg8[%add3A_11, %dma_wait3A_86] : memref<10000x128xf32, #tpu.memory_space<vmem_shared>> -> memref<104x128xf32, #tpu.memory_space<vmem_shared>>
      %dma_wait3A_88 = arith.constant 0 : i32
      %dma_wait3A_89 = tpu.memref_slice %arg8[%add3A_11, %dma_wait3A_88] : memref<10000x128xf32, #tpu.memory_space<vmem_shared>> -> memref<104x128xf32, #tpu.memory_space<vmem_shared>>
      %dma_wait3A_90 = arith.constant 0 : i32
      %dma_wait3A_91 = arith.constant 0 : i32
      %dma_wait3A_92 = tpu.memref_slice %arg12[%dma_wait3A_90, %dma_wait3A_91] : memref<128x128xf32, #tpu.memory_space<vmem>> -> memref<104x128xf32, #tpu.memory_space<vmem>>
      tpu.wait_dma2 semaphore(%run_scoped3A : memref<!tpu.dma_semaphore, #tpu.memory_space<semaphore_mem>>) src(%dma_wait3A_92 : memref<104x128xf32, #tpu.memory_space<vmem>>) dst(%dma_wait3A_89 : memref<104x128xf32, #tpu.memory_space<vmem_shared>>)
      tpu.yield
    }) : () -> ()
    %add3A_12 = arith.constant 208 : i32
    %add3A_13 = arith.addi %mul3A_7, %add3A_12 : i32
    "tpu.region"() ({
      %run_scoped3A = tpu.sem_alloc : memref<!tpu.dma_semaphore, #tpu.memory_space<semaphore_mem>>
      %dma_start3A = arith.constant 0 : i32
      %dma_start3A_75 = arith.constant 0 : i32
      %dma_start3A_76 = tpu.memref_slice %arg12[%dma_start3A, %dma_start3A_75] : memref<128x128xf32, #tpu.memory_space<vmem>> -> memref<104x128xf32, #tpu.memory_space<vmem>>
      %dma_start3A_77 = arith.constant 0 : i32
      %dma_start3A_78 = tpu.memref_slice %arg8[%add3A_13, %dma_start3A_77] : memref<10000x128xf32, #tpu.memory_space<vmem_shared>> -> memref<104x128xf32, #tpu.memory_space<vmem_shared>>
      %dma_start3A_79 = arith.constant 0 : i32
      %dma_start3A_80 = tpu.memref_slice %arg8[%add3A_13, %dma_start3A_79] : memref<10000x128xf32, #tpu.memory_space<vmem_shared>> -> memref<104x128xf32, #tpu.memory_space<vmem_shared>>
      %dma_start3A_81 = arith.constant 0 : i32
      %dma_start3A_82 = arith.constant 0 : i32
      %dma_start3A_83 = tpu.memref_slice %arg12[%dma_start3A_81, %dma_start3A_82] : memref<128x128xf32, #tpu.memory_space<vmem>> -> memref<104x128xf32, #tpu.memory_space<vmem>>
      tpu.enqueue_dma source(%dma_start3A_83 : memref<104x128xf32, #tpu.memory_space<vmem>>) target(%dma_start3A_80 : memref<104x128xf32, #tpu.memory_space<vmem_shared>>) target_semaphore(%run_scoped3A : memref<!tpu.dma_semaphore, #tpu.memory_space<semaphore_mem>>)
      %dma_wait3A = arith.constant 0 : i32
      %dma_wait3A_84 = arith.constant 0 : i32
      %dma_wait3A_85 = tpu.memref_slice %arg12[%dma_wait3A, %dma_wait3A_84] : memref<128x128xf32, #tpu.memory_space<vmem>> -> memref<104x128xf32, #tpu.memory_space<vmem>>
      %dma_wait3A_86 = arith.constant 0 : i32
      %dma_wait3A_87 = tpu.memref_slice %arg8[%add3A_13, %dma_wait3A_86] : memref<10000x128xf32, #tpu.memory_space<vmem_shared>> -> memref<104x128xf32, #tpu.memory_space<vmem_shared>>
      %dma_wait3A_88 = arith.constant 0 : i32
      %dma_wait3A_89 = tpu.memref_slice %arg8[%add3A_13, %dma_wait3A_88] : memref<10000x128xf32, #tpu.memory_space<vmem_shared>> -> memref<104x128xf32, #tpu.memory_space<vmem_shared>>
      %dma_wait3A_90 = arith.constant 0 : i32
      %dma_wait3A_91 = arith.constant 0 : i32
      %dma_wait3A_92 = tpu.memref_slice %arg12[%dma_wait3A_90, %dma_wait3A_91] : memref<128x128xf32, #tpu.memory_space<vmem>> -> memref<104x128xf32, #tpu.memory_space<vmem>>
      tpu.wait_dma2 semaphore(%run_scoped3A : memref<!tpu.dma_semaphore, #tpu.memory_space<semaphore_mem>>) src(%dma_wait3A_92 : memref<104x128xf32, #tpu.memory_space<vmem>>) dst(%dma_wait3A_89 : memref<104x128xf32, #tpu.memory_space<vmem_shared>>)
      tpu.yield
    }) : () -> ()
    %add3A_14 = arith.constant 312 : i32
    %add3A_15 = arith.addi %mul3A_7, %add3A_14 : i32
    "tpu.region"() ({
      %run_scoped3A = tpu.sem_alloc : memref<!tpu.dma_semaphore, #tpu.memory_space<semaphore_mem>>
      %dma_start3A = arith.constant 0 : i32
      %dma_start3A_75 = arith.constant 0 : i32
      %dma_start3A_76 = tpu.memref_slice %arg12[%dma_start3A, %dma_start3A_75] : memref<128x128xf32, #tpu.memory_space<vmem>> -> memref<104x128xf32, #tpu.memory_space<vmem>>
      %dma_start3A_77 = arith.constant 0 : i32
      %dma_start3A_78 = tpu.memref_slice %arg8[%add3A_15, %dma_start3A_77] : memref<10000x128xf32, #tpu.memory_space<vmem_shared>> -> memref<104x128xf32, #tpu.memory_space<vmem_shared>>
      %dma_start3A_79 = arith.constant 0 : i32
      %dma_start3A_80 = tpu.memref_slice %arg8[%add3A_15, %dma_start3A_79] : memref<10000x128xf32, #tpu.memory_space<vmem_shared>> -> memref<104x128xf32, #tpu.memory_space<vmem_shared>>
      %dma_start3A_81 = arith.constant 0 : i32
      %dma_start3A_82 = arith.constant 0 : i32
      %dma_start3A_83 = tpu.memref_slice %arg12[%dma_start3A_81, %dma_start3A_82] : memref<128x128xf32, #tpu.memory_space<vmem>> -> memref<104x128xf32, #tpu.memory_space<vmem>>
      tpu.enqueue_dma source(%dma_start3A_83 : memref<104x128xf32, #tpu.memory_space<vmem>>) target(%dma_start3A_80 : memref<104x128xf32, #tpu.memory_space<vmem_shared>>) target_semaphore(%run_scoped3A : memref<!tpu.dma_semaphore, #tpu.memory_space<semaphore_mem>>)
      %dma_wait3A = arith.constant 0 : i32
      %dma_wait3A_84 = arith.constant 0 : i32
      %dma_wait3A_85 = tpu.memref_slice %arg12[%dma_wait3A, %dma_wait3A_84] : memref<128x128xf32, #tpu.memory_space<vmem>> -> memref<104x128xf32, #tpu.memory_space<vmem>>
      %dma_wait3A_86 = arith.constant 0 : i32
      %dma_wait3A_87 = tpu.memref_slice %arg8[%add3A_15, %dma_wait3A_86] : memref<10000x128xf32, #tpu.memory_space<vmem_shared>> -> memref<104x128xf32, #tpu.memory_space<vmem_shared>>
      %dma_wait3A_88 = arith.constant 0 : i32
      %dma_wait3A_89 = tpu.memref_slice %arg8[%add3A_15, %dma_wait3A_88] : memref<10000x128xf32, #tpu.memory_space<vmem_shared>> -> memref<104x128xf32, #tpu.memory_space<vmem_shared>>
      %dma_wait3A_90 = arith.constant 0 : i32
      %dma_wait3A_91 = arith.constant 0 : i32
      %dma_wait3A_92 = tpu.memref_slice %arg12[%dma_wait3A_90, %dma_wait3A_91] : memref<128x128xf32, #tpu.memory_space<vmem>> -> memref<104x128xf32, #tpu.memory_space<vmem>>
      tpu.wait_dma2 semaphore(%run_scoped3A : memref<!tpu.dma_semaphore, #tpu.memory_space<semaphore_mem>>) src(%dma_wait3A_92 : memref<104x128xf32, #tpu.memory_space<vmem>>) dst(%dma_wait3A_89 : memref<104x128xf32, #tpu.memory_space<vmem_shared>>)
      tpu.yield
    }) : () -> ()
    %add3A_16 = arith.constant 416 : i32
    %add3A_17 = arith.addi %mul3A_7, %add3A_16 : i32
    "tpu.region"() ({
      %run_scoped3A = tpu.sem_alloc : memref<!tpu.dma_semaphore, #tpu.memory_space<semaphore_mem>>
      %dma_start3A = arith.constant 0 : i32
      %dma_start3A_75 = arith.constant 0 : i32
      %dma_start3A_76 = tpu.memref_slice %arg12[%dma_start3A, %dma_start3A_75] : memref<128x128xf32, #tpu.memory_space<vmem>> -> memref<104x128xf32, #tpu.memory_space<vmem>>
      %dma_start3A_77 = arith.constant 0 : i32
      %dma_start3A_78 = tpu.memref_slice %arg8[%add3A_17, %dma_start3A_77] : memref<10000x128xf32, #tpu.memory_space<vmem_shared>> -> memref<104x128xf32, #tpu.memory_space<vmem_shared>>
      %dma_start3A_79 = arith.constant 0 : i32
      %dma_start3A_80 = tpu.memref_slice %arg8[%add3A_17, %dma_start3A_79] : memref<10000x128xf32, #tpu.memory_space<vmem_shared>> -> memref<104x128xf32, #tpu.memory_space<vmem_shared>>
      %dma_start3A_81 = arith.constant 0 : i32
      %dma_start3A_82 = arith.constant 0 : i32
      %dma_start3A_83 = tpu.memref_slice %arg12[%dma_start3A_81, %dma_start3A_82] : memref<128x128xf32, #tpu.memory_space<vmem>> -> memref<104x128xf32, #tpu.memory_space<vmem>>
      tpu.enqueue_dma source(%dma_start3A_83 : memref<104x128xf32, #tpu.memory_space<vmem>>) target(%dma_start3A_80 : memref<104x128xf32, #tpu.memory_space<vmem_shared>>) target_semaphore(%run_scoped3A : memref<!tpu.dma_semaphore, #tpu.memory_space<semaphore_mem>>)
      %dma_wait3A = arith.constant 0 : i32
      %dma_wait3A_84 = arith.constant 0 : i32
      %dma_wait3A_85 = tpu.memref_slice %arg12[%dma_wait3A, %dma_wait3A_84] : memref<128x128xf32, #tpu.memory_space<vmem>> -> memref<104x128xf32, #tpu.memory_space<vmem>>
      %dma_wait3A_86 = arith.constant 0 : i32
      %dma_wait3A_87 = tpu.memref_slice %arg8[%add3A_17, %dma_wait3A_86] : memref<10000x128xf32, #tpu.memory_space<vmem_shared>> -> memref<104x128xf32, #tpu.memory_space<vmem_shared>>
      %dma_wait3A_88 = arith.constant 0 : i32
      %dma_wait3A_89 = tpu.memref_slice %arg8[%add3A_17, %dma_wait3A_88] : memref<10000x128xf32, #tpu.memory_space<vmem_shared>> -> memref<104x128xf32, #tpu.memory_space<vmem_shared>>
      %dma_wait3A_90 = arith.constant 0 : i32
      %dma_wait3A_91 = arith.constant 0 : i32
      %dma_wait3A_92 = tpu.memref_slice %arg12[%dma_wait3A_90, %dma_wait3A_91] : memref<128x128xf32, #tpu.memory_space<vmem>> -> memref<104x128xf32, #tpu.memory_space<vmem>>
      tpu.wait_dma2 semaphore(%run_scoped3A : memref<!tpu.dma_semaphore, #tpu.memory_space<semaphore_mem>>) src(%dma_wait3A_92 : memref<104x128xf32, #tpu.memory_space<vmem>>) dst(%dma_wait3A_89 : memref<104x128xf32, #tpu.memory_space<vmem_shared>>)
      tpu.yield
    }) : () -> ()
    %add3A_18 = arith.constant 520 : i32
    %add3A_19 = arith.addi %mul3A_7, %add3A_18 : i32
    "tpu.region"() ({
      %run_scoped3A = tpu.sem_alloc : memref<!tpu.dma_semaphore, #tpu.memory_space<semaphore_mem>>
      %dma_start3A = arith.constant 0 : i32
      %dma_start3A_75 = arith.constant 0 : i32
      %dma_start3A_76 = tpu.memref_slice %arg12[%dma_start3A, %dma_start3A_75] : memref<128x128xf32, #tpu.memory_space<vmem>> -> memref<104x128xf32, #tpu.memory_space<vmem>>
      %dma_start3A_77 = arith.constant 0 : i32
      %dma_start3A_78 = tpu.memref_slice %arg8[%add3A_19, %dma_start3A_77] : memref<10000x128xf32, #tpu.memory_space<vmem_shared>> -> memref<104x128xf32, #tpu.memory_space<vmem_shared>>
      %dma_start3A_79 = arith.constant 0 : i32
      %dma_start3A_80 = tpu.memref_slice %arg8[%add3A_19, %dma_start3A_79] : memref<10000x128xf32, #tpu.memory_space<vmem_shared>> -> memref<104x128xf32, #tpu.memory_space<vmem_shared>>
      %dma_start3A_81 = arith.constant 0 : i32
      %dma_start3A_82 = arith.constant 0 : i32
      %dma_start3A_83 = tpu.memref_slice %arg12[%dma_start3A_81, %dma_start3A_82] : memref<128x128xf32, #tpu.memory_space<vmem>> -> memref<104x128xf32, #tpu.memory_space<vmem>>
      tpu.enqueue_dma source(%dma_start3A_83 : memref<104x128xf32, #tpu.memory_space<vmem>>) target(%dma_start3A_80 : memref<104x128xf32, #tpu.memory_space<vmem_shared>>) target_semaphore(%run_scoped3A : memref<!tpu.dma_semaphore, #tpu.memory_space<semaphore_mem>>)
      %dma_wait3A = arith.constant 0 : i32
      %dma_wait3A_84 = arith.constant 0 : i32
      %dma_wait3A_85 = tpu.memref_slice %arg12[%dma_wait3A, %dma_wait3A_84] : memref<128x128xf32, #tpu.memory_space<vmem>> -> memref<104x128xf32, #tpu.memory_space<vmem>>
      %dma_wait3A_86 = arith.constant 0 : i32
      %dma_wait3A_87 = tpu.memref_slice %arg8[%add3A_19, %dma_wait3A_86] : memref<10000x128xf32, #tpu.memory_space<vmem_shared>> -> memref<104x128xf32, #tpu.memory_space<vmem_shared>>
      %dma_wait3A_88 = arith.constant 0 : i32
      %dma_wait3A_89 = tpu.memref_slice %arg8[%add3A_19, %dma_wait3A_88] : memref<10000x128xf32, #tpu.memory_space<vmem_shared>> -> memref<104x128xf32, #tpu.memory_space<vmem_shared>>
      %dma_wait3A_90 = arith.constant 0 : i32
      %dma_wait3A_91 = arith.constant 0 : i32
      %dma_wait3A_92 = tpu.memref_slice %arg12[%dma_wait3A_90, %dma_wait3A_91] : memref<128x128xf32, #tpu.memory_space<vmem>> -> memref<104x128xf32, #tpu.memory_space<vmem>>
      tpu.wait_dma2 semaphore(%run_scoped3A : memref<!tpu.dma_semaphore, #tpu.memory_space<semaphore_mem>>) src(%dma_wait3A_92 : memref<104x128xf32, #tpu.memory_space<vmem>>) dst(%dma_wait3A_89 : memref<104x128xf32, #tpu.memory_space<vmem_shared>>)
      tpu.yield
    }) : () -> ()
    %eq3A = arith.constant 0 : i32
    %eq3A_20 = arith.cmpi eq, %arg1, %eq3A : i32
    %convert_element_type3A = arith.extui %eq3A_20 : i1 to i32
    %cond3A = arith.constant 0 : i32
    %cond3A_21 = arith.cmpi ne, %convert_element_type3A, %cond3A : i32
    scf.if %cond3A_21 {
      "tpu.region"() ({
        %run_scoped3A = tpu.sem_alloc : memref<!tpu.dma_semaphore, #tpu.memory_space<semaphore_mem>>
        %dma_start3A = arith.constant 0 : i32
        %dma_start3A_75 = arith.constant 0 : i32
        %dma_start3A_76 = tpu.memref_slice %arg12[%dma_start3A, %dma_start3A_75] : memref<128x128xf32, #tpu.memory_space<vmem>> -> memref<16x128xf32, #tpu.memory_space<vmem>>
        %dma_start3A_77 = arith.constant 9984 : i32
        %dma_start3A_78 = arith.constant 0 : i32
        %dma_start3A_79 = tpu.memref_slice %arg8[%dma_start3A_77, %dma_start3A_78] : memref<10000x128xf32, #tpu.memory_space<vmem_shared>> -> memref<16x128xf32, #tpu.memory_space<vmem_shared>>
        %dma_start3A_80 = arith.constant 9984 : i32
        %dma_start3A_81 = arith.constant 0 : i32
        %dma_start3A_82 = tpu.memref_slice %arg8[%dma_start3A_80, %dma_start3A_81] : memref<10000x128xf32, #tpu.memory_space<vmem_shared>> -> memref<16x128xf32, #tpu.memory_space<vmem_shared>>
        %dma_start3A_83 = arith.constant 0 : i32
        %dma_start3A_84 = arith.constant 0 : i32
        %dma_start3A_85 = tpu.memref_slice %arg12[%dma_start3A_83, %dma_start3A_84] : memref<128x128xf32, #tpu.memory_space<vmem>> -> memref<16x128xf32, #tpu.memory_space<vmem>>
        tpu.enqueue_dma source(%dma_start3A_85 : memref<16x128xf32, #tpu.memory_space<vmem>>) target(%dma_start3A_82 : memref<16x128xf32, #tpu.memory_space<vmem_shared>>) target_semaphore(%run_scoped3A : memref<!tpu.dma_semaphore, #tpu.memory_space<semaphore_mem>>)
        %dma_wait3A = arith.constant 0 : i32
        %dma_wait3A_86 = arith.constant 0 : i32
        %dma_wait3A_87 = tpu.memref_slice %arg12[%dma_wait3A, %dma_wait3A_86] : memref<128x128xf32, #tpu.memory_space<vmem>> -> memref<16x128xf32, #tpu.memory_space<vmem>>
        %dma_wait3A_88 = arith.constant 9984 : i32
        %dma_wait3A_89 = arith.constant 0 : i32
        %dma_wait3A_90 = tpu.memref_slice %arg8[%dma_wait3A_88, %dma_wait3A_89] : memref<10000x128xf32, #tpu.memory_space<vmem_shared>> -> memref<16x128xf32, #tpu.memory_space<vmem_shared>>
        %dma_wait3A_91 = arith.constant 9984 : i32
        %dma_wait3A_92 = arith.constant 0 : i32
        %dma_wait3A_93 = tpu.memref_slice %arg8[%dma_wait3A_91, %dma_wait3A_92] : memref<10000x128xf32, #tpu.memory_space<vmem_shared>> -> memref<16x128xf32, #tpu.memory_space<vmem_shared>>
        %dma_wait3A_94 = arith.constant 0 : i32
        %dma_wait3A_95 = arith.constant 0 : i32
        %dma_wait3A_96 = tpu.memref_slice %arg12[%dma_wait3A_94, %dma_wait3A_95] : memref<128x128xf32, #tpu.memory_space<vmem>> -> memref<16x128xf32, #tpu.memory_space<vmem>>
        tpu.wait_dma2 semaphore(%run_scoped3A : memref<!tpu.dma_semaphore, #tpu.memory_space<semaphore_mem>>) src(%dma_wait3A_96 : memref<16x128xf32, #tpu.memory_space<vmem>>) dst(%dma_wait3A_93 : memref<16x128xf32, #tpu.memory_space<vmem_shared>>)
        tpu.yield
      }) : () -> ()
    } else {
    }
    %barrier3A = arith.constant 0 : index
    tpu.barrier barrier_id(%barrier3A)
    %lt3A = arith.constant 4 : i32
    %lt3A_22 = arith.cmpi slt, %add3A, %lt3A : i32
    %convert_element_type3A_23 = arith.extui %lt3A_22 : i1 to i32
    %add3A_24 = arith.constant 78 : i32
    %add3A_25 = arith.addi %add3A_24, %convert_element_type3A_23 : i32
    %mul3A_26 = arith.constant 78 : i32
    %mul3A_27 = arith.muli %add3A, %mul3A_26 : i32
    %min3A = arith.constant 4 : i32
    %min3A_28 = arith.minsi %add3A, %min3A : i32
    %add3A_29 = arith.addi %mul3A_27, %min3A_28 : i32
    %while3A = arith.constant 0 : i32
    %while3A_30 = arith.constant 0 : i32
    %while3A_31 = arith.subi %add3A_25, %while3A_30 : i32
    %while3A_32 = arith.addi %while3A_30, %while3A_31 : i32
    %while3A_33 = arith.constant 1 : i32
    %while3A_34 = arith.divsi %while3A_31, %while3A_33 : i32
    %while3A_35 = arith.muli %while3A_34, %while3A_33 : i32
    %while3A_36 = arith.addi %while3A_30, %while3A_35 : i32
    %while3A_37 = arith.constant 1 : i32
    scf.for %while3A_75 = %while3A_30 to %while3A_36 step %while3A_37  : i32 {
      %add3A_76 = arith.addi %add3A_29, %while3A_75 : i32
      %mul3A_77 = arith.constant 128 : i32
      %mul3A_78 = arith.muli %add3A_76, %mul3A_77 : i32
      "tpu.region"() ({
        %run_scoped3A = tpu.sem_alloc : memref<!tpu.dma_semaphore, #tpu.memory_space<semaphore_mem>>
        %dma_start3A_95 = tpu.memref_slice %arg4[%mul3A_78] : memref<320000xi32, #tpu.memory_space<hbm>> -> memref<128xi32, #tpu.memory_space<hbm>>
        %dma_start3A_96 = tpu.memref_slice %arg4[%mul3A_78] : memref<320000xi32, #tpu.memory_space<hbm>> -> memref<128xi32, #tpu.memory_space<hbm>>
        tpu.enqueue_dma source(%dma_start3A_96 : memref<128xi32, #tpu.memory_space<hbm>>) target(%arg9 : memref<128xi32, #tpu.memory_space<vmem>>) target_semaphore(%run_scoped3A : memref<!tpu.dma_semaphore, #tpu.memory_space<semaphore_mem>>)
        %dma_wait3A_97 = tpu.memref_slice %arg4[%mul3A_78] : memref<320000xi32, #tpu.memory_space<hbm>> -> memref<128xi32, #tpu.memory_space<hbm>>
        %dma_wait3A_98 = tpu.memref_slice %arg4[%mul3A_78] : memref<320000xi32, #tpu.memory_space<hbm>> -> memref<128xi32, #tpu.memory_space<hbm>>
        tpu.wait_dma2 semaphore(%run_scoped3A : memref<!tpu.dma_semaphore, #tpu.memory_space<semaphore_mem>>) src(%dma_wait3A_98 : memref<128xi32, #tpu.memory_space<hbm>>) dst(%arg9 : memref<128xi32, #tpu.memory_space<vmem>>)
        tpu.yield
      }) : () -> ()
      "tpu.region"() ({
        %run_scoped3A = tpu.sem_alloc : memref<!tpu.dma_semaphore, #tpu.memory_space<semaphore_mem>>
        %dma_start3A_95 = tpu.memref_slice %arg6[%mul3A_78] : memref<320000xi32, #tpu.memory_space<hbm>> -> memref<128xi32, #tpu.memory_space<hbm>>
        %dma_start3A_96 = tpu.memref_slice %arg6[%mul3A_78] : memref<320000xi32, #tpu.memory_space<hbm>> -> memref<128xi32, #tpu.memory_space<hbm>>
        tpu.enqueue_dma source(%dma_start3A_96 : memref<128xi32, #tpu.memory_space<hbm>>) target(%arg10 : memref<128xi32, #tpu.memory_space<vmem>>) target_semaphore(%run_scoped3A : memref<!tpu.dma_semaphore, #tpu.memory_space<semaphore_mem>>)
        %dma_wait3A_97 = tpu.memref_slice %arg6[%mul3A_78] : memref<320000xi32, #tpu.memory_space<hbm>> -> memref<128xi32, #tpu.memory_space<hbm>>
        %dma_wait3A_98 = tpu.memref_slice %arg6[%mul3A_78] : memref<320000xi32, #tpu.memory_space<hbm>> -> memref<128xi32, #tpu.memory_space<hbm>>
        tpu.wait_dma2 semaphore(%run_scoped3A : memref<!tpu.dma_semaphore, #tpu.memory_space<semaphore_mem>>) src(%dma_wait3A_98 : memref<128xi32, #tpu.memory_space<hbm>>) dst(%arg10 : memref<128xi32, #tpu.memory_space<vmem>>)
        tpu.yield
      }) : () -> ()
      "tpu.region"() ({
        %run_scoped3A = tpu.sem_alloc : memref<!tpu.dma_semaphore, #tpu.memory_space<semaphore_mem>>
        %dma_start3A_95 = tpu.memref_slice %arg5[%mul3A_78] : memref<320000xi32, #tpu.memory_space<hbm>> -> memref<128xi32, #tpu.memory_space<hbm>>
        %dma_start3A_96 = tpu.memref_slice %arg5[%mul3A_78] : memref<320000xi32, #tpu.memory_space<hbm>> -> memref<128xi32, #tpu.memory_space<hbm>>
        tpu.enqueue_dma source(%dma_start3A_96 : memref<128xi32, #tpu.memory_space<hbm>>) target(%arg11 : memref<128xi32, #tpu.memory_space<vmem>>) target_semaphore(%run_scoped3A : memref<!tpu.dma_semaphore, #tpu.memory_space<semaphore_mem>>)
        %dma_wait3A_97 = tpu.memref_slice %arg5[%mul3A_78] : memref<320000xi32, #tpu.memory_space<hbm>> -> memref<128xi32, #tpu.memory_space<hbm>>
        %dma_wait3A_98 = tpu.memref_slice %arg5[%mul3A_78] : memref<320000xi32, #tpu.memory_space<hbm>> -> memref<128xi32, #tpu.memory_space<hbm>>
        tpu.wait_dma2 semaphore(%run_scoped3A : memref<!tpu.dma_semaphore, #tpu.memory_space<semaphore_mem>>) src(%dma_wait3A_98 : memref<128xi32, #tpu.memory_space<hbm>>) dst(%arg11 : memref<128xi32, #tpu.memory_space<vmem>>)
        tpu.yield
      }) : () -> ()
      %dma_start3A = arith.constant 0 : i32
      %dma_start3A_79 = arith.constant 0 : i32
      %dma_start3A_80 = tpu.memref_slice %arg2[%dma_start3A, %dma_start3A_79] : memref<10000x128xf32, #tpu.memory_space<hbm>> -> memref<10000x128xf32, #tpu.memory_space<hbm>>
      tpu.enqueue_indirect_dma source(%dma_start3A_80 : memref<10000x128xf32, #tpu.memory_space<hbm>>) target(%arg12 : memref<128x128xf32, #tpu.memory_space<vmem>>) offsets(%arg9 : memref<128xi32, #tpu.memory_space<vmem>>) semaphore(%arg14 : memref<!tpu.dma_semaphore, #tpu.memory_space<semaphore_mem>>)
      %dma_start3A_81 = arith.constant 0 : i32
      %dma_start3A_82 = arith.constant 0 : i32
      %dma_start3A_83 = tpu.memref_slice %arg3[%dma_start3A_81, %dma_start3A_82] : memref<4096x128xf32, #tpu.memory_space<hbm>> -> memref<4096x128xf32, #tpu.memory_space<hbm>>
      tpu.enqueue_indirect_dma source(%dma_start3A_83 : memref<4096x128xf32, #tpu.memory_space<hbm>>) target(%arg13 : memref<128x128xf32, #tpu.memory_space<vmem>>) offsets(%arg10 : memref<128xi32, #tpu.memory_space<vmem>>) semaphore(%arg15 : memref<!tpu.dma_semaphore, #tpu.memory_space<semaphore_mem>>)
      %dma_wait3A = arith.constant 0 : i32
      %dma_wait3A_84 = arith.constant 0 : i32
      %dma_wait3A_85 = tpu.memref_slice %arg2[%dma_wait3A, %dma_wait3A_84] : memref<10000x128xf32, #tpu.memory_space<hbm>> -> memref<10000x128xf32, #tpu.memory_space<hbm>>
      tpu.wait_indirect_dma semaphore(%arg14 : memref<!tpu.dma_semaphore, #tpu.memory_space<semaphore_mem>>) src(%dma_wait3A_85 : memref<10000x128xf32, #tpu.memory_space<hbm>>) dst(%arg12 : memref<128x128xf32, #tpu.memory_space<vmem>>)
      %dma_wait3A_86 = arith.constant 0 : i32
      %dma_wait3A_87 = arith.constant 0 : i32
      %dma_wait3A_88 = tpu.memref_slice %arg3[%dma_wait3A_86, %dma_wait3A_87] : memref<4096x128xf32, #tpu.memory_space<hbm>> -> memref<4096x128xf32, #tpu.memory_space<hbm>>
      tpu.wait_indirect_dma semaphore(%arg15 : memref<!tpu.dma_semaphore, #tpu.memory_space<semaphore_mem>>) src(%dma_wait3A_88 : memref<4096x128xf32, #tpu.memory_space<hbm>>) dst(%arg13 : memref<128x128xf32, #tpu.memory_space<vmem>>)
      %scan3A_89 = arith.constant 0 : i32
      %scan3A_90 = arith.constant 0 : i32
      %scan3A_91 = arith.constant 128 : i32
      %scan3A_92 = arith.addi %scan3A_90, %scan3A_91 : i32
      %scan3A_93 = arith.constant 1 : i32
      scf.for %scan3A_95 = %scan3A_90 to %scan3A_92 step %scan3A_93  : i32 {
        %get3A = arith.index_cast %scan3A_95 : i32 to index
        %get3A_96 = arith.constant 0 : index
        %get3A_97 = tpu.vector_load %arg12[%get3A, %get3A_96] {strides = array<i32>} : memref<128x128xf32, #tpu.memory_space<vmem>>, vector<1x16xf32>,
        %get3A_98 = vector.shape_cast %get3A_97 : vector<1x16xf32> to vector<16xf32>
        %get3A_99 = arith.index_cast %scan3A_95 : i32 to index
        %get3A_100 = arith.constant 0 : index
        %get3A_101 = tpu.vector_load %arg13[%get3A_99, %get3A_100] {strides = array<i32>} : memref<128x128xf32, #tpu.memory_space<vmem>>, vector<1x16xf32>,
        %get3A_102 = vector.shape_cast %get3A_101 : vector<1x16xf32> to vector<16xf32>
        %add3A_103 = arith.addf %get3A_98, %get3A_102 : vector<16xf32>
        %max3A = arith.constant 0.000000e+00 : f32
        %max3A_104 = vector.broadcast %max3A : f32 to vector<16xf32>
        %max3A_105 = arith.maximumf %add3A_103, %max3A_104 : vector<16xf32>
        %swap3A = arith.index_cast %scan3A_95 : i32 to index
        %swap3A_106 = arith.constant 0 : index
        %swap3A_107 = tpu.vector_load %arg12[%swap3A, %swap3A_106] {strides = array<i32>} : memref<128x128xf32, #tpu.memory_space<vmem>>, vector<1x16xf32>,
        %swap3A_108 = vector.shape_cast %swap3A_107 : vector<1x16xf32> to vector<16xf32>
        %swap3A_109 = vector.shape_cast %max3A_105 : vector<16xf32> to vector<1x16xf32>
        tpu.vector_store %arg12[%swap3A, %swap3A_106], %swap3A_109 {strides = array<i32>} : memref<128x128xf32, #tpu.memory_space<vmem>>, vector<1x16xf32>,
        %get3A_110 = arith.index_cast %scan3A_95 : i32 to index
        %get3A_111 = arith.constant 16 : index
        %get3A_112 = tpu.vector_load %arg12[%get3A_110, %get3A_111] {strides = array<i32>} : memref<128x128xf32, #tpu.memory_space<vmem>>, vector<1x16xf32>,
        %get3A_113 = vector.shape_cast %get3A_112 : vector<1x16xf32> to vector<16xf32>
        %get3A_114 = arith.index_cast %scan3A_95 : i32 to index
        %get3A_115 = arith.constant 16 : index
        %get3A_116 = tpu.vector_load %arg13[%get3A_114, %get3A_115] {strides = array<i32>} : memref<128x128xf32, #tpu.memory_space<vmem>>, vector<1x16xf32>,
        %get3A_117 = vector.shape_cast %get3A_116 : vector<1x16xf32> to vector<16xf32>
        %add3A_118 = arith.addf %get3A_113, %get3A_117 : vector<16xf32>
        %max3A_119 = arith.constant 0.000000e+00 : f32
        %max3A_120 = vector.broadcast %max3A_119 : f32 to vector<16xf32>
        %max3A_121 = arith.maximumf %add3A_118, %max3A_120 : vector<16xf32>
        %swap3A_122 = arith.index_cast %scan3A_95 : i32 to index
        %swap3A_123 = arith.constant 16 : index
        %swap3A_124 = tpu.vector_load %arg12[%swap3A_122, %swap3A_123] {strides = array<i32>} : memref<128x128xf32, #tpu.memory_space<vmem>>, vector<1x16xf32>,
        %swap3A_125 = vector.shape_cast %swap3A_124 : vector<1x16xf32> to vector<16xf32>
        %swap3A_126 = vector.shape_cast %max3A_121 : vector<16xf32> to vector<1x16xf32>
        tpu.vector_store %arg12[%swap3A_122, %swap3A_123], %swap3A_126 {strides = array<i32>} : memref<128x128xf32, #tpu.memory_space<vmem>>, vector<1x16xf32>,
        %get3A_127 = arith.index_cast %scan3A_95 : i32 to index
        %get3A_128 = arith.constant 32 : index
        %get3A_129 = tpu.vector_load %arg12[%get3A_127, %get3A_128] {strides = array<i32>} : memref<128x128xf32, #tpu.memory_space<vmem>>, vector<1x16xf32>,
        %get3A_130 = vector.shape_cast %get3A_129 : vector<1x16xf32> to vector<16xf32>
        %get3A_131 = arith.index_cast %scan3A_95 : i32 to index
        %get3A_132 = arith.constant 32 : index
        %get3A_133 = tpu.vector_load %arg13[%get3A_131, %get3A_132] {strides = array<i32>} : memref<128x128xf32, #tpu.memory_space<vmem>>, vector<1x16xf32>,
        %get3A_134 = vector.shape_cast %get3A_133 : vector<1x16xf32> to vector<16xf32>
        %add3A_135 = arith.addf %get3A_130, %get3A_134 : vector<16xf32>
        %max3A_136 = arith.constant 0.000000e+00 : f32
        %max3A_137 = vector.broadcast %max3A_136 : f32 to vector<16xf32>
        %max3A_138 = arith.maximumf %add3A_135, %max3A_137 : vector<16xf32>
        %swap3A_139 = arith.index_cast %scan3A_95 : i32 to index
        %swap3A_140 = arith.constant 32 : index
        %swap3A_141 = tpu.vector_load %arg12[%swap3A_139, %swap3A_140] {strides = array<i32>} : memref<128x128xf32, #tpu.memory_space<vmem>>, vector<1x16xf32>,
        %swap3A_142 = vector.shape_cast %swap3A_141 : vector<1x16xf32> to vector<16xf32>
        %swap3A_143 = vector.shape_cast %max3A_138 : vector<16xf32> to vector<1x16xf32>
        tpu.vector_store %arg12[%swap3A_139, %swap3A_140], %swap3A_143 {strides = array<i32>} : memref<128x128xf32, #tpu.memory_space<vmem>>, vector<1x16xf32>,
        %get3A_144 = arith.index_cast %scan3A_95 : i32 to index
        %get3A_145 = arith.constant 48 : index
        %get3A_146 = tpu.vector_load %arg12[%get3A_144, %get3A_145] {strides = array<i32>} : memref<128x128xf32, #tpu.memory_space<vmem>>, vector<1x16xf32>,
        %get3A_147 = vector.shape_cast %get3A_146 : vector<1x16xf32> to vector<16xf32>
        %get3A_148 = arith.index_cast %scan3A_95 : i32 to index
        %get3A_149 = arith.constant 48 : index
        %get3A_150 = tpu.vector_load %arg13[%get3A_148, %get3A_149] {strides = array<i32>} : memref<128x128xf32, #tpu.memory_space<vmem>>, vector<1x16xf32>,
        %get3A_151 = vector.shape_cast %get3A_150 : vector<1x16xf32> to vector<16xf32>
        %add3A_152 = arith.addf %get3A_147, %get3A_151 : vector<16xf32>
        %max3A_153 = arith.constant 0.000000e+00 : f32
        %max3A_154 = vector.broadcast %max3A_153 : f32 to vector<16xf32>
        %max3A_155 = arith.maximumf %add3A_152, %max3A_154 : vector<16xf32>
        %swap3A_156 = arith.index_cast %scan3A_95 : i32 to index
        %swap3A_157 = arith.constant 48 : index
        %swap3A_158 = tpu.vector_load %arg12[%swap3A_156, %swap3A_157] {strides = array<i32>} : memref<128x128xf32, #tpu.memory_space<vmem>>, vector<1x16xf32>,
        %swap3A_159 = vector.shape_cast %swap3A_158 : vector<1x16xf32> to vector<16xf32>
        %swap3A_160 = vector.shape_cast %max3A_155 : vector<16xf32> to vector<1x16xf32>
        tpu.vector_store %arg12[%swap3A_156, %swap3A_157], %swap3A_160 {strides = array<i32>} : memref<128x128xf32, #tpu.memory_space<vmem>>, vector<1x16xf32>,
        %get3A_161 = arith.index_cast %scan3A_95 : i32 to index
        %get3A_162 = arith.constant 64 : index
        %get3A_163 = tpu.vector_load %arg12[%get3A_161, %get3A_162] {strides = array<i32>} : memref<128x128xf32, #tpu.memory_space<vmem>>, vector<1x16xf32>,
        %get3A_164 = vector.shape_cast %get3A_163 : vector<1x16xf32> to vector<16xf32>
        %get3A_165 = arith.index_cast %scan3A_95 : i32 to index
        %get3A_166 = arith.constant 64 : index
        %get3A_167 = tpu.vector_load %arg13[%get3A_165, %get3A_166] {strides = array<i32>} : memref<128x128xf32, #tpu.memory_space<vmem>>, vector<1x16xf32>,
        %get3A_168 = vector.shape_cast %get3A_167 : vector<1x16xf32> to vector<16xf32>
        %add3A_169 = arith.addf %get3A_164, %get3A_168 : vector<16xf32>
        %max3A_170 = arith.constant 0.000000e+00 : f32
        %max3A_171 = vector.broadcast %max3A_170 : f32 to vector<16xf32>
        %max3A_172 = arith.maximumf %add3A_169, %max3A_171 : vector<16xf32>
        %swap3A_173 = arith.index_cast %scan3A_95 : i32 to index
        %swap3A_174 = arith.constant 64 : index
        %swap3A_175 = tpu.vector_load %arg12[%swap3A_173, %swap3A_174] {strides = array<i32>} : memref<128x128xf32, #tpu.memory_space<vmem>>, vector<1x16xf32>,
        %swap3A_176 = vector.shape_cast %swap3A_175 : vector<1x16xf32> to vector<16xf32>
        %swap3A_177 = vector.shape_cast %max3A_172 : vector<16xf32> to vector<1x16xf32>
        tpu.vector_store %arg12[%swap3A_173, %swap3A_174], %swap3A_177 {strides = array<i32>} : memref<128x128xf32, #tpu.memory_space<vmem>>, vector<1x16xf32>,
        %get3A_178 = arith.index_cast %scan3A_95 : i32 to index
        %get3A_179 = arith.constant 80 : index
        %get3A_180 = tpu.vector_load %arg12[%get3A_178, %get3A_179] {strides = array<i32>} : memref<128x128xf32, #tpu.memory_space<vmem>>, vector<1x16xf32>,
        %get3A_181 = vector.shape_cast %get3A_180 : vector<1x16xf32> to vector<16xf32>
        %get3A_182 = arith.index_cast %scan3A_95 : i32 to index
        %get3A_183 = arith.constant 80 : index
        %get3A_184 = tpu.vector_load %arg13[%get3A_182, %get3A_183] {strides = array<i32>} : memref<128x128xf32, #tpu.memory_space<vmem>>, vector<1x16xf32>,
        %get3A_185 = vector.shape_cast %get3A_184 : vector<1x16xf32> to vector<16xf32>
        %add3A_186 = arith.addf %get3A_181, %get3A_185 : vector<16xf32>
        %max3A_187 = arith.constant 0.000000e+00 : f32
        %max3A_188 = vector.broadcast %max3A_187 : f32 to vector<16xf32>
        %max3A_189 = arith.maximumf %add3A_186, %max3A_188 : vector<16xf32>
        %swap3A_190 = arith.index_cast %scan3A_95 : i32 to index
        %swap3A_191 = arith.constant 80 : index
        %swap3A_192 = tpu.vector_load %arg12[%swap3A_190, %swap3A_191] {strides = array<i32>} : memref<128x128xf32, #tpu.memory_space<vmem>>, vector<1x16xf32>,
        %swap3A_193 = vector.shape_cast %swap3A_192 : vector<1x16xf32> to vector<16xf32>
        %swap3A_194 = vector.shape_cast %max3A_189 : vector<16xf32> to vector<1x16xf32>
        tpu.vector_store %arg12[%swap3A_190, %swap3A_191], %swap3A_194 {strides = array<i32>} : memref<128x128xf32, #tpu.memory_space<vmem>>, vector<1x16xf32>,
        %get3A_195 = arith.index_cast %scan3A_95 : i32 to index
        %get3A_196 = arith.constant 96 : index
        %get3A_197 = tpu.vector_load %arg12[%get3A_195, %get3A_196] {strides = array<i32>} : memref<128x128xf32, #tpu.memory_space<vmem>>, vector<1x16xf32>,
        %get3A_198 = vector.shape_cast %get3A_197 : vector<1x16xf32> to vector<16xf32>
        %get3A_199 = arith.index_cast %scan3A_95 : i32 to index
        %get3A_200 = arith.constant 96 : index
        %get3A_201 = tpu.vector_load %arg13[%get3A_199, %get3A_200] {strides = array<i32>} : memref<128x128xf32, #tpu.memory_space<vmem>>, vector<1x16xf32>,
        %get3A_202 = vector.shape_cast %get3A_201 : vector<1x16xf32> to vector<16xf32>
        %add3A_203 = arith.addf %get3A_198, %get3A_202 : vector<16xf32>
        %max3A_204 = arith.constant 0.000000e+00 : f32
        %max3A_205 = vector.broadcast %max3A_204 : f32 to vector<16xf32>
        %max3A_206 = arith.maximumf %add3A_203, %max3A_205 : vector<16xf32>
        %swap3A_207 = arith.index_cast %scan3A_95 : i32 to index
        %swap3A_208 = arith.constant 96 : index
        %swap3A_209 = tpu.vector_load %arg12[%swap3A_207, %swap3A_208] {strides = array<i32>} : memref<128x128xf32, #tpu.memory_space<vmem>>, vector<1x16xf32>,
        %swap3A_210 = vector.shape_cast %swap3A_209 : vector<1x16xf32> to vector<16xf32>
        %swap3A_211 = vector.shape_cast %max3A_206 : vector<16xf32> to vector<1x16xf32>
        tpu.vector_store %arg12[%swap3A_207, %swap3A_208], %swap3A_211 {strides = array<i32>} : memref<128x128xf32, #tpu.memory_space<vmem>>, vector<1x16xf32>,
        %get3A_212 = arith.index_cast %scan3A_95 : i32 to index
        %get3A_213 = arith.constant 112 : index
        %get3A_214 = tpu.vector_load %arg12[%get3A_212, %get3A_213] {strides = array<i32>} : memref<128x128xf32, #tpu.memory_space<vmem>>, vector<1x16xf32>,
        %get3A_215 = vector.shape_cast %get3A_214 : vector<1x16xf32> to vector<16xf32>
        %get3A_216 = arith.index_cast %scan3A_95 : i32 to index
        %get3A_217 = arith.constant 112 : index
        %get3A_218 = tpu.vector_load %arg13[%get3A_216, %get3A_217] {strides = array<i32>} : memref<128x128xf32, #tpu.memory_space<vmem>>, vector<1x16xf32>,
        %get3A_219 = vector.shape_cast %get3A_218 : vector<1x16xf32> to vector<16xf32>
        %add3A_220 = arith.addf %get3A_215, %get3A_219 : vector<16xf32>
        %max3A_221 = arith.constant 0.000000e+00 : f32
        %max3A_222 = vector.broadcast %max3A_221 : f32 to vector<16xf32>
        %max3A_223 = arith.maximumf %add3A_220, %max3A_222 : vector<16xf32>
        %swap3A_224 = arith.index_cast %scan3A_95 : i32 to index
        %swap3A_225 = arith.constant 112 : index
        %swap3A_226 = tpu.vector_load %arg12[%swap3A_224, %swap3A_225] {strides = array<i32>} : memref<128x128xf32, #tpu.memory_space<vmem>>, vector<1x16xf32>,
        %swap3A_227 = vector.shape_cast %swap3A_226 : vector<1x16xf32> to vector<16xf32>
        %swap3A_228 = vector.shape_cast %max3A_223 : vector<16xf32> to vector<1x16xf32>
        tpu.vector_store %arg12[%swap3A_224, %swap3A_225], %swap3A_228 {strides = array<i32>} : memref<128x128xf32, #tpu.memory_space<vmem>>, vector<1x16xf32>,
      }
      %scan3A_94 = arith.constant 128 : i32
      "tpu.region"() ({
        %run_scoped3A = tpu.sem_alloc : memref<!tpu.dma_semaphore, #tpu.memory_space<semaphore_mem>>
        %dma_start3A_95 = arith.constant 0 : i32
        %dma_start3A_96 = arith.constant 0 : i32
        %dma_start3A_97 = tpu.memref_slice %arg8[%dma_start3A_95, %dma_start3A_96] : memref<10000x128xf32, #tpu.memory_space<vmem_shared>> -> memref<10000x128xf32, #tpu.memory_space<vmem_shared>>
        tpu.enqueue_indirect_dma source(%arg12 : memref<128x128xf32, #tpu.memory_space<vmem>>) target(%dma_start3A_97 : memref<10000x128xf32, #tpu.memory_space<vmem_shared>>) offsets(%arg11 : memref<128xi32, #tpu.memory_space<vmem>>) semaphore(%run_scoped3A : memref<!tpu.dma_semaphore, #tpu.memory_space<semaphore_mem>>) {add = true}
        %dma_wait3A_98 = arith.constant 0 : i32
        %dma_wait3A_99 = arith.constant 0 : i32
        %dma_wait3A_100 = tpu.memref_slice %arg8[%dma_wait3A_98, %dma_wait3A_99] : memref<10000x128xf32, #tpu.memory_space<vmem_shared>> -> memref<10000x128xf32, #tpu.memory_space<vmem_shared>>
        tpu.wait_indirect_dma semaphore(%run_scoped3A : memref<!tpu.dma_semaphore, #tpu.memory_space<semaphore_mem>>) src(%arg12 : memref<128x128xf32, #tpu.memory_space<vmem>>) dst(%dma_wait3A_100 : memref<10000x128xf32, #tpu.memory_space<vmem_shared>>)
        tpu.yield
      }) : () -> ()
    }
    %while3A_38 = arith.constant 1 : i32
    scf.for %while3A_75 = %while3A_36 to %while3A_32 step %while3A_38  : i32 {
      %add3A_76 = arith.addi %add3A_29, %while3A_75 : i32
      %mul3A_77 = arith.constant 128 : i32
      %mul3A_78 = arith.muli %add3A_76, %mul3A_77 : i32
      "tpu.region"() ({
        %run_scoped3A = tpu.sem_alloc : memref<!tpu.dma_semaphore, #tpu.memory_space<semaphore_mem>>
        %dma_start3A_95 = tpu.memref_slice %arg4[%mul3A_78] : memref<320000xi32, #tpu.memory_space<hbm>> -> memref<128xi32, #tpu.memory_space<hbm>>
        %dma_start3A_96 = tpu.memref_slice %arg4[%mul3A_78] : memref<320000xi32, #tpu.memory_space<hbm>> -> memref<128xi32, #tpu.memory_space<hbm>>
        tpu.enqueue_dma source(%dma_start3A_96 : memref<128xi32, #tpu.memory_space<hbm>>) target(%arg9 : memref<128xi32, #tpu.memory_space<vmem>>) target_semaphore(%run_scoped3A : memref<!tpu.dma_semaphore, #tpu.memory_space<semaphore_mem>>)
        %dma_wait3A_97 = tpu.memref_slice %arg4[%mul3A_78] : memref<320000xi32, #tpu.memory_space<hbm>> -> memref<128xi32, #tpu.memory_space<hbm>>
        %dma_wait3A_98 = tpu.memref_slice %arg4[%mul3A_78] : memref<320000xi32, #tpu.memory_space<hbm>> -> memref<128xi32, #tpu.memory_space<hbm>>
        tpu.wait_dma2 semaphore(%run_scoped3A : memref<!tpu.dma_semaphore, #tpu.memory_space<semaphore_mem>>) src(%dma_wait3A_98 : memref<128xi32, #tpu.memory_space<hbm>>) dst(%arg9 : memref<128xi32, #tpu.memory_space<vmem>>)
        tpu.yield
      }) : () -> ()
      "tpu.region"() ({
        %run_scoped3A = tpu.sem_alloc : memref<!tpu.dma_semaphore, #tpu.memory_space<semaphore_mem>>
        %dma_start3A_95 = tpu.memref_slice %arg6[%mul3A_78] : memref<320000xi32, #tpu.memory_space<hbm>> -> memref<128xi32, #tpu.memory_space<hbm>>
        %dma_start3A_96 = tpu.memref_slice %arg6[%mul3A_78] : memref<320000xi32, #tpu.memory_space<hbm>> -> memref<128xi32, #tpu.memory_space<hbm>>
        tpu.enqueue_dma source(%dma_start3A_96 : memref<128xi32, #tpu.memory_space<hbm>>) target(%arg10 : memref<128xi32, #tpu.memory_space<vmem>>) target_semaphore(%run_scoped3A : memref<!tpu.dma_semaphore, #tpu.memory_space<semaphore_mem>>)
        %dma_wait3A_97 = tpu.memref_slice %arg6[%mul3A_78] : memref<320000xi32, #tpu.memory_space<hbm>> -> memref<128xi32, #tpu.memory_space<hbm>>
        %dma_wait3A_98 = tpu.memref_slice %arg6[%mul3A_78] : memref<320000xi32, #tpu.memory_space<hbm>> -> memref<128xi32, #tpu.memory_space<hbm>>
        tpu.wait_dma2 semaphore(%run_scoped3A : memref<!tpu.dma_semaphore, #tpu.memory_space<semaphore_mem>>) src(%dma_wait3A_98 : memref<128xi32, #tpu.memory_space<hbm>>) dst(%arg10 : memref<128xi32, #tpu.memory_space<vmem>>)
        tpu.yield
      }) : () -> ()
      "tpu.region"() ({
        %run_scoped3A = tpu.sem_alloc : memref<!tpu.dma_semaphore, #tpu.memory_space<semaphore_mem>>
        %dma_start3A_95 = tpu.memref_slice %arg5[%mul3A_78] : memref<320000xi32, #tpu.memory_space<hbm>> -> memref<128xi32, #tpu.memory_space<hbm>>
        %dma_start3A_96 = tpu.memref_slice %arg5[%mul3A_78] : memref<320000xi32, #tpu.memory_space<hbm>> -> memref<128xi32, #tpu.memory_space<hbm>>
        tpu.enqueue_dma source(%dma_start3A_96 : memref<128xi32, #tpu.memory_space<hbm>>) target(%arg11 : memref<128xi32, #tpu.memory_space<vmem>>) target_semaphore(%run_scoped3A : memref<!tpu.dma_semaphore, #tpu.memory_space<semaphore_mem>>)
        %dma_wait3A_97 = tpu.memref_slice %arg5[%mul3A_78] : memref<320000xi32, #tpu.memory_space<hbm>> -> memref<128xi32, #tpu.memory_space<hbm>>
        %dma_wait3A_98 = tpu.memref_slice %arg5[%mul3A_78] : memref<320000xi32, #tpu.memory_space<hbm>> -> memref<128xi32, #tpu.memory_space<hbm>>
        tpu.wait_dma2 semaphore(%run_scoped3A : memref<!tpu.dma_semaphore, #tpu.memory_space<semaphore_mem>>) src(%dma_wait3A_98 : memref<128xi32, #tpu.memory_space<hbm>>) dst(%arg11 : memref<128xi32, #tpu.memory_space<vmem>>)
        tpu.yield
      }) : () -> ()
      %dma_start3A = arith.constant 0 : i32
      %dma_start3A_79 = arith.constant 0 : i32
      %dma_start3A_80 = tpu.memref_slice %arg2[%dma_start3A, %dma_start3A_79] : memref<10000x128xf32, #tpu.memory_space<hbm>> -> memref<10000x128xf32, #tpu.memory_space<hbm>>
      tpu.enqueue_indirect_dma source(%dma_start3A_80 : memref<10000x128xf32, #tpu.memory_space<hbm>>) target(%arg12 : memref<128x128xf32, #tpu.memory_space<vmem>>) offsets(%arg9 : memref<128xi32, #tpu.memory_space<vmem>>) semaphore(%arg14 : memref<!tpu.dma_semaphore, #tpu.memory_space<semaphore_mem>>)
      %dma_start3A_81 = arith.constant 0 : i32
      %dma_start3A_82 = arith.constant 0 : i32
      %dma_start3A_83 = tpu.memref_slice %arg3[%dma_start3A_81, %dma_start3A_82] : memref<4096x128xf32, #tpu.memory_space<hbm>> -> memref<4096x128xf32, #tpu.memory_space<hbm>>
      tpu.enqueue_indirect_dma source(%dma_start3A_83 : memref<4096x128xf32, #tpu.memory_space<hbm>>) target(%arg13 : memref<128x128xf32, #tpu.memory_space<vmem>>) offsets(%arg10 : memref<128xi32, #tpu.memory_space<vmem>>) semaphore(%arg15 : memref<!tpu.dma_semaphore, #tpu.memory_space<semaphore_mem>>)
      %dma_wait3A = arith.constant 0 : i32
      %dma_wait3A_84 = arith.constant 0 : i32
      %dma_wait3A_85 = tpu.memref_slice %arg2[%dma_wait3A, %dma_wait3A_84] : memref<10000x128xf32, #tpu.memory_space<hbm>> -> memref<10000x128xf32, #tpu.memory_space<hbm>>
      tpu.wait_indirect_dma semaphore(%arg14 : memref<!tpu.dma_semaphore, #tpu.memory_space<semaphore_mem>>) src(%dma_wait3A_85 : memref<10000x128xf32, #tpu.memory_space<hbm>>) dst(%arg12 : memref<128x128xf32, #tpu.memory_space<vmem>>)
      %dma_wait3A_86 = arith.constant 0 : i32
      %dma_wait3A_87 = arith.constant 0 : i32
      %dma_wait3A_88 = tpu.memref_slice %arg3[%dma_wait3A_86, %dma_wait3A_87] : memref<4096x128xf32, #tpu.memory_space<hbm>> -> memref<4096x128xf32, #tpu.memory_space<hbm>>
      tpu.wait_indirect_dma semaphore(%arg15 : memref<!tpu.dma_semaphore, #tpu.memory_space<semaphore_mem>>) src(%dma_wait3A_88 : memref<4096x128xf32, #tpu.memory_space<hbm>>) dst(%arg13 : memref<128x128xf32, #tpu.memory_space<vmem>>)
      %scan3A_89 = arith.constant 0 : i32
      %scan3A_90 = arith.constant 0 : i32
      %scan3A_91 = arith.constant 128 : i32
      %scan3A_92 = arith.addi %scan3A_90, %scan3A_91 : i32
      %scan3A_93 = arith.constant 1 : i32
      scf.for %scan3A_95 = %scan3A_90 to %scan3A_92 step %scan3A_93  : i32 {
        %get3A = arith.index_cast %scan3A_95 : i32 to index
        %get3A_96 = arith.constant 0 : index
        %get3A_97 = tpu.vector_load %arg12[%get3A, %get3A_96] {strides = array<i32>} : memref<128x128xf32, #tpu.memory_space<vmem>>, vector<1x16xf32>,
        %get3A_98 = vector.shape_cast %get3A_97 : vector<1x16xf32> to vector<16xf32>
        %get3A_99 = arith.index_cast %scan3A_95 : i32 to index
        %get3A_100 = arith.constant 0 : index
        %get3A_101 = tpu.vector_load %arg13[%get3A_99, %get3A_100] {strides = array<i32>} : memref<128x128xf32, #tpu.memory_space<vmem>>, vector<1x16xf32>,
        %get3A_102 = vector.shape_cast %get3A_101 : vector<1x16xf32> to vector<16xf32>
        %add3A_103 = arith.addf %get3A_98, %get3A_102 : vector<16xf32>
        %max3A = arith.constant 0.000000e+00 : f32
        %max3A_104 = vector.broadcast %max3A : f32 to vector<16xf32>
        %max3A_105 = arith.maximumf %add3A_103, %max3A_104 : vector<16xf32>
        %swap3A = arith.index_cast %scan3A_95 : i32 to index
        %swap3A_106 = arith.constant 0 : index
        %swap3A_107 = tpu.vector_load %arg12[%swap3A, %swap3A_106] {strides = array<i32>} : memref<128x128xf32, #tpu.memory_space<vmem>>, vector<1x16xf32>,
        %swap3A_108 = vector.shape_cast %swap3A_107 : vector<1x16xf32> to vector<16xf32>
        %swap3A_109 = vector.shape_cast %max3A_105 : vector<16xf32> to vector<1x16xf32>
        tpu.vector_store %arg12[%swap3A, %swap3A_106], %swap3A_109 {strides = array<i32>} : memref<128x128xf32, #tpu.memory_space<vmem>>, vector<1x16xf32>,
        %get3A_110 = arith.index_cast %scan3A_95 : i32 to index
        %get3A_111 = arith.constant 16 : index
        %get3A_112 = tpu.vector_load %arg12[%get3A_110, %get3A_111] {strides = array<i32>} : memref<128x128xf32, #tpu.memory_space<vmem>>, vector<1x16xf32>,
        %get3A_113 = vector.shape_cast %get3A_112 : vector<1x16xf32> to vector<16xf32>
        %get3A_114 = arith.index_cast %scan3A_95 : i32 to index
        %get3A_115 = arith.constant 16 : index
        %get3A_116 = tpu.vector_load %arg13[%get3A_114, %get3A_115] {strides = array<i32>} : memref<128x128xf32, #tpu.memory_space<vmem>>, vector<1x16xf32>,
        %get3A_117 = vector.shape_cast %get3A_116 : vector<1x16xf32> to vector<16xf32>
        %add3A_118 = arith.addf %get3A_113, %get3A_117 : vector<16xf32>
        %max3A_119 = arith.constant 0.000000e+00 : f32
        %max3A_120 = vector.broadcast %max3A_119 : f32 to vector<16xf32>
        %max3A_121 = arith.maximumf %add3A_118, %max3A_120 : vector<16xf32>
        %swap3A_122 = arith.index_cast %scan3A_95 : i32 to index
        %swap3A_123 = arith.constant 16 : index
        %swap3A_124 = tpu.vector_load %arg12[%swap3A_122, %swap3A_123] {strides = array<i32>} : memref<128x128xf32, #tpu.memory_space<vmem>>, vector<1x16xf32>,
        %swap3A_125 = vector.shape_cast %swap3A_124 : vector<1x16xf32> to vector<16xf32>
        %swap3A_126 = vector.shape_cast %max3A_121 : vector<16xf32> to vector<1x16xf32>
        tpu.vector_store %arg12[%swap3A_122, %swap3A_123], %swap3A_126 {strides = array<i32>} : memref<128x128xf32, #tpu.memory_space<vmem>>, vector<1x16xf32>,
        %get3A_127 = arith.index_cast %scan3A_95 : i32 to index
        %get3A_128 = arith.constant 32 : index
        %get3A_129 = tpu.vector_load %arg12[%get3A_127, %get3A_128] {strides = array<i32>} : memref<128x128xf32, #tpu.memory_space<vmem>>, vector<1x16xf32>,
        %get3A_130 = vector.shape_cast %get3A_129 : vector<1x16xf32> to vector<16xf32>
        %get3A_131 = arith.index_cast %scan3A_95 : i32 to index
        %get3A_132 = arith.constant 32 : index
        %get3A_133 = tpu.vector_load %arg13[%get3A_131, %get3A_132] {strides = array<i32>} : memref<128x128xf32, #tpu.memory_space<vmem>>, vector<1x16xf32>,
        %get3A_134 = vector.shape_cast %get3A_133 : vector<1x16xf32> to vector<16xf32>
        %add3A_135 = arith.addf %get3A_130, %get3A_134 : vector<16xf32>
        %max3A_136 = arith.constant 0.000000e+00 : f32
        %max3A_137 = vector.broadcast %max3A_136 : f32 to vector<16xf32>
        %max3A_138 = arith.maximumf %add3A_135, %max3A_137 : vector<16xf32>
        %swap3A_139 = arith.index_cast %scan3A_95 : i32 to index
        %swap3A_140 = arith.constant 32 : index
        %swap3A_141 = tpu.vector_load %arg12[%swap3A_139, %swap3A_140] {strides = array<i32>} : memref<128x128xf32, #tpu.memory_space<vmem>>, vector<1x16xf32>,
        %swap3A_142 = vector.shape_cast %swap3A_141 : vector<1x16xf32> to vector<16xf32>
        %swap3A_143 = vector.shape_cast %max3A_138 : vector<16xf32> to vector<1x16xf32>
        tpu.vector_store %arg12[%swap3A_139, %swap3A_140], %swap3A_143 {strides = array<i32>} : memref<128x128xf32, #tpu.memory_space<vmem>>, vector<1x16xf32>,
        %get3A_144 = arith.index_cast %scan3A_95 : i32 to index
        %get3A_145 = arith.constant 48 : index
        %get3A_146 = tpu.vector_load %arg12[%get3A_144, %get3A_145] {strides = array<i32>} : memref<128x128xf32, #tpu.memory_space<vmem>>, vector<1x16xf32>,
        %get3A_147 = vector.shape_cast %get3A_146 : vector<1x16xf32> to vector<16xf32>
        %get3A_148 = arith.index_cast %scan3A_95 : i32 to index
        %get3A_149 = arith.constant 48 : index
        %get3A_150 = tpu.vector_load %arg13[%get3A_148, %get3A_149] {strides = array<i32>} : memref<128x128xf32, #tpu.memory_space<vmem>>, vector<1x16xf32>,
        %get3A_151 = vector.shape_cast %get3A_150 : vector<1x16xf32> to vector<16xf32>
        %add3A_152 = arith.addf %get3A_147, %get3A_151 : vector<16xf32>
        %max3A_153 = arith.constant 0.000000e+00 : f32
        %max3A_154 = vector.broadcast %max3A_153 : f32 to vector<16xf32>
        %max3A_155 = arith.maximumf %add3A_152, %max3A_154 : vector<16xf32>
        %swap3A_156 = arith.index_cast %scan3A_95 : i32 to index
        %swap3A_157 = arith.constant 48 : index
        %swap3A_158 = tpu.vector_load %arg12[%swap3A_156, %swap3A_157] {strides = array<i32>} : memref<128x128xf32, #tpu.memory_space<vmem>>, vector<1x16xf32>,
        %swap3A_159 = vector.shape_cast %swap3A_158 : vector<1x16xf32> to vector<16xf32>
        %swap3A_160 = vector.shape_cast %max3A_155 : vector<16xf32> to vector<1x16xf32>
        tpu.vector_store %arg12[%swap3A_156, %swap3A_157], %swap3A_160 {strides = array<i32>} : memref<128x128xf32, #tpu.memory_space<vmem>>, vector<1x16xf32>,
        %get3A_161 = arith.index_cast %scan3A_95 : i32 to index
        %get3A_162 = arith.constant 64 : index
        %get3A_163 = tpu.vector_load %arg12[%get3A_161, %get3A_162] {strides = array<i32>} : memref<128x128xf32, #tpu.memory_space<vmem>>, vector<1x16xf32>,
        %get3A_164 = vector.shape_cast %get3A_163 : vector<1x16xf32> to vector<16xf32>
        %get3A_165 = arith.index_cast %scan3A_95 : i32 to index
        %get3A_166 = arith.constant 64 : index
        %get3A_167 = tpu.vector_load %arg13[%get3A_165, %get3A_166] {strides = array<i32>} : memref<128x128xf32, #tpu.memory_space<vmem>>, vector<1x16xf32>,
        %get3A_168 = vector.shape_cast %get3A_167 : vector<1x16xf32> to vector<16xf32>
        %add3A_169 = arith.addf %get3A_164, %get3A_168 : vector<16xf32>
        %max3A_170 = arith.constant 0.000000e+00 : f32
        %max3A_171 = vector.broadcast %max3A_170 : f32 to vector<16xf32>
        %max3A_172 = arith.maximumf %add3A_169, %max3A_171 : vector<16xf32>
        %swap3A_173 = arith.index_cast %scan3A_95 : i32 to index
        %swap3A_174 = arith.constant 64 : index
        %swap3A_175 = tpu.vector_load %arg12[%swap3A_173, %swap3A_174] {strides = array<i32>} : memref<128x128xf32, #tpu.memory_space<vmem>>, vector<1x16xf32>,
        %swap3A_176 = vector.shape_cast %swap3A_175 : vector<1x16xf32> to vector<16xf32>
        %swap3A_177 = vector.shape_cast %max3A_172 : vector<16xf32> to vector<1x16xf32>
        tpu.vector_store %arg12[%swap3A_173, %swap3A_174], %swap3A_177 {strides = array<i32>} : memref<128x128xf32, #tpu.memory_space<vmem>>, vector<1x16xf32>,
        %get3A_178 = arith.index_cast %scan3A_95 : i32 to index
        %get3A_179 = arith.constant 80 : index
        %get3A_180 = tpu.vector_load %arg12[%get3A_178, %get3A_179] {strides = array<i32>} : memref<128x128xf32, #tpu.memory_space<vmem>>, vector<1x16xf32>,
        %get3A_181 = vector.shape_cast %get3A_180 : vector<1x16xf32> to vector<16xf32>
        %get3A_182 = arith.index_cast %scan3A_95 : i32 to index
        %get3A_183 = arith.constant 80 : index
        %get3A_184 = tpu.vector_load %arg13[%get3A_182, %get3A_183] {strides = array<i32>} : memref<128x128xf32, #tpu.memory_space<vmem>>, vector<1x16xf32>,
        %get3A_185 = vector.shape_cast %get3A_184 : vector<1x16xf32> to vector<16xf32>
        %add3A_186 = arith.addf %get3A_181, %get3A_185 : vector<16xf32>
        %max3A_187 = arith.constant 0.000000e+00 : f32
        %max3A_188 = vector.broadcast %max3A_187 : f32 to vector<16xf32>
        %max3A_189 = arith.maximumf %add3A_186, %max3A_188 : vector<16xf32>
        %swap3A_190 = arith.index_cast %scan3A_95 : i32 to index
        %swap3A_191 = arith.constant 80 : index
        %swap3A_192 = tpu.vector_load %arg12[%swap3A_190, %swap3A_191] {strides = array<i32>} : memref<128x128xf32, #tpu.memory_space<vmem>>, vector<1x16xf32>,
        %swap3A_193 = vector.shape_cast %swap3A_192 : vector<1x16xf32> to vector<16xf32>
        %swap3A_194 = vector.shape_cast %max3A_189 : vector<16xf32> to vector<1x16xf32>
        tpu.vector_store %arg12[%swap3A_190, %swap3A_191], %swap3A_194 {strides = array<i32>} : memref<128x128xf32, #tpu.memory_space<vmem>>, vector<1x16xf32>,
        %get3A_195 = arith.index_cast %scan3A_95 : i32 to index
        %get3A_196 = arith.constant 96 : index
        %get3A_197 = tpu.vector_load %arg12[%get3A_195, %get3A_196] {strides = array<i32>} : memref<128x128xf32, #tpu.memory_space<vmem>>, vector<1x16xf32>,
        %get3A_198 = vector.shape_cast %get3A_197 : vector<1x16xf32> to vector<16xf32>
        %get3A_199 = arith.index_cast %scan3A_95 : i32 to index
        %get3A_200 = arith.constant 96 : index
        %get3A_201 = tpu.vector_load %arg13[%get3A_199, %get3A_200] {strides = array<i32>} : memref<128x128xf32, #tpu.memory_space<vmem>>, vector<1x16xf32>,
        %get3A_202 = vector.shape_cast %get3A_201 : vector<1x16xf32> to vector<16xf32>
        %add3A_203 = arith.addf %get3A_198, %get3A_202 : vector<16xf32>
        %max3A_204 = arith.constant 0.000000e+00 : f32
        %max3A_205 = vector.broadcast %max3A_204 : f32 to vector<16xf32>
        %max3A_206 = arith.maximumf %add3A_203, %max3A_205 : vector<16xf32>
        %swap3A_207 = arith.index_cast %scan3A_95 : i32 to index
        %swap3A_208 = arith.constant 96 : index
        %swap3A_209 = tpu.vector_load %arg12[%swap3A_207, %swap3A_208] {strides = array<i32>} : memref<128x128xf32, #tpu.memory_space<vmem>>, vector<1x16xf32>,
        %swap3A_210 = vector.shape_cast %swap3A_209 : vector<1x16xf32> to vector<16xf32>
        %swap3A_211 = vector.shape_cast %max3A_206 : vector<16xf32> to vector<1x16xf32>
        tpu.vector_store %arg12[%swap3A_207, %swap3A_208], %swap3A_211 {strides = array<i32>} : memref<128x128xf32, #tpu.memory_space<vmem>>, vector<1x16xf32>,
        %get3A_212 = arith.index_cast %scan3A_95 : i32 to index
        %get3A_213 = arith.constant 112 : index
        %get3A_214 = tpu.vector_load %arg12[%get3A_212, %get3A_213] {strides = array<i32>} : memref<128x128xf32, #tpu.memory_space<vmem>>, vector<1x16xf32>,
        %get3A_215 = vector.shape_cast %get3A_214 : vector<1x16xf32> to vector<16xf32>
        %get3A_216 = arith.index_cast %scan3A_95 : i32 to index
        %get3A_217 = arith.constant 112 : index
        %get3A_218 = tpu.vector_load %arg13[%get3A_216, %get3A_217] {strides = array<i32>} : memref<128x128xf32, #tpu.memory_space<vmem>>, vector<1x16xf32>,
        %get3A_219 = vector.shape_cast %get3A_218 : vector<1x16xf32> to vector<16xf32>
        %add3A_220 = arith.addf %get3A_215, %get3A_219 : vector<16xf32>
        %max3A_221 = arith.constant 0.000000e+00 : f32
        %max3A_222 = vector.broadcast %max3A_221 : f32 to vector<16xf32>
        %max3A_223 = arith.maximumf %add3A_220, %max3A_222 : vector<16xf32>
        %swap3A_224 = arith.index_cast %scan3A_95 : i32 to index
        %swap3A_225 = arith.constant 112 : index
        %swap3A_226 = tpu.vector_load %arg12[%swap3A_224, %swap3A_225] {strides = array<i32>} : memref<128x128xf32, #tpu.memory_space<vmem>>, vector<1x16xf32>,
        %swap3A_227 = vector.shape_cast %swap3A_226 : vector<1x16xf32> to vector<16xf32>
        %swap3A_228 = vector.shape_cast %max3A_223 : vector<16xf32> to vector<1x16xf32>
        tpu.vector_store %arg12[%swap3A_224, %swap3A_225], %swap3A_228 {strides = array<i32>} : memref<128x128xf32, #tpu.memory_space<vmem>>, vector<1x16xf32>,
      }
      %scan3A_94 = arith.constant 128 : i32
      "tpu.region"() ({
        %run_scoped3A = tpu.sem_alloc : memref<!tpu.dma_semaphore, #tpu.memory_space<semaphore_mem>>
        %dma_start3A_95 = arith.constant 0 : i32
        %dma_start3A_96 = arith.constant 0 : i32
        %dma_start3A_97 = tpu.memref_slice %arg8[%dma_start3A_95, %dma_start3A_96] : memref<10000x128xf32, #tpu.memory_space<vmem_shared>> -> memref<10000x128xf32, #tpu.memory_space<vmem_shared>>
        tpu.enqueue_indirect_dma source(%arg12 : memref<128x128xf32, #tpu.memory_space<vmem>>) target(%dma_start3A_97 : memref<10000x128xf32, #tpu.memory_space<vmem_shared>>) offsets(%arg11 : memref<128xi32, #tpu.memory_space<vmem>>) semaphore(%run_scoped3A : memref<!tpu.dma_semaphore, #tpu.memory_space<semaphore_mem>>) {add = true}
        %dma_wait3A_98 = arith.constant 0 : i32
        %dma_wait3A_99 = arith.constant 0 : i32
        %dma_wait3A_100 = tpu.memref_slice %arg8[%dma_wait3A_98, %dma_wait3A_99] : memref<10000x128xf32, #tpu.memory_space<vmem_shared>> -> memref<10000x128xf32, #tpu.memory_space<vmem_shared>>
        tpu.wait_indirect_dma semaphore(%run_scoped3A : memref<!tpu.dma_semaphore, #tpu.memory_space<semaphore_mem>>) src(%arg12 : memref<128x128xf32, #tpu.memory_space<vmem>>) dst(%dma_wait3A_100 : memref<10000x128xf32, #tpu.memory_space<vmem_shared>>)
        tpu.yield
      }) : () -> ()
    }
    %barrier3A_39 = arith.constant 0 : index
    tpu.barrier barrier_id(%barrier3A_39)
    %add3A_40 = arith.constant 0 : i32
    %add3A_41 = arith.addi %mul3A_7, %add3A_40 : i32
    %mul3A_42 = arith.constant 10000 : i32
    %mul3A_43 = arith.muli %arg0, %mul3A_42 : i32
    %add3A_44 = arith.addi %mul3A_43, %add3A_41 : i32
    "tpu.region"() ({
      %run_scoped3A = tpu.sem_alloc : memref<!tpu.dma_semaphore, #tpu.memory_space<semaphore_mem>>
      %dma_start3A = arith.constant 0 : i32
      %dma_start3A_75 = tpu.memref_slice %arg7[%add3A_44, %dma_start3A] : memref<20000x128xf32, #tpu.memory_space<hbm>> -> memref<104x128xf32, #tpu.memory_space<hbm>>
      %dma_start3A_76 = arith.constant 0 : i32
      %dma_start3A_77 = tpu.memref_slice %arg8[%add3A_41, %dma_start3A_76] : memref<10000x128xf32, #tpu.memory_space<vmem_shared>> -> memref<104x128xf32, #tpu.memory_space<vmem_shared>>
      tpu.enqueue_dma source(%dma_start3A_77 : memref<104x128xf32, #tpu.memory_space<vmem_shared>>) target(%dma_start3A_75 : memref<104x128xf32, #tpu.memory_space<hbm>>) target_semaphore(%run_scoped3A : memref<!tpu.dma_semaphore, #tpu.memory_space<semaphore_mem>>)
      %dma_wait3A = arith.constant 0 : i32
      %dma_wait3A_78 = tpu.memref_slice %arg7[%add3A_44, %dma_wait3A] : memref<20000x128xf32, #tpu.memory_space<hbm>> -> memref<104x128xf32, #tpu.memory_space<hbm>>
      %dma_wait3A_79 = arith.constant 0 : i32
      %dma_wait3A_80 = tpu.memref_slice %arg8[%add3A_41, %dma_wait3A_79] : memref<10000x128xf32, #tpu.memory_space<vmem_shared>> -> memref<104x128xf32, #tpu.memory_space<vmem_shared>>
      tpu.wait_dma2 semaphore(%run_scoped3A : memref<!tpu.dma_semaphore, #tpu.memory_space<semaphore_mem>>) src(%dma_wait3A_80 : memref<104x128xf32, #tpu.memory_space<vmem_shared>>) dst(%dma_wait3A_78 : memref<104x128xf32, #tpu.memory_space<hbm>>)
      tpu.yield
    }) : () -> ()
    %add3A_45 = arith.constant 104 : i32
    %add3A_46 = arith.addi %mul3A_7, %add3A_45 : i32
    %mul3A_47 = arith.constant 10000 : i32
    %mul3A_48 = arith.muli %arg0, %mul3A_47 : i32
    %add3A_49 = arith.addi %mul3A_48, %add3A_46 : i32
    "tpu.region"() ({
      %run_scoped3A = tpu.sem_alloc : memref<!tpu.dma_semaphore, #tpu.memory_space<semaphore_mem>>
      %dma_start3A = arith.constant 0 : i32
      %dma_start3A_75 = tpu.memref_slice %arg7[%add3A_49, %dma_start3A] : memref<20000x128xf32, #tpu.memory_space<hbm>> -> memref<104x128xf32, #tpu.memory_space<hbm>>
      %dma_start3A_76 = arith.constant 0 : i32
      %dma_start3A_77 = tpu.memref_slice %arg8[%add3A_46, %dma_start3A_76] : memref<10000x128xf32, #tpu.memory_space<vmem_shared>> -> memref<104x128xf32, #tpu.memory_space<vmem_shared>>
      tpu.enqueue_dma source(%dma_start3A_77 : memref<104x128xf32, #tpu.memory_space<vmem_shared>>) target(%dma_start3A_75 : memref<104x128xf32, #tpu.memory_space<hbm>>) target_semaphore(%run_scoped3A : memref<!tpu.dma_semaphore, #tpu.memory_space<semaphore_mem>>)
      %dma_wait3A = arith.constant 0 : i32
      %dma_wait3A_78 = tpu.memref_slice %arg7[%add3A_49, %dma_wait3A] : memref<20000x128xf32, #tpu.memory_space<hbm>> -> memref<104x128xf32, #tpu.memory_space<hbm>>
      %dma_wait3A_79 = arith.constant 0 : i32
      %dma_wait3A_80 = tpu.memref_slice %arg8[%add3A_46, %dma_wait3A_79] : memref<10000x128xf32, #tpu.memory_space<vmem_shared>> -> memref<104x128xf32, #tpu.memory_space<vmem_shared>>
      tpu.wait_dma2 semaphore(%run_scoped3A : memref<!tpu.dma_semaphore, #tpu.memory_space<semaphore_mem>>) src(%dma_wait3A_80 : memref<104x128xf32, #tpu.memory_space<vmem_shared>>) dst(%dma_wait3A_78 : memref<104x128xf32, #tpu.memory_space<hbm>>)
      tpu.yield
    }) : () -> ()
    %add3A_50 = arith.constant 208 : i32
    %add3A_51 = arith.addi %mul3A_7, %add3A_50 : i32
    %mul3A_52 = arith.constant 10000 : i32
    %mul3A_53 = arith.muli %arg0, %mul3A_52 : i32
    %add3A_54 = arith.addi %mul3A_53, %add3A_51 : i32
    "tpu.region"() ({
      %run_scoped3A = tpu.sem_alloc : memref<!tpu.dma_semaphore, #tpu.memory_space<semaphore_mem>>
      %dma_start3A = arith.constant 0 : i32
      %dma_start3A_75 = tpu.memref_slice %arg7[%add3A_54, %dma_start3A] : memref<20000x128xf32, #tpu.memory_space<hbm>> -> memref<104x128xf32, #tpu.memory_space<hbm>>
      %dma_start3A_76 = arith.constant 0 : i32
      %dma_start3A_77 = tpu.memref_slice %arg8[%add3A_51, %dma_start3A_76] : memref<10000x128xf32, #tpu.memory_space<vmem_shared>> -> memref<104x128xf32, #tpu.memory_space<vmem_shared>>
      tpu.enqueue_dma source(%dma_start3A_77 : memref<104x128xf32, #tpu.memory_space<vmem_shared>>) target(%dma_start3A_75 : memref<104x128xf32, #tpu.memory_space<hbm>>) target_semaphore(%run_scoped3A : memref<!tpu.dma_semaphore, #tpu.memory_space<semaphore_mem>>)
      %dma_wait3A = arith.constant 0 : i32
      %dma_wait3A_78 = tpu.memref_slice %arg7[%add3A_54, %dma_wait3A] : memref<20000x128xf32, #tpu.memory_space<hbm>> -> memref<104x128xf32, #tpu.memory_space<hbm>>
      %dma_wait3A_79 = arith.constant 0 : i32
      %dma_wait3A_80 = tpu.memref_slice %arg8[%add3A_51, %dma_wait3A_79] : memref<10000x128xf32, #tpu.memory_space<vmem_shared>> -> memref<104x128xf32, #tpu.memory_space<vmem_shared>>
      tpu.wait_dma2 semaphore(%run_scoped3A : memref<!tpu.dma_semaphore, #tpu.memory_space<semaphore_mem>>) src(%dma_wait3A_80 : memref<104x128xf32, #tpu.memory_space<vmem_shared>>) dst(%dma_wait3A_78 : memref<104x128xf32, #tpu.memory_space<hbm>>)
      tpu.yield
    }) : () -> ()
    %add3A_55 = arith.constant 312 : i32
    %add3A_56 = arith.addi %mul3A_7, %add3A_55 : i32
    %mul3A_57 = arith.constant 10000 : i32
    %mul3A_58 = arith.muli %arg0, %mul3A_57 : i32
    %add3A_59 = arith.addi %mul3A_58, %add3A_56 : i32
    "tpu.region"() ({
      %run_scoped3A = tpu.sem_alloc : memref<!tpu.dma_semaphore, #tpu.memory_space<semaphore_mem>>
      %dma_start3A = arith.constant 0 : i32
      %dma_start3A_75 = tpu.memref_slice %arg7[%add3A_59, %dma_start3A] : memref<20000x128xf32, #tpu.memory_space<hbm>> -> memref<104x128xf32, #tpu.memory_space<hbm>>
      %dma_start3A_76 = arith.constant 0 : i32
      %dma_start3A_77 = tpu.memref_slice %arg8[%add3A_56, %dma_start3A_76] : memref<10000x128xf32, #tpu.memory_space<vmem_shared>> -> memref<104x128xf32, #tpu.memory_space<vmem_shared>>
      tpu.enqueue_dma source(%dma_start3A_77 : memref<104x128xf32, #tpu.memory_space<vmem_shared>>) target(%dma_start3A_75 : memref<104x128xf32, #tpu.memory_space<hbm>>) target_semaphore(%run_scoped3A : memref<!tpu.dma_semaphore, #tpu.memory_space<semaphore_mem>>)
      %dma_wait3A = arith.constant 0 : i32
      %dma_wait3A_78 = tpu.memref_slice %arg7[%add3A_59, %dma_wait3A] : memref<20000x128xf32, #tpu.memory_space<hbm>> -> memref<104x128xf32, #tpu.memory_space<hbm>>
      %dma_wait3A_79 = arith.constant 0 : i32
      %dma_wait3A_80 = tpu.memref_slice %arg8[%add3A_56, %dma_wait3A_79] : memref<10000x128xf32, #tpu.memory_space<vmem_shared>> -> memref<104x128xf32, #tpu.memory_space<vmem_shared>>
      tpu.wait_dma2 semaphore(%run_scoped3A : memref<!tpu.dma_semaphore, #tpu.memory_space<semaphore_mem>>) src(%dma_wait3A_80 : memref<104x128xf32, #tpu.memory_space<vmem_shared>>) dst(%dma_wait3A_78 : memref<104x128xf32, #tpu.memory_space<hbm>>)
      tpu.yield
    }) : () -> ()
    %add3A_60 = arith.constant 416 : i32
    %add3A_61 = arith.addi %mul3A_7, %add3A_60 : i32
    %mul3A_62 = arith.constant 10000 : i32
    %mul3A_63 = arith.muli %arg0, %mul3A_62 : i32
    %add3A_64 = arith.addi %mul3A_63, %add3A_61 : i32
    "tpu.region"() ({
      %run_scoped3A = tpu.sem_alloc : memref<!tpu.dma_semaphore, #tpu.memory_space<semaphore_mem>>
      %dma_start3A = arith.constant 0 : i32
      %dma_start3A_75 = tpu.memref_slice %arg7[%add3A_64, %dma_start3A] : memref<20000x128xf32, #tpu.memory_space<hbm>> -> memref<104x128xf32, #tpu.memory_space<hbm>>
      %dma_start3A_76 = arith.constant 0 : i32
      %dma_start3A_77 = tpu.memref_slice %arg8[%add3A_61, %dma_start3A_76] : memref<10000x128xf32, #tpu.memory_space<vmem_shared>> -> memref<104x128xf32, #tpu.memory_space<vmem_shared>>
      tpu.enqueue_dma source(%dma_start3A_77 : memref<104x128xf32, #tpu.memory_space<vmem_shared>>) target(%dma_start3A_75 : memref<104x128xf32, #tpu.memory_space<hbm>>) target_semaphore(%run_scoped3A : memref<!tpu.dma_semaphore, #tpu.memory_space<semaphore_mem>>)
      %dma_wait3A = arith.constant 0 : i32
      %dma_wait3A_78 = tpu.memref_slice %arg7[%add3A_64, %dma_wait3A] : memref<20000x128xf32, #tpu.memory_space<hbm>> -> memref<104x128xf32, #tpu.memory_space<hbm>>
      %dma_wait3A_79 = arith.constant 0 : i32
      %dma_wait3A_80 = tpu.memref_slice %arg8[%add3A_61, %dma_wait3A_79] : memref<10000x128xf32, #tpu.memory_space<vmem_shared>> -> memref<104x128xf32, #tpu.memory_space<vmem_shared>>
      tpu.wait_dma2 semaphore(%run_scoped3A : memref<!tpu.dma_semaphore, #tpu.memory_space<semaphore_mem>>) src(%dma_wait3A_80 : memref<104x128xf32, #tpu.memory_space<vmem_shared>>) dst(%dma_wait3A_78 : memref<104x128xf32, #tpu.memory_space<hbm>>)
      tpu.yield
    }) : () -> ()
    %add3A_65 = arith.constant 520 : i32
    %add3A_66 = arith.addi %mul3A_7, %add3A_65 : i32
    %mul3A_67 = arith.constant 10000 : i32
    %mul3A_68 = arith.muli %arg0, %mul3A_67 : i32
    %add3A_69 = arith.addi %mul3A_68, %add3A_66 : i32
    "tpu.region"() ({
      %run_scoped3A = tpu.sem_alloc : memref<!tpu.dma_semaphore, #tpu.memory_space<semaphore_mem>>
      %dma_start3A = arith.constant 0 : i32
      %dma_start3A_75 = tpu.memref_slice %arg7[%add3A_69, %dma_start3A] : memref<20000x128xf32, #tpu.memory_space<hbm>> -> memref<104x128xf32, #tpu.memory_space<hbm>>
      %dma_start3A_76 = arith.constant 0 : i32
      %dma_start3A_77 = tpu.memref_slice %arg8[%add3A_66, %dma_start3A_76] : memref<10000x128xf32, #tpu.memory_space<vmem_shared>> -> memref<104x128xf32, #tpu.memory_space<vmem_shared>>
      tpu.enqueue_dma source(%dma_start3A_77 : memref<104x128xf32, #tpu.memory_space<vmem_shared>>) target(%dma_start3A_75 : memref<104x128xf32, #tpu.memory_space<hbm>>) target_semaphore(%run_scoped3A : memref<!tpu.dma_semaphore, #tpu.memory_space<semaphore_mem>>)
      %dma_wait3A = arith.constant 0 : i32
      %dma_wait3A_78 = tpu.memref_slice %arg7[%add3A_69, %dma_wait3A] : memref<20000x128xf32, #tpu.memory_space<hbm>> -> memref<104x128xf32, #tpu.memory_space<hbm>>
      %dma_wait3A_79 = arith.constant 0 : i32
      %dma_wait3A_80 = tpu.memref_slice %arg8[%add3A_66, %dma_wait3A_79] : memref<10000x128xf32, #tpu.memory_space<vmem_shared>> -> memref<104x128xf32, #tpu.memory_space<vmem_shared>>
      tpu.wait_dma2 semaphore(%run_scoped3A : memref<!tpu.dma_semaphore, #tpu.memory_space<semaphore_mem>>) src(%dma_wait3A_80 : memref<104x128xf32, #tpu.memory_space<vmem_shared>>) dst(%dma_wait3A_78 : memref<104x128xf32, #tpu.memory_space<hbm>>)
      tpu.yield
    }) : () -> ()
    %eq3A_70 = arith.constant 0 : i32
    %eq3A_71 = arith.cmpi eq, %arg1, %eq3A_70 : i32
    %convert_element_type3A_72 = arith.extui %eq3A_71 : i1 to i32
    %cond3A_73 = arith.constant 0 : i32
    %cond3A_74 = arith.cmpi ne, %convert_element_type3A_72, %cond3A_73 : i32
    scf.if %cond3A_74 {
      %mul3A_75 = arith.constant 10000 : i32
      %mul3A_76 = arith.muli %arg0, %mul3A_75 : i32
      %add3A_77 = arith.constant 9984 : i32
      %add3A_78 = arith.addi %mul3A_76, %add3A_77 : i32
      "tpu.region"() ({
        %run_scoped3A = tpu.sem_alloc : memref<!tpu.dma_semaphore, #tpu.memory_space<semaphore_mem>>
        %dma_start3A = arith.constant 0 : i32
        %dma_start3A_79 = tpu.memref_slice %arg7[%add3A_78, %dma_start3A] : memref<20000x128xf32, #tpu.memory_space<hbm>> -> memref<16x128xf32, #tpu.memory_space<hbm>>
        %dma_start3A_80 = arith.constant 9984 : i32
        %dma_start3A_81 = arith.constant 0 : i32
        %dma_start3A_82 = tpu.memref_slice %arg8[%dma_start3A_80, %dma_start3A_81] : memref<10000x128xf32, #tpu.memory_space<vmem_shared>> -> memref<16x128xf32, #tpu.memory_space<vmem_shared>>
        tpu.enqueue_dma source(%dma_start3A_82 : memref<16x128xf32, #tpu.memory_space<vmem_shared>>) target(%dma_start3A_79 : memref<16x128xf32, #tpu.memory_space<hbm>>) target_semaphore(%run_scoped3A : memref<!tpu.dma_semaphore, #tpu.memory_space<semaphore_mem>>)
        %dma_wait3A = arith.constant 0 : i32
        %dma_wait3A_83 = tpu.memref_slice %arg7[%add3A_78, %dma_wait3A] : memref<20000x128xf32, #tpu.memory_space<hbm>> -> memref<16x128xf32, #tpu.memory_space<hbm>>
        %dma_wait3A_84 = arith.constant 9984 : i32
        %dma_wait3A_85 = arith.constant 0 : i32
        %dma_wait3A_86 = tpu.memref_slice %arg8[%dma_wait3A_84, %dma_wait3A_85] : memref<10000x128xf32, #tpu.memory_space<vmem_shared>> -> memref<16x128xf32, #tpu.memory_space<vmem_shared>>
        tpu.wait_dma2 semaphore(%run_scoped3A : memref<!tpu.dma_semaphore, #tpu.memory_space<semaphore_mem>>) src(%dma_wait3A_86 : memref<16x128xf32, #tpu.memory_space<vmem_shared>>) dst(%dma_wait3A_83 : memref<16x128xf32, #tpu.memory_space<hbm>>)
        tpu.yield
      }) : () -> ()
    } else {
    }
    return
  }
}

#map = affine_map<(d0, d1) -> (0, 0)>
#map1 = affine_map<(d0, d1) -> (0)>
module attributes {stable_mosaic.version = 14 : i64} {
  func.func @sc_edge(%arg0: i32, %arg1: i32, %arg2: memref<10000x128xf32, #tpu.memory_space<hbm>>, %arg3: memref<4096x128xf32, #tpu.memory_space<hbm>>, %arg4: memref<320000xi32, #tpu.memory_space<hbm>>, %arg5: memref<320000xi32, #tpu.memory_space<hbm>>, %arg6: memref<320000xi32, #tpu.memory_space<hbm>>, %arg7: memref<20000x128xf32, #tpu.memory_space<hbm>>, %arg8: memref<10000x128xf32, #tpu.memory_space<vmem_shared>>, %arg9: memref<128xi32, #tpu.memory_space<vmem>>, %arg10: memref<128xi32, #tpu.memory_space<vmem>>, %arg11: memref<128xi32, #tpu.memory_space<vmem>>, %arg12: memref<128x128xf32, #tpu.memory_space<vmem>>, %arg13: memref<128x128xf32, #tpu.memory_space<vmem>>, %arg14: memref<!tpu.dma_semaphore, #tpu.memory_space<semaphore_mem>>, %arg15: memref<!tpu.dma_semaphore, #tpu.memory_space<semaphore_mem>>) attributes {dimension_semantics = [#tpu.dimension_semantics<core_parallel>, #tpu.dimension_semantics<subcore_parallel>], iteration_bounds = array<i64: 2, 16>, scalar_prefetch = 0 : i64, scratch_operands = 8 : i64, tpu.core_type = #tpu.core_type<sc_vector_subcore>, window_params = [{transform_indices = #map}, {transform_indices = #map}, {transform_indices = #map1}, {transform_indices = #map1}, {transform_indices = #map1}, {transform_indices = #map}]} {
    %mul3A = arith.constant 16 : i32
    %mul3A_0 = arith.muli %arg0, %mul3A : i32
    %add3A = arith.addi %mul3A_0, %arg1 : i32
    %scan3A = arith.constant 0 : i32
    %scan3A_1 = arith.constant 0 : i32
    %scan3A_2 = arith.constant 104 : i32
    %scan3A_3 = arith.addi %scan3A_1, %scan3A_2 : i32
    %scan3A_4 = arith.constant 1 : i32
    scf.for %scan3A_75 = %scan3A_1 to %scan3A_3 step %scan3A_4  : i32 {
      %broadcast_in_dim3A = arith.constant 0.000000e+00 : f32
      %broadcast_in_dim3A_76 = vector.broadcast %broadcast_in_dim3A : f32 to vector<16xf32>
      %swap3A = arith.index_cast %scan3A_75 : i32 to index
      %swap3A_77 = arith.constant 0 : index
      %swap3A_78 = tpu.vector_load %arg12[%swap3A, %swap3A_77] {strides = array<i32>} : memref<128x128xf32, #tpu.memory_space<vmem>>, vector<1x16xf32>,
      %swap3A_79 = vector.shape_cast %swap3A_78 : vector<1x16xf32> to vector<16xf32>
      %swap3A_80 = vector.shape_cast %broadcast_in_dim3A_76 : vector<16xf32> to vector<1x16xf32>
      tpu.vector_store %arg12[%swap3A, %swap3A_77], %swap3A_80 {strides = array<i32>} : memref<128x128xf32, #tpu.memory_space<vmem>>, vector<1x16xf32>,
      %broadcast_in_dim3A_81 = arith.constant 0.000000e+00 : f32
      %broadcast_in_dim3A_82 = vector.broadcast %broadcast_in_dim3A_81 : f32 to vector<16xf32>
      %swap3A_83 = arith.index_cast %scan3A_75 : i32 to index
      %swap3A_84 = arith.constant 16 : index
      %swap3A_85 = tpu.vector_load %arg12[%swap3A_83, %swap3A_84] {strides = array<i32>} : memref<128x128xf32, #tpu.memory_space<vmem>>, vector<1x16xf32>,
      %swap3A_86 = vector.shape_cast %swap3A_85 : vector<1x16xf32> to vector<16xf32>
      %swap3A_87 = vector.shape_cast %broadcast_in_dim3A_82 : vector<16xf32> to vector<1x16xf32>
      tpu.vector_store %arg12[%swap3A_83, %swap3A_84], %swap3A_87 {strides = array<i32>} : memref<128x128xf32, #tpu.memory_space<vmem>>, vector<1x16xf32>,
      %broadcast_in_dim3A_88 = arith.constant 0.000000e+00 : f32
      %broadcast_in_dim3A_89 = vector.broadcast %broadcast_in_dim3A_88 : f32 to vector<16xf32>
      %swap3A_90 = arith.index_cast %scan3A_75 : i32 to index
      %swap3A_91 = arith.constant 32 : index
      %swap3A_92 = tpu.vector_load %arg12[%swap3A_90, %swap3A_91] {strides = array<i32>} : memref<128x128xf32, #tpu.memory_space<vmem>>, vector<1x16xf32>,
      %swap3A_93 = vector.shape_cast %swap3A_92 : vector<1x16xf32> to vector<16xf32>
      %swap3A_94 = vector.shape_cast %broadcast_in_dim3A_89 : vector<16xf32> to vector<1x16xf32>
      tpu.vector_store %arg12[%swap3A_90, %swap3A_91], %swap3A_94 {strides = array<i32>} : memref<128x128xf32, #tpu.memory_space<vmem>>, vector<1x16xf32>,
      %broadcast_in_dim3A_95 = arith.constant 0.000000e+00 : f32
      %broadcast_in_dim3A_96 = vector.broadcast %broadcast_in_dim3A_95 : f32 to vector<16xf32>
      %swap3A_97 = arith.index_cast %scan3A_75 : i32 to index
      %swap3A_98 = arith.constant 48 : index
      %swap3A_99 = tpu.vector_load %arg12[%swap3A_97, %swap3A_98] {strides = array<i32>} : memref<128x128xf32, #tpu.memory_space<vmem>>, vector<1x16xf32>,
      %swap3A_100 = vector.shape_cast %swap3A_99 : vector<1x16xf32> to vector<16xf32>
      %swap3A_101 = vector.shape_cast %broadcast_in_dim3A_96 : vector<16xf32> to vector<1x16xf32>
      tpu.vector_store %arg12[%swap3A_97, %swap3A_98], %swap3A_101 {strides = array<i32>} : memref<128x128xf32, #tpu.memory_space<vmem>>, vector<1x16xf32>,
      %broadcast_in_dim3A_102 = arith.constant 0.000000e+00 : f32
      %broadcast_in_dim3A_103 = vector.broadcast %broadcast_in_dim3A_102 : f32 to vector<16xf32>
      %swap3A_104 = arith.index_cast %scan3A_75 : i32 to index
      %swap3A_105 = arith.constant 64 : index
      %swap3A_106 = tpu.vector_load %arg12[%swap3A_104, %swap3A_105] {strides = array<i32>} : memref<128x128xf32, #tpu.memory_space<vmem>>, vector<1x16xf32>,
      %swap3A_107 = vector.shape_cast %swap3A_106 : vector<1x16xf32> to vector<16xf32>
      %swap3A_108 = vector.shape_cast %broadcast_in_dim3A_103 : vector<16xf32> to vector<1x16xf32>
      tpu.vector_store %arg12[%swap3A_104, %swap3A_105], %swap3A_108 {strides = array<i32>} : memref<128x128xf32, #tpu.memory_space<vmem>>, vector<1x16xf32>,
      %broadcast_in_dim3A_109 = arith.constant 0.000000e+00 : f32
      %broadcast_in_dim3A_110 = vector.broadcast %broadcast_in_dim3A_109 : f32 to vector<16xf32>
      %swap3A_111 = arith.index_cast %scan3A_75 : i32 to index
      %swap3A_112 = arith.constant 80 : index
      %swap3A_113 = tpu.vector_load %arg12[%swap3A_111, %swap3A_112] {strides = array<i32>} : memref<128x128xf32, #tpu.memory_space<vmem>>, vector<1x16xf32>,
      %swap3A_114 = vector.shape_cast %swap3A_113 : vector<1x16xf32> to vector<16xf32>
      %swap3A_115 = vector.shape_cast %broadcast_in_dim3A_110 : vector<16xf32> to vector<1x16xf32>
      tpu.vector_store %arg12[%swap3A_111, %swap3A_112], %swap3A_115 {strides = array<i32>} : memref<128x128xf32, #tpu.memory_space<vmem>>, vector<1x16xf32>,
      %broadcast_in_dim3A_116 = arith.constant 0.000000e+00 : f32
      %broadcast_in_dim3A_117 = vector.broadcast %broadcast_in_dim3A_116 : f32 to vector<16xf32>
      %swap3A_118 = arith.index_cast %scan3A_75 : i32 to index
      %swap3A_119 = arith.constant 96 : index
      %swap3A_120 = tpu.vector_load %arg12[%swap3A_118, %swap3A_119] {strides = array<i32>} : memref<128x128xf32, #tpu.memory_space<vmem>>, vector<1x16xf32>,
      %swap3A_121 = vector.shape_cast %swap3A_120 : vector<1x16xf32> to vector<16xf32>
      %swap3A_122 = vector.shape_cast %broadcast_in_dim3A_117 : vector<16xf32> to vector<1x16xf32>
      tpu.vector_store %arg12[%swap3A_118, %swap3A_119], %swap3A_122 {strides = array<i32>} : memref<128x128xf32, #tpu.memory_space<vmem>>, vector<1x16xf32>,
      %broadcast_in_dim3A_123 = arith.constant 0.000000e+00 : f32
      %broadcast_in_dim3A_124 = vector.broadcast %broadcast_in_dim3A_123 : f32 to vector<16xf32>
      %swap3A_125 = arith.index_cast %scan3A_75 : i32 to index
      %swap3A_126 = arith.constant 112 : index
      %swap3A_127 = tpu.vector_load %arg12[%swap3A_125, %swap3A_126] {strides = array<i32>} : memref<128x128xf32, #tpu.memory_space<vmem>>, vector<1x16xf32>,
      %swap3A_128 = vector.shape_cast %swap3A_127 : vector<1x16xf32> to vector<16xf32>
      %swap3A_129 = vector.shape_cast %broadcast_in_dim3A_124 : vector<16xf32> to vector<1x16xf32>
      tpu.vector_store %arg12[%swap3A_125, %swap3A_126], %swap3A_129 {strides = array<i32>} : memref<128x128xf32, #tpu.memory_space<vmem>>, vector<1x16xf32>,
    }
    %scan3A_5 = arith.constant 104 : i32
    %mul3A_6 = arith.constant 624 : i32
    %mul3A_7 = arith.muli %arg1, %mul3A_6 : i32
    %add3A_8 = arith.constant 0 : i32
    %add3A_9 = arith.addi %mul3A_7, %add3A_8 : i32
    "tpu.region"() ({
      %run_scoped3A = tpu.sem_alloc : memref<!tpu.dma_semaphore, #tpu.memory_space<semaphore_mem>>
      %dma_start3A = arith.constant 0 : i32
      %dma_start3A_75 = arith.constant 0 : i32
      %dma_start3A_76 = tpu.memref_slice %arg12[%dma_start3A, %dma_start3A_75] : memref<128x128xf32, #tpu.memory_space<vmem>> -> memref<104x128xf32, #tpu.memory_space<vmem>>
      %dma_start3A_77 = arith.constant 0 : i32
      %dma_start3A_78 = tpu.memref_slice %arg8[%add3A_9, %dma_start3A_77] : memref<10000x128xf32, #tpu.memory_space<vmem_shared>> -> memref<104x128xf32, #tpu.memory_space<vmem_shared>>
      %dma_start3A_79 = arith.constant 0 : i32
      %dma_start3A_80 = tpu.memref_slice %arg8[%add3A_9, %dma_start3A_79] : memref<10000x128xf32, #tpu.memory_space<vmem_shared>> -> memref<104x128xf32, #tpu.memory_space<vmem_shared>>
      %dma_start3A_81 = arith.constant 0 : i32
      %dma_start3A_82 = arith.constant 0 : i32
      %dma_start3A_83 = tpu.memref_slice %arg12[%dma_start3A_81, %dma_start3A_82] : memref<128x128xf32, #tpu.memory_space<vmem>> -> memref<104x128xf32, #tpu.memory_space<vmem>>
      tpu.enqueue_dma source(%dma_start3A_83 : memref<104x128xf32, #tpu.memory_space<vmem>>) target(%dma_start3A_80 : memref<104x128xf32, #tpu.memory_space<vmem_shared>>) target_semaphore(%run_scoped3A : memref<!tpu.dma_semaphore, #tpu.memory_space<semaphore_mem>>)
      %dma_wait3A = arith.constant 0 : i32
      %dma_wait3A_84 = arith.constant 0 : i32
      %dma_wait3A_85 = tpu.memref_slice %arg12[%dma_wait3A, %dma_wait3A_84] : memref<128x128xf32, #tpu.memory_space<vmem>> -> memref<104x128xf32, #tpu.memory_space<vmem>>
      %dma_wait3A_86 = arith.constant 0 : i32
      %dma_wait3A_87 = tpu.memref_slice %arg8[%add3A_9, %dma_wait3A_86] : memref<10000x128xf32, #tpu.memory_space<vmem_shared>> -> memref<104x128xf32, #tpu.memory_space<vmem_shared>>
      %dma_wait3A_88 = arith.constant 0 : i32
      %dma_wait3A_89 = tpu.memref_slice %arg8[%add3A_9, %dma_wait3A_88] : memref<10000x128xf32, #tpu.memory_space<vmem_shared>> -> memref<104x128xf32, #tpu.memory_space<vmem_shared>>
      %dma_wait3A_90 = arith.constant 0 : i32
      %dma_wait3A_91 = arith.constant 0 : i32
      %dma_wait3A_92 = tpu.memref_slice %arg12[%dma_wait3A_90, %dma_wait3A_91] : memref<128x128xf32, #tpu.memory_space<vmem>> -> memref<104x128xf32, #tpu.memory_space<vmem>>
      tpu.wait_dma2 semaphore(%run_scoped3A : memref<!tpu.dma_semaphore, #tpu.memory_space<semaphore_mem>>) src(%dma_wait3A_92 : memref<104x128xf32, #tpu.memory_space<vmem>>) dst(%dma_wait3A_89 : memref<104x128xf32, #tpu.memory_space<vmem_shared>>)
      tpu.yield
    }) : () -> ()
    %add3A_10 = arith.constant 104 : i32
    %add3A_11 = arith.addi %mul3A_7, %add3A_10 : i32
    "tpu.region"() ({
      %run_scoped3A = tpu.sem_alloc : memref<!tpu.dma_semaphore, #tpu.memory_space<semaphore_mem>>
      %dma_start3A = arith.constant 0 : i32
      %dma_start3A_75 = arith.constant 0 : i32
      %dma_start3A_76 = tpu.memref_slice %arg12[%dma_start3A, %dma_start3A_75] : memref<128x128xf32, #tpu.memory_space<vmem>> -> memref<104x128xf32, #tpu.memory_space<vmem>>
      %dma_start3A_77 = arith.constant 0 : i32
      %dma_start3A_78 = tpu.memref_slice %arg8[%add3A_11, %dma_start3A_77] : memref<10000x128xf32, #tpu.memory_space<vmem_shared>> -> memref<104x128xf32, #tpu.memory_space<vmem_shared>>
      %dma_start3A_79 = arith.constant 0 : i32
      %dma_start3A_80 = tpu.memref_slice %arg8[%add3A_11, %dma_start3A_79] : memref<10000x128xf32, #tpu.memory_space<vmem_shared>> -> memref<104x128xf32, #tpu.memory_space<vmem_shared>>
      %dma_start3A_81 = arith.constant 0 : i32
      %dma_start3A_82 = arith.constant 0 : i32
      %dma_start3A_83 = tpu.memref_slice %arg12[%dma_start3A_81, %dma_start3A_82] : memref<128x128xf32, #tpu.memory_space<vmem>> -> memref<104x128xf32, #tpu.memory_space<vmem>>
      tpu.enqueue_dma source(%dma_start3A_83 : memref<104x128xf32, #tpu.memory_space<vmem>>) target(%dma_start3A_80 : memref<104x128xf32, #tpu.memory_space<vmem_shared>>) target_semaphore(%run_scoped3A : memref<!tpu.dma_semaphore, #tpu.memory_space<semaphore_mem>>)
      %dma_wait3A = arith.constant 0 : i32
      %dma_wait3A_84 = arith.constant 0 : i32
      %dma_wait3A_85 = tpu.memref_slice %arg12[%dma_wait3A, %dma_wait3A_84] : memref<128x128xf32, #tpu.memory_space<vmem>> -> memref<104x128xf32, #tpu.memory_space<vmem>>
      %dma_wait3A_86 = arith.constant 0 : i32
      %dma_wait3A_87 = tpu.memref_slice %arg8[%add3A_11, %dma_wait3A_86] : memref<10000x128xf32, #tpu.memory_space<vmem_shared>> -> memref<104x128xf32, #tpu.memory_space<vmem_shared>>
      %dma_wait3A_88 = arith.constant 0 : i32
      %dma_wait3A_89 = tpu.memref_slice %arg8[%add3A_11, %dma_wait3A_88] : memref<10000x128xf32, #tpu.memory_space<vmem_shared>> -> memref<104x128xf32, #tpu.memory_space<vmem_shared>>
      %dma_wait3A_90 = arith.constant 0 : i32
      %dma_wait3A_91 = arith.constant 0 : i32
      %dma_wait3A_92 = tpu.memref_slice %arg12[%dma_wait3A_90, %dma_wait3A_91] : memref<128x128xf32, #tpu.memory_space<vmem>> -> memref<104x128xf32, #tpu.memory_space<vmem>>
      tpu.wait_dma2 semaphore(%run_scoped3A : memref<!tpu.dma_semaphore, #tpu.memory_space<semaphore_mem>>) src(%dma_wait3A_92 : memref<104x128xf32, #tpu.memory_space<vmem>>) dst(%dma_wait3A_89 : memref<104x128xf32, #tpu.memory_space<vmem_shared>>)
      tpu.yield
    }) : () -> ()
    %add3A_12 = arith.constant 208 : i32
    %add3A_13 = arith.addi %mul3A_7, %add3A_12 : i32
    "tpu.region"() ({
      %run_scoped3A = tpu.sem_alloc : memref<!tpu.dma_semaphore, #tpu.memory_space<semaphore_mem>>
      %dma_start3A = arith.constant 0 : i32
      %dma_start3A_75 = arith.constant 0 : i32
      %dma_start3A_76 = tpu.memref_slice %arg12[%dma_start3A, %dma_start3A_75] : memref<128x128xf32, #tpu.memory_space<vmem>> -> memref<104x128xf32, #tpu.memory_space<vmem>>
      %dma_start3A_77 = arith.constant 0 : i32
      %dma_start3A_78 = tpu.memref_slice %arg8[%add3A_13, %dma_start3A_77] : memref<10000x128xf32, #tpu.memory_space<vmem_shared>> -> memref<104x128xf32, #tpu.memory_space<vmem_shared>>
      %dma_start3A_79 = arith.constant 0 : i32
      %dma_start3A_80 = tpu.memref_slice %arg8[%add3A_13, %dma_start3A_79] : memref<10000x128xf32, #tpu.memory_space<vmem_shared>> -> memref<104x128xf32, #tpu.memory_space<vmem_shared>>
      %dma_start3A_81 = arith.constant 0 : i32
      %dma_start3A_82 = arith.constant 0 : i32
      %dma_start3A_83 = tpu.memref_slice %arg12[%dma_start3A_81, %dma_start3A_82] : memref<128x128xf32, #tpu.memory_space<vmem>> -> memref<104x128xf32, #tpu.memory_space<vmem>>
      tpu.enqueue_dma source(%dma_start3A_83 : memref<104x128xf32, #tpu.memory_space<vmem>>) target(%dma_start3A_80 : memref<104x128xf32, #tpu.memory_space<vmem_shared>>) target_semaphore(%run_scoped3A : memref<!tpu.dma_semaphore, #tpu.memory_space<semaphore_mem>>)
      %dma_wait3A = arith.constant 0 : i32
      %dma_wait3A_84 = arith.constant 0 : i32
      %dma_wait3A_85 = tpu.memref_slice %arg12[%dma_wait3A, %dma_wait3A_84] : memref<128x128xf32, #tpu.memory_space<vmem>> -> memref<104x128xf32, #tpu.memory_space<vmem>>
      %dma_wait3A_86 = arith.constant 0 : i32
      %dma_wait3A_87 = tpu.memref_slice %arg8[%add3A_13, %dma_wait3A_86] : memref<10000x128xf32, #tpu.memory_space<vmem_shared>> -> memref<104x128xf32, #tpu.memory_space<vmem_shared>>
      %dma_wait3A_88 = arith.constant 0 : i32
      %dma_wait3A_89 = tpu.memref_slice %arg8[%add3A_13, %dma_wait3A_88] : memref<10000x128xf32, #tpu.memory_space<vmem_shared>> -> memref<104x128xf32, #tpu.memory_space<vmem_shared>>
      %dma_wait3A_90 = arith.constant 0 : i32
      %dma_wait3A_91 = arith.constant 0 : i32
      %dma_wait3A_92 = tpu.memref_slice %arg12[%dma_wait3A_90, %dma_wait3A_91] : memref<128x128xf32, #tpu.memory_space<vmem>> -> memref<104x128xf32, #tpu.memory_space<vmem>>
      tpu.wait_dma2 semaphore(%run_scoped3A : memref<!tpu.dma_semaphore, #tpu.memory_space<semaphore_mem>>) src(%dma_wait3A_92 : memref<104x128xf32, #tpu.memory_space<vmem>>) dst(%dma_wait3A_89 : memref<104x128xf32, #tpu.memory_space<vmem_shared>>)
      tpu.yield
    }) : () -> ()
    %add3A_14 = arith.constant 312 : i32
    %add3A_15 = arith.addi %mul3A_7, %add3A_14 : i32
    "tpu.region"() ({
      %run_scoped3A = tpu.sem_alloc : memref<!tpu.dma_semaphore, #tpu.memory_space<semaphore_mem>>
      %dma_start3A = arith.constant 0 : i32
      %dma_start3A_75 = arith.constant 0 : i32
      %dma_start3A_76 = tpu.memref_slice %arg12[%dma_start3A, %dma_start3A_75] : memref<128x128xf32, #tpu.memory_space<vmem>> -> memref<104x128xf32, #tpu.memory_space<vmem>>
      %dma_start3A_77 = arith.constant 0 : i32
      %dma_start3A_78 = tpu.memref_slice %arg8[%add3A_15, %dma_start3A_77] : memref<10000x128xf32, #tpu.memory_space<vmem_shared>> -> memref<104x128xf32, #tpu.memory_space<vmem_shared>>
      %dma_start3A_79 = arith.constant 0 : i32
      %dma_start3A_80 = tpu.memref_slice %arg8[%add3A_15, %dma_start3A_79] : memref<10000x128xf32, #tpu.memory_space<vmem_shared>> -> memref<104x128xf32, #tpu.memory_space<vmem_shared>>
      %dma_start3A_81 = arith.constant 0 : i32
      %dma_start3A_82 = arith.constant 0 : i32
      %dma_start3A_83 = tpu.memref_slice %arg12[%dma_start3A_81, %dma_start3A_82] : memref<128x128xf32, #tpu.memory_space<vmem>> -> memref<104x128xf32, #tpu.memory_space<vmem>>
      tpu.enqueue_dma source(%dma_start3A_83 : memref<104x128xf32, #tpu.memory_space<vmem>>) target(%dma_start3A_80 : memref<104x128xf32, #tpu.memory_space<vmem_shared>>) target_semaphore(%run_scoped3A : memref<!tpu.dma_semaphore, #tpu.memory_space<semaphore_mem>>)
      %dma_wait3A = arith.constant 0 : i32
      %dma_wait3A_84 = arith.constant 0 : i32
      %dma_wait3A_85 = tpu.memref_slice %arg12[%dma_wait3A, %dma_wait3A_84] : memref<128x128xf32, #tpu.memory_space<vmem>> -> memref<104x128xf32, #tpu.memory_space<vmem>>
      %dma_wait3A_86 = arith.constant 0 : i32
      %dma_wait3A_87 = tpu.memref_slice %arg8[%add3A_15, %dma_wait3A_86] : memref<10000x128xf32, #tpu.memory_space<vmem_shared>> -> memref<104x128xf32, #tpu.memory_space<vmem_shared>>
      %dma_wait3A_88 = arith.constant 0 : i32
      %dma_wait3A_89 = tpu.memref_slice %arg8[%add3A_15, %dma_wait3A_88] : memref<10000x128xf32, #tpu.memory_space<vmem_shared>> -> memref<104x128xf32, #tpu.memory_space<vmem_shared>>
      %dma_wait3A_90 = arith.constant 0 : i32
      %dma_wait3A_91 = arith.constant 0 : i32
      %dma_wait3A_92 = tpu.memref_slice %arg12[%dma_wait3A_90, %dma_wait3A_91] : memref<128x128xf32, #tpu.memory_space<vmem>> -> memref<104x128xf32, #tpu.memory_space<vmem>>
      tpu.wait_dma2 semaphore(%run_scoped3A : memref<!tpu.dma_semaphore, #tpu.memory_space<semaphore_mem>>) src(%dma_wait3A_92 : memref<104x128xf32, #tpu.memory_space<vmem>>) dst(%dma_wait3A_89 : memref<104x128xf32, #tpu.memory_space<vmem_shared>>)
      tpu.yield
    }) : () -> ()
    %add3A_16 = arith.constant 416 : i32
    %add3A_17 = arith.addi %mul3A_7, %add3A_16 : i32
    "tpu.region"() ({
      %run_scoped3A = tpu.sem_alloc : memref<!tpu.dma_semaphore, #tpu.memory_space<semaphore_mem>>
      %dma_start3A = arith.constant 0 : i32
      %dma_start3A_75 = arith.constant 0 : i32
      %dma_start3A_76 = tpu.memref_slice %arg12[%dma_start3A, %dma_start3A_75] : memref<128x128xf32, #tpu.memory_space<vmem>> -> memref<104x128xf32, #tpu.memory_space<vmem>>
      %dma_start3A_77 = arith.constant 0 : i32
      %dma_start3A_78 = tpu.memref_slice %arg8[%add3A_17, %dma_start3A_77] : memref<10000x128xf32, #tpu.memory_space<vmem_shared>> -> memref<104x128xf32, #tpu.memory_space<vmem_shared>>
      %dma_start3A_79 = arith.constant 0 : i32
      %dma_start3A_80 = tpu.memref_slice %arg8[%add3A_17, %dma_start3A_79] : memref<10000x128xf32, #tpu.memory_space<vmem_shared>> -> memref<104x128xf32, #tpu.memory_space<vmem_shared>>
      %dma_start3A_81 = arith.constant 0 : i32
      %dma_start3A_82 = arith.constant 0 : i32
      %dma_start3A_83 = tpu.memref_slice %arg12[%dma_start3A_81, %dma_start3A_82] : memref<128x128xf32, #tpu.memory_space<vmem>> -> memref<104x128xf32, #tpu.memory_space<vmem>>
      tpu.enqueue_dma source(%dma_start3A_83 : memref<104x128xf32, #tpu.memory_space<vmem>>) target(%dma_start3A_80 : memref<104x128xf32, #tpu.memory_space<vmem_shared>>) target_semaphore(%run_scoped3A : memref<!tpu.dma_semaphore, #tpu.memory_space<semaphore_mem>>)
      %dma_wait3A = arith.constant 0 : i32
      %dma_wait3A_84 = arith.constant 0 : i32
      %dma_wait3A_85 = tpu.memref_slice %arg12[%dma_wait3A, %dma_wait3A_84] : memref<128x128xf32, #tpu.memory_space<vmem>> -> memref<104x128xf32, #tpu.memory_space<vmem>>
      %dma_wait3A_86 = arith.constant 0 : i32
      %dma_wait3A_87 = tpu.memref_slice %arg8[%add3A_17, %dma_wait3A_86] : memref<10000x128xf32, #tpu.memory_space<vmem_shared>> -> memref<104x128xf32, #tpu.memory_space<vmem_shared>>
      %dma_wait3A_88 = arith.constant 0 : i32
      %dma_wait3A_89 = tpu.memref_slice %arg8[%add3A_17, %dma_wait3A_88] : memref<10000x128xf32, #tpu.memory_space<vmem_shared>> -> memref<104x128xf32, #tpu.memory_space<vmem_shared>>
      %dma_wait3A_90 = arith.constant 0 : i32
      %dma_wait3A_91 = arith.constant 0 : i32
      %dma_wait3A_92 = tpu.memref_slice %arg12[%dma_wait3A_90, %dma_wait3A_91] : memref<128x128xf32, #tpu.memory_space<vmem>> -> memref<104x128xf32, #tpu.memory_space<vmem>>
      tpu.wait_dma2 semaphore(%run_scoped3A : memref<!tpu.dma_semaphore, #tpu.memory_space<semaphore_mem>>) src(%dma_wait3A_92 : memref<104x128xf32, #tpu.memory_space<vmem>>) dst(%dma_wait3A_89 : memref<104x128xf32, #tpu.memory_space<vmem_shared>>)
      tpu.yield
    }) : () -> ()
    %add3A_18 = arith.constant 520 : i32
    %add3A_19 = arith.addi %mul3A_7, %add3A_18 : i32
    "tpu.region"() ({
      %run_scoped3A = tpu.sem_alloc : memref<!tpu.dma_semaphore, #tpu.memory_space<semaphore_mem>>
      %dma_start3A = arith.constant 0 : i32
      %dma_start3A_75 = arith.constant 0 : i32
      %dma_start3A_76 = tpu.memref_slice %arg12[%dma_start3A, %dma_start3A_75] : memref<128x128xf32, #tpu.memory_space<vmem>> -> memref<104x128xf32, #tpu.memory_space<vmem>>
      %dma_start3A_77 = arith.constant 0 : i32
      %dma_start3A_78 = tpu.memref_slice %arg8[%add3A_19, %dma_start3A_77] : memref<10000x128xf32, #tpu.memory_space<vmem_shared>> -> memref<104x128xf32, #tpu.memory_space<vmem_shared>>
      %dma_start3A_79 = arith.constant 0 : i32
      %dma_start3A_80 = tpu.memref_slice %arg8[%add3A_19, %dma_start3A_79] : memref<10000x128xf32, #tpu.memory_space<vmem_shared>> -> memref<104x128xf32, #tpu.memory_space<vmem_shared>>
      %dma_start3A_81 = arith.constant 0 : i32
      %dma_start3A_82 = arith.constant 0 : i32
      %dma_start3A_83 = tpu.memref_slice %arg12[%dma_start3A_81, %dma_start3A_82] : memref<128x128xf32, #tpu.memory_space<vmem>> -> memref<104x128xf32, #tpu.memory_space<vmem>>
      tpu.enqueue_dma source(%dma_start3A_83 : memref<104x128xf32, #tpu.memory_space<vmem>>) target(%dma_start3A_80 : memref<104x128xf32, #tpu.memory_space<vmem_shared>>) target_semaphore(%run_scoped3A : memref<!tpu.dma_semaphore, #tpu.memory_space<semaphore_mem>>)
      %dma_wait3A = arith.constant 0 : i32
      %dma_wait3A_84 = arith.constant 0 : i32
      %dma_wait3A_85 = tpu.memref_slice %arg12[%dma_wait3A, %dma_wait3A_84] : memref<128x128xf32, #tpu.memory_space<vmem>> -> memref<104x128xf32, #tpu.memory_space<vmem>>
      %dma_wait3A_86 = arith.constant 0 : i32
      %dma_wait3A_87 = tpu.memref_slice %arg8[%add3A_19, %dma_wait3A_86] : memref<10000x128xf32, #tpu.memory_space<vmem_shared>> -> memref<104x128xf32, #tpu.memory_space<vmem_shared>>
      %dma_wait3A_88 = arith.constant 0 : i32
      %dma_wait3A_89 = tpu.memref_slice %arg8[%add3A_19, %dma_wait3A_88] : memref<10000x128xf32, #tpu.memory_space<vmem_shared>> -> memref<104x128xf32, #tpu.memory_space<vmem_shared>>
      %dma_wait3A_90 = arith.constant 0 : i32
      %dma_wait3A_91 = arith.constant 0 : i32
      %dma_wait3A_92 = tpu.memref_slice %arg12[%dma_wait3A_90, %dma_wait3A_91] : memref<128x128xf32, #tpu.memory_space<vmem>> -> memref<104x128xf32, #tpu.memory_space<vmem>>
      tpu.wait_dma2 semaphore(%run_scoped3A : memref<!tpu.dma_semaphore, #tpu.memory_space<semaphore_mem>>) src(%dma_wait3A_92 : memref<104x128xf32, #tpu.memory_space<vmem>>) dst(%dma_wait3A_89 : memref<104x128xf32, #tpu.memory_space<vmem_shared>>)
      tpu.yield
    }) : () -> ()
    %eq3A = arith.constant 0 : i32
    %eq3A_20 = arith.cmpi eq, %arg1, %eq3A : i32
    %convert_element_type3A = arith.extui %eq3A_20 : i1 to i32
    %cond3A = arith.constant 0 : i32
    %cond3A_21 = arith.cmpi ne, %convert_element_type3A, %cond3A : i32
    scf.if %cond3A_21 {
      "tpu.region"() ({
        %run_scoped3A = tpu.sem_alloc : memref<!tpu.dma_semaphore, #tpu.memory_space<semaphore_mem>>
        %dma_start3A = arith.constant 0 : i32
        %dma_start3A_75 = arith.constant 0 : i32
        %dma_start3A_76 = tpu.memref_slice %arg12[%dma_start3A, %dma_start3A_75] : memref<128x128xf32, #tpu.memory_space<vmem>> -> memref<16x128xf32, #tpu.memory_space<vmem>>
        %dma_start3A_77 = arith.constant 9984 : i32
        %dma_start3A_78 = arith.constant 0 : i32
        %dma_start3A_79 = tpu.memref_slice %arg8[%dma_start3A_77, %dma_start3A_78] : memref<10000x128xf32, #tpu.memory_space<vmem_shared>> -> memref<16x128xf32, #tpu.memory_space<vmem_shared>>
        %dma_start3A_80 = arith.constant 9984 : i32
        %dma_start3A_81 = arith.constant 0 : i32
        %dma_start3A_82 = tpu.memref_slice %arg8[%dma_start3A_80, %dma_start3A_81] : memref<10000x128xf32, #tpu.memory_space<vmem_shared>> -> memref<16x128xf32, #tpu.memory_space<vmem_shared>>
        %dma_start3A_83 = arith.constant 0 : i32
        %dma_start3A_84 = arith.constant 0 : i32
        %dma_start3A_85 = tpu.memref_slice %arg12[%dma_start3A_83, %dma_start3A_84] : memref<128x128xf32, #tpu.memory_space<vmem>> -> memref<16x128xf32, #tpu.memory_space<vmem>>
        tpu.enqueue_dma source(%dma_start3A_85 : memref<16x128xf32, #tpu.memory_space<vmem>>) target(%dma_start3A_82 : memref<16x128xf32, #tpu.memory_space<vmem_shared>>) target_semaphore(%run_scoped3A : memref<!tpu.dma_semaphore, #tpu.memory_space<semaphore_mem>>)
        %dma_wait3A = arith.constant 0 : i32
        %dma_wait3A_86 = arith.constant 0 : i32
        %dma_wait3A_87 = tpu.memref_slice %arg12[%dma_wait3A, %dma_wait3A_86] : memref<128x128xf32, #tpu.memory_space<vmem>> -> memref<16x128xf32, #tpu.memory_space<vmem>>
        %dma_wait3A_88 = arith.constant 9984 : i32
        %dma_wait3A_89 = arith.constant 0 : i32
        %dma_wait3A_90 = tpu.memref_slice %arg8[%dma_wait3A_88, %dma_wait3A_89] : memref<10000x128xf32, #tpu.memory_space<vmem_shared>> -> memref<16x128xf32, #tpu.memory_space<vmem_shared>>
        %dma_wait3A_91 = arith.constant 9984 : i32
        %dma_wait3A_92 = arith.constant 0 : i32
        %dma_wait3A_93 = tpu.memref_slice %arg8[%dma_wait3A_91, %dma_wait3A_92] : memref<10000x128xf32, #tpu.memory_space<vmem_shared>> -> memref<16x128xf32, #tpu.memory_space<vmem_shared>>
        %dma_wait3A_94 = arith.constant 0 : i32
        %dma_wait3A_95 = arith.constant 0 : i32
        %dma_wait3A_96 = tpu.memref_slice %arg12[%dma_wait3A_94, %dma_wait3A_95] : memref<128x128xf32, #tpu.memory_space<vmem>> -> memref<16x128xf32, #tpu.memory_space<vmem>>
        tpu.wait_dma2 semaphore(%run_scoped3A : memref<!tpu.dma_semaphore, #tpu.memory_space<semaphore_mem>>) src(%dma_wait3A_96 : memref<16x128xf32, #tpu.memory_space<vmem>>) dst(%dma_wait3A_93 : memref<16x128xf32, #tpu.memory_space<vmem_shared>>)
        tpu.yield
      }) : () -> ()
    } else {
    }
    %barrier3A = arith.constant 0 : index
    tpu.barrier barrier_id(%barrier3A)
    %lt3A = arith.constant 4 : i32
    %lt3A_22 = arith.cmpi slt, %add3A, %lt3A : i32
    %convert_element_type3A_23 = arith.extui %lt3A_22 : i1 to i32
    %add3A_24 = arith.constant 78 : i32
    %add3A_25 = arith.addi %add3A_24, %convert_element_type3A_23 : i32
    %mul3A_26 = arith.constant 78 : i32
    %mul3A_27 = arith.muli %add3A, %mul3A_26 : i32
    %min3A = arith.constant 4 : i32
    %min3A_28 = arith.minsi %add3A, %min3A : i32
    %add3A_29 = arith.addi %mul3A_27, %min3A_28 : i32
    %while3A = arith.constant 0 : i32
    %while3A_30 = arith.constant 0 : i32
    %while3A_31 = arith.subi %add3A_25, %while3A_30 : i32
    %while3A_32 = arith.addi %while3A_30, %while3A_31 : i32
    %while3A_33 = arith.constant 1 : i32
    %while3A_34 = arith.divsi %while3A_31, %while3A_33 : i32
    %while3A_35 = arith.muli %while3A_34, %while3A_33 : i32
    %while3A_36 = arith.addi %while3A_30, %while3A_35 : i32
    %while3A_37 = arith.constant 1 : i32
    scf.for %while3A_75 = %while3A_30 to %while3A_36 step %while3A_37  : i32 {
      %add3A_76 = arith.addi %add3A_29, %while3A_75 : i32
      %mul3A_77 = arith.constant 128 : i32
      %mul3A_78 = arith.muli %add3A_76, %mul3A_77 : i32
      "tpu.region"() ({
        %run_scoped3A = tpu.sem_alloc : memref<!tpu.dma_semaphore, #tpu.memory_space<semaphore_mem>>
        %dma_start3A_95 = tpu.memref_slice %arg4[%mul3A_78] : memref<320000xi32, #tpu.memory_space<hbm>> -> memref<128xi32, #tpu.memory_space<hbm>>
        %dma_start3A_96 = tpu.memref_slice %arg4[%mul3A_78] : memref<320000xi32, #tpu.memory_space<hbm>> -> memref<128xi32, #tpu.memory_space<hbm>>
        tpu.enqueue_dma source(%dma_start3A_96 : memref<128xi32, #tpu.memory_space<hbm>>) target(%arg9 : memref<128xi32, #tpu.memory_space<vmem>>) target_semaphore(%run_scoped3A : memref<!tpu.dma_semaphore, #tpu.memory_space<semaphore_mem>>)
        %dma_wait3A_97 = tpu.memref_slice %arg4[%mul3A_78] : memref<320000xi32, #tpu.memory_space<hbm>> -> memref<128xi32, #tpu.memory_space<hbm>>
        %dma_wait3A_98 = tpu.memref_slice %arg4[%mul3A_78] : memref<320000xi32, #tpu.memory_space<hbm>> -> memref<128xi32, #tpu.memory_space<hbm>>
        tpu.wait_dma2 semaphore(%run_scoped3A : memref<!tpu.dma_semaphore, #tpu.memory_space<semaphore_mem>>) src(%dma_wait3A_98 : memref<128xi32, #tpu.memory_space<hbm>>) dst(%arg9 : memref<128xi32, #tpu.memory_space<vmem>>)
        tpu.yield
      }) : () -> ()
      "tpu.region"() ({
        %run_scoped3A = tpu.sem_alloc : memref<!tpu.dma_semaphore, #tpu.memory_space<semaphore_mem>>
        %dma_start3A_95 = tpu.memref_slice %arg6[%mul3A_78] : memref<320000xi32, #tpu.memory_space<hbm>> -> memref<128xi32, #tpu.memory_space<hbm>>
        %dma_start3A_96 = tpu.memref_slice %arg6[%mul3A_78] : memref<320000xi32, #tpu.memory_space<hbm>> -> memref<128xi32, #tpu.memory_space<hbm>>
        tpu.enqueue_dma source(%dma_start3A_96 : memref<128xi32, #tpu.memory_space<hbm>>) target(%arg10 : memref<128xi32, #tpu.memory_space<vmem>>) target_semaphore(%run_scoped3A : memref<!tpu.dma_semaphore, #tpu.memory_space<semaphore_mem>>)
        %dma_wait3A_97 = tpu.memref_slice %arg6[%mul3A_78] : memref<320000xi32, #tpu.memory_space<hbm>> -> memref<128xi32, #tpu.memory_space<hbm>>
        %dma_wait3A_98 = tpu.memref_slice %arg6[%mul3A_78] : memref<320000xi32, #tpu.memory_space<hbm>> -> memref<128xi32, #tpu.memory_space<hbm>>
        tpu.wait_dma2 semaphore(%run_scoped3A : memref<!tpu.dma_semaphore, #tpu.memory_space<semaphore_mem>>) src(%dma_wait3A_98 : memref<128xi32, #tpu.memory_space<hbm>>) dst(%arg10 : memref<128xi32, #tpu.memory_space<vmem>>)
        tpu.yield
      }) : () -> ()
      "tpu.region"() ({
        %run_scoped3A = tpu.sem_alloc : memref<!tpu.dma_semaphore, #tpu.memory_space<semaphore_mem>>
        %dma_start3A_95 = tpu.memref_slice %arg5[%mul3A_78] : memref<320000xi32, #tpu.memory_space<hbm>> -> memref<128xi32, #tpu.memory_space<hbm>>
        %dma_start3A_96 = tpu.memref_slice %arg5[%mul3A_78] : memref<320000xi32, #tpu.memory_space<hbm>> -> memref<128xi32, #tpu.memory_space<hbm>>
        tpu.enqueue_dma source(%dma_start3A_96 : memref<128xi32, #tpu.memory_space<hbm>>) target(%arg11 : memref<128xi32, #tpu.memory_space<vmem>>) target_semaphore(%run_scoped3A : memref<!tpu.dma_semaphore, #tpu.memory_space<semaphore_mem>>)
        %dma_wait3A_97 = tpu.memref_slice %arg5[%mul3A_78] : memref<320000xi32, #tpu.memory_space<hbm>> -> memref<128xi32, #tpu.memory_space<hbm>>
        %dma_wait3A_98 = tpu.memref_slice %arg5[%mul3A_78] : memref<320000xi32, #tpu.memory_space<hbm>> -> memref<128xi32, #tpu.memory_space<hbm>>
        tpu.wait_dma2 semaphore(%run_scoped3A : memref<!tpu.dma_semaphore, #tpu.memory_space<semaphore_mem>>) src(%dma_wait3A_98 : memref<128xi32, #tpu.memory_space<hbm>>) dst(%arg11 : memref<128xi32, #tpu.memory_space<vmem>>)
        tpu.yield
      }) : () -> ()
      %dma_start3A = arith.constant 0 : i32
      %dma_start3A_79 = arith.constant 0 : i32
      %dma_start3A_80 = tpu.memref_slice %arg2[%dma_start3A, %dma_start3A_79] : memref<10000x128xf32, #tpu.memory_space<hbm>> -> memref<10000x128xf32, #tpu.memory_space<hbm>>
      tpu.enqueue_indirect_dma source(%dma_start3A_80 : memref<10000x128xf32, #tpu.memory_space<hbm>>) target(%arg12 : memref<128x128xf32, #tpu.memory_space<vmem>>) offsets(%arg9 : memref<128xi32, #tpu.memory_space<vmem>>) semaphore(%arg14 : memref<!tpu.dma_semaphore, #tpu.memory_space<semaphore_mem>>)
      %dma_start3A_81 = arith.constant 0 : i32
      %dma_start3A_82 = arith.constant 0 : i32
      %dma_start3A_83 = tpu.memref_slice %arg3[%dma_start3A_81, %dma_start3A_82] : memref<4096x128xf32, #tpu.memory_space<hbm>> -> memref<4096x128xf32, #tpu.memory_space<hbm>>
      tpu.enqueue_indirect_dma source(%dma_start3A_83 : memref<4096x128xf32, #tpu.memory_space<hbm>>) target(%arg13 : memref<128x128xf32, #tpu.memory_space<vmem>>) offsets(%arg10 : memref<128xi32, #tpu.memory_space<vmem>>) semaphore(%arg15 : memref<!tpu.dma_semaphore, #tpu.memory_space<semaphore_mem>>)
      %dma_wait3A = arith.constant 0 : i32
      %dma_wait3A_84 = arith.constant 0 : i32
      %dma_wait3A_85 = tpu.memref_slice %arg2[%dma_wait3A, %dma_wait3A_84] : memref<10000x128xf32, #tpu.memory_space<hbm>> -> memref<10000x128xf32, #tpu.memory_space<hbm>>
      tpu.wait_indirect_dma semaphore(%arg14 : memref<!tpu.dma_semaphore, #tpu.memory_space<semaphore_mem>>) src(%dma_wait3A_85 : memref<10000x128xf32, #tpu.memory_space<hbm>>) dst(%arg12 : memref<128x128xf32, #tpu.memory_space<vmem>>)
      %dma_wait3A_86 = arith.constant 0 : i32
      %dma_wait3A_87 = arith.constant 0 : i32
      %dma_wait3A_88 = tpu.memref_slice %arg3[%dma_wait3A_86, %dma_wait3A_87] : memref<4096x128xf32, #tpu.memory_space<hbm>> -> memref<4096x128xf32, #tpu.memory_space<hbm>>
      tpu.wait_indirect_dma semaphore(%arg15 : memref<!tpu.dma_semaphore, #tpu.memory_space<semaphore_mem>>) src(%dma_wait3A_88 : memref<4096x128xf32, #tpu.memory_space<hbm>>) dst(%arg13 : memref<128x128xf32, #tpu.memory_space<vmem>>)
      %scan3A_89 = arith.constant 0 : i32
      %scan3A_90 = arith.constant 0 : i32
      %scan3A_91 = arith.constant 128 : i32
      %scan3A_92 = arith.addi %scan3A_90, %scan3A_91 : i32
      %scan3A_93 = arith.constant 1 : i32
      scf.for %scan3A_95 = %scan3A_90 to %scan3A_92 step %scan3A_93  : i32 {
        %get3A = arith.index_cast %scan3A_95 : i32 to index
        %get3A_96 = arith.constant 0 : index
        %get3A_97 = tpu.vector_load %arg12[%get3A, %get3A_96] {strides = array<i32>} : memref<128x128xf32, #tpu.memory_space<vmem>>, vector<1x16xf32>,
        %get3A_98 = vector.shape_cast %get3A_97 : vector<1x16xf32> to vector<16xf32>
        %get3A_99 = arith.index_cast %scan3A_95 : i32 to index
        %get3A_100 = arith.constant 0 : index
        %get3A_101 = tpu.vector_load %arg13[%get3A_99, %get3A_100] {strides = array<i32>} : memref<128x128xf32, #tpu.memory_space<vmem>>, vector<1x16xf32>,
        %get3A_102 = vector.shape_cast %get3A_101 : vector<1x16xf32> to vector<16xf32>
        %add3A_103 = arith.addf %get3A_98, %get3A_102 : vector<16xf32>
        %max3A = arith.constant 0.000000e+00 : f32
        %max3A_104 = vector.broadcast %max3A : f32 to vector<16xf32>
        %max3A_105 = arith.maximumf %add3A_103, %max3A_104 : vector<16xf32>
        %swap3A = arith.index_cast %scan3A_95 : i32 to index
        %swap3A_106 = arith.constant 0 : index
        %swap3A_107 = tpu.vector_load %arg12[%swap3A, %swap3A_106] {strides = array<i32>} : memref<128x128xf32, #tpu.memory_space<vmem>>, vector<1x16xf32>,
        %swap3A_108 = vector.shape_cast %swap3A_107 : vector<1x16xf32> to vector<16xf32>
        %swap3A_109 = vector.shape_cast %max3A_105 : vector<16xf32> to vector<1x16xf32>
        tpu.vector_store %arg12[%swap3A, %swap3A_106], %swap3A_109 {strides = array<i32>} : memref<128x128xf32, #tpu.memory_space<vmem>>, vector<1x16xf32>,
        %get3A_110 = arith.index_cast %scan3A_95 : i32 to index
        %get3A_111 = arith.constant 16 : index
        %get3A_112 = tpu.vector_load %arg12[%get3A_110, %get3A_111] {strides = array<i32>} : memref<128x128xf32, #tpu.memory_space<vmem>>, vector<1x16xf32>,
        %get3A_113 = vector.shape_cast %get3A_112 : vector<1x16xf32> to vector<16xf32>
        %get3A_114 = arith.index_cast %scan3A_95 : i32 to index
        %get3A_115 = arith.constant 16 : index
        %get3A_116 = tpu.vector_load %arg13[%get3A_114, %get3A_115] {strides = array<i32>} : memref<128x128xf32, #tpu.memory_space<vmem>>, vector<1x16xf32>,
        %get3A_117 = vector.shape_cast %get3A_116 : vector<1x16xf32> to vector<16xf32>
        %add3A_118 = arith.addf %get3A_113, %get3A_117 : vector<16xf32>
        %max3A_119 = arith.constant 0.000000e+00 : f32
        %max3A_120 = vector.broadcast %max3A_119 : f32 to vector<16xf32>
        %max3A_121 = arith.maximumf %add3A_118, %max3A_120 : vector<16xf32>
        %swap3A_122 = arith.index_cast %scan3A_95 : i32 to index
        %swap3A_123 = arith.constant 16 : index
        %swap3A_124 = tpu.vector_load %arg12[%swap3A_122, %swap3A_123] {strides = array<i32>} : memref<128x128xf32, #tpu.memory_space<vmem>>, vector<1x16xf32>,
        %swap3A_125 = vector.shape_cast %swap3A_124 : vector<1x16xf32> to vector<16xf32>
        %swap3A_126 = vector.shape_cast %max3A_121 : vector<16xf32> to vector<1x16xf32>
        tpu.vector_store %arg12[%swap3A_122, %swap3A_123], %swap3A_126 {strides = array<i32>} : memref<128x128xf32, #tpu.memory_space<vmem>>, vector<1x16xf32>,
        %get3A_127 = arith.index_cast %scan3A_95 : i32 to index
        %get3A_128 = arith.constant 32 : index
        %get3A_129 = tpu.vector_load %arg12[%get3A_127, %get3A_128] {strides = array<i32>} : memref<128x128xf32, #tpu.memory_space<vmem>>, vector<1x16xf32>,
        %get3A_130 = vector.shape_cast %get3A_129 : vector<1x16xf32> to vector<16xf32>
        %get3A_131 = arith.index_cast %scan3A_95 : i32 to index
        %get3A_132 = arith.constant 32 : index
        %get3A_133 = tpu.vector_load %arg13[%get3A_131, %get3A_132] {strides = array<i32>} : memref<128x128xf32, #tpu.memory_space<vmem>>, vector<1x16xf32>,
        %get3A_134 = vector.shape_cast %get3A_133 : vector<1x16xf32> to vector<16xf32>
        %add3A_135 = arith.addf %get3A_130, %get3A_134 : vector<16xf32>
        %max3A_136 = arith.constant 0.000000e+00 : f32
        %max3A_137 = vector.broadcast %max3A_136 : f32 to vector<16xf32>
        %max3A_138 = arith.maximumf %add3A_135, %max3A_137 : vector<16xf32>
        %swap3A_139 = arith.index_cast %scan3A_95 : i32 to index
        %swap3A_140 = arith.constant 32 : index
        %swap3A_141 = tpu.vector_load %arg12[%swap3A_139, %swap3A_140] {strides = array<i32>} : memref<128x128xf32, #tpu.memory_space<vmem>>, vector<1x16xf32>,
        %swap3A_142 = vector.shape_cast %swap3A_141 : vector<1x16xf32> to vector<16xf32>
        %swap3A_143 = vector.shape_cast %max3A_138 : vector<16xf32> to vector<1x16xf32>
        tpu.vector_store %arg12[%swap3A_139, %swap3A_140], %swap3A_143 {strides = array<i32>} : memref<128x128xf32, #tpu.memory_space<vmem>>, vector<1x16xf32>,
        %get3A_144 = arith.index_cast %scan3A_95 : i32 to index
        %get3A_145 = arith.constant 48 : index
        %get3A_146 = tpu.vector_load %arg12[%get3A_144, %get3A_145] {strides = array<i32>} : memref<128x128xf32, #tpu.memory_space<vmem>>, vector<1x16xf32>,
        %get3A_147 = vector.shape_cast %get3A_146 : vector<1x16xf32> to vector<16xf32>
        %get3A_148 = arith.index_cast %scan3A_95 : i32 to index
        %get3A_149 = arith.constant 48 : index
        %get3A_150 = tpu.vector_load %arg13[%get3A_148, %get3A_149] {strides = array<i32>} : memref<128x128xf32, #tpu.memory_space<vmem>>, vector<1x16xf32>,
        %get3A_151 = vector.shape_cast %get3A_150 : vector<1x16xf32> to vector<16xf32>
        %add3A_152 = arith.addf %get3A_147, %get3A_151 : vector<16xf32>
        %max3A_153 = arith.constant 0.000000e+00 : f32
        %max3A_154 = vector.broadcast %max3A_153 : f32 to vector<16xf32>
        %max3A_155 = arith.maximumf %add3A_152, %max3A_154 : vector<16xf32>
        %swap3A_156 = arith.index_cast %scan3A_95 : i32 to index
        %swap3A_157 = arith.constant 48 : index
        %swap3A_158 = tpu.vector_load %arg12[%swap3A_156, %swap3A_157] {strides = array<i32>} : memref<128x128xf32, #tpu.memory_space<vmem>>, vector<1x16xf32>,
        %swap3A_159 = vector.shape_cast %swap3A_158 : vector<1x16xf32> to vector<16xf32>
        %swap3A_160 = vector.shape_cast %max3A_155 : vector<16xf32> to vector<1x16xf32>
        tpu.vector_store %arg12[%swap3A_156, %swap3A_157], %swap3A_160 {strides = array<i32>} : memref<128x128xf32, #tpu.memory_space<vmem>>, vector<1x16xf32>,
        %get3A_161 = arith.index_cast %scan3A_95 : i32 to index
        %get3A_162 = arith.constant 64 : index
        %get3A_163 = tpu.vector_load %arg12[%get3A_161, %get3A_162] {strides = array<i32>} : memref<128x128xf32, #tpu.memory_space<vmem>>, vector<1x16xf32>,
        %get3A_164 = vector.shape_cast %get3A_163 : vector<1x16xf32> to vector<16xf32>
        %get3A_165 = arith.index_cast %scan3A_95 : i32 to index
        %get3A_166 = arith.constant 64 : index
        %get3A_167 = tpu.vector_load %arg13[%get3A_165, %get3A_166] {strides = array<i32>} : memref<128x128xf32, #tpu.memory_space<vmem>>, vector<1x16xf32>,
        %get3A_168 = vector.shape_cast %get3A_167 : vector<1x16xf32> to vector<16xf32>
        %add3A_169 = arith.addf %get3A_164, %get3A_168 : vector<16xf32>
        %max3A_170 = arith.constant 0.000000e+00 : f32
        %max3A_171 = vector.broadcast %max3A_170 : f32 to vector<16xf32>
        %max3A_172 = arith.maximumf %add3A_169, %max3A_171 : vector<16xf32>
        %swap3A_173 = arith.index_cast %scan3A_95 : i32 to index
        %swap3A_174 = arith.constant 64 : index
        %swap3A_175 = tpu.vector_load %arg12[%swap3A_173, %swap3A_174] {strides = array<i32>} : memref<128x128xf32, #tpu.memory_space<vmem>>, vector<1x16xf32>,
        %swap3A_176 = vector.shape_cast %swap3A_175 : vector<1x16xf32> to vector<16xf32>
        %swap3A_177 = vector.shape_cast %max3A_172 : vector<16xf32> to vector<1x16xf32>
        tpu.vector_store %arg12[%swap3A_173, %swap3A_174], %swap3A_177 {strides = array<i32>} : memref<128x128xf32, #tpu.memory_space<vmem>>, vector<1x16xf32>,
        %get3A_178 = arith.index_cast %scan3A_95 : i32 to index
        %get3A_179 = arith.constant 80 : index
        %get3A_180 = tpu.vector_load %arg12[%get3A_178, %get3A_179] {strides = array<i32>} : memref<128x128xf32, #tpu.memory_space<vmem>>, vector<1x16xf32>,
        %get3A_181 = vector.shape_cast %get3A_180 : vector<1x16xf32> to vector<16xf32>
        %get3A_182 = arith.index_cast %scan3A_95 : i32 to index
        %get3A_183 = arith.constant 80 : index
        %get3A_184 = tpu.vector_load %arg13[%get3A_182, %get3A_183] {strides = array<i32>} : memref<128x128xf32, #tpu.memory_space<vmem>>, vector<1x16xf32>,
        %get3A_185 = vector.shape_cast %get3A_184 : vector<1x16xf32> to vector<16xf32>
        %add3A_186 = arith.addf %get3A_181, %get3A_185 : vector<16xf32>
        %max3A_187 = arith.constant 0.000000e+00 : f32
        %max3A_188 = vector.broadcast %max3A_187 : f32 to vector<16xf32>
        %max3A_189 = arith.maximumf %add3A_186, %max3A_188 : vector<16xf32>
        %swap3A_190 = arith.index_cast %scan3A_95 : i32 to index
        %swap3A_191 = arith.constant 80 : index
        %swap3A_192 = tpu.vector_load %arg12[%swap3A_190, %swap3A_191] {strides = array<i32>} : memref<128x128xf32, #tpu.memory_space<vmem>>, vector<1x16xf32>,
        %swap3A_193 = vector.shape_cast %swap3A_192 : vector<1x16xf32> to vector<16xf32>
        %swap3A_194 = vector.shape_cast %max3A_189 : vector<16xf32> to vector<1x16xf32>
        tpu.vector_store %arg12[%swap3A_190, %swap3A_191], %swap3A_194 {strides = array<i32>} : memref<128x128xf32, #tpu.memory_space<vmem>>, vector<1x16xf32>,
        %get3A_195 = arith.index_cast %scan3A_95 : i32 to index
        %get3A_196 = arith.constant 96 : index
        %get3A_197 = tpu.vector_load %arg12[%get3A_195, %get3A_196] {strides = array<i32>} : memref<128x128xf32, #tpu.memory_space<vmem>>, vector<1x16xf32>,
        %get3A_198 = vector.shape_cast %get3A_197 : vector<1x16xf32> to vector<16xf32>
        %get3A_199 = arith.index_cast %scan3A_95 : i32 to index
        %get3A_200 = arith.constant 96 : index
        %get3A_201 = tpu.vector_load %arg13[%get3A_199, %get3A_200] {strides = array<i32>} : memref<128x128xf32, #tpu.memory_space<vmem>>, vector<1x16xf32>,
        %get3A_202 = vector.shape_cast %get3A_201 : vector<1x16xf32> to vector<16xf32>
        %add3A_203 = arith.addf %get3A_198, %get3A_202 : vector<16xf32>
        %max3A_204 = arith.constant 0.000000e+00 : f32
        %max3A_205 = vector.broadcast %max3A_204 : f32 to vector<16xf32>
        %max3A_206 = arith.maximumf %add3A_203, %max3A_205 : vector<16xf32>
        %swap3A_207 = arith.index_cast %scan3A_95 : i32 to index
        %swap3A_208 = arith.constant 96 : index
        %swap3A_209 = tpu.vector_load %arg12[%swap3A_207, %swap3A_208] {strides = array<i32>} : memref<128x128xf32, #tpu.memory_space<vmem>>, vector<1x16xf32>,
        %swap3A_210 = vector.shape_cast %swap3A_209 : vector<1x16xf32> to vector<16xf32>
        %swap3A_211 = vector.shape_cast %max3A_206 : vector<16xf32> to vector<1x16xf32>
        tpu.vector_store %arg12[%swap3A_207, %swap3A_208], %swap3A_211 {strides = array<i32>} : memref<128x128xf32, #tpu.memory_space<vmem>>, vector<1x16xf32>,
        %get3A_212 = arith.index_cast %scan3A_95 : i32 to index
        %get3A_213 = arith.constant 112 : index
        %get3A_214 = tpu.vector_load %arg12[%get3A_212, %get3A_213] {strides = array<i32>} : memref<128x128xf32, #tpu.memory_space<vmem>>, vector<1x16xf32>,
        %get3A_215 = vector.shape_cast %get3A_214 : vector<1x16xf32> to vector<16xf32>
        %get3A_216 = arith.index_cast %scan3A_95 : i32 to index
        %get3A_217 = arith.constant 112 : index
        %get3A_218 = tpu.vector_load %arg13[%get3A_216, %get3A_217] {strides = array<i32>} : memref<128x128xf32, #tpu.memory_space<vmem>>, vector<1x16xf32>,
        %get3A_219 = vector.shape_cast %get3A_218 : vector<1x16xf32> to vector<16xf32>
        %add3A_220 = arith.addf %get3A_215, %get3A_219 : vector<16xf32>
        %max3A_221 = arith.constant 0.000000e+00 : f32
        %max3A_222 = vector.broadcast %max3A_221 : f32 to vector<16xf32>
        %max3A_223 = arith.maximumf %add3A_220, %max3A_222 : vector<16xf32>
        %swap3A_224 = arith.index_cast %scan3A_95 : i32 to index
        %swap3A_225 = arith.constant 112 : index
        %swap3A_226 = tpu.vector_load %arg12[%swap3A_224, %swap3A_225] {strides = array<i32>} : memref<128x128xf32, #tpu.memory_space<vmem>>, vector<1x16xf32>,
        %swap3A_227 = vector.shape_cast %swap3A_226 : vector<1x16xf32> to vector<16xf32>
        %swap3A_228 = vector.shape_cast %max3A_223 : vector<16xf32> to vector<1x16xf32>
        tpu.vector_store %arg12[%swap3A_224, %swap3A_225], %swap3A_228 {strides = array<i32>} : memref<128x128xf32, #tpu.memory_space<vmem>>, vector<1x16xf32>,
      }
      %scan3A_94 = arith.constant 128 : i32
      "tpu.region"() ({
        %run_scoped3A = tpu.sem_alloc : memref<!tpu.dma_semaphore, #tpu.memory_space<semaphore_mem>>
        %dma_start3A_95 = arith.constant 0 : i32
        %dma_start3A_96 = arith.constant 0 : i32
        %dma_start3A_97 = tpu.memref_slice %arg8[%dma_start3A_95, %dma_start3A_96] : memref<10000x128xf32, #tpu.memory_space<vmem_shared>> -> memref<10000x128xf32, #tpu.memory_space<vmem_shared>>
        tpu.enqueue_indirect_dma source(%arg12 : memref<128x128xf32, #tpu.memory_space<vmem>>) target(%dma_start3A_97 : memref<10000x128xf32, #tpu.memory_space<vmem_shared>>) offsets(%arg11 : memref<128xi32, #tpu.memory_space<vmem>>) semaphore(%run_scoped3A : memref<!tpu.dma_semaphore, #tpu.memory_space<semaphore_mem>>) {add = true}
        %dma_wait3A_98 = arith.constant 0 : i32
        %dma_wait3A_99 = arith.constant 0 : i32
        %dma_wait3A_100 = tpu.memref_slice %arg8[%dma_wait3A_98, %dma_wait3A_99] : memref<10000x128xf32, #tpu.memory_space<vmem_shared>> -> memref<10000x128xf32, #tpu.memory_space<vmem_shared>>
        tpu.wait_indirect_dma semaphore(%run_scoped3A : memref<!tpu.dma_semaphore, #tpu.memory_space<semaphore_mem>>) src(%arg12 : memref<128x128xf32, #tpu.memory_space<vmem>>) dst(%dma_wait3A_100 : memref<10000x128xf32, #tpu.memory_space<vmem_shared>>)
        tpu.yield
      }) : () -> ()
    }
    %while3A_38 = arith.constant 1 : i32
    scf.for %while3A_75 = %while3A_36 to %while3A_32 step %while3A_38  : i32 {
      %add3A_76 = arith.addi %add3A_29, %while3A_75 : i32
      %mul3A_77 = arith.constant 128 : i32
      %mul3A_78 = arith.muli %add3A_76, %mul3A_77 : i32
      "tpu.region"() ({
        %run_scoped3A = tpu.sem_alloc : memref<!tpu.dma_semaphore, #tpu.memory_space<semaphore_mem>>
        %dma_start3A_95 = tpu.memref_slice %arg4[%mul3A_78] : memref<320000xi32, #tpu.memory_space<hbm>> -> memref<128xi32, #tpu.memory_space<hbm>>
        %dma_start3A_96 = tpu.memref_slice %arg4[%mul3A_78] : memref<320000xi32, #tpu.memory_space<hbm>> -> memref<128xi32, #tpu.memory_space<hbm>>
        tpu.enqueue_dma source(%dma_start3A_96 : memref<128xi32, #tpu.memory_space<hbm>>) target(%arg9 : memref<128xi32, #tpu.memory_space<vmem>>) target_semaphore(%run_scoped3A : memref<!tpu.dma_semaphore, #tpu.memory_space<semaphore_mem>>)
        %dma_wait3A_97 = tpu.memref_slice %arg4[%mul3A_78] : memref<320000xi32, #tpu.memory_space<hbm>> -> memref<128xi32, #tpu.memory_space<hbm>>
        %dma_wait3A_98 = tpu.memref_slice %arg4[%mul3A_78] : memref<320000xi32, #tpu.memory_space<hbm>> -> memref<128xi32, #tpu.memory_space<hbm>>
        tpu.wait_dma2 semaphore(%run_scoped3A : memref<!tpu.dma_semaphore, #tpu.memory_space<semaphore_mem>>) src(%dma_wait3A_98 : memref<128xi32, #tpu.memory_space<hbm>>) dst(%arg9 : memref<128xi32, #tpu.memory_space<vmem>>)
        tpu.yield
      }) : () -> ()
      "tpu.region"() ({
        %run_scoped3A = tpu.sem_alloc : memref<!tpu.dma_semaphore, #tpu.memory_space<semaphore_mem>>
        %dma_start3A_95 = tpu.memref_slice %arg6[%mul3A_78] : memref<320000xi32, #tpu.memory_space<hbm>> -> memref<128xi32, #tpu.memory_space<hbm>>
        %dma_start3A_96 = tpu.memref_slice %arg6[%mul3A_78] : memref<320000xi32, #tpu.memory_space<hbm>> -> memref<128xi32, #tpu.memory_space<hbm>>
        tpu.enqueue_dma source(%dma_start3A_96 : memref<128xi32, #tpu.memory_space<hbm>>) target(%arg10 : memref<128xi32, #tpu.memory_space<vmem>>) target_semaphore(%run_scoped3A : memref<!tpu.dma_semaphore, #tpu.memory_space<semaphore_mem>>)
        %dma_wait3A_97 = tpu.memref_slice %arg6[%mul3A_78] : memref<320000xi32, #tpu.memory_space<hbm>> -> memref<128xi32, #tpu.memory_space<hbm>>
        %dma_wait3A_98 = tpu.memref_slice %arg6[%mul3A_78] : memref<320000xi32, #tpu.memory_space<hbm>> -> memref<128xi32, #tpu.memory_space<hbm>>
        tpu.wait_dma2 semaphore(%run_scoped3A : memref<!tpu.dma_semaphore, #tpu.memory_space<semaphore_mem>>) src(%dma_wait3A_98 : memref<128xi32, #tpu.memory_space<hbm>>) dst(%arg10 : memref<128xi32, #tpu.memory_space<vmem>>)
        tpu.yield
      }) : () -> ()
      "tpu.region"() ({
        %run_scoped3A = tpu.sem_alloc : memref<!tpu.dma_semaphore, #tpu.memory_space<semaphore_mem>>
        %dma_start3A_95 = tpu.memref_slice %arg5[%mul3A_78] : memref<320000xi32, #tpu.memory_space<hbm>> -> memref<128xi32, #tpu.memory_space<hbm>>
        %dma_start3A_96 = tpu.memref_slice %arg5[%mul3A_78] : memref<320000xi32, #tpu.memory_space<hbm>> -> memref<128xi32, #tpu.memory_space<hbm>>
        tpu.enqueue_dma source(%dma_start3A_96 : memref<128xi32, #tpu.memory_space<hbm>>) target(%arg11 : memref<128xi32, #tpu.memory_space<vmem>>) target_semaphore(%run_scoped3A : memref<!tpu.dma_semaphore, #tpu.memory_space<semaphore_mem>>)
        %dma_wait3A_97 = tpu.memref_slice %arg5[%mul3A_78] : memref<320000xi32, #tpu.memory_space<hbm>> -> memref<128xi32, #tpu.memory_space<hbm>>
        %dma_wait3A_98 = tpu.memref_slice %arg5[%mul3A_78] : memref<320000xi32, #tpu.memory_space<hbm>> -> memref<128xi32, #tpu.memory_space<hbm>>
        tpu.wait_dma2 semaphore(%run_scoped3A : memref<!tpu.dma_semaphore, #tpu.memory_space<semaphore_mem>>) src(%dma_wait3A_98 : memref<128xi32, #tpu.memory_space<hbm>>) dst(%arg11 : memref<128xi32, #tpu.memory_space<vmem>>)
        tpu.yield
      }) : () -> ()
      %dma_start3A = arith.constant 0 : i32
      %dma_start3A_79 = arith.constant 0 : i32
      %dma_start3A_80 = tpu.memref_slice %arg2[%dma_start3A, %dma_start3A_79] : memref<10000x128xf32, #tpu.memory_space<hbm>> -> memref<10000x128xf32, #tpu.memory_space<hbm>>
      tpu.enqueue_indirect_dma source(%dma_start3A_80 : memref<10000x128xf32, #tpu.memory_space<hbm>>) target(%arg12 : memref<128x128xf32, #tpu.memory_space<vmem>>) offsets(%arg9 : memref<128xi32, #tpu.memory_space<vmem>>) semaphore(%arg14 : memref<!tpu.dma_semaphore, #tpu.memory_space<semaphore_mem>>)
      %dma_start3A_81 = arith.constant 0 : i32
      %dma_start3A_82 = arith.constant 0 : i32
      %dma_start3A_83 = tpu.memref_slice %arg3[%dma_start3A_81, %dma_start3A_82] : memref<4096x128xf32, #tpu.memory_space<hbm>> -> memref<4096x128xf32, #tpu.memory_space<hbm>>
      tpu.enqueue_indirect_dma source(%dma_start3A_83 : memref<4096x128xf32, #tpu.memory_space<hbm>>) target(%arg13 : memref<128x128xf32, #tpu.memory_space<vmem>>) offsets(%arg10 : memref<128xi32, #tpu.memory_space<vmem>>) semaphore(%arg15 : memref<!tpu.dma_semaphore, #tpu.memory_space<semaphore_mem>>)
      %dma_wait3A = arith.constant 0 : i32
      %dma_wait3A_84 = arith.constant 0 : i32
      %dma_wait3A_85 = tpu.memref_slice %arg2[%dma_wait3A, %dma_wait3A_84] : memref<10000x128xf32, #tpu.memory_space<hbm>> -> memref<10000x128xf32, #tpu.memory_space<hbm>>
      tpu.wait_indirect_dma semaphore(%arg14 : memref<!tpu.dma_semaphore, #tpu.memory_space<semaphore_mem>>) src(%dma_wait3A_85 : memref<10000x128xf32, #tpu.memory_space<hbm>>) dst(%arg12 : memref<128x128xf32, #tpu.memory_space<vmem>>)
      %dma_wait3A_86 = arith.constant 0 : i32
      %dma_wait3A_87 = arith.constant 0 : i32
      %dma_wait3A_88 = tpu.memref_slice %arg3[%dma_wait3A_86, %dma_wait3A_87] : memref<4096x128xf32, #tpu.memory_space<hbm>> -> memref<4096x128xf32, #tpu.memory_space<hbm>>
      tpu.wait_indirect_dma semaphore(%arg15 : memref<!tpu.dma_semaphore, #tpu.memory_space<semaphore_mem>>) src(%dma_wait3A_88 : memref<4096x128xf32, #tpu.memory_space<hbm>>) dst(%arg13 : memref<128x128xf32, #tpu.memory_space<vmem>>)
      %scan3A_89 = arith.constant 0 : i32
      %scan3A_90 = arith.constant 0 : i32
      %scan3A_91 = arith.constant 128 : i32
      %scan3A_92 = arith.addi %scan3A_90, %scan3A_91 : i32
      %scan3A_93 = arith.constant 1 : i32
      scf.for %scan3A_95 = %scan3A_90 to %scan3A_92 step %scan3A_93  : i32 {
        %get3A = arith.index_cast %scan3A_95 : i32 to index
        %get3A_96 = arith.constant 0 : index
        %get3A_97 = tpu.vector_load %arg12[%get3A, %get3A_96] {strides = array<i32>} : memref<128x128xf32, #tpu.memory_space<vmem>>, vector<1x16xf32>,
        %get3A_98 = vector.shape_cast %get3A_97 : vector<1x16xf32> to vector<16xf32>
        %get3A_99 = arith.index_cast %scan3A_95 : i32 to index
        %get3A_100 = arith.constant 0 : index
        %get3A_101 = tpu.vector_load %arg13[%get3A_99, %get3A_100] {strides = array<i32>} : memref<128x128xf32, #tpu.memory_space<vmem>>, vector<1x16xf32>,
        %get3A_102 = vector.shape_cast %get3A_101 : vector<1x16xf32> to vector<16xf32>
        %add3A_103 = arith.addf %get3A_98, %get3A_102 : vector<16xf32>
        %max3A = arith.constant 0.000000e+00 : f32
        %max3A_104 = vector.broadcast %max3A : f32 to vector<16xf32>
        %max3A_105 = arith.maximumf %add3A_103, %max3A_104 : vector<16xf32>
        %swap3A = arith.index_cast %scan3A_95 : i32 to index
        %swap3A_106 = arith.constant 0 : index
        %swap3A_107 = tpu.vector_load %arg12[%swap3A, %swap3A_106] {strides = array<i32>} : memref<128x128xf32, #tpu.memory_space<vmem>>, vector<1x16xf32>,
        %swap3A_108 = vector.shape_cast %swap3A_107 : vector<1x16xf32> to vector<16xf32>
        %swap3A_109 = vector.shape_cast %max3A_105 : vector<16xf32> to vector<1x16xf32>
        tpu.vector_store %arg12[%swap3A, %swap3A_106], %swap3A_109 {strides = array<i32>} : memref<128x128xf32, #tpu.memory_space<vmem>>, vector<1x16xf32>,
        %get3A_110 = arith.index_cast %scan3A_95 : i32 to index
        %get3A_111 = arith.constant 16 : index
        %get3A_112 = tpu.vector_load %arg12[%get3A_110, %get3A_111] {strides = array<i32>} : memref<128x128xf32, #tpu.memory_space<vmem>>, vector<1x16xf32>,
        %get3A_113 = vector.shape_cast %get3A_112 : vector<1x16xf32> to vector<16xf32>
        %get3A_114 = arith.index_cast %scan3A_95 : i32 to index
        %get3A_115 = arith.constant 16 : index
        %get3A_116 = tpu.vector_load %arg13[%get3A_114, %get3A_115] {strides = array<i32>} : memref<128x128xf32, #tpu.memory_space<vmem>>, vector<1x16xf32>,
        %get3A_117 = vector.shape_cast %get3A_116 : vector<1x16xf32> to vector<16xf32>
        %add3A_118 = arith.addf %get3A_113, %get3A_117 : vector<16xf32>
        %max3A_119 = arith.constant 0.000000e+00 : f32
        %max3A_120 = vector.broadcast %max3A_119 : f32 to vector<16xf32>
        %max3A_121 = arith.maximumf %add3A_118, %max3A_120 : vector<16xf32>
        %swap3A_122 = arith.index_cast %scan3A_95 : i32 to index
        %swap3A_123 = arith.constant 16 : index
        %swap3A_124 = tpu.vector_load %arg12[%swap3A_122, %swap3A_123] {strides = array<i32>} : memref<128x128xf32, #tpu.memory_space<vmem>>, vector<1x16xf32>,
        %swap3A_125 = vector.shape_cast %swap3A_124 : vector<1x16xf32> to vector<16xf32>
        %swap3A_126 = vector.shape_cast %max3A_121 : vector<16xf32> to vector<1x16xf32>
        tpu.vector_store %arg12[%swap3A_122, %swap3A_123], %swap3A_126 {strides = array<i32>} : memref<128x128xf32, #tpu.memory_space<vmem>>, vector<1x16xf32>,
        %get3A_127 = arith.index_cast %scan3A_95 : i32 to index
        %get3A_128 = arith.constant 32 : index
        %get3A_129 = tpu.vector_load %arg12[%get3A_127, %get3A_128] {strides = array<i32>} : memref<128x128xf32, #tpu.memory_space<vmem>>, vector<1x16xf32>,
        %get3A_130 = vector.shape_cast %get3A_129 : vector<1x16xf32> to vector<16xf32>
        %get3A_131 = arith.index_cast %scan3A_95 : i32 to index
        %get3A_132 = arith.constant 32 : index
        %get3A_133 = tpu.vector_load %arg13[%get3A_131, %get3A_132] {strides = array<i32>} : memref<128x128xf32, #tpu.memory_space<vmem>>, vector<1x16xf32>,
        %get3A_134 = vector.shape_cast %get3A_133 : vector<1x16xf32> to vector<16xf32>
        %add3A_135 = arith.addf %get3A_130, %get3A_134 : vector<16xf32>
        %max3A_136 = arith.constant 0.000000e+00 : f32
        %max3A_137 = vector.broadcast %max3A_136 : f32 to vector<16xf32>
        %max3A_138 = arith.maximumf %add3A_135, %max3A_137 : vector<16xf32>
        %swap3A_139 = arith.index_cast %scan3A_95 : i32 to index
        %swap3A_140 = arith.constant 32 : index
        %swap3A_141 = tpu.vector_load %arg12[%swap3A_139, %swap3A_140] {strides = array<i32>} : memref<128x128xf32, #tpu.memory_space<vmem>>, vector<1x16xf32>,
        %swap3A_142 = vector.shape_cast %swap3A_141 : vector<1x16xf32> to vector<16xf32>
        %swap3A_143 = vector.shape_cast %max3A_138 : vector<16xf32> to vector<1x16xf32>
        tpu.vector_store %arg12[%swap3A_139, %swap3A_140], %swap3A_143 {strides = array<i32>} : memref<128x128xf32, #tpu.memory_space<vmem>>, vector<1x16xf32>,
        %get3A_144 = arith.index_cast %scan3A_95 : i32 to index
        %get3A_145 = arith.constant 48 : index
        %get3A_146 = tpu.vector_load %arg12[%get3A_144, %get3A_145] {strides = array<i32>} : memref<128x128xf32, #tpu.memory_space<vmem>>, vector<1x16xf32>,
        %get3A_147 = vector.shape_cast %get3A_146 : vector<1x16xf32> to vector<16xf32>
        %get3A_148 = arith.index_cast %scan3A_95 : i32 to index
        %get3A_149 = arith.constant 48 : index
        %get3A_150 = tpu.vector_load %arg13[%get3A_148, %get3A_149] {strides = array<i32>} : memref<128x128xf32, #tpu.memory_space<vmem>>, vector<1x16xf32>,
        %get3A_151 = vector.shape_cast %get3A_150 : vector<1x16xf32> to vector<16xf32>
        %add3A_152 = arith.addf %get3A_147, %get3A_151 : vector<16xf32>
        %max3A_153 = arith.constant 0.000000e+00 : f32
        %max3A_154 = vector.broadcast %max3A_153 : f32 to vector<16xf32>
        %max3A_155 = arith.maximumf %add3A_152, %max3A_154 : vector<16xf32>
        %swap3A_156 = arith.index_cast %scan3A_95 : i32 to index
        %swap3A_157 = arith.constant 48 : index
        %swap3A_158 = tpu.vector_load %arg12[%swap3A_156, %swap3A_157] {strides = array<i32>} : memref<128x128xf32, #tpu.memory_space<vmem>>, vector<1x16xf32>,
        %swap3A_159 = vector.shape_cast %swap3A_158 : vector<1x16xf32> to vector<16xf32>
        %swap3A_160 = vector.shape_cast %max3A_155 : vector<16xf32> to vector<1x16xf32>
        tpu.vector_store %arg12[%swap3A_156, %swap3A_157], %swap3A_160 {strides = array<i32>} : memref<128x128xf32, #tpu.memory_space<vmem>>, vector<1x16xf32>,
        %get3A_161 = arith.index_cast %scan3A_95 : i32 to index
        %get3A_162 = arith.constant 64 : index
        %get3A_163 = tpu.vector_load %arg12[%get3A_161, %get3A_162] {strides = array<i32>} : memref<128x128xf32, #tpu.memory_space<vmem>>, vector<1x16xf32>,
        %get3A_164 = vector.shape_cast %get3A_163 : vector<1x16xf32> to vector<16xf32>
        %get3A_165 = arith.index_cast %scan3A_95 : i32 to index
        %get3A_166 = arith.constant 64 : index
        %get3A_167 = tpu.vector_load %arg13[%get3A_165, %get3A_166] {strides = array<i32>} : memref<128x128xf32, #tpu.memory_space<vmem>>, vector<1x16xf32>,
        %get3A_168 = vector.shape_cast %get3A_167 : vector<1x16xf32> to vector<16xf32>
        %add3A_169 = arith.addf %get3A_164, %get3A_168 : vector<16xf32>
        %max3A_170 = arith.constant 0.000000e+00 : f32
        %max3A_171 = vector.broadcast %max3A_170 : f32 to vector<16xf32>
        %max3A_172 = arith.maximumf %add3A_169, %max3A_171 : vector<16xf32>
        %swap3A_173 = arith.index_cast %scan3A_95 : i32 to index
        %swap3A_174 = arith.constant 64 : index
        %swap3A_175 = tpu.vector_load %arg12[%swap3A_173, %swap3A_174] {strides = array<i32>} : memref<128x128xf32, #tpu.memory_space<vmem>>, vector<1x16xf32>,
        %swap3A_176 = vector.shape_cast %swap3A_175 : vector<1x16xf32> to vector<16xf32>
        %swap3A_177 = vector.shape_cast %max3A_172 : vector<16xf32> to vector<1x16xf32>
        tpu.vector_store %arg12[%swap3A_173, %swap3A_174], %swap3A_177 {strides = array<i32>} : memref<128x128xf32, #tpu.memory_space<vmem>>, vector<1x16xf32>,
        %get3A_178 = arith.index_cast %scan3A_95 : i32 to index
        %get3A_179 = arith.constant 80 : index
        %get3A_180 = tpu.vector_load %arg12[%get3A_178, %get3A_179] {strides = array<i32>} : memref<128x128xf32, #tpu.memory_space<vmem>>, vector<1x16xf32>,
        %get3A_181 = vector.shape_cast %get3A_180 : vector<1x16xf32> to vector<16xf32>
        %get3A_182 = arith.index_cast %scan3A_95 : i32 to index
        %get3A_183 = arith.constant 80 : index
        %get3A_184 = tpu.vector_load %arg13[%get3A_182, %get3A_183] {strides = array<i32>} : memref<128x128xf32, #tpu.memory_space<vmem>>, vector<1x16xf32>,
        %get3A_185 = vector.shape_cast %get3A_184 : vector<1x16xf32> to vector<16xf32>
        %add3A_186 = arith.addf %get3A_181, %get3A_185 : vector<16xf32>
        %max3A_187 = arith.constant 0.000000e+00 : f32
        %max3A_188 = vector.broadcast %max3A_187 : f32 to vector<16xf32>
        %max3A_189 = arith.maximumf %add3A_186, %max3A_188 : vector<16xf32>
        %swap3A_190 = arith.index_cast %scan3A_95 : i32 to index
        %swap3A_191 = arith.constant 80 : index
        %swap3A_192 = tpu.vector_load %arg12[%swap3A_190, %swap3A_191] {strides = array<i32>} : memref<128x128xf32, #tpu.memory_space<vmem>>, vector<1x16xf32>,
        %swap3A_193 = vector.shape_cast %swap3A_192 : vector<1x16xf32> to vector<16xf32>
        %swap3A_194 = vector.shape_cast %max3A_189 : vector<16xf32> to vector<1x16xf32>
        tpu.vector_store %arg12[%swap3A_190, %swap3A_191], %swap3A_194 {strides = array<i32>} : memref<128x128xf32, #tpu.memory_space<vmem>>, vector<1x16xf32>,
        %get3A_195 = arith.index_cast %scan3A_95 : i32 to index
        %get3A_196 = arith.constant 96 : index
        %get3A_197 = tpu.vector_load %arg12[%get3A_195, %get3A_196] {strides = array<i32>} : memref<128x128xf32, #tpu.memory_space<vmem>>, vector<1x16xf32>,
        %get3A_198 = vector.shape_cast %get3A_197 : vector<1x16xf32> to vector<16xf32>
        %get3A_199 = arith.index_cast %scan3A_95 : i32 to index
        %get3A_200 = arith.constant 96 : index
        %get3A_201 = tpu.vector_load %arg13[%get3A_199, %get3A_200] {strides = array<i32>} : memref<128x128xf32, #tpu.memory_space<vmem>>, vector<1x16xf32>,
        %get3A_202 = vector.shape_cast %get3A_201 : vector<1x16xf32> to vector<16xf32>
        %add3A_203 = arith.addf %get3A_198, %get3A_202 : vector<16xf32>
        %max3A_204 = arith.constant 0.000000e+00 : f32
        %max3A_205 = vector.broadcast %max3A_204 : f32 to vector<16xf32>
        %max3A_206 = arith.maximumf %add3A_203, %max3A_205 : vector<16xf32>
        %swap3A_207 = arith.index_cast %scan3A_95 : i32 to index
        %swap3A_208 = arith.constant 96 : index
        %swap3A_209 = tpu.vector_load %arg12[%swap3A_207, %swap3A_208] {strides = array<i32>} : memref<128x128xf32, #tpu.memory_space<vmem>>, vector<1x16xf32>,
        %swap3A_210 = vector.shape_cast %swap3A_209 : vector<1x16xf32> to vector<16xf32>
        %swap3A_211 = vector.shape_cast %max3A_206 : vector<16xf32> to vector<1x16xf32>
        tpu.vector_store %arg12[%swap3A_207, %swap3A_208], %swap3A_211 {strides = array<i32>} : memref<128x128xf32, #tpu.memory_space<vmem>>, vector<1x16xf32>,
        %get3A_212 = arith.index_cast %scan3A_95 : i32 to index
        %get3A_213 = arith.constant 112 : index
        %get3A_214 = tpu.vector_load %arg12[%get3A_212, %get3A_213] {strides = array<i32>} : memref<128x128xf32, #tpu.memory_space<vmem>>, vector<1x16xf32>,
        %get3A_215 = vector.shape_cast %get3A_214 : vector<1x16xf32> to vector<16xf32>
        %get3A_216 = arith.index_cast %scan3A_95 : i32 to index
        %get3A_217 = arith.constant 112 : index
        %get3A_218 = tpu.vector_load %arg13[%get3A_216, %get3A_217] {strides = array<i32>} : memref<128x128xf32, #tpu.memory_space<vmem>>, vector<1x16xf32>,
        %get3A_219 = vector.shape_cast %get3A_218 : vector<1x16xf32> to vector<16xf32>
        %add3A_220 = arith.addf %get3A_215, %get3A_219 : vector<16xf32>
        %max3A_221 = arith.constant 0.000000e+00 : f32
        %max3A_222 = vector.broadcast %max3A_221 : f32 to vector<16xf32>
        %max3A_223 = arith.maximumf %add3A_220, %max3A_222 : vector<16xf32>
        %swap3A_224 = arith.index_cast %scan3A_95 : i32 to index
        %swap3A_225 = arith.constant 112 : index
        %swap3A_226 = tpu.vector_load %arg12[%swap3A_224, %swap3A_225] {strides = array<i32>} : memref<128x128xf32, #tpu.memory_space<vmem>>, vector<1x16xf32>,
        %swap3A_227 = vector.shape_cast %swap3A_226 : vector<1x16xf32> to vector<16xf32>
        %swap3A_228 = vector.shape_cast %max3A_223 : vector<16xf32> to vector<1x16xf32>
        tpu.vector_store %arg12[%swap3A_224, %swap3A_225], %swap3A_228 {strides = array<i32>} : memref<128x128xf32, #tpu.memory_space<vmem>>, vector<1x16xf32>,
      }
      %scan3A_94 = arith.constant 128 : i32
      "tpu.region"() ({
        %run_scoped3A = tpu.sem_alloc : memref<!tpu.dma_semaphore, #tpu.memory_space<semaphore_mem>>
        %dma_start3A_95 = arith.constant 0 : i32
        %dma_start3A_96 = arith.constant 0 : i32
        %dma_start3A_97 = tpu.memref_slice %arg8[%dma_start3A_95, %dma_start3A_96] : memref<10000x128xf32, #tpu.memory_space<vmem_shared>> -> memref<10000x128xf32, #tpu.memory_space<vmem_shared>>
        tpu.enqueue_indirect_dma source(%arg12 : memref<128x128xf32, #tpu.memory_space<vmem>>) target(%dma_start3A_97 : memref<10000x128xf32, #tpu.memory_space<vmem_shared>>) offsets(%arg11 : memref<128xi32, #tpu.memory_space<vmem>>) semaphore(%run_scoped3A : memref<!tpu.dma_semaphore, #tpu.memory_space<semaphore_mem>>) {add = true}
        %dma_wait3A_98 = arith.constant 0 : i32
        %dma_wait3A_99 = arith.constant 0 : i32
        %dma_wait3A_100 = tpu.memref_slice %arg8[%dma_wait3A_98, %dma_wait3A_99] : memref<10000x128xf32, #tpu.memory_space<vmem_shared>> -> memref<10000x128xf32, #tpu.memory_space<vmem_shared>>
        tpu.wait_indirect_dma semaphore(%run_scoped3A : memref<!tpu.dma_semaphore, #tpu.memory_space<semaphore_mem>>) src(%arg12 : memref<128x128xf32, #tpu.memory_space<vmem>>) dst(%dma_wait3A_100 : memref<10000x128xf32, #tpu.memory_space<vmem_shared>>)
        tpu.yield
      }) : () -> ()
    }
    %barrier3A_39 = arith.constant 0 : index
    tpu.barrier barrier_id(%barrier3A_39)
    %add3A_40 = arith.constant 0 : i32
    %add3A_41 = arith.addi %mul3A_7, %add3A_40 : i32
    %mul3A_42 = arith.constant 10000 : i32
    %mul3A_43 = arith.muli %arg0, %mul3A_42 : i32
    %add3A_44 = arith.addi %mul3A_43, %add3A_41 : i32
    "tpu.region"() ({
      %run_scoped3A = tpu.sem_alloc : memref<!tpu.dma_semaphore, #tpu.memory_space<semaphore_mem>>
      %dma_start3A = arith.constant 0 : i32
      %dma_start3A_75 = tpu.memref_slice %arg7[%add3A_44, %dma_start3A] : memref<20000x128xf32, #tpu.memory_space<hbm>> -> memref<104x128xf32, #tpu.memory_space<hbm>>
      %dma_start3A_76 = arith.constant 0 : i32
      %dma_start3A_77 = tpu.memref_slice %arg8[%add3A_41, %dma_start3A_76] : memref<10000x128xf32, #tpu.memory_space<vmem_shared>> -> memref<104x128xf32, #tpu.memory_space<vmem_shared>>
      tpu.enqueue_dma source(%dma_start3A_77 : memref<104x128xf32, #tpu.memory_space<vmem_shared>>) target(%dma_start3A_75 : memref<104x128xf32, #tpu.memory_space<hbm>>) target_semaphore(%run_scoped3A : memref<!tpu.dma_semaphore, #tpu.memory_space<semaphore_mem>>)
      %dma_wait3A = arith.constant 0 : i32
      %dma_wait3A_78 = tpu.memref_slice %arg7[%add3A_44, %dma_wait3A] : memref<20000x128xf32, #tpu.memory_space<hbm>> -> memref<104x128xf32, #tpu.memory_space<hbm>>
      %dma_wait3A_79 = arith.constant 0 : i32
      %dma_wait3A_80 = tpu.memref_slice %arg8[%add3A_41, %dma_wait3A_79] : memref<10000x128xf32, #tpu.memory_space<vmem_shared>> -> memref<104x128xf32, #tpu.memory_space<vmem_shared>>
      tpu.wait_dma2 semaphore(%run_scoped3A : memref<!tpu.dma_semaphore, #tpu.memory_space<semaphore_mem>>) src(%dma_wait3A_80 : memref<104x128xf32, #tpu.memory_space<vmem_shared>>) dst(%dma_wait3A_78 : memref<104x128xf32, #tpu.memory_space<hbm>>)
      tpu.yield
    }) : () -> ()
    %add3A_45 = arith.constant 104 : i32
    %add3A_46 = arith.addi %mul3A_7, %add3A_45 : i32
    %mul3A_47 = arith.constant 10000 : i32
    %mul3A_48 = arith.muli %arg0, %mul3A_47 : i32
    %add3A_49 = arith.addi %mul3A_48, %add3A_46 : i32
    "tpu.region"() ({
      %run_scoped3A = tpu.sem_alloc : memref<!tpu.dma_semaphore, #tpu.memory_space<semaphore_mem>>
      %dma_start3A = arith.constant 0 : i32
      %dma_start3A_75 = tpu.memref_slice %arg7[%add3A_49, %dma_start3A] : memref<20000x128xf32, #tpu.memory_space<hbm>> -> memref<104x128xf32, #tpu.memory_space<hbm>>
      %dma_start3A_76 = arith.constant 0 : i32
      %dma_start3A_77 = tpu.memref_slice %arg8[%add3A_46, %dma_start3A_76] : memref<10000x128xf32, #tpu.memory_space<vmem_shared>> -> memref<104x128xf32, #tpu.memory_space<vmem_shared>>
      tpu.enqueue_dma source(%dma_start3A_77 : memref<104x128xf32, #tpu.memory_space<vmem_shared>>) target(%dma_start3A_75 : memref<104x128xf32, #tpu.memory_space<hbm>>) target_semaphore(%run_scoped3A : memref<!tpu.dma_semaphore, #tpu.memory_space<semaphore_mem>>)
      %dma_wait3A = arith.constant 0 : i32
      %dma_wait3A_78 = tpu.memref_slice %arg7[%add3A_49, %dma_wait3A] : memref<20000x128xf32, #tpu.memory_space<hbm>> -> memref<104x128xf32, #tpu.memory_space<hbm>>
      %dma_wait3A_79 = arith.constant 0 : i32
      %dma_wait3A_80 = tpu.memref_slice %arg8[%add3A_46, %dma_wait3A_79] : memref<10000x128xf32, #tpu.memory_space<vmem_shared>> -> memref<104x128xf32, #tpu.memory_space<vmem_shared>>
      tpu.wait_dma2 semaphore(%run_scoped3A : memref<!tpu.dma_semaphore, #tpu.memory_space<semaphore_mem>>) src(%dma_wait3A_80 : memref<104x128xf32, #tpu.memory_space<vmem_shared>>) dst(%dma_wait3A_78 : memref<104x128xf32, #tpu.memory_space<hbm>>)
      tpu.yield
    }) : () -> ()
    %add3A_50 = arith.constant 208 : i32
    %add3A_51 = arith.addi %mul3A_7, %add3A_50 : i32
    %mul3A_52 = arith.constant 10000 : i32
    %mul3A_53 = arith.muli %arg0, %mul3A_52 : i32
    %add3A_54 = arith.addi %mul3A_53, %add3A_51 : i32
    "tpu.region"() ({
      %run_scoped3A = tpu.sem_alloc : memref<!tpu.dma_semaphore, #tpu.memory_space<semaphore_mem>>
      %dma_start3A = arith.constant 0 : i32
      %dma_start3A_75 = tpu.memref_slice %arg7[%add3A_54, %dma_start3A] : memref<20000x128xf32, #tpu.memory_space<hbm>> -> memref<104x128xf32, #tpu.memory_space<hbm>>
      %dma_start3A_76 = arith.constant 0 : i32
      %dma_start3A_77 = tpu.memref_slice %arg8[%add3A_51, %dma_start3A_76] : memref<10000x128xf32, #tpu.memory_space<vmem_shared>> -> memref<104x128xf32, #tpu.memory_space<vmem_shared>>
      tpu.enqueue_dma source(%dma_start3A_77 : memref<104x128xf32, #tpu.memory_space<vmem_shared>>) target(%dma_start3A_75 : memref<104x128xf32, #tpu.memory_space<hbm>>) target_semaphore(%run_scoped3A : memref<!tpu.dma_semaphore, #tpu.memory_space<semaphore_mem>>)
      %dma_wait3A = arith.constant 0 : i32
      %dma_wait3A_78 = tpu.memref_slice %arg7[%add3A_54, %dma_wait3A] : memref<20000x128xf32, #tpu.memory_space<hbm>> -> memref<104x128xf32, #tpu.memory_space<hbm>>
      %dma_wait3A_79 = arith.constant 0 : i32
      %dma_wait3A_80 = tpu.memref_slice %arg8[%add3A_51, %dma_wait3A_79] : memref<10000x128xf32, #tpu.memory_space<vmem_shared>> -> memref<104x128xf32, #tpu.memory_space<vmem_shared>>
      tpu.wait_dma2 semaphore(%run_scoped3A : memref<!tpu.dma_semaphore, #tpu.memory_space<semaphore_mem>>) src(%dma_wait3A_80 : memref<104x128xf32, #tpu.memory_space<vmem_shared>>) dst(%dma_wait3A_78 : memref<104x128xf32, #tpu.memory_space<hbm>>)
      tpu.yield
    }) : () -> ()
    %add3A_55 = arith.constant 312 : i32
    %add3A_56 = arith.addi %mul3A_7, %add3A_55 : i32
    %mul3A_57 = arith.constant 10000 : i32
    %mul3A_58 = arith.muli %arg0, %mul3A_57 : i32
    %add3A_59 = arith.addi %mul3A_58, %add3A_56 : i32
    "tpu.region"() ({
      %run_scoped3A = tpu.sem_alloc : memref<!tpu.dma_semaphore, #tpu.memory_space<semaphore_mem>>
      %dma_start3A = arith.constant 0 : i32
      %dma_start3A_75 = tpu.memref_slice %arg7[%add3A_59, %dma_start3A] : memref<20000x128xf32, #tpu.memory_space<hbm>> -> memref<104x128xf32, #tpu.memory_space<hbm>>
      %dma_start3A_76 = arith.constant 0 : i32
      %dma_start3A_77 = tpu.memref_slice %arg8[%add3A_56, %dma_start3A_76] : memref<10000x128xf32, #tpu.memory_space<vmem_shared>> -> memref<104x128xf32, #tpu.memory_space<vmem_shared>>
      tpu.enqueue_dma source(%dma_start3A_77 : memref<104x128xf32, #tpu.memory_space<vmem_shared>>) target(%dma_start3A_75 : memref<104x128xf32, #tpu.memory_space<hbm>>) target_semaphore(%run_scoped3A : memref<!tpu.dma_semaphore, #tpu.memory_space<semaphore_mem>>)
      %dma_wait3A = arith.constant 0 : i32
      %dma_wait3A_78 = tpu.memref_slice %arg7[%add3A_59, %dma_wait3A] : memref<20000x128xf32, #tpu.memory_space<hbm>> -> memref<104x128xf32, #tpu.memory_space<hbm>>
      %dma_wait3A_79 = arith.constant 0 : i32
      %dma_wait3A_80 = tpu.memref_slice %arg8[%add3A_56, %dma_wait3A_79] : memref<10000x128xf32, #tpu.memory_space<vmem_shared>> -> memref<104x128xf32, #tpu.memory_space<vmem_shared>>
      tpu.wait_dma2 semaphore(%run_scoped3A : memref<!tpu.dma_semaphore, #tpu.memory_space<semaphore_mem>>) src(%dma_wait3A_80 : memref<104x128xf32, #tpu.memory_space<vmem_shared>>) dst(%dma_wait3A_78 : memref<104x128xf32, #tpu.memory_space<hbm>>)
      tpu.yield
    }) : () -> ()
    %add3A_60 = arith.constant 416 : i32
    %add3A_61 = arith.addi %mul3A_7, %add3A_60 : i32
    %mul3A_62 = arith.constant 10000 : i32
    %mul3A_63 = arith.muli %arg0, %mul3A_62 : i32
    %add3A_64 = arith.addi %mul3A_63, %add3A_61 : i32
    "tpu.region"() ({
      %run_scoped3A = tpu.sem_alloc : memref<!tpu.dma_semaphore, #tpu.memory_space<semaphore_mem>>
      %dma_start3A = arith.constant 0 : i32
      %dma_start3A_75 = tpu.memref_slice %arg7[%add3A_64, %dma_start3A] : memref<20000x128xf32, #tpu.memory_space<hbm>> -> memref<104x128xf32, #tpu.memory_space<hbm>>
      %dma_start3A_76 = arith.constant 0 : i32
      %dma_start3A_77 = tpu.memref_slice %arg8[%add3A_61, %dma_start3A_76] : memref<10000x128xf32, #tpu.memory_space<vmem_shared>> -> memref<104x128xf32, #tpu.memory_space<vmem_shared>>
      tpu.enqueue_dma source(%dma_start3A_77 : memref<104x128xf32, #tpu.memory_space<vmem_shared>>) target(%dma_start3A_75 : memref<104x128xf32, #tpu.memory_space<hbm>>) target_semaphore(%run_scoped3A : memref<!tpu.dma_semaphore, #tpu.memory_space<semaphore_mem>>)
      %dma_wait3A = arith.constant 0 : i32
      %dma_wait3A_78 = tpu.memref_slice %arg7[%add3A_64, %dma_wait3A] : memref<20000x128xf32, #tpu.memory_space<hbm>> -> memref<104x128xf32, #tpu.memory_space<hbm>>
      %dma_wait3A_79 = arith.constant 0 : i32
      %dma_wait3A_80 = tpu.memref_slice %arg8[%add3A_61, %dma_wait3A_79] : memref<10000x128xf32, #tpu.memory_space<vmem_shared>> -> memref<104x128xf32, #tpu.memory_space<vmem_shared>>
      tpu.wait_dma2 semaphore(%run_scoped3A : memref<!tpu.dma_semaphore, #tpu.memory_space<semaphore_mem>>) src(%dma_wait3A_80 : memref<104x128xf32, #tpu.memory_space<vmem_shared>>) dst(%dma_wait3A_78 : memref<104x128xf32, #tpu.memory_space<hbm>>)
      tpu.yield
    }) : () -> ()
    %add3A_65 = arith.constant 520 : i32
    %add3A_66 = arith.addi %mul3A_7, %add3A_65 : i32
    %mul3A_67 = arith.constant 10000 : i32
    %mul3A_68 = arith.muli %arg0, %mul3A_67 : i32
    %add3A_69 = arith.addi %mul3A_68, %add3A_66 : i32
    "tpu.region"() ({
      %run_scoped3A = tpu.sem_alloc : memref<!tpu.dma_semaphore, #tpu.memory_space<semaphore_mem>>
      %dma_start3A = arith.constant 0 : i32
      %dma_start3A_75 = tpu.memref_slice %arg7[%add3A_69, %dma_start3A] : memref<20000x128xf32, #tpu.memory_space<hbm>> -> memref<104x128xf32, #tpu.memory_space<hbm>>
      %dma_start3A_76 = arith.constant 0 : i32
      %dma_start3A_77 = tpu.memref_slice %arg8[%add3A_66, %dma_start3A_76] : memref<10000x128xf32, #tpu.memory_space<vmem_shared>> -> memref<104x128xf32, #tpu.memory_space<vmem_shared>>
      tpu.enqueue_dma source(%dma_start3A_77 : memref<104x128xf32, #tpu.memory_space<vmem_shared>>) target(%dma_start3A_75 : memref<104x128xf32, #tpu.memory_space<hbm>>) target_semaphore(%run_scoped3A : memref<!tpu.dma_semaphore, #tpu.memory_space<semaphore_mem>>)
      %dma_wait3A = arith.constant 0 : i32
      %dma_wait3A_78 = tpu.memref_slice %arg7[%add3A_69, %dma_wait3A] : memref<20000x128xf32, #tpu.memory_space<hbm>> -> memref<104x128xf32, #tpu.memory_space<hbm>>
      %dma_wait3A_79 = arith.constant 0 : i32
      %dma_wait3A_80 = tpu.memref_slice %arg8[%add3A_66, %dma_wait3A_79] : memref<10000x128xf32, #tpu.memory_space<vmem_shared>> -> memref<104x128xf32, #tpu.memory_space<vmem_shared>>
      tpu.wait_dma2 semaphore(%run_scoped3A : memref<!tpu.dma_semaphore, #tpu.memory_space<semaphore_mem>>) src(%dma_wait3A_80 : memref<104x128xf32, #tpu.memory_space<vmem_shared>>) dst(%dma_wait3A_78 : memref<104x128xf32, #tpu.memory_space<hbm>>)
      tpu.yield
    }) : () -> ()
    %eq3A_70 = arith.constant 0 : i32
    %eq3A_71 = arith.cmpi eq, %arg1, %eq3A_70 : i32
    %convert_element_type3A_72 = arith.extui %eq3A_71 : i1 to i32
    %cond3A_73 = arith.constant 0 : i32
    %cond3A_74 = arith.cmpi ne, %convert_element_type3A_72, %cond3A_73 : i32
    scf.if %cond3A_74 {
      %mul3A_75 = arith.constant 10000 : i32
      %mul3A_76 = arith.muli %arg0, %mul3A_75 : i32
      %add3A_77 = arith.constant 9984 : i32
      %add3A_78 = arith.addi %mul3A_76, %add3A_77 : i32
      "tpu.region"() ({
        %run_scoped3A = tpu.sem_alloc : memref<!tpu.dma_semaphore, #tpu.memory_space<semaphore_mem>>
        %dma_start3A = arith.constant 0 : i32
        %dma_start3A_79 = tpu.memref_slice %arg7[%add3A_78, %dma_start3A] : memref<20000x128xf32, #tpu.memory_space<hbm>> -> memref<16x128xf32, #tpu.memory_space<hbm>>
        %dma_start3A_80 = arith.constant 9984 : i32
        %dma_start3A_81 = arith.constant 0 : i32
        %dma_start3A_82 = tpu.memref_slice %arg8[%dma_start3A_80, %dma_start3A_81] : memref<10000x128xf32, #tpu.memory_space<vmem_shared>> -> memref<16x128xf32, #tpu.memory_space<vmem_shared>>
        tpu.enqueue_dma source(%dma_start3A_82 : memref<16x128xf32, #tpu.memory_space<vmem_shared>>) target(%dma_start3A_79 : memref<16x128xf32, #tpu.memory_space<hbm>>) target_semaphore(%run_scoped3A : memref<!tpu.dma_semaphore, #tpu.memory_space<semaphore_mem>>)
        %dma_wait3A = arith.constant 0 : i32
        %dma_wait3A_83 = tpu.memref_slice %arg7[%add3A_78, %dma_wait3A] : memref<20000x128xf32, #tpu.memory_space<hbm>> -> memref<16x128xf32, #tpu.memory_space<hbm>>
        %dma_wait3A_84 = arith.constant 9984 : i32
        %dma_wait3A_85 = arith.constant 0 : i32
        %dma_wait3A_86 = tpu.memref_slice %arg8[%dma_wait3A_84, %dma_wait3A_85] : memref<10000x128xf32, #tpu.memory_space<vmem_shared>> -> memref<16x128xf32, #tpu.memory_space<vmem_shared>>
        tpu.wait_dma2 semaphore(%run_scoped3A : memref<!tpu.dma_semaphore, #tpu.memory_space<semaphore_mem>>) src(%dma_wait3A_86 : memref<16x128xf32, #tpu.memory_space<vmem_shared>>) dst(%dma_wait3A_83 : memref<16x128xf32, #tpu.memory_space<hbm>>)
        tpu.yield
      }) : () -> ()
    } else {
    }
    return
  }
}

#map = affine_map<(d0, d1) -> (0, 0)>
#map1 = affine_map<(d0, d1) -> (0)>
module attributes {stable_mosaic.version = 14 : i64} {
  func.func @sc_edge(%arg0: i32, %arg1: i32, %arg2: memref<10000x128xf32, #tpu.memory_space<hbm>>, %arg3: memref<4096x128xf32, #tpu.memory_space<hbm>>, %arg4: memref<320000xi32, #tpu.memory_space<hbm>>, %arg5: memref<320000xi32, #tpu.memory_space<hbm>>, %arg6: memref<320000xi32, #tpu.memory_space<hbm>>, %arg7: memref<20000x128xf32, #tpu.memory_space<hbm>>, %arg8: memref<10000x128xf32, #tpu.memory_space<vmem_shared>>, %arg9: memref<128xi32, #tpu.memory_space<vmem>>, %arg10: memref<128xi32, #tpu.memory_space<vmem>>, %arg11: memref<128xi32, #tpu.memory_space<vmem>>, %arg12: memref<128x128xf32, #tpu.memory_space<vmem>>, %arg13: memref<128x128xf32, #tpu.memory_space<vmem>>, %arg14: memref<!tpu.dma_semaphore, #tpu.memory_space<semaphore_mem>>, %arg15: memref<!tpu.dma_semaphore, #tpu.memory_space<semaphore_mem>>) attributes {dimension_semantics = [#tpu.dimension_semantics<core_parallel>, #tpu.dimension_semantics<subcore_parallel>], iteration_bounds = array<i64: 2, 16>, scalar_prefetch = 0 : i64, scratch_operands = 8 : i64, tpu.core_type = #tpu.core_type<sc_vector_subcore>, window_params = [{transform_indices = #map}, {transform_indices = #map}, {transform_indices = #map1}, {transform_indices = #map1}, {transform_indices = #map1}, {transform_indices = #map}]} {
    %mul3A = arith.constant 16 : i32
    %mul3A_0 = arith.muli %arg0, %mul3A : i32
    %add3A = arith.addi %mul3A_0, %arg1 : i32
    %scan3A = arith.constant 0 : i32
    %scan3A_1 = arith.constant 0 : i32
    %scan3A_2 = arith.constant 104 : i32
    %scan3A_3 = arith.addi %scan3A_1, %scan3A_2 : i32
    %scan3A_4 = arith.constant 1 : i32
    scf.for %scan3A_75 = %scan3A_1 to %scan3A_3 step %scan3A_4  : i32 {
      %broadcast_in_dim3A = arith.constant 0.000000e+00 : f32
      %broadcast_in_dim3A_76 = vector.broadcast %broadcast_in_dim3A : f32 to vector<16xf32>
      %swap3A = arith.index_cast %scan3A_75 : i32 to index
      %swap3A_77 = arith.constant 0 : index
      %swap3A_78 = tpu.vector_load %arg12[%swap3A, %swap3A_77] {strides = array<i32>} : memref<128x128xf32, #tpu.memory_space<vmem>>, vector<1x16xf32>,
      %swap3A_79 = vector.shape_cast %swap3A_78 : vector<1x16xf32> to vector<16xf32>
      %swap3A_80 = vector.shape_cast %broadcast_in_dim3A_76 : vector<16xf32> to vector<1x16xf32>
      tpu.vector_store %arg12[%swap3A, %swap3A_77], %swap3A_80 {strides = array<i32>} : memref<128x128xf32, #tpu.memory_space<vmem>>, vector<1x16xf32>,
      %broadcast_in_dim3A_81 = arith.constant 0.000000e+00 : f32
      %broadcast_in_dim3A_82 = vector.broadcast %broadcast_in_dim3A_81 : f32 to vector<16xf32>
      %swap3A_83 = arith.index_cast %scan3A_75 : i32 to index
      %swap3A_84 = arith.constant 16 : index
      %swap3A_85 = tpu.vector_load %arg12[%swap3A_83, %swap3A_84] {strides = array<i32>} : memref<128x128xf32, #tpu.memory_space<vmem>>, vector<1x16xf32>,
      %swap3A_86 = vector.shape_cast %swap3A_85 : vector<1x16xf32> to vector<16xf32>
      %swap3A_87 = vector.shape_cast %broadcast_in_dim3A_82 : vector<16xf32> to vector<1x16xf32>
      tpu.vector_store %arg12[%swap3A_83, %swap3A_84], %swap3A_87 {strides = array<i32>} : memref<128x128xf32, #tpu.memory_space<vmem>>, vector<1x16xf32>,
      %broadcast_in_dim3A_88 = arith.constant 0.000000e+00 : f32
      %broadcast_in_dim3A_89 = vector.broadcast %broadcast_in_dim3A_88 : f32 to vector<16xf32>
      %swap3A_90 = arith.index_cast %scan3A_75 : i32 to index
      %swap3A_91 = arith.constant 32 : index
      %swap3A_92 = tpu.vector_load %arg12[%swap3A_90, %swap3A_91] {strides = array<i32>} : memref<128x128xf32, #tpu.memory_space<vmem>>, vector<1x16xf32>,
      %swap3A_93 = vector.shape_cast %swap3A_92 : vector<1x16xf32> to vector<16xf32>
      %swap3A_94 = vector.shape_cast %broadcast_in_dim3A_89 : vector<16xf32> to vector<1x16xf32>
      tpu.vector_store %arg12[%swap3A_90, %swap3A_91], %swap3A_94 {strides = array<i32>} : memref<128x128xf32, #tpu.memory_space<vmem>>, vector<1x16xf32>,
      %broadcast_in_dim3A_95 = arith.constant 0.000000e+00 : f32
      %broadcast_in_dim3A_96 = vector.broadcast %broadcast_in_dim3A_95 : f32 to vector<16xf32>
      %swap3A_97 = arith.index_cast %scan3A_75 : i32 to index
      %swap3A_98 = arith.constant 48 : index
      %swap3A_99 = tpu.vector_load %arg12[%swap3A_97, %swap3A_98] {strides = array<i32>} : memref<128x128xf32, #tpu.memory_space<vmem>>, vector<1x16xf32>,
      %swap3A_100 = vector.shape_cast %swap3A_99 : vector<1x16xf32> to vector<16xf32>
      %swap3A_101 = vector.shape_cast %broadcast_in_dim3A_96 : vector<16xf32> to vector<1x16xf32>
      tpu.vector_store %arg12[%swap3A_97, %swap3A_98], %swap3A_101 {strides = array<i32>} : memref<128x128xf32, #tpu.memory_space<vmem>>, vector<1x16xf32>,
      %broadcast_in_dim3A_102 = arith.constant 0.000000e+00 : f32
      %broadcast_in_dim3A_103 = vector.broadcast %broadcast_in_dim3A_102 : f32 to vector<16xf32>
      %swap3A_104 = arith.index_cast %scan3A_75 : i32 to index
      %swap3A_105 = arith.constant 64 : index
      %swap3A_106 = tpu.vector_load %arg12[%swap3A_104, %swap3A_105] {strides = array<i32>} : memref<128x128xf32, #tpu.memory_space<vmem>>, vector<1x16xf32>,
      %swap3A_107 = vector.shape_cast %swap3A_106 : vector<1x16xf32> to vector<16xf32>
      %swap3A_108 = vector.shape_cast %broadcast_in_dim3A_103 : vector<16xf32> to vector<1x16xf32>
      tpu.vector_store %arg12[%swap3A_104, %swap3A_105], %swap3A_108 {strides = array<i32>} : memref<128x128xf32, #tpu.memory_space<vmem>>, vector<1x16xf32>,
      %broadcast_in_dim3A_109 = arith.constant 0.000000e+00 : f32
      %broadcast_in_dim3A_110 = vector.broadcast %broadcast_in_dim3A_109 : f32 to vector<16xf32>
      %swap3A_111 = arith.index_cast %scan3A_75 : i32 to index
      %swap3A_112 = arith.constant 80 : index
      %swap3A_113 = tpu.vector_load %arg12[%swap3A_111, %swap3A_112] {strides = array<i32>} : memref<128x128xf32, #tpu.memory_space<vmem>>, vector<1x16xf32>,
      %swap3A_114 = vector.shape_cast %swap3A_113 : vector<1x16xf32> to vector<16xf32>
      %swap3A_115 = vector.shape_cast %broadcast_in_dim3A_110 : vector<16xf32> to vector<1x16xf32>
      tpu.vector_store %arg12[%swap3A_111, %swap3A_112], %swap3A_115 {strides = array<i32>} : memref<128x128xf32, #tpu.memory_space<vmem>>, vector<1x16xf32>,
      %broadcast_in_dim3A_116 = arith.constant 0.000000e+00 : f32
      %broadcast_in_dim3A_117 = vector.broadcast %broadcast_in_dim3A_116 : f32 to vector<16xf32>
      %swap3A_118 = arith.index_cast %scan3A_75 : i32 to index
      %swap3A_119 = arith.constant 96 : index
      %swap3A_120 = tpu.vector_load %arg12[%swap3A_118, %swap3A_119] {strides = array<i32>} : memref<128x128xf32, #tpu.memory_space<vmem>>, vector<1x16xf32>,
      %swap3A_121 = vector.shape_cast %swap3A_120 : vector<1x16xf32> to vector<16xf32>
      %swap3A_122 = vector.shape_cast %broadcast_in_dim3A_117 : vector<16xf32> to vector<1x16xf32>
      tpu.vector_store %arg12[%swap3A_118, %swap3A_119], %swap3A_122 {strides = array<i32>} : memref<128x128xf32, #tpu.memory_space<vmem>>, vector<1x16xf32>,
      %broadcast_in_dim3A_123 = arith.constant 0.000000e+00 : f32
      %broadcast_in_dim3A_124 = vector.broadcast %broadcast_in_dim3A_123 : f32 to vector<16xf32>
      %swap3A_125 = arith.index_cast %scan3A_75 : i32 to index
      %swap3A_126 = arith.constant 112 : index
      %swap3A_127 = tpu.vector_load %arg12[%swap3A_125, %swap3A_126] {strides = array<i32>} : memref<128x128xf32, #tpu.memory_space<vmem>>, vector<1x16xf32>,
      %swap3A_128 = vector.shape_cast %swap3A_127 : vector<1x16xf32> to vector<16xf32>
      %swap3A_129 = vector.shape_cast %broadcast_in_dim3A_124 : vector<16xf32> to vector<1x16xf32>
      tpu.vector_store %arg12[%swap3A_125, %swap3A_126], %swap3A_129 {strides = array<i32>} : memref<128x128xf32, #tpu.memory_space<vmem>>, vector<1x16xf32>,
    }
    %scan3A_5 = arith.constant 104 : i32
    %mul3A_6 = arith.constant 624 : i32
    %mul3A_7 = arith.muli %arg1, %mul3A_6 : i32
    %add3A_8 = arith.constant 0 : i32
    %add3A_9 = arith.addi %mul3A_7, %add3A_8 : i32
    "tpu.region"() ({
      %run_scoped3A = tpu.sem_alloc : memref<!tpu.dma_semaphore, #tpu.memory_space<semaphore_mem>>
      %dma_start3A = arith.constant 0 : i32
      %dma_start3A_75 = arith.constant 0 : i32
      %dma_start3A_76 = tpu.memref_slice %arg12[%dma_start3A, %dma_start3A_75] : memref<128x128xf32, #tpu.memory_space<vmem>> -> memref<104x128xf32, #tpu.memory_space<vmem>>
      %dma_start3A_77 = arith.constant 0 : i32
      %dma_start3A_78 = tpu.memref_slice %arg8[%add3A_9, %dma_start3A_77] : memref<10000x128xf32, #tpu.memory_space<vmem_shared>> -> memref<104x128xf32, #tpu.memory_space<vmem_shared>>
      %dma_start3A_79 = arith.constant 0 : i32
      %dma_start3A_80 = tpu.memref_slice %arg8[%add3A_9, %dma_start3A_79] : memref<10000x128xf32, #tpu.memory_space<vmem_shared>> -> memref<104x128xf32, #tpu.memory_space<vmem_shared>>
      %dma_start3A_81 = arith.constant 0 : i32
      %dma_start3A_82 = arith.constant 0 : i32
      %dma_start3A_83 = tpu.memref_slice %arg12[%dma_start3A_81, %dma_start3A_82] : memref<128x128xf32, #tpu.memory_space<vmem>> -> memref<104x128xf32, #tpu.memory_space<vmem>>
      tpu.enqueue_dma source(%dma_start3A_83 : memref<104x128xf32, #tpu.memory_space<vmem>>) target(%dma_start3A_80 : memref<104x128xf32, #tpu.memory_space<vmem_shared>>) target_semaphore(%run_scoped3A : memref<!tpu.dma_semaphore, #tpu.memory_space<semaphore_mem>>)
      %dma_wait3A = arith.constant 0 : i32
      %dma_wait3A_84 = arith.constant 0 : i32
      %dma_wait3A_85 = tpu.memref_slice %arg12[%dma_wait3A, %dma_wait3A_84] : memref<128x128xf32, #tpu.memory_space<vmem>> -> memref<104x128xf32, #tpu.memory_space<vmem>>
      %dma_wait3A_86 = arith.constant 0 : i32
      %dma_wait3A_87 = tpu.memref_slice %arg8[%add3A_9, %dma_wait3A_86] : memref<10000x128xf32, #tpu.memory_space<vmem_shared>> -> memref<104x128xf32, #tpu.memory_space<vmem_shared>>
      %dma_wait3A_88 = arith.constant 0 : i32
      %dma_wait3A_89 = tpu.memref_slice %arg8[%add3A_9, %dma_wait3A_88] : memref<10000x128xf32, #tpu.memory_space<vmem_shared>> -> memref<104x128xf32, #tpu.memory_space<vmem_shared>>
      %dma_wait3A_90 = arith.constant 0 : i32
      %dma_wait3A_91 = arith.constant 0 : i32
      %dma_wait3A_92 = tpu.memref_slice %arg12[%dma_wait3A_90, %dma_wait3A_91] : memref<128x128xf32, #tpu.memory_space<vmem>> -> memref<104x128xf32, #tpu.memory_space<vmem>>
      tpu.wait_dma2 semaphore(%run_scoped3A : memref<!tpu.dma_semaphore, #tpu.memory_space<semaphore_mem>>) src(%dma_wait3A_92 : memref<104x128xf32, #tpu.memory_space<vmem>>) dst(%dma_wait3A_89 : memref<104x128xf32, #tpu.memory_space<vmem_shared>>)
      tpu.yield
    }) : () -> ()
    %add3A_10 = arith.constant 104 : i32
    %add3A_11 = arith.addi %mul3A_7, %add3A_10 : i32
    "tpu.region"() ({
      %run_scoped3A = tpu.sem_alloc : memref<!tpu.dma_semaphore, #tpu.memory_space<semaphore_mem>>
      %dma_start3A = arith.constant 0 : i32
      %dma_start3A_75 = arith.constant 0 : i32
      %dma_start3A_76 = tpu.memref_slice %arg12[%dma_start3A, %dma_start3A_75] : memref<128x128xf32, #tpu.memory_space<vmem>> -> memref<104x128xf32, #tpu.memory_space<vmem>>
      %dma_start3A_77 = arith.constant 0 : i32
      %dma_start3A_78 = tpu.memref_slice %arg8[%add3A_11, %dma_start3A_77] : memref<10000x128xf32, #tpu.memory_space<vmem_shared>> -> memref<104x128xf32, #tpu.memory_space<vmem_shared>>
      %dma_start3A_79 = arith.constant 0 : i32
      %dma_start3A_80 = tpu.memref_slice %arg8[%add3A_11, %dma_start3A_79] : memref<10000x128xf32, #tpu.memory_space<vmem_shared>> -> memref<104x128xf32, #tpu.memory_space<vmem_shared>>
      %dma_start3A_81 = arith.constant 0 : i32
      %dma_start3A_82 = arith.constant 0 : i32
      %dma_start3A_83 = tpu.memref_slice %arg12[%dma_start3A_81, %dma_start3A_82] : memref<128x128xf32, #tpu.memory_space<vmem>> -> memref<104x128xf32, #tpu.memory_space<vmem>>
      tpu.enqueue_dma source(%dma_start3A_83 : memref<104x128xf32, #tpu.memory_space<vmem>>) target(%dma_start3A_80 : memref<104x128xf32, #tpu.memory_space<vmem_shared>>) target_semaphore(%run_scoped3A : memref<!tpu.dma_semaphore, #tpu.memory_space<semaphore_mem>>)
      %dma_wait3A = arith.constant 0 : i32
      %dma_wait3A_84 = arith.constant 0 : i32
      %dma_wait3A_85 = tpu.memref_slice %arg12[%dma_wait3A, %dma_wait3A_84] : memref<128x128xf32, #tpu.memory_space<vmem>> -> memref<104x128xf32, #tpu.memory_space<vmem>>
      %dma_wait3A_86 = arith.constant 0 : i32
      %dma_wait3A_87 = tpu.memref_slice %arg8[%add3A_11, %dma_wait3A_86] : memref<10000x128xf32, #tpu.memory_space<vmem_shared>> -> memref<104x128xf32, #tpu.memory_space<vmem_shared>>
      %dma_wait3A_88 = arith.constant 0 : i32
      %dma_wait3A_89 = tpu.memref_slice %arg8[%add3A_11, %dma_wait3A_88] : memref<10000x128xf32, #tpu.memory_space<vmem_shared>> -> memref<104x128xf32, #tpu.memory_space<vmem_shared>>
      %dma_wait3A_90 = arith.constant 0 : i32
      %dma_wait3A_91 = arith.constant 0 : i32
      %dma_wait3A_92 = tpu.memref_slice %arg12[%dma_wait3A_90, %dma_wait3A_91] : memref<128x128xf32, #tpu.memory_space<vmem>> -> memref<104x128xf32, #tpu.memory_space<vmem>>
      tpu.wait_dma2 semaphore(%run_scoped3A : memref<!tpu.dma_semaphore, #tpu.memory_space<semaphore_mem>>) src(%dma_wait3A_92 : memref<104x128xf32, #tpu.memory_space<vmem>>) dst(%dma_wait3A_89 : memref<104x128xf32, #tpu.memory_space<vmem_shared>>)
      tpu.yield
    }) : () -> ()
    %add3A_12 = arith.constant 208 : i32
    %add3A_13 = arith.addi %mul3A_7, %add3A_12 : i32
    "tpu.region"() ({
      %run_scoped3A = tpu.sem_alloc : memref<!tpu.dma_semaphore, #tpu.memory_space<semaphore_mem>>
      %dma_start3A = arith.constant 0 : i32
      %dma_start3A_75 = arith.constant 0 : i32
      %dma_start3A_76 = tpu.memref_slice %arg12[%dma_start3A, %dma_start3A_75] : memref<128x128xf32, #tpu.memory_space<vmem>> -> memref<104x128xf32, #tpu.memory_space<vmem>>
      %dma_start3A_77 = arith.constant 0 : i32
      %dma_start3A_78 = tpu.memref_slice %arg8[%add3A_13, %dma_start3A_77] : memref<10000x128xf32, #tpu.memory_space<vmem_shared>> -> memref<104x128xf32, #tpu.memory_space<vmem_shared>>
      %dma_start3A_79 = arith.constant 0 : i32
      %dma_start3A_80 = tpu.memref_slice %arg8[%add3A_13, %dma_start3A_79] : memref<10000x128xf32, #tpu.memory_space<vmem_shared>> -> memref<104x128xf32, #tpu.memory_space<vmem_shared>>
      %dma_start3A_81 = arith.constant 0 : i32
      %dma_start3A_82 = arith.constant 0 : i32
      %dma_start3A_83 = tpu.memref_slice %arg12[%dma_start3A_81, %dma_start3A_82] : memref<128x128xf32, #tpu.memory_space<vmem>> -> memref<104x128xf32, #tpu.memory_space<vmem>>
      tpu.enqueue_dma source(%dma_start3A_83 : memref<104x128xf32, #tpu.memory_space<vmem>>) target(%dma_start3A_80 : memref<104x128xf32, #tpu.memory_space<vmem_shared>>) target_semaphore(%run_scoped3A : memref<!tpu.dma_semaphore, #tpu.memory_space<semaphore_mem>>)
      %dma_wait3A = arith.constant 0 : i32
      %dma_wait3A_84 = arith.constant 0 : i32
      %dma_wait3A_85 = tpu.memref_slice %arg12[%dma_wait3A, %dma_wait3A_84] : memref<128x128xf32, #tpu.memory_space<vmem>> -> memref<104x128xf32, #tpu.memory_space<vmem>>
      %dma_wait3A_86 = arith.constant 0 : i32
      %dma_wait3A_87 = tpu.memref_slice %arg8[%add3A_13, %dma_wait3A_86] : memref<10000x128xf32, #tpu.memory_space<vmem_shared>> -> memref<104x128xf32, #tpu.memory_space<vmem_shared>>
      %dma_wait3A_88 = arith.constant 0 : i32
      %dma_wait3A_89 = tpu.memref_slice %arg8[%add3A_13, %dma_wait3A_88] : memref<10000x128xf32, #tpu.memory_space<vmem_shared>> -> memref<104x128xf32, #tpu.memory_space<vmem_shared>>
      %dma_wait3A_90 = arith.constant 0 : i32
      %dma_wait3A_91 = arith.constant 0 : i32
      %dma_wait3A_92 = tpu.memref_slice %arg12[%dma_wait3A_90, %dma_wait3A_91] : memref<128x128xf32, #tpu.memory_space<vmem>> -> memref<104x128xf32, #tpu.memory_space<vmem>>
      tpu.wait_dma2 semaphore(%run_scoped3A : memref<!tpu.dma_semaphore, #tpu.memory_space<semaphore_mem>>) src(%dma_wait3A_92 : memref<104x128xf32, #tpu.memory_space<vmem>>) dst(%dma_wait3A_89 : memref<104x128xf32, #tpu.memory_space<vmem_shared>>)
      tpu.yield
    }) : () -> ()
    %add3A_14 = arith.constant 312 : i32
    %add3A_15 = arith.addi %mul3A_7, %add3A_14 : i32
    "tpu.region"() ({
      %run_scoped3A = tpu.sem_alloc : memref<!tpu.dma_semaphore, #tpu.memory_space<semaphore_mem>>
      %dma_start3A = arith.constant 0 : i32
      %dma_start3A_75 = arith.constant 0 : i32
      %dma_start3A_76 = tpu.memref_slice %arg12[%dma_start3A, %dma_start3A_75] : memref<128x128xf32, #tpu.memory_space<vmem>> -> memref<104x128xf32, #tpu.memory_space<vmem>>
      %dma_start3A_77 = arith.constant 0 : i32
      %dma_start3A_78 = tpu.memref_slice %arg8[%add3A_15, %dma_start3A_77] : memref<10000x128xf32, #tpu.memory_space<vmem_shared>> -> memref<104x128xf32, #tpu.memory_space<vmem_shared>>
      %dma_start3A_79 = arith.constant 0 : i32
      %dma_start3A_80 = tpu.memref_slice %arg8[%add3A_15, %dma_start3A_79] : memref<10000x128xf32, #tpu.memory_space<vmem_shared>> -> memref<104x128xf32, #tpu.memory_space<vmem_shared>>
      %dma_start3A_81 = arith.constant 0 : i32
      %dma_start3A_82 = arith.constant 0 : i32
      %dma_start3A_83 = tpu.memref_slice %arg12[%dma_start3A_81, %dma_start3A_82] : memref<128x128xf32, #tpu.memory_space<vmem>> -> memref<104x128xf32, #tpu.memory_space<vmem>>
      tpu.enqueue_dma source(%dma_start3A_83 : memref<104x128xf32, #tpu.memory_space<vmem>>) target(%dma_start3A_80 : memref<104x128xf32, #tpu.memory_space<vmem_shared>>) target_semaphore(%run_scoped3A : memref<!tpu.dma_semaphore, #tpu.memory_space<semaphore_mem>>)
      %dma_wait3A = arith.constant 0 : i32
      %dma_wait3A_84 = arith.constant 0 : i32
      %dma_wait3A_85 = tpu.memref_slice %arg12[%dma_wait3A, %dma_wait3A_84] : memref<128x128xf32, #tpu.memory_space<vmem>> -> memref<104x128xf32, #tpu.memory_space<vmem>>
      %dma_wait3A_86 = arith.constant 0 : i32
      %dma_wait3A_87 = tpu.memref_slice %arg8[%add3A_15, %dma_wait3A_86] : memref<10000x128xf32, #tpu.memory_space<vmem_shared>> -> memref<104x128xf32, #tpu.memory_space<vmem_shared>>
      %dma_wait3A_88 = arith.constant 0 : i32
      %dma_wait3A_89 = tpu.memref_slice %arg8[%add3A_15, %dma_wait3A_88] : memref<10000x128xf32, #tpu.memory_space<vmem_shared>> -> memref<104x128xf32, #tpu.memory_space<vmem_shared>>
      %dma_wait3A_90 = arith.constant 0 : i32
      %dma_wait3A_91 = arith.constant 0 : i32
      %dma_wait3A_92 = tpu.memref_slice %arg12[%dma_wait3A_90, %dma_wait3A_91] : memref<128x128xf32, #tpu.memory_space<vmem>> -> memref<104x128xf32, #tpu.memory_space<vmem>>
      tpu.wait_dma2 semaphore(%run_scoped3A : memref<!tpu.dma_semaphore, #tpu.memory_space<semaphore_mem>>) src(%dma_wait3A_92 : memref<104x128xf32, #tpu.memory_space<vmem>>) dst(%dma_wait3A_89 : memref<104x128xf32, #tpu.memory_space<vmem_shared>>)
      tpu.yield
    }) : () -> ()
    %add3A_16 = arith.constant 416 : i32
    %add3A_17 = arith.addi %mul3A_7, %add3A_16 : i32
    "tpu.region"() ({
      %run_scoped3A = tpu.sem_alloc : memref<!tpu.dma_semaphore, #tpu.memory_space<semaphore_mem>>
      %dma_start3A = arith.constant 0 : i32
      %dma_start3A_75 = arith.constant 0 : i32
      %dma_start3A_76 = tpu.memref_slice %arg12[%dma_start3A, %dma_start3A_75] : memref<128x128xf32, #tpu.memory_space<vmem>> -> memref<104x128xf32, #tpu.memory_space<vmem>>
      %dma_start3A_77 = arith.constant 0 : i32
      %dma_start3A_78 = tpu.memref_slice %arg8[%add3A_17, %dma_start3A_77] : memref<10000x128xf32, #tpu.memory_space<vmem_shared>> -> memref<104x128xf32, #tpu.memory_space<vmem_shared>>
      %dma_start3A_79 = arith.constant 0 : i32
      %dma_start3A_80 = tpu.memref_slice %arg8[%add3A_17, %dma_start3A_79] : memref<10000x128xf32, #tpu.memory_space<vmem_shared>> -> memref<104x128xf32, #tpu.memory_space<vmem_shared>>
      %dma_start3A_81 = arith.constant 0 : i32
      %dma_start3A_82 = arith.constant 0 : i32
      %dma_start3A_83 = tpu.memref_slice %arg12[%dma_start3A_81, %dma_start3A_82] : memref<128x128xf32, #tpu.memory_space<vmem>> -> memref<104x128xf32, #tpu.memory_space<vmem>>
      tpu.enqueue_dma source(%dma_start3A_83 : memref<104x128xf32, #tpu.memory_space<vmem>>) target(%dma_start3A_80 : memref<104x128xf32, #tpu.memory_space<vmem_shared>>) target_semaphore(%run_scoped3A : memref<!tpu.dma_semaphore, #tpu.memory_space<semaphore_mem>>)
      %dma_wait3A = arith.constant 0 : i32
      %dma_wait3A_84 = arith.constant 0 : i32
      %dma_wait3A_85 = tpu.memref_slice %arg12[%dma_wait3A, %dma_wait3A_84] : memref<128x128xf32, #tpu.memory_space<vmem>> -> memref<104x128xf32, #tpu.memory_space<vmem>>
      %dma_wait3A_86 = arith.constant 0 : i32
      %dma_wait3A_87 = tpu.memref_slice %arg8[%add3A_17, %dma_wait3A_86] : memref<10000x128xf32, #tpu.memory_space<vmem_shared>> -> memref<104x128xf32, #tpu.memory_space<vmem_shared>>
      %dma_wait3A_88 = arith.constant 0 : i32
      %dma_wait3A_89 = tpu.memref_slice %arg8[%add3A_17, %dma_wait3A_88] : memref<10000x128xf32, #tpu.memory_space<vmem_shared>> -> memref<104x128xf32, #tpu.memory_space<vmem_shared>>
      %dma_wait3A_90 = arith.constant 0 : i32
      %dma_wait3A_91 = arith.constant 0 : i32
      %dma_wait3A_92 = tpu.memref_slice %arg12[%dma_wait3A_90, %dma_wait3A_91] : memref<128x128xf32, #tpu.memory_space<vmem>> -> memref<104x128xf32, #tpu.memory_space<vmem>>
      tpu.wait_dma2 semaphore(%run_scoped3A : memref<!tpu.dma_semaphore, #tpu.memory_space<semaphore_mem>>) src(%dma_wait3A_92 : memref<104x128xf32, #tpu.memory_space<vmem>>) dst(%dma_wait3A_89 : memref<104x128xf32, #tpu.memory_space<vmem_shared>>)
      tpu.yield
    }) : () -> ()
    %add3A_18 = arith.constant 520 : i32
    %add3A_19 = arith.addi %mul3A_7, %add3A_18 : i32
    "tpu.region"() ({
      %run_scoped3A = tpu.sem_alloc : memref<!tpu.dma_semaphore, #tpu.memory_space<semaphore_mem>>
      %dma_start3A = arith.constant 0 : i32
      %dma_start3A_75 = arith.constant 0 : i32
      %dma_start3A_76 = tpu.memref_slice %arg12[%dma_start3A, %dma_start3A_75] : memref<128x128xf32, #tpu.memory_space<vmem>> -> memref<104x128xf32, #tpu.memory_space<vmem>>
      %dma_start3A_77 = arith.constant 0 : i32
      %dma_start3A_78 = tpu.memref_slice %arg8[%add3A_19, %dma_start3A_77] : memref<10000x128xf32, #tpu.memory_space<vmem_shared>> -> memref<104x128xf32, #tpu.memory_space<vmem_shared>>
      %dma_start3A_79 = arith.constant 0 : i32
      %dma_start3A_80 = tpu.memref_slice %arg8[%add3A_19, %dma_start3A_79] : memref<10000x128xf32, #tpu.memory_space<vmem_shared>> -> memref<104x128xf32, #tpu.memory_space<vmem_shared>>
      %dma_start3A_81 = arith.constant 0 : i32
      %dma_start3A_82 = arith.constant 0 : i32
      %dma_start3A_83 = tpu.memref_slice %arg12[%dma_start3A_81, %dma_start3A_82] : memref<128x128xf32, #tpu.memory_space<vmem>> -> memref<104x128xf32, #tpu.memory_space<vmem>>
      tpu.enqueue_dma source(%dma_start3A_83 : memref<104x128xf32, #tpu.memory_space<vmem>>) target(%dma_start3A_80 : memref<104x128xf32, #tpu.memory_space<vmem_shared>>) target_semaphore(%run_scoped3A : memref<!tpu.dma_semaphore, #tpu.memory_space<semaphore_mem>>)
      %dma_wait3A = arith.constant 0 : i32
      %dma_wait3A_84 = arith.constant 0 : i32
      %dma_wait3A_85 = tpu.memref_slice %arg12[%dma_wait3A, %dma_wait3A_84] : memref<128x128xf32, #tpu.memory_space<vmem>> -> memref<104x128xf32, #tpu.memory_space<vmem>>
      %dma_wait3A_86 = arith.constant 0 : i32
      %dma_wait3A_87 = tpu.memref_slice %arg8[%add3A_19, %dma_wait3A_86] : memref<10000x128xf32, #tpu.memory_space<vmem_shared>> -> memref<104x128xf32, #tpu.memory_space<vmem_shared>>
      %dma_wait3A_88 = arith.constant 0 : i32
      %dma_wait3A_89 = tpu.memref_slice %arg8[%add3A_19, %dma_wait3A_88] : memref<10000x128xf32, #tpu.memory_space<vmem_shared>> -> memref<104x128xf32, #tpu.memory_space<vmem_shared>>
      %dma_wait3A_90 = arith.constant 0 : i32
      %dma_wait3A_91 = arith.constant 0 : i32
      %dma_wait3A_92 = tpu.memref_slice %arg12[%dma_wait3A_90, %dma_wait3A_91] : memref<128x128xf32, #tpu.memory_space<vmem>> -> memref<104x128xf32, #tpu.memory_space<vmem>>
      tpu.wait_dma2 semaphore(%run_scoped3A : memref<!tpu.dma_semaphore, #tpu.memory_space<semaphore_mem>>) src(%dma_wait3A_92 : memref<104x128xf32, #tpu.memory_space<vmem>>) dst(%dma_wait3A_89 : memref<104x128xf32, #tpu.memory_space<vmem_shared>>)
      tpu.yield
    }) : () -> ()
    %eq3A = arith.constant 0 : i32
    %eq3A_20 = arith.cmpi eq, %arg1, %eq3A : i32
    %convert_element_type3A = arith.extui %eq3A_20 : i1 to i32
    %cond3A = arith.constant 0 : i32
    %cond3A_21 = arith.cmpi ne, %convert_element_type3A, %cond3A : i32
    scf.if %cond3A_21 {
      "tpu.region"() ({
        %run_scoped3A = tpu.sem_alloc : memref<!tpu.dma_semaphore, #tpu.memory_space<semaphore_mem>>
        %dma_start3A = arith.constant 0 : i32
        %dma_start3A_75 = arith.constant 0 : i32
        %dma_start3A_76 = tpu.memref_slice %arg12[%dma_start3A, %dma_start3A_75] : memref<128x128xf32, #tpu.memory_space<vmem>> -> memref<16x128xf32, #tpu.memory_space<vmem>>
        %dma_start3A_77 = arith.constant 9984 : i32
        %dma_start3A_78 = arith.constant 0 : i32
        %dma_start3A_79 = tpu.memref_slice %arg8[%dma_start3A_77, %dma_start3A_78] : memref<10000x128xf32, #tpu.memory_space<vmem_shared>> -> memref<16x128xf32, #tpu.memory_space<vmem_shared>>
        %dma_start3A_80 = arith.constant 9984 : i32
        %dma_start3A_81 = arith.constant 0 : i32
        %dma_start3A_82 = tpu.memref_slice %arg8[%dma_start3A_80, %dma_start3A_81] : memref<10000x128xf32, #tpu.memory_space<vmem_shared>> -> memref<16x128xf32, #tpu.memory_space<vmem_shared>>
        %dma_start3A_83 = arith.constant 0 : i32
        %dma_start3A_84 = arith.constant 0 : i32
        %dma_start3A_85 = tpu.memref_slice %arg12[%dma_start3A_83, %dma_start3A_84] : memref<128x128xf32, #tpu.memory_space<vmem>> -> memref<16x128xf32, #tpu.memory_space<vmem>>
        tpu.enqueue_dma source(%dma_start3A_85 : memref<16x128xf32, #tpu.memory_space<vmem>>) target(%dma_start3A_82 : memref<16x128xf32, #tpu.memory_space<vmem_shared>>) target_semaphore(%run_scoped3A : memref<!tpu.dma_semaphore, #tpu.memory_space<semaphore_mem>>)
        %dma_wait3A = arith.constant 0 : i32
        %dma_wait3A_86 = arith.constant 0 : i32
        %dma_wait3A_87 = tpu.memref_slice %arg12[%dma_wait3A, %dma_wait3A_86] : memref<128x128xf32, #tpu.memory_space<vmem>> -> memref<16x128xf32, #tpu.memory_space<vmem>>
        %dma_wait3A_88 = arith.constant 9984 : i32
        %dma_wait3A_89 = arith.constant 0 : i32
        %dma_wait3A_90 = tpu.memref_slice %arg8[%dma_wait3A_88, %dma_wait3A_89] : memref<10000x128xf32, #tpu.memory_space<vmem_shared>> -> memref<16x128xf32, #tpu.memory_space<vmem_shared>>
        %dma_wait3A_91 = arith.constant 9984 : i32
        %dma_wait3A_92 = arith.constant 0 : i32
        %dma_wait3A_93 = tpu.memref_slice %arg8[%dma_wait3A_91, %dma_wait3A_92] : memref<10000x128xf32, #tpu.memory_space<vmem_shared>> -> memref<16x128xf32, #tpu.memory_space<vmem_shared>>
        %dma_wait3A_94 = arith.constant 0 : i32
        %dma_wait3A_95 = arith.constant 0 : i32
        %dma_wait3A_96 = tpu.memref_slice %arg12[%dma_wait3A_94, %dma_wait3A_95] : memref<128x128xf32, #tpu.memory_space<vmem>> -> memref<16x128xf32, #tpu.memory_space<vmem>>
        tpu.wait_dma2 semaphore(%run_scoped3A : memref<!tpu.dma_semaphore, #tpu.memory_space<semaphore_mem>>) src(%dma_wait3A_96 : memref<16x128xf32, #tpu.memory_space<vmem>>) dst(%dma_wait3A_93 : memref<16x128xf32, #tpu.memory_space<vmem_shared>>)
        tpu.yield
      }) : () -> ()
    } else {
    }
    %barrier3A = arith.constant 0 : index
    tpu.barrier barrier_id(%barrier3A)
    %lt3A = arith.constant 4 : i32
    %lt3A_22 = arith.cmpi slt, %add3A, %lt3A : i32
    %convert_element_type3A_23 = arith.extui %lt3A_22 : i1 to i32
    %add3A_24 = arith.constant 78 : i32
    %add3A_25 = arith.addi %add3A_24, %convert_element_type3A_23 : i32
    %mul3A_26 = arith.constant 78 : i32
    %mul3A_27 = arith.muli %add3A, %mul3A_26 : i32
    %min3A = arith.constant 4 : i32
    %min3A_28 = arith.minsi %add3A, %min3A : i32
    %add3A_29 = arith.addi %mul3A_27, %min3A_28 : i32
    %while3A = arith.constant 0 : i32
    %while3A_30 = arith.constant 0 : i32
    %while3A_31 = arith.subi %add3A_25, %while3A_30 : i32
    %while3A_32 = arith.addi %while3A_30, %while3A_31 : i32
    %while3A_33 = arith.constant 1 : i32
    %while3A_34 = arith.divsi %while3A_31, %while3A_33 : i32
    %while3A_35 = arith.muli %while3A_34, %while3A_33 : i32
    %while3A_36 = arith.addi %while3A_30, %while3A_35 : i32
    %while3A_37 = arith.constant 1 : i32
    scf.for %while3A_75 = %while3A_30 to %while3A_36 step %while3A_37  : i32 {
      %add3A_76 = arith.addi %add3A_29, %while3A_75 : i32
      %mul3A_77 = arith.constant 128 : i32
      %mul3A_78 = arith.muli %add3A_76, %mul3A_77 : i32
      "tpu.region"() ({
        %run_scoped3A = tpu.sem_alloc : memref<!tpu.dma_semaphore, #tpu.memory_space<semaphore_mem>>
        %dma_start3A_95 = tpu.memref_slice %arg4[%mul3A_78] : memref<320000xi32, #tpu.memory_space<hbm>> -> memref<128xi32, #tpu.memory_space<hbm>>
        %dma_start3A_96 = tpu.memref_slice %arg4[%mul3A_78] : memref<320000xi32, #tpu.memory_space<hbm>> -> memref<128xi32, #tpu.memory_space<hbm>>
        tpu.enqueue_dma source(%dma_start3A_96 : memref<128xi32, #tpu.memory_space<hbm>>) target(%arg9 : memref<128xi32, #tpu.memory_space<vmem>>) target_semaphore(%run_scoped3A : memref<!tpu.dma_semaphore, #tpu.memory_space<semaphore_mem>>)
        %dma_wait3A_97 = tpu.memref_slice %arg4[%mul3A_78] : memref<320000xi32, #tpu.memory_space<hbm>> -> memref<128xi32, #tpu.memory_space<hbm>>
        %dma_wait3A_98 = tpu.memref_slice %arg4[%mul3A_78] : memref<320000xi32, #tpu.memory_space<hbm>> -> memref<128xi32, #tpu.memory_space<hbm>>
        tpu.wait_dma2 semaphore(%run_scoped3A : memref<!tpu.dma_semaphore, #tpu.memory_space<semaphore_mem>>) src(%dma_wait3A_98 : memref<128xi32, #tpu.memory_space<hbm>>) dst(%arg9 : memref<128xi32, #tpu.memory_space<vmem>>)
        tpu.yield
      }) : () -> ()
      "tpu.region"() ({
        %run_scoped3A = tpu.sem_alloc : memref<!tpu.dma_semaphore, #tpu.memory_space<semaphore_mem>>
        %dma_start3A_95 = tpu.memref_slice %arg6[%mul3A_78] : memref<320000xi32, #tpu.memory_space<hbm>> -> memref<128xi32, #tpu.memory_space<hbm>>
        %dma_start3A_96 = tpu.memref_slice %arg6[%mul3A_78] : memref<320000xi32, #tpu.memory_space<hbm>> -> memref<128xi32, #tpu.memory_space<hbm>>
        tpu.enqueue_dma source(%dma_start3A_96 : memref<128xi32, #tpu.memory_space<hbm>>) target(%arg10 : memref<128xi32, #tpu.memory_space<vmem>>) target_semaphore(%run_scoped3A : memref<!tpu.dma_semaphore, #tpu.memory_space<semaphore_mem>>)
        %dma_wait3A_97 = tpu.memref_slice %arg6[%mul3A_78] : memref<320000xi32, #tpu.memory_space<hbm>> -> memref<128xi32, #tpu.memory_space<hbm>>
        %dma_wait3A_98 = tpu.memref_slice %arg6[%mul3A_78] : memref<320000xi32, #tpu.memory_space<hbm>> -> memref<128xi32, #tpu.memory_space<hbm>>
        tpu.wait_dma2 semaphore(%run_scoped3A : memref<!tpu.dma_semaphore, #tpu.memory_space<semaphore_mem>>) src(%dma_wait3A_98 : memref<128xi32, #tpu.memory_space<hbm>>) dst(%arg10 : memref<128xi32, #tpu.memory_space<vmem>>)
        tpu.yield
      }) : () -> ()
      "tpu.region"() ({
        %run_scoped3A = tpu.sem_alloc : memref<!tpu.dma_semaphore, #tpu.memory_space<semaphore_mem>>
        %dma_start3A_95 = tpu.memref_slice %arg5[%mul3A_78] : memref<320000xi32, #tpu.memory_space<hbm>> -> memref<128xi32, #tpu.memory_space<hbm>>
        %dma_start3A_96 = tpu.memref_slice %arg5[%mul3A_78] : memref<320000xi32, #tpu.memory_space<hbm>> -> memref<128xi32, #tpu.memory_space<hbm>>
        tpu.enqueue_dma source(%dma_start3A_96 : memref<128xi32, #tpu.memory_space<hbm>>) target(%arg11 : memref<128xi32, #tpu.memory_space<vmem>>) target_semaphore(%run_scoped3A : memref<!tpu.dma_semaphore, #tpu.memory_space<semaphore_mem>>)
        %dma_wait3A_97 = tpu.memref_slice %arg5[%mul3A_78] : memref<320000xi32, #tpu.memory_space<hbm>> -> memref<128xi32, #tpu.memory_space<hbm>>
        %dma_wait3A_98 = tpu.memref_slice %arg5[%mul3A_78] : memref<320000xi32, #tpu.memory_space<hbm>> -> memref<128xi32, #tpu.memory_space<hbm>>
        tpu.wait_dma2 semaphore(%run_scoped3A : memref<!tpu.dma_semaphore, #tpu.memory_space<semaphore_mem>>) src(%dma_wait3A_98 : memref<128xi32, #tpu.memory_space<hbm>>) dst(%arg11 : memref<128xi32, #tpu.memory_space<vmem>>)
        tpu.yield
      }) : () -> ()
      %dma_start3A = arith.constant 0 : i32
      %dma_start3A_79 = arith.constant 0 : i32
      %dma_start3A_80 = tpu.memref_slice %arg2[%dma_start3A, %dma_start3A_79] : memref<10000x128xf32, #tpu.memory_space<hbm>> -> memref<10000x128xf32, #tpu.memory_space<hbm>>
      tpu.enqueue_indirect_dma source(%dma_start3A_80 : memref<10000x128xf32, #tpu.memory_space<hbm>>) target(%arg12 : memref<128x128xf32, #tpu.memory_space<vmem>>) offsets(%arg9 : memref<128xi32, #tpu.memory_space<vmem>>) semaphore(%arg14 : memref<!tpu.dma_semaphore, #tpu.memory_space<semaphore_mem>>)
      %dma_start3A_81 = arith.constant 0 : i32
      %dma_start3A_82 = arith.constant 0 : i32
      %dma_start3A_83 = tpu.memref_slice %arg3[%dma_start3A_81, %dma_start3A_82] : memref<4096x128xf32, #tpu.memory_space<hbm>> -> memref<4096x128xf32, #tpu.memory_space<hbm>>
      tpu.enqueue_indirect_dma source(%dma_start3A_83 : memref<4096x128xf32, #tpu.memory_space<hbm>>) target(%arg13 : memref<128x128xf32, #tpu.memory_space<vmem>>) offsets(%arg10 : memref<128xi32, #tpu.memory_space<vmem>>) semaphore(%arg15 : memref<!tpu.dma_semaphore, #tpu.memory_space<semaphore_mem>>)
      %dma_wait3A = arith.constant 0 : i32
      %dma_wait3A_84 = arith.constant 0 : i32
      %dma_wait3A_85 = tpu.memref_slice %arg2[%dma_wait3A, %dma_wait3A_84] : memref<10000x128xf32, #tpu.memory_space<hbm>> -> memref<10000x128xf32, #tpu.memory_space<hbm>>
      tpu.wait_indirect_dma semaphore(%arg14 : memref<!tpu.dma_semaphore, #tpu.memory_space<semaphore_mem>>) src(%dma_wait3A_85 : memref<10000x128xf32, #tpu.memory_space<hbm>>) dst(%arg12 : memref<128x128xf32, #tpu.memory_space<vmem>>)
      %dma_wait3A_86 = arith.constant 0 : i32
      %dma_wait3A_87 = arith.constant 0 : i32
      %dma_wait3A_88 = tpu.memref_slice %arg3[%dma_wait3A_86, %dma_wait3A_87] : memref<4096x128xf32, #tpu.memory_space<hbm>> -> memref<4096x128xf32, #tpu.memory_space<hbm>>
      tpu.wait_indirect_dma semaphore(%arg15 : memref<!tpu.dma_semaphore, #tpu.memory_space<semaphore_mem>>) src(%dma_wait3A_88 : memref<4096x128xf32, #tpu.memory_space<hbm>>) dst(%arg13 : memref<128x128xf32, #tpu.memory_space<vmem>>)
      %scan3A_89 = arith.constant 0 : i32
      %scan3A_90 = arith.constant 0 : i32
      %scan3A_91 = arith.constant 128 : i32
      %scan3A_92 = arith.addi %scan3A_90, %scan3A_91 : i32
      %scan3A_93 = arith.constant 1 : i32
      scf.for %scan3A_95 = %scan3A_90 to %scan3A_92 step %scan3A_93  : i32 {
        %get3A = arith.index_cast %scan3A_95 : i32 to index
        %get3A_96 = arith.constant 0 : index
        %get3A_97 = tpu.vector_load %arg12[%get3A, %get3A_96] {strides = array<i32>} : memref<128x128xf32, #tpu.memory_space<vmem>>, vector<1x16xf32>,
        %get3A_98 = vector.shape_cast %get3A_97 : vector<1x16xf32> to vector<16xf32>
        %get3A_99 = arith.index_cast %scan3A_95 : i32 to index
        %get3A_100 = arith.constant 0 : index
        %get3A_101 = tpu.vector_load %arg13[%get3A_99, %get3A_100] {strides = array<i32>} : memref<128x128xf32, #tpu.memory_space<vmem>>, vector<1x16xf32>,
        %get3A_102 = vector.shape_cast %get3A_101 : vector<1x16xf32> to vector<16xf32>
        %add3A_103 = arith.addf %get3A_98, %get3A_102 : vector<16xf32>
        %max3A = arith.constant 0.000000e+00 : f32
        %max3A_104 = vector.broadcast %max3A : f32 to vector<16xf32>
        %max3A_105 = arith.maximumf %add3A_103, %max3A_104 : vector<16xf32>
        %swap3A = arith.index_cast %scan3A_95 : i32 to index
        %swap3A_106 = arith.constant 0 : index
        %swap3A_107 = tpu.vector_load %arg12[%swap3A, %swap3A_106] {strides = array<i32>} : memref<128x128xf32, #tpu.memory_space<vmem>>, vector<1x16xf32>,
        %swap3A_108 = vector.shape_cast %swap3A_107 : vector<1x16xf32> to vector<16xf32>
        %swap3A_109 = vector.shape_cast %max3A_105 : vector<16xf32> to vector<1x16xf32>
        tpu.vector_store %arg12[%swap3A, %swap3A_106], %swap3A_109 {strides = array<i32>} : memref<128x128xf32, #tpu.memory_space<vmem>>, vector<1x16xf32>,
        %get3A_110 = arith.index_cast %scan3A_95 : i32 to index
        %get3A_111 = arith.constant 16 : index
        %get3A_112 = tpu.vector_load %arg12[%get3A_110, %get3A_111] {strides = array<i32>} : memref<128x128xf32, #tpu.memory_space<vmem>>, vector<1x16xf32>,
        %get3A_113 = vector.shape_cast %get3A_112 : vector<1x16xf32> to vector<16xf32>
        %get3A_114 = arith.index_cast %scan3A_95 : i32 to index
        %get3A_115 = arith.constant 16 : index
        %get3A_116 = tpu.vector_load %arg13[%get3A_114, %get3A_115] {strides = array<i32>} : memref<128x128xf32, #tpu.memory_space<vmem>>, vector<1x16xf32>,
        %get3A_117 = vector.shape_cast %get3A_116 : vector<1x16xf32> to vector<16xf32>
        %add3A_118 = arith.addf %get3A_113, %get3A_117 : vector<16xf32>
        %max3A_119 = arith.constant 0.000000e+00 : f32
        %max3A_120 = vector.broadcast %max3A_119 : f32 to vector<16xf32>
        %max3A_121 = arith.maximumf %add3A_118, %max3A_120 : vector<16xf32>
        %swap3A_122 = arith.index_cast %scan3A_95 : i32 to index
        %swap3A_123 = arith.constant 16 : index
        %swap3A_124 = tpu.vector_load %arg12[%swap3A_122, %swap3A_123] {strides = array<i32>} : memref<128x128xf32, #tpu.memory_space<vmem>>, vector<1x16xf32>,
        %swap3A_125 = vector.shape_cast %swap3A_124 : vector<1x16xf32> to vector<16xf32>
        %swap3A_126 = vector.shape_cast %max3A_121 : vector<16xf32> to vector<1x16xf32>
        tpu.vector_store %arg12[%swap3A_122, %swap3A_123], %swap3A_126 {strides = array<i32>} : memref<128x128xf32, #tpu.memory_space<vmem>>, vector<1x16xf32>,
        %get3A_127 = arith.index_cast %scan3A_95 : i32 to index
        %get3A_128 = arith.constant 32 : index
        %get3A_129 = tpu.vector_load %arg12[%get3A_127, %get3A_128] {strides = array<i32>} : memref<128x128xf32, #tpu.memory_space<vmem>>, vector<1x16xf32>,
        %get3A_130 = vector.shape_cast %get3A_129 : vector<1x16xf32> to vector<16xf32>
        %get3A_131 = arith.index_cast %scan3A_95 : i32 to index
        %get3A_132 = arith.constant 32 : index
        %get3A_133 = tpu.vector_load %arg13[%get3A_131, %get3A_132] {strides = array<i32>} : memref<128x128xf32, #tpu.memory_space<vmem>>, vector<1x16xf32>,
        %get3A_134 = vector.shape_cast %get3A_133 : vector<1x16xf32> to vector<16xf32>
        %add3A_135 = arith.addf %get3A_130, %get3A_134 : vector<16xf32>
        %max3A_136 = arith.constant 0.000000e+00 : f32
        %max3A_137 = vector.broadcast %max3A_136 : f32 to vector<16xf32>
        %max3A_138 = arith.maximumf %add3A_135, %max3A_137 : vector<16xf32>
        %swap3A_139 = arith.index_cast %scan3A_95 : i32 to index
        %swap3A_140 = arith.constant 32 : index
        %swap3A_141 = tpu.vector_load %arg12[%swap3A_139, %swap3A_140] {strides = array<i32>} : memref<128x128xf32, #tpu.memory_space<vmem>>, vector<1x16xf32>,
        %swap3A_142 = vector.shape_cast %swap3A_141 : vector<1x16xf32> to vector<16xf32>
        %swap3A_143 = vector.shape_cast %max3A_138 : vector<16xf32> to vector<1x16xf32>
        tpu.vector_store %arg12[%swap3A_139, %swap3A_140], %swap3A_143 {strides = array<i32>} : memref<128x128xf32, #tpu.memory_space<vmem>>, vector<1x16xf32>,
        %get3A_144 = arith.index_cast %scan3A_95 : i32 to index
        %get3A_145 = arith.constant 48 : index
        %get3A_146 = tpu.vector_load %arg12[%get3A_144, %get3A_145] {strides = array<i32>} : memref<128x128xf32, #tpu.memory_space<vmem>>, vector<1x16xf32>,
        %get3A_147 = vector.shape_cast %get3A_146 : vector<1x16xf32> to vector<16xf32>
        %get3A_148 = arith.index_cast %scan3A_95 : i32 to index
        %get3A_149 = arith.constant 48 : index
        %get3A_150 = tpu.vector_load %arg13[%get3A_148, %get3A_149] {strides = array<i32>} : memref<128x128xf32, #tpu.memory_space<vmem>>, vector<1x16xf32>,
        %get3A_151 = vector.shape_cast %get3A_150 : vector<1x16xf32> to vector<16xf32>
        %add3A_152 = arith.addf %get3A_147, %get3A_151 : vector<16xf32>
        %max3A_153 = arith.constant 0.000000e+00 : f32
        %max3A_154 = vector.broadcast %max3A_153 : f32 to vector<16xf32>
        %max3A_155 = arith.maximumf %add3A_152, %max3A_154 : vector<16xf32>
        %swap3A_156 = arith.index_cast %scan3A_95 : i32 to index
        %swap3A_157 = arith.constant 48 : index
        %swap3A_158 = tpu.vector_load %arg12[%swap3A_156, %swap3A_157] {strides = array<i32>} : memref<128x128xf32, #tpu.memory_space<vmem>>, vector<1x16xf32>,
        %swap3A_159 = vector.shape_cast %swap3A_158 : vector<1x16xf32> to vector<16xf32>
        %swap3A_160 = vector.shape_cast %max3A_155 : vector<16xf32> to vector<1x16xf32>
        tpu.vector_store %arg12[%swap3A_156, %swap3A_157], %swap3A_160 {strides = array<i32>} : memref<128x128xf32, #tpu.memory_space<vmem>>, vector<1x16xf32>,
        %get3A_161 = arith.index_cast %scan3A_95 : i32 to index
        %get3A_162 = arith.constant 64 : index
        %get3A_163 = tpu.vector_load %arg12[%get3A_161, %get3A_162] {strides = array<i32>} : memref<128x128xf32, #tpu.memory_space<vmem>>, vector<1x16xf32>,
        %get3A_164 = vector.shape_cast %get3A_163 : vector<1x16xf32> to vector<16xf32>
        %get3A_165 = arith.index_cast %scan3A_95 : i32 to index
        %get3A_166 = arith.constant 64 : index
        %get3A_167 = tpu.vector_load %arg13[%get3A_165, %get3A_166] {strides = array<i32>} : memref<128x128xf32, #tpu.memory_space<vmem>>, vector<1x16xf32>,
        %get3A_168 = vector.shape_cast %get3A_167 : vector<1x16xf32> to vector<16xf32>
        %add3A_169 = arith.addf %get3A_164, %get3A_168 : vector<16xf32>
        %max3A_170 = arith.constant 0.000000e+00 : f32
        %max3A_171 = vector.broadcast %max3A_170 : f32 to vector<16xf32>
        %max3A_172 = arith.maximumf %add3A_169, %max3A_171 : vector<16xf32>
        %swap3A_173 = arith.index_cast %scan3A_95 : i32 to index
        %swap3A_174 = arith.constant 64 : index
        %swap3A_175 = tpu.vector_load %arg12[%swap3A_173, %swap3A_174] {strides = array<i32>} : memref<128x128xf32, #tpu.memory_space<vmem>>, vector<1x16xf32>,
        %swap3A_176 = vector.shape_cast %swap3A_175 : vector<1x16xf32> to vector<16xf32>
        %swap3A_177 = vector.shape_cast %max3A_172 : vector<16xf32> to vector<1x16xf32>
        tpu.vector_store %arg12[%swap3A_173, %swap3A_174], %swap3A_177 {strides = array<i32>} : memref<128x128xf32, #tpu.memory_space<vmem>>, vector<1x16xf32>,
        %get3A_178 = arith.index_cast %scan3A_95 : i32 to index
        %get3A_179 = arith.constant 80 : index
        %get3A_180 = tpu.vector_load %arg12[%get3A_178, %get3A_179] {strides = array<i32>} : memref<128x128xf32, #tpu.memory_space<vmem>>, vector<1x16xf32>,
        %get3A_181 = vector.shape_cast %get3A_180 : vector<1x16xf32> to vector<16xf32>
        %get3A_182 = arith.index_cast %scan3A_95 : i32 to index
        %get3A_183 = arith.constant 80 : index
        %get3A_184 = tpu.vector_load %arg13[%get3A_182, %get3A_183] {strides = array<i32>} : memref<128x128xf32, #tpu.memory_space<vmem>>, vector<1x16xf32>,
        %get3A_185 = vector.shape_cast %get3A_184 : vector<1x16xf32> to vector<16xf32>
        %add3A_186 = arith.addf %get3A_181, %get3A_185 : vector<16xf32>
        %max3A_187 = arith.constant 0.000000e+00 : f32
        %max3A_188 = vector.broadcast %max3A_187 : f32 to vector<16xf32>
        %max3A_189 = arith.maximumf %add3A_186, %max3A_188 : vector<16xf32>
        %swap3A_190 = arith.index_cast %scan3A_95 : i32 to index
        %swap3A_191 = arith.constant 80 : index
        %swap3A_192 = tpu.vector_load %arg12[%swap3A_190, %swap3A_191] {strides = array<i32>} : memref<128x128xf32, #tpu.memory_space<vmem>>, vector<1x16xf32>,
        %swap3A_193 = vector.shape_cast %swap3A_192 : vector<1x16xf32> to vector<16xf32>
        %swap3A_194 = vector.shape_cast %max3A_189 : vector<16xf32> to vector<1x16xf32>
        tpu.vector_store %arg12[%swap3A_190, %swap3A_191], %swap3A_194 {strides = array<i32>} : memref<128x128xf32, #tpu.memory_space<vmem>>, vector<1x16xf32>,
        %get3A_195 = arith.index_cast %scan3A_95 : i32 to index
        %get3A_196 = arith.constant 96 : index
        %get3A_197 = tpu.vector_load %arg12[%get3A_195, %get3A_196] {strides = array<i32>} : memref<128x128xf32, #tpu.memory_space<vmem>>, vector<1x16xf32>,
        %get3A_198 = vector.shape_cast %get3A_197 : vector<1x16xf32> to vector<16xf32>
        %get3A_199 = arith.index_cast %scan3A_95 : i32 to index
        %get3A_200 = arith.constant 96 : index
        %get3A_201 = tpu.vector_load %arg13[%get3A_199, %get3A_200] {strides = array<i32>} : memref<128x128xf32, #tpu.memory_space<vmem>>, vector<1x16xf32>,
        %get3A_202 = vector.shape_cast %get3A_201 : vector<1x16xf32> to vector<16xf32>
        %add3A_203 = arith.addf %get3A_198, %get3A_202 : vector<16xf32>
        %max3A_204 = arith.constant 0.000000e+00 : f32
        %max3A_205 = vector.broadcast %max3A_204 : f32 to vector<16xf32>
        %max3A_206 = arith.maximumf %add3A_203, %max3A_205 : vector<16xf32>
        %swap3A_207 = arith.index_cast %scan3A_95 : i32 to index
        %swap3A_208 = arith.constant 96 : index
        %swap3A_209 = tpu.vector_load %arg12[%swap3A_207, %swap3A_208] {strides = array<i32>} : memref<128x128xf32, #tpu.memory_space<vmem>>, vector<1x16xf32>,
        %swap3A_210 = vector.shape_cast %swap3A_209 : vector<1x16xf32> to vector<16xf32>
        %swap3A_211 = vector.shape_cast %max3A_206 : vector<16xf32> to vector<1x16xf32>
        tpu.vector_store %arg12[%swap3A_207, %swap3A_208], %swap3A_211 {strides = array<i32>} : memref<128x128xf32, #tpu.memory_space<vmem>>, vector<1x16xf32>,
        %get3A_212 = arith.index_cast %scan3A_95 : i32 to index
        %get3A_213 = arith.constant 112 : index
        %get3A_214 = tpu.vector_load %arg12[%get3A_212, %get3A_213] {strides = array<i32>} : memref<128x128xf32, #tpu.memory_space<vmem>>, vector<1x16xf32>,
        %get3A_215 = vector.shape_cast %get3A_214 : vector<1x16xf32> to vector<16xf32>
        %get3A_216 = arith.index_cast %scan3A_95 : i32 to index
        %get3A_217 = arith.constant 112 : index
        %get3A_218 = tpu.vector_load %arg13[%get3A_216, %get3A_217] {strides = array<i32>} : memref<128x128xf32, #tpu.memory_space<vmem>>, vector<1x16xf32>,
        %get3A_219 = vector.shape_cast %get3A_218 : vector<1x16xf32> to vector<16xf32>
        %add3A_220 = arith.addf %get3A_215, %get3A_219 : vector<16xf32>
        %max3A_221 = arith.constant 0.000000e+00 : f32
        %max3A_222 = vector.broadcast %max3A_221 : f32 to vector<16xf32>
        %max3A_223 = arith.maximumf %add3A_220, %max3A_222 : vector<16xf32>
        %swap3A_224 = arith.index_cast %scan3A_95 : i32 to index
        %swap3A_225 = arith.constant 112 : index
        %swap3A_226 = tpu.vector_load %arg12[%swap3A_224, %swap3A_225] {strides = array<i32>} : memref<128x128xf32, #tpu.memory_space<vmem>>, vector<1x16xf32>,
        %swap3A_227 = vector.shape_cast %swap3A_226 : vector<1x16xf32> to vector<16xf32>
        %swap3A_228 = vector.shape_cast %max3A_223 : vector<16xf32> to vector<1x16xf32>
        tpu.vector_store %arg12[%swap3A_224, %swap3A_225], %swap3A_228 {strides = array<i32>} : memref<128x128xf32, #tpu.memory_space<vmem>>, vector<1x16xf32>,
      }
      %scan3A_94 = arith.constant 128 : i32
      "tpu.region"() ({
        %run_scoped3A = tpu.sem_alloc : memref<!tpu.dma_semaphore, #tpu.memory_space<semaphore_mem>>
        %dma_start3A_95 = arith.constant 0 : i32
        %dma_start3A_96 = arith.constant 0 : i32
        %dma_start3A_97 = tpu.memref_slice %arg8[%dma_start3A_95, %dma_start3A_96] : memref<10000x128xf32, #tpu.memory_space<vmem_shared>> -> memref<10000x128xf32, #tpu.memory_space<vmem_shared>>
        tpu.enqueue_indirect_dma source(%arg12 : memref<128x128xf32, #tpu.memory_space<vmem>>) target(%dma_start3A_97 : memref<10000x128xf32, #tpu.memory_space<vmem_shared>>) offsets(%arg11 : memref<128xi32, #tpu.memory_space<vmem>>) semaphore(%run_scoped3A : memref<!tpu.dma_semaphore, #tpu.memory_space<semaphore_mem>>) {add = true}
        %dma_wait3A_98 = arith.constant 0 : i32
        %dma_wait3A_99 = arith.constant 0 : i32
        %dma_wait3A_100 = tpu.memref_slice %arg8[%dma_wait3A_98, %dma_wait3A_99] : memref<10000x128xf32, #tpu.memory_space<vmem_shared>> -> memref<10000x128xf32, #tpu.memory_space<vmem_shared>>
        tpu.wait_indirect_dma semaphore(%run_scoped3A : memref<!tpu.dma_semaphore, #tpu.memory_space<semaphore_mem>>) src(%arg12 : memref<128x128xf32, #tpu.memory_space<vmem>>) dst(%dma_wait3A_100 : memref<10000x128xf32, #tpu.memory_space<vmem_shared>>)
        tpu.yield
      }) : () -> ()
    }
    %while3A_38 = arith.constant 1 : i32
    scf.for %while3A_75 = %while3A_36 to %while3A_32 step %while3A_38  : i32 {
      %add3A_76 = arith.addi %add3A_29, %while3A_75 : i32
      %mul3A_77 = arith.constant 128 : i32
      %mul3A_78 = arith.muli %add3A_76, %mul3A_77 : i32
      "tpu.region"() ({
        %run_scoped3A = tpu.sem_alloc : memref<!tpu.dma_semaphore, #tpu.memory_space<semaphore_mem>>
        %dma_start3A_95 = tpu.memref_slice %arg4[%mul3A_78] : memref<320000xi32, #tpu.memory_space<hbm>> -> memref<128xi32, #tpu.memory_space<hbm>>
        %dma_start3A_96 = tpu.memref_slice %arg4[%mul3A_78] : memref<320000xi32, #tpu.memory_space<hbm>> -> memref<128xi32, #tpu.memory_space<hbm>>
        tpu.enqueue_dma source(%dma_start3A_96 : memref<128xi32, #tpu.memory_space<hbm>>) target(%arg9 : memref<128xi32, #tpu.memory_space<vmem>>) target_semaphore(%run_scoped3A : memref<!tpu.dma_semaphore, #tpu.memory_space<semaphore_mem>>)
        %dma_wait3A_97 = tpu.memref_slice %arg4[%mul3A_78] : memref<320000xi32, #tpu.memory_space<hbm>> -> memref<128xi32, #tpu.memory_space<hbm>>
        %dma_wait3A_98 = tpu.memref_slice %arg4[%mul3A_78] : memref<320000xi32, #tpu.memory_space<hbm>> -> memref<128xi32, #tpu.memory_space<hbm>>
        tpu.wait_dma2 semaphore(%run_scoped3A : memref<!tpu.dma_semaphore, #tpu.memory_space<semaphore_mem>>) src(%dma_wait3A_98 : memref<128xi32, #tpu.memory_space<hbm>>) dst(%arg9 : memref<128xi32, #tpu.memory_space<vmem>>)
        tpu.yield
      }) : () -> ()
      "tpu.region"() ({
        %run_scoped3A = tpu.sem_alloc : memref<!tpu.dma_semaphore, #tpu.memory_space<semaphore_mem>>
        %dma_start3A_95 = tpu.memref_slice %arg6[%mul3A_78] : memref<320000xi32, #tpu.memory_space<hbm>> -> memref<128xi32, #tpu.memory_space<hbm>>
        %dma_start3A_96 = tpu.memref_slice %arg6[%mul3A_78] : memref<320000xi32, #tpu.memory_space<hbm>> -> memref<128xi32, #tpu.memory_space<hbm>>
        tpu.enqueue_dma source(%dma_start3A_96 : memref<128xi32, #tpu.memory_space<hbm>>) target(%arg10 : memref<128xi32, #tpu.memory_space<vmem>>) target_semaphore(%run_scoped3A : memref<!tpu.dma_semaphore, #tpu.memory_space<semaphore_mem>>)
        %dma_wait3A_97 = tpu.memref_slice %arg6[%mul3A_78] : memref<320000xi32, #tpu.memory_space<hbm>> -> memref<128xi32, #tpu.memory_space<hbm>>
        %dma_wait3A_98 = tpu.memref_slice %arg6[%mul3A_78] : memref<320000xi32, #tpu.memory_space<hbm>> -> memref<128xi32, #tpu.memory_space<hbm>>
        tpu.wait_dma2 semaphore(%run_scoped3A : memref<!tpu.dma_semaphore, #tpu.memory_space<semaphore_mem>>) src(%dma_wait3A_98 : memref<128xi32, #tpu.memory_space<hbm>>) dst(%arg10 : memref<128xi32, #tpu.memory_space<vmem>>)
        tpu.yield
      }) : () -> ()
      "tpu.region"() ({
        %run_scoped3A = tpu.sem_alloc : memref<!tpu.dma_semaphore, #tpu.memory_space<semaphore_mem>>
        %dma_start3A_95 = tpu.memref_slice %arg5[%mul3A_78] : memref<320000xi32, #tpu.memory_space<hbm>> -> memref<128xi32, #tpu.memory_space<hbm>>
        %dma_start3A_96 = tpu.memref_slice %arg5[%mul3A_78] : memref<320000xi32, #tpu.memory_space<hbm>> -> memref<128xi32, #tpu.memory_space<hbm>>
        tpu.enqueue_dma source(%dma_start3A_96 : memref<128xi32, #tpu.memory_space<hbm>>) target(%arg11 : memref<128xi32, #tpu.memory_space<vmem>>) target_semaphore(%run_scoped3A : memref<!tpu.dma_semaphore, #tpu.memory_space<semaphore_mem>>)
        %dma_wait3A_97 = tpu.memref_slice %arg5[%mul3A_78] : memref<320000xi32, #tpu.memory_space<hbm>> -> memref<128xi32, #tpu.memory_space<hbm>>
        %dma_wait3A_98 = tpu.memref_slice %arg5[%mul3A_78] : memref<320000xi32, #tpu.memory_space<hbm>> -> memref<128xi32, #tpu.memory_space<hbm>>
        tpu.wait_dma2 semaphore(%run_scoped3A : memref<!tpu.dma_semaphore, #tpu.memory_space<semaphore_mem>>) src(%dma_wait3A_98 : memref<128xi32, #tpu.memory_space<hbm>>) dst(%arg11 : memref<128xi32, #tpu.memory_space<vmem>>)
        tpu.yield
      }) : () -> ()
      %dma_start3A = arith.constant 0 : i32
      %dma_start3A_79 = arith.constant 0 : i32
      %dma_start3A_80 = tpu.memref_slice %arg2[%dma_start3A, %dma_start3A_79] : memref<10000x128xf32, #tpu.memory_space<hbm>> -> memref<10000x128xf32, #tpu.memory_space<hbm>>
      tpu.enqueue_indirect_dma source(%dma_start3A_80 : memref<10000x128xf32, #tpu.memory_space<hbm>>) target(%arg12 : memref<128x128xf32, #tpu.memory_space<vmem>>) offsets(%arg9 : memref<128xi32, #tpu.memory_space<vmem>>) semaphore(%arg14 : memref<!tpu.dma_semaphore, #tpu.memory_space<semaphore_mem>>)
      %dma_start3A_81 = arith.constant 0 : i32
      %dma_start3A_82 = arith.constant 0 : i32
      %dma_start3A_83 = tpu.memref_slice %arg3[%dma_start3A_81, %dma_start3A_82] : memref<4096x128xf32, #tpu.memory_space<hbm>> -> memref<4096x128xf32, #tpu.memory_space<hbm>>
      tpu.enqueue_indirect_dma source(%dma_start3A_83 : memref<4096x128xf32, #tpu.memory_space<hbm>>) target(%arg13 : memref<128x128xf32, #tpu.memory_space<vmem>>) offsets(%arg10 : memref<128xi32, #tpu.memory_space<vmem>>) semaphore(%arg15 : memref<!tpu.dma_semaphore, #tpu.memory_space<semaphore_mem>>)
      %dma_wait3A = arith.constant 0 : i32
      %dma_wait3A_84 = arith.constant 0 : i32
      %dma_wait3A_85 = tpu.memref_slice %arg2[%dma_wait3A, %dma_wait3A_84] : memref<10000x128xf32, #tpu.memory_space<hbm>> -> memref<10000x128xf32, #tpu.memory_space<hbm>>
      tpu.wait_indirect_dma semaphore(%arg14 : memref<!tpu.dma_semaphore, #tpu.memory_space<semaphore_mem>>) src(%dma_wait3A_85 : memref<10000x128xf32, #tpu.memory_space<hbm>>) dst(%arg12 : memref<128x128xf32, #tpu.memory_space<vmem>>)
      %dma_wait3A_86 = arith.constant 0 : i32
      %dma_wait3A_87 = arith.constant 0 : i32
      %dma_wait3A_88 = tpu.memref_slice %arg3[%dma_wait3A_86, %dma_wait3A_87] : memref<4096x128xf32, #tpu.memory_space<hbm>> -> memref<4096x128xf32, #tpu.memory_space<hbm>>
      tpu.wait_indirect_dma semaphore(%arg15 : memref<!tpu.dma_semaphore, #tpu.memory_space<semaphore_mem>>) src(%dma_wait3A_88 : memref<4096x128xf32, #tpu.memory_space<hbm>>) dst(%arg13 : memref<128x128xf32, #tpu.memory_space<vmem>>)
      %scan3A_89 = arith.constant 0 : i32
      %scan3A_90 = arith.constant 0 : i32
      %scan3A_91 = arith.constant 128 : i32
      %scan3A_92 = arith.addi %scan3A_90, %scan3A_91 : i32
      %scan3A_93 = arith.constant 1 : i32
      scf.for %scan3A_95 = %scan3A_90 to %scan3A_92 step %scan3A_93  : i32 {
        %get3A = arith.index_cast %scan3A_95 : i32 to index
        %get3A_96 = arith.constant 0 : index
        %get3A_97 = tpu.vector_load %arg12[%get3A, %get3A_96] {strides = array<i32>} : memref<128x128xf32, #tpu.memory_space<vmem>>, vector<1x16xf32>,
        %get3A_98 = vector.shape_cast %get3A_97 : vector<1x16xf32> to vector<16xf32>
        %get3A_99 = arith.index_cast %scan3A_95 : i32 to index
        %get3A_100 = arith.constant 0 : index
        %get3A_101 = tpu.vector_load %arg13[%get3A_99, %get3A_100] {strides = array<i32>} : memref<128x128xf32, #tpu.memory_space<vmem>>, vector<1x16xf32>,
        %get3A_102 = vector.shape_cast %get3A_101 : vector<1x16xf32> to vector<16xf32>
        %add3A_103 = arith.addf %get3A_98, %get3A_102 : vector<16xf32>
        %max3A = arith.constant 0.000000e+00 : f32
        %max3A_104 = vector.broadcast %max3A : f32 to vector<16xf32>
        %max3A_105 = arith.maximumf %add3A_103, %max3A_104 : vector<16xf32>
        %swap3A = arith.index_cast %scan3A_95 : i32 to index
        %swap3A_106 = arith.constant 0 : index
        %swap3A_107 = tpu.vector_load %arg12[%swap3A, %swap3A_106] {strides = array<i32>} : memref<128x128xf32, #tpu.memory_space<vmem>>, vector<1x16xf32>,
        %swap3A_108 = vector.shape_cast %swap3A_107 : vector<1x16xf32> to vector<16xf32>
        %swap3A_109 = vector.shape_cast %max3A_105 : vector<16xf32> to vector<1x16xf32>
        tpu.vector_store %arg12[%swap3A, %swap3A_106], %swap3A_109 {strides = array<i32>} : memref<128x128xf32, #tpu.memory_space<vmem>>, vector<1x16xf32>,
        %get3A_110 = arith.index_cast %scan3A_95 : i32 to index
        %get3A_111 = arith.constant 16 : index
        %get3A_112 = tpu.vector_load %arg12[%get3A_110, %get3A_111] {strides = array<i32>} : memref<128x128xf32, #tpu.memory_space<vmem>>, vector<1x16xf32>,
        %get3A_113 = vector.shape_cast %get3A_112 : vector<1x16xf32> to vector<16xf32>
        %get3A_114 = arith.index_cast %scan3A_95 : i32 to index
        %get3A_115 = arith.constant 16 : index
        %get3A_116 = tpu.vector_load %arg13[%get3A_114, %get3A_115] {strides = array<i32>} : memref<128x128xf32, #tpu.memory_space<vmem>>, vector<1x16xf32>,
        %get3A_117 = vector.shape_cast %get3A_116 : vector<1x16xf32> to vector<16xf32>
        %add3A_118 = arith.addf %get3A_113, %get3A_117 : vector<16xf32>
        %max3A_119 = arith.constant 0.000000e+00 : f32
        %max3A_120 = vector.broadcast %max3A_119 : f32 to vector<16xf32>
        %max3A_121 = arith.maximumf %add3A_118, %max3A_120 : vector<16xf32>
        %swap3A_122 = arith.index_cast %scan3A_95 : i32 to index
        %swap3A_123 = arith.constant 16 : index
        %swap3A_124 = tpu.vector_load %arg12[%swap3A_122, %swap3A_123] {strides = array<i32>} : memref<128x128xf32, #tpu.memory_space<vmem>>, vector<1x16xf32>,
        %swap3A_125 = vector.shape_cast %swap3A_124 : vector<1x16xf32> to vector<16xf32>
        %swap3A_126 = vector.shape_cast %max3A_121 : vector<16xf32> to vector<1x16xf32>
        tpu.vector_store %arg12[%swap3A_122, %swap3A_123], %swap3A_126 {strides = array<i32>} : memref<128x128xf32, #tpu.memory_space<vmem>>, vector<1x16xf32>,
        %get3A_127 = arith.index_cast %scan3A_95 : i32 to index
        %get3A_128 = arith.constant 32 : index
        %get3A_129 = tpu.vector_load %arg12[%get3A_127, %get3A_128] {strides = array<i32>} : memref<128x128xf32, #tpu.memory_space<vmem>>, vector<1x16xf32>,
        %get3A_130 = vector.shape_cast %get3A_129 : vector<1x16xf32> to vector<16xf32>
        %get3A_131 = arith.index_cast %scan3A_95 : i32 to index
        %get3A_132 = arith.constant 32 : index
        %get3A_133 = tpu.vector_load %arg13[%get3A_131, %get3A_132] {strides = array<i32>} : memref<128x128xf32, #tpu.memory_space<vmem>>, vector<1x16xf32>,
        %get3A_134 = vector.shape_cast %get3A_133 : vector<1x16xf32> to vector<16xf32>
        %add3A_135 = arith.addf %get3A_130, %get3A_134 : vector<16xf32>
        %max3A_136 = arith.constant 0.000000e+00 : f32
        %max3A_137 = vector.broadcast %max3A_136 : f32 to vector<16xf32>
        %max3A_138 = arith.maximumf %add3A_135, %max3A_137 : vector<16xf32>
        %swap3A_139 = arith.index_cast %scan3A_95 : i32 to index
        %swap3A_140 = arith.constant 32 : index
        %swap3A_141 = tpu.vector_load %arg12[%swap3A_139, %swap3A_140] {strides = array<i32>} : memref<128x128xf32, #tpu.memory_space<vmem>>, vector<1x16xf32>,
        %swap3A_142 = vector.shape_cast %swap3A_141 : vector<1x16xf32> to vector<16xf32>
        %swap3A_143 = vector.shape_cast %max3A_138 : vector<16xf32> to vector<1x16xf32>
        tpu.vector_store %arg12[%swap3A_139, %swap3A_140], %swap3A_143 {strides = array<i32>} : memref<128x128xf32, #tpu.memory_space<vmem>>, vector<1x16xf32>,
        %get3A_144 = arith.index_cast %scan3A_95 : i32 to index
        %get3A_145 = arith.constant 48 : index
        %get3A_146 = tpu.vector_load %arg12[%get3A_144, %get3A_145] {strides = array<i32>} : memref<128x128xf32, #tpu.memory_space<vmem>>, vector<1x16xf32>,
        %get3A_147 = vector.shape_cast %get3A_146 : vector<1x16xf32> to vector<16xf32>
        %get3A_148 = arith.index_cast %scan3A_95 : i32 to index
        %get3A_149 = arith.constant 48 : index
        %get3A_150 = tpu.vector_load %arg13[%get3A_148, %get3A_149] {strides = array<i32>} : memref<128x128xf32, #tpu.memory_space<vmem>>, vector<1x16xf32>,
        %get3A_151 = vector.shape_cast %get3A_150 : vector<1x16xf32> to vector<16xf32>
        %add3A_152 = arith.addf %get3A_147, %get3A_151 : vector<16xf32>
        %max3A_153 = arith.constant 0.000000e+00 : f32
        %max3A_154 = vector.broadcast %max3A_153 : f32 to vector<16xf32>
        %max3A_155 = arith.maximumf %add3A_152, %max3A_154 : vector<16xf32>
        %swap3A_156 = arith.index_cast %scan3A_95 : i32 to index
        %swap3A_157 = arith.constant 48 : index
        %swap3A_158 = tpu.vector_load %arg12[%swap3A_156, %swap3A_157] {strides = array<i32>} : memref<128x128xf32, #tpu.memory_space<vmem>>, vector<1x16xf32>,
        %swap3A_159 = vector.shape_cast %swap3A_158 : vector<1x16xf32> to vector<16xf32>
        %swap3A_160 = vector.shape_cast %max3A_155 : vector<16xf32> to vector<1x16xf32>
        tpu.vector_store %arg12[%swap3A_156, %swap3A_157], %swap3A_160 {strides = array<i32>} : memref<128x128xf32, #tpu.memory_space<vmem>>, vector<1x16xf32>,
        %get3A_161 = arith.index_cast %scan3A_95 : i32 to index
        %get3A_162 = arith.constant 64 : index
        %get3A_163 = tpu.vector_load %arg12[%get3A_161, %get3A_162] {strides = array<i32>} : memref<128x128xf32, #tpu.memory_space<vmem>>, vector<1x16xf32>,
        %get3A_164 = vector.shape_cast %get3A_163 : vector<1x16xf32> to vector<16xf32>
        %get3A_165 = arith.index_cast %scan3A_95 : i32 to index
        %get3A_166 = arith.constant 64 : index
        %get3A_167 = tpu.vector_load %arg13[%get3A_165, %get3A_166] {strides = array<i32>} : memref<128x128xf32, #tpu.memory_space<vmem>>, vector<1x16xf32>,
        %get3A_168 = vector.shape_cast %get3A_167 : vector<1x16xf32> to vector<16xf32>
        %add3A_169 = arith.addf %get3A_164, %get3A_168 : vector<16xf32>
        %max3A_170 = arith.constant 0.000000e+00 : f32
        %max3A_171 = vector.broadcast %max3A_170 : f32 to vector<16xf32>
        %max3A_172 = arith.maximumf %add3A_169, %max3A_171 : vector<16xf32>
        %swap3A_173 = arith.index_cast %scan3A_95 : i32 to index
        %swap3A_174 = arith.constant 64 : index
        %swap3A_175 = tpu.vector_load %arg12[%swap3A_173, %swap3A_174] {strides = array<i32>} : memref<128x128xf32, #tpu.memory_space<vmem>>, vector<1x16xf32>,
        %swap3A_176 = vector.shape_cast %swap3A_175 : vector<1x16xf32> to vector<16xf32>
        %swap3A_177 = vector.shape_cast %max3A_172 : vector<16xf32> to vector<1x16xf32>
        tpu.vector_store %arg12[%swap3A_173, %swap3A_174], %swap3A_177 {strides = array<i32>} : memref<128x128xf32, #tpu.memory_space<vmem>>, vector<1x16xf32>,
        %get3A_178 = arith.index_cast %scan3A_95 : i32 to index
        %get3A_179 = arith.constant 80 : index
        %get3A_180 = tpu.vector_load %arg12[%get3A_178, %get3A_179] {strides = array<i32>} : memref<128x128xf32, #tpu.memory_space<vmem>>, vector<1x16xf32>,
        %get3A_181 = vector.shape_cast %get3A_180 : vector<1x16xf32> to vector<16xf32>
        %get3A_182 = arith.index_cast %scan3A_95 : i32 to index
        %get3A_183 = arith.constant 80 : index
        %get3A_184 = tpu.vector_load %arg13[%get3A_182, %get3A_183] {strides = array<i32>} : memref<128x128xf32, #tpu.memory_space<vmem>>, vector<1x16xf32>,
        %get3A_185 = vector.shape_cast %get3A_184 : vector<1x16xf32> to vector<16xf32>
        %add3A_186 = arith.addf %get3A_181, %get3A_185 : vector<16xf32>
        %max3A_187 = arith.constant 0.000000e+00 : f32
        %max3A_188 = vector.broadcast %max3A_187 : f32 to vector<16xf32>
        %max3A_189 = arith.maximumf %add3A_186, %max3A_188 : vector<16xf32>
        %swap3A_190 = arith.index_cast %scan3A_95 : i32 to index
        %swap3A_191 = arith.constant 80 : index
        %swap3A_192 = tpu.vector_load %arg12[%swap3A_190, %swap3A_191] {strides = array<i32>} : memref<128x128xf32, #tpu.memory_space<vmem>>, vector<1x16xf32>,
        %swap3A_193 = vector.shape_cast %swap3A_192 : vector<1x16xf32> to vector<16xf32>
        %swap3A_194 = vector.shape_cast %max3A_189 : vector<16xf32> to vector<1x16xf32>
        tpu.vector_store %arg12[%swap3A_190, %swap3A_191], %swap3A_194 {strides = array<i32>} : memref<128x128xf32, #tpu.memory_space<vmem>>, vector<1x16xf32>,
        %get3A_195 = arith.index_cast %scan3A_95 : i32 to index
        %get3A_196 = arith.constant 96 : index
        %get3A_197 = tpu.vector_load %arg12[%get3A_195, %get3A_196] {strides = array<i32>} : memref<128x128xf32, #tpu.memory_space<vmem>>, vector<1x16xf32>,
        %get3A_198 = vector.shape_cast %get3A_197 : vector<1x16xf32> to vector<16xf32>
        %get3A_199 = arith.index_cast %scan3A_95 : i32 to index
        %get3A_200 = arith.constant 96 : index
        %get3A_201 = tpu.vector_load %arg13[%get3A_199, %get3A_200] {strides = array<i32>} : memref<128x128xf32, #tpu.memory_space<vmem>>, vector<1x16xf32>,
        %get3A_202 = vector.shape_cast %get3A_201 : vector<1x16xf32> to vector<16xf32>
        %add3A_203 = arith.addf %get3A_198, %get3A_202 : vector<16xf32>
        %max3A_204 = arith.constant 0.000000e+00 : f32
        %max3A_205 = vector.broadcast %max3A_204 : f32 to vector<16xf32>
        %max3A_206 = arith.maximumf %add3A_203, %max3A_205 : vector<16xf32>
        %swap3A_207 = arith.index_cast %scan3A_95 : i32 to index
        %swap3A_208 = arith.constant 96 : index
        %swap3A_209 = tpu.vector_load %arg12[%swap3A_207, %swap3A_208] {strides = array<i32>} : memref<128x128xf32, #tpu.memory_space<vmem>>, vector<1x16xf32>,
        %swap3A_210 = vector.shape_cast %swap3A_209 : vector<1x16xf32> to vector<16xf32>
        %swap3A_211 = vector.shape_cast %max3A_206 : vector<16xf32> to vector<1x16xf32>
        tpu.vector_store %arg12[%swap3A_207, %swap3A_208], %swap3A_211 {strides = array<i32>} : memref<128x128xf32, #tpu.memory_space<vmem>>, vector<1x16xf32>,
        %get3A_212 = arith.index_cast %scan3A_95 : i32 to index
        %get3A_213 = arith.constant 112 : index
        %get3A_214 = tpu.vector_load %arg12[%get3A_212, %get3A_213] {strides = array<i32>} : memref<128x128xf32, #tpu.memory_space<vmem>>, vector<1x16xf32>,
        %get3A_215 = vector.shape_cast %get3A_214 : vector<1x16xf32> to vector<16xf32>
        %get3A_216 = arith.index_cast %scan3A_95 : i32 to index
        %get3A_217 = arith.constant 112 : index
        %get3A_218 = tpu.vector_load %arg13[%get3A_216, %get3A_217] {strides = array<i32>} : memref<128x128xf32, #tpu.memory_space<vmem>>, vector<1x16xf32>,
        %get3A_219 = vector.shape_cast %get3A_218 : vector<1x16xf32> to vector<16xf32>
        %add3A_220 = arith.addf %get3A_215, %get3A_219 : vector<16xf32>
        %max3A_221 = arith.constant 0.000000e+00 : f32
        %max3A_222 = vector.broadcast %max3A_221 : f32 to vector<16xf32>
        %max3A_223 = arith.maximumf %add3A_220, %max3A_222 : vector<16xf32>
        %swap3A_224 = arith.index_cast %scan3A_95 : i32 to index
        %swap3A_225 = arith.constant 112 : index
        %swap3A_226 = tpu.vector_load %arg12[%swap3A_224, %swap3A_225] {strides = array<i32>} : memref<128x128xf32, #tpu.memory_space<vmem>>, vector<1x16xf32>,
        %swap3A_227 = vector.shape_cast %swap3A_226 : vector<1x16xf32> to vector<16xf32>
        %swap3A_228 = vector.shape_cast %max3A_223 : vector<16xf32> to vector<1x16xf32>
        tpu.vector_store %arg12[%swap3A_224, %swap3A_225], %swap3A_228 {strides = array<i32>} : memref<128x128xf32, #tpu.memory_space<vmem>>, vector<1x16xf32>,
      }
      %scan3A_94 = arith.constant 128 : i32
      "tpu.region"() ({
        %run_scoped3A = tpu.sem_alloc : memref<!tpu.dma_semaphore, #tpu.memory_space<semaphore_mem>>
        %dma_start3A_95 = arith.constant 0 : i32
        %dma_start3A_96 = arith.constant 0 : i32
        %dma_start3A_97 = tpu.memref_slice %arg8[%dma_start3A_95, %dma_start3A_96] : memref<10000x128xf32, #tpu.memory_space<vmem_shared>> -> memref<10000x128xf32, #tpu.memory_space<vmem_shared>>
        tpu.enqueue_indirect_dma source(%arg12 : memref<128x128xf32, #tpu.memory_space<vmem>>) target(%dma_start3A_97 : memref<10000x128xf32, #tpu.memory_space<vmem_shared>>) offsets(%arg11 : memref<128xi32, #tpu.memory_space<vmem>>) semaphore(%run_scoped3A : memref<!tpu.dma_semaphore, #tpu.memory_space<semaphore_mem>>) {add = true}
        %dma_wait3A_98 = arith.constant 0 : i32
        %dma_wait3A_99 = arith.constant 0 : i32
        %dma_wait3A_100 = tpu.memref_slice %arg8[%dma_wait3A_98, %dma_wait3A_99] : memref<10000x128xf32, #tpu.memory_space<vmem_shared>> -> memref<10000x128xf32, #tpu.memory_space<vmem_shared>>
        tpu.wait_indirect_dma semaphore(%run_scoped3A : memref<!tpu.dma_semaphore, #tpu.memory_space<semaphore_mem>>) src(%arg12 : memref<128x128xf32, #tpu.memory_space<vmem>>) dst(%dma_wait3A_100 : memref<10000x128xf32, #tpu.memory_space<vmem_shared>>)
        tpu.yield
      }) : () -> ()
    }
    %barrier3A_39 = arith.constant 0 : index
    tpu.barrier barrier_id(%barrier3A_39)
    %add3A_40 = arith.constant 0 : i32
    %add3A_41 = arith.addi %mul3A_7, %add3A_40 : i32
    %mul3A_42 = arith.constant 10000 : i32
    %mul3A_43 = arith.muli %arg0, %mul3A_42 : i32
    %add3A_44 = arith.addi %mul3A_43, %add3A_41 : i32
    "tpu.region"() ({
      %run_scoped3A = tpu.sem_alloc : memref<!tpu.dma_semaphore, #tpu.memory_space<semaphore_mem>>
      %dma_start3A = arith.constant 0 : i32
      %dma_start3A_75 = tpu.memref_slice %arg7[%add3A_44, %dma_start3A] : memref<20000x128xf32, #tpu.memory_space<hbm>> -> memref<104x128xf32, #tpu.memory_space<hbm>>
      %dma_start3A_76 = arith.constant 0 : i32
      %dma_start3A_77 = tpu.memref_slice %arg8[%add3A_41, %dma_start3A_76] : memref<10000x128xf32, #tpu.memory_space<vmem_shared>> -> memref<104x128xf32, #tpu.memory_space<vmem_shared>>
      tpu.enqueue_dma source(%dma_start3A_77 : memref<104x128xf32, #tpu.memory_space<vmem_shared>>) target(%dma_start3A_75 : memref<104x128xf32, #tpu.memory_space<hbm>>) target_semaphore(%run_scoped3A : memref<!tpu.dma_semaphore, #tpu.memory_space<semaphore_mem>>)
      %dma_wait3A = arith.constant 0 : i32
      %dma_wait3A_78 = tpu.memref_slice %arg7[%add3A_44, %dma_wait3A] : memref<20000x128xf32, #tpu.memory_space<hbm>> -> memref<104x128xf32, #tpu.memory_space<hbm>>
      %dma_wait3A_79 = arith.constant 0 : i32
      %dma_wait3A_80 = tpu.memref_slice %arg8[%add3A_41, %dma_wait3A_79] : memref<10000x128xf32, #tpu.memory_space<vmem_shared>> -> memref<104x128xf32, #tpu.memory_space<vmem_shared>>
      tpu.wait_dma2 semaphore(%run_scoped3A : memref<!tpu.dma_semaphore, #tpu.memory_space<semaphore_mem>>) src(%dma_wait3A_80 : memref<104x128xf32, #tpu.memory_space<vmem_shared>>) dst(%dma_wait3A_78 : memref<104x128xf32, #tpu.memory_space<hbm>>)
      tpu.yield
    }) : () -> ()
    %add3A_45 = arith.constant 104 : i32
    %add3A_46 = arith.addi %mul3A_7, %add3A_45 : i32
    %mul3A_47 = arith.constant 10000 : i32
    %mul3A_48 = arith.muli %arg0, %mul3A_47 : i32
    %add3A_49 = arith.addi %mul3A_48, %add3A_46 : i32
    "tpu.region"() ({
      %run_scoped3A = tpu.sem_alloc : memref<!tpu.dma_semaphore, #tpu.memory_space<semaphore_mem>>
      %dma_start3A = arith.constant 0 : i32
      %dma_start3A_75 = tpu.memref_slice %arg7[%add3A_49, %dma_start3A] : memref<20000x128xf32, #tpu.memory_space<hbm>> -> memref<104x128xf32, #tpu.memory_space<hbm>>
      %dma_start3A_76 = arith.constant 0 : i32
      %dma_start3A_77 = tpu.memref_slice %arg8[%add3A_46, %dma_start3A_76] : memref<10000x128xf32, #tpu.memory_space<vmem_shared>> -> memref<104x128xf32, #tpu.memory_space<vmem_shared>>
      tpu.enqueue_dma source(%dma_start3A_77 : memref<104x128xf32, #tpu.memory_space<vmem_shared>>) target(%dma_start3A_75 : memref<104x128xf32, #tpu.memory_space<hbm>>) target_semaphore(%run_scoped3A : memref<!tpu.dma_semaphore, #tpu.memory_space<semaphore_mem>>)
      %dma_wait3A = arith.constant 0 : i32
      %dma_wait3A_78 = tpu.memref_slice %arg7[%add3A_49, %dma_wait3A] : memref<20000x128xf32, #tpu.memory_space<hbm>> -> memref<104x128xf32, #tpu.memory_space<hbm>>
      %dma_wait3A_79 = arith.constant 0 : i32
      %dma_wait3A_80 = tpu.memref_slice %arg8[%add3A_46, %dma_wait3A_79] : memref<10000x128xf32, #tpu.memory_space<vmem_shared>> -> memref<104x128xf32, #tpu.memory_space<vmem_shared>>
      tpu.wait_dma2 semaphore(%run_scoped3A : memref<!tpu.dma_semaphore, #tpu.memory_space<semaphore_mem>>) src(%dma_wait3A_80 : memref<104x128xf32, #tpu.memory_space<vmem_shared>>) dst(%dma_wait3A_78 : memref<104x128xf32, #tpu.memory_space<hbm>>)
      tpu.yield
    }) : () -> ()
    %add3A_50 = arith.constant 208 : i32
    %add3A_51 = arith.addi %mul3A_7, %add3A_50 : i32
    %mul3A_52 = arith.constant 10000 : i32
    %mul3A_53 = arith.muli %arg0, %mul3A_52 : i32
    %add3A_54 = arith.addi %mul3A_53, %add3A_51 : i32
    "tpu.region"() ({
      %run_scoped3A = tpu.sem_alloc : memref<!tpu.dma_semaphore, #tpu.memory_space<semaphore_mem>>
      %dma_start3A = arith.constant 0 : i32
      %dma_start3A_75 = tpu.memref_slice %arg7[%add3A_54, %dma_start3A] : memref<20000x128xf32, #tpu.memory_space<hbm>> -> memref<104x128xf32, #tpu.memory_space<hbm>>
      %dma_start3A_76 = arith.constant 0 : i32
      %dma_start3A_77 = tpu.memref_slice %arg8[%add3A_51, %dma_start3A_76] : memref<10000x128xf32, #tpu.memory_space<vmem_shared>> -> memref<104x128xf32, #tpu.memory_space<vmem_shared>>
      tpu.enqueue_dma source(%dma_start3A_77 : memref<104x128xf32, #tpu.memory_space<vmem_shared>>) target(%dma_start3A_75 : memref<104x128xf32, #tpu.memory_space<hbm>>) target_semaphore(%run_scoped3A : memref<!tpu.dma_semaphore, #tpu.memory_space<semaphore_mem>>)
      %dma_wait3A = arith.constant 0 : i32
      %dma_wait3A_78 = tpu.memref_slice %arg7[%add3A_54, %dma_wait3A] : memref<20000x128xf32, #tpu.memory_space<hbm>> -> memref<104x128xf32, #tpu.memory_space<hbm>>
      %dma_wait3A_79 = arith.constant 0 : i32
      %dma_wait3A_80 = tpu.memref_slice %arg8[%add3A_51, %dma_wait3A_79] : memref<10000x128xf32, #tpu.memory_space<vmem_shared>> -> memref<104x128xf32, #tpu.memory_space<vmem_shared>>
      tpu.wait_dma2 semaphore(%run_scoped3A : memref<!tpu.dma_semaphore, #tpu.memory_space<semaphore_mem>>) src(%dma_wait3A_80 : memref<104x128xf32, #tpu.memory_space<vmem_shared>>) dst(%dma_wait3A_78 : memref<104x128xf32, #tpu.memory_space<hbm>>)
      tpu.yield
    }) : () -> ()
    %add3A_55 = arith.constant 312 : i32
    %add3A_56 = arith.addi %mul3A_7, %add3A_55 : i32
    %mul3A_57 = arith.constant 10000 : i32
    %mul3A_58 = arith.muli %arg0, %mul3A_57 : i32
    %add3A_59 = arith.addi %mul3A_58, %add3A_56 : i32
    "tpu.region"() ({
      %run_scoped3A = tpu.sem_alloc : memref<!tpu.dma_semaphore, #tpu.memory_space<semaphore_mem>>
      %dma_start3A = arith.constant 0 : i32
      %dma_start3A_75 = tpu.memref_slice %arg7[%add3A_59, %dma_start3A] : memref<20000x128xf32, #tpu.memory_space<hbm>> -> memref<104x128xf32, #tpu.memory_space<hbm>>
      %dma_start3A_76 = arith.constant 0 : i32
      %dma_start3A_77 = tpu.memref_slice %arg8[%add3A_56, %dma_start3A_76] : memref<10000x128xf32, #tpu.memory_space<vmem_shared>> -> memref<104x128xf32, #tpu.memory_space<vmem_shared>>
      tpu.enqueue_dma source(%dma_start3A_77 : memref<104x128xf32, #tpu.memory_space<vmem_shared>>) target(%dma_start3A_75 : memref<104x128xf32, #tpu.memory_space<hbm>>) target_semaphore(%run_scoped3A : memref<!tpu.dma_semaphore, #tpu.memory_space<semaphore_mem>>)
      %dma_wait3A = arith.constant 0 : i32
      %dma_wait3A_78 = tpu.memref_slice %arg7[%add3A_59, %dma_wait3A] : memref<20000x128xf32, #tpu.memory_space<hbm>> -> memref<104x128xf32, #tpu.memory_space<hbm>>
      %dma_wait3A_79 = arith.constant 0 : i32
      %dma_wait3A_80 = tpu.memref_slice %arg8[%add3A_56, %dma_wait3A_79] : memref<10000x128xf32, #tpu.memory_space<vmem_shared>> -> memref<104x128xf32, #tpu.memory_space<vmem_shared>>
      tpu.wait_dma2 semaphore(%run_scoped3A : memref<!tpu.dma_semaphore, #tpu.memory_space<semaphore_mem>>) src(%dma_wait3A_80 : memref<104x128xf32, #tpu.memory_space<vmem_shared>>) dst(%dma_wait3A_78 : memref<104x128xf32, #tpu.memory_space<hbm>>)
      tpu.yield
    }) : () -> ()
    %add3A_60 = arith.constant 416 : i32
    %add3A_61 = arith.addi %mul3A_7, %add3A_60 : i32
    %mul3A_62 = arith.constant 10000 : i32
    %mul3A_63 = arith.muli %arg0, %mul3A_62 : i32
    %add3A_64 = arith.addi %mul3A_63, %add3A_61 : i32
    "tpu.region"() ({
      %run_scoped3A = tpu.sem_alloc : memref<!tpu.dma_semaphore, #tpu.memory_space<semaphore_mem>>
      %dma_start3A = arith.constant 0 : i32
      %dma_start3A_75 = tpu.memref_slice %arg7[%add3A_64, %dma_start3A] : memref<20000x128xf32, #tpu.memory_space<hbm>> -> memref<104x128xf32, #tpu.memory_space<hbm>>
      %dma_start3A_76 = arith.constant 0 : i32
      %dma_start3A_77 = tpu.memref_slice %arg8[%add3A_61, %dma_start3A_76] : memref<10000x128xf32, #tpu.memory_space<vmem_shared>> -> memref<104x128xf32, #tpu.memory_space<vmem_shared>>
      tpu.enqueue_dma source(%dma_start3A_77 : memref<104x128xf32, #tpu.memory_space<vmem_shared>>) target(%dma_start3A_75 : memref<104x128xf32, #tpu.memory_space<hbm>>) target_semaphore(%run_scoped3A : memref<!tpu.dma_semaphore, #tpu.memory_space<semaphore_mem>>)
      %dma_wait3A = arith.constant 0 : i32
      %dma_wait3A_78 = tpu.memref_slice %arg7[%add3A_64, %dma_wait3A] : memref<20000x128xf32, #tpu.memory_space<hbm>> -> memref<104x128xf32, #tpu.memory_space<hbm>>
      %dma_wait3A_79 = arith.constant 0 : i32
      %dma_wait3A_80 = tpu.memref_slice %arg8[%add3A_61, %dma_wait3A_79] : memref<10000x128xf32, #tpu.memory_space<vmem_shared>> -> memref<104x128xf32, #tpu.memory_space<vmem_shared>>
      tpu.wait_dma2 semaphore(%run_scoped3A : memref<!tpu.dma_semaphore, #tpu.memory_space<semaphore_mem>>) src(%dma_wait3A_80 : memref<104x128xf32, #tpu.memory_space<vmem_shared>>) dst(%dma_wait3A_78 : memref<104x128xf32, #tpu.memory_space<hbm>>)
      tpu.yield
    }) : () -> ()
    %add3A_65 = arith.constant 520 : i32
    %add3A_66 = arith.addi %mul3A_7, %add3A_65 : i32
    %mul3A_67 = arith.constant 10000 : i32
    %mul3A_68 = arith.muli %arg0, %mul3A_67 : i32
    %add3A_69 = arith.addi %mul3A_68, %add3A_66 : i32
    "tpu.region"() ({
      %run_scoped3A = tpu.sem_alloc : memref<!tpu.dma_semaphore, #tpu.memory_space<semaphore_mem>>
      %dma_start3A = arith.constant 0 : i32
      %dma_start3A_75 = tpu.memref_slice %arg7[%add3A_69, %dma_start3A] : memref<20000x128xf32, #tpu.memory_space<hbm>> -> memref<104x128xf32, #tpu.memory_space<hbm>>
      %dma_start3A_76 = arith.constant 0 : i32
      %dma_start3A_77 = tpu.memref_slice %arg8[%add3A_66, %dma_start3A_76] : memref<10000x128xf32, #tpu.memory_space<vmem_shared>> -> memref<104x128xf32, #tpu.memory_space<vmem_shared>>
      tpu.enqueue_dma source(%dma_start3A_77 : memref<104x128xf32, #tpu.memory_space<vmem_shared>>) target(%dma_start3A_75 : memref<104x128xf32, #tpu.memory_space<hbm>>) target_semaphore(%run_scoped3A : memref<!tpu.dma_semaphore, #tpu.memory_space<semaphore_mem>>)
      %dma_wait3A = arith.constant 0 : i32
      %dma_wait3A_78 = tpu.memref_slice %arg7[%add3A_69, %dma_wait3A] : memref<20000x128xf32, #tpu.memory_space<hbm>> -> memref<104x128xf32, #tpu.memory_space<hbm>>
      %dma_wait3A_79 = arith.constant 0 : i32
      %dma_wait3A_80 = tpu.memref_slice %arg8[%add3A_66, %dma_wait3A_79] : memref<10000x128xf32, #tpu.memory_space<vmem_shared>> -> memref<104x128xf32, #tpu.memory_space<vmem_shared>>
      tpu.wait_dma2 semaphore(%run_scoped3A : memref<!tpu.dma_semaphore, #tpu.memory_space<semaphore_mem>>) src(%dma_wait3A_80 : memref<104x128xf32, #tpu.memory_space<vmem_shared>>) dst(%dma_wait3A_78 : memref<104x128xf32, #tpu.memory_space<hbm>>)
      tpu.yield
    }) : () -> ()
    %eq3A_70 = arith.constant 0 : i32
    %eq3A_71 = arith.cmpi eq, %arg1, %eq3A_70 : i32
    %convert_element_type3A_72 = arith.extui %eq3A_71 : i1 to i32
    %cond3A_73 = arith.constant 0 : i32
    %cond3A_74 = arith.cmpi ne, %convert_element_type3A_72, %cond3A_73 : i32
    scf.if %cond3A_74 {
      %mul3A_75 = arith.constant 10000 : i32
      %mul3A_76 = arith.muli %arg0, %mul3A_75 : i32
      %add3A_77 = arith.constant 9984 : i32
      %add3A_78 = arith.addi %mul3A_76, %add3A_77 : i32
      "tpu.region"() ({
        %run_scoped3A = tpu.sem_alloc : memref<!tpu.dma_semaphore, #tpu.memory_space<semaphore_mem>>
        %dma_start3A = arith.constant 0 : i32
        %dma_start3A_79 = tpu.memref_slice %arg7[%add3A_78, %dma_start3A] : memref<20000x128xf32, #tpu.memory_space<hbm>> -> memref<16x128xf32, #tpu.memory_space<hbm>>
        %dma_start3A_80 = arith.constant 9984 : i32
        %dma_start3A_81 = arith.constant 0 : i32
        %dma_start3A_82 = tpu.memref_slice %arg8[%dma_start3A_80, %dma_start3A_81] : memref<10000x128xf32, #tpu.memory_space<vmem_shared>> -> memref<16x128xf32, #tpu.memory_space<vmem_shared>>
        tpu.enqueue_dma source(%dma_start3A_82 : memref<16x128xf32, #tpu.memory_space<vmem_shared>>) target(%dma_start3A_79 : memref<16x128xf32, #tpu.memory_space<hbm>>) target_semaphore(%run_scoped3A : memref<!tpu.dma_semaphore, #tpu.memory_space<semaphore_mem>>)
        %dma_wait3A = arith.constant 0 : i32
        %dma_wait3A_83 = tpu.memref_slice %arg7[%add3A_78, %dma_wait3A] : memref<20000x128xf32, #tpu.memory_space<hbm>> -> memref<16x128xf32, #tpu.memory_space<hbm>>
        %dma_wait3A_84 = arith.constant 9984 : i32
        %dma_wait3A_85 = arith.constant 0 : i32
        %dma_wait3A_86 = tpu.memref_slice %arg8[%dma_wait3A_84, %dma_wait3A_85] : memref<10000x128xf32, #tpu.memory_space<vmem_shared>> -> memref<16x128xf32, #tpu.memory_space<vmem_shared>>
        tpu.wait_dma2 semaphore(%run_scoped3A : memref<!tpu.dma_semaphore, #tpu.memory_space<semaphore_mem>>) src(%dma_wait3A_86 : memref<16x128xf32, #tpu.memory_space<vmem_shared>>) dst(%dma_wait3A_83 : memref<16x128xf32, #tpu.memory_space<hbm>>)
        tpu.yield
      }) : () -> ()
    } else {
    }
    return
  }
}

module attributes {stable_mosaic.version = 14 : i64} {
  func.func @body(%arg0: i32, %arg1: memref<1x3x16x128xf32, #tpu.memory_space<vmem>>, %arg2: memref<1x4096x128xf32, #tpu.memory_space<vmem>>) attributes {dimension_semantics = [#tpu.dimension_semantics<arbitrary>], iteration_bounds = array<i64: 3>, scalar_prefetch = 0 : i64, scratch_operands = 0 : i64, tpu.core_type = #tpu.core_type<tc>, window_params = [{transform_indices = @transform_0, window_bounds = array<i64: 1, 3, 16, 128>}, {transform_indices = @transform_1, window_bounds = array<i64: 1, 4096, 128>}]} {
    %get3A = arith.constant 0 : index
    %get3A_0 = arith.constant 0 : index
    %get3A_1 = arith.constant 0 : index
    %get3A_2 = arith.constant 0 : index
    %get3A_3 = vector.load %arg1[%get3A, %get3A_0, %get3A_1, %get3A_2] : memref<1x3x16x128xf32, #tpu.memory_space<vmem>>, vector<1x3x16x128xf32>
    %get3A_4 = vector.shape_cast %get3A_3 : vector<1x3x16x128xf32> to vector<3x16x128xf32>
    %iota3A = tpu.iota {dimensions = array<i32: 0>} : vector<4096x16xi32>
    %iota3A_5 = tpu.iota {dimensions = array<i32: 1>} : vector<4096x16xi32>
    %jit3A = arith.constant 256 : i32
    %div3A = vector.broadcast %jit3A : i32 to vector<4096x16xi32>
    %div3A_6 = arith.divsi %iota3A, %div3A : vector<4096x16xi32>
    %sign3A = arith.constant 0 : i32
    %sign3A_7 = vector.broadcast %sign3A : i32 to vector<4096x16xi32>
    %sign3A_8 = arith.cmpi sgt, %iota3A, %sign3A_7 : vector<4096x16xi32>
    %sign3A_9 = arith.extui %sign3A_8 : vector<4096x16xi1> to vector<4096x16xi32>
    %sign3A_10 = arith.constant 0 : i32
    %sign3A_11 = vector.broadcast %sign3A_10 : i32 to vector<4096x16xi32>
    %sign3A_12 = arith.cmpi slt, %iota3A, %sign3A_11 : vector<4096x16xi32>
    %sign3A_13 = arith.extui %sign3A_12 : vector<4096x16xi1> to vector<4096x16xi32>
    %sign3A_14 = arith.subi %sign3A_9, %sign3A_13 : vector<4096x16xi32>
    %sign3A_15 = arith.constant 0 : i32
    %sign3A_16 = arith.cmpi sgt, %jit3A, %sign3A_15 : i32
    %sign3A_17 = arith.extui %sign3A_16 : i1 to i32
    %sign3A_18 = arith.constant 0 : i32
    %sign3A_19 = arith.cmpi slt, %jit3A, %sign3A_18 : i32
    %sign3A_20 = arith.extui %sign3A_19 : i1 to i32
    %sign3A_21 = arith.subi %sign3A_17, %sign3A_20 : i32
    %ne3A = vector.broadcast %sign3A_21 : i32 to vector<4096x16xi32>
    %ne3A_22 = arith.cmpi ne, %sign3A_14, %ne3A : vector<4096x16xi32>
    %rem3A = vector.broadcast %jit3A : i32 to vector<4096x16xi32>
    %rem3A_23 = arith.remsi %iota3A, %rem3A : vector<4096x16xi32>
    %ne3A_24 = arith.constant 0 : i32
    %ne3A_25 = vector.broadcast %ne3A_24 : i32 to vector<4096x16xi32>
    %ne3A_26 = arith.cmpi ne, %rem3A_23, %ne3A_25 : vector<4096x16xi32>
    %and3A = arith.andi %ne3A_22, %ne3A_26 : vector<4096x16xi1>
    %sub3A = arith.constant 1 : i32
    %sub3A_27 = vector.broadcast %sub3A : i32 to vector<4096x16xi32>
    %sub3A_28 = arith.subi %div3A_6, %sub3A_27 : vector<4096x16xi32>
    %select_n3A = arith.select %and3A, %sub3A_28, %div3A_6 : vector<4096x16xi1>, vector<4096x16xi32>
    %jit3A_29 = arith.constant 16 : i32
    %div3A_30 = vector.broadcast %jit3A_29 : i32 to vector<4096x16xi32>
    %div3A_31 = arith.divsi %iota3A, %div3A_30 : vector<4096x16xi32>
    %sign3A_32 = arith.constant 0 : i32
    %sign3A_33 = vector.broadcast %sign3A_32 : i32 to vector<4096x16xi32>
    %sign3A_34 = arith.cmpi sgt, %iota3A, %sign3A_33 : vector<4096x16xi32>
    %sign3A_35 = arith.extui %sign3A_34 : vector<4096x16xi1> to vector<4096x16xi32>
    %sign3A_36 = arith.constant 0 : i32
    %sign3A_37 = vector.broadcast %sign3A_36 : i32 to vector<4096x16xi32>
    %sign3A_38 = arith.cmpi slt, %iota3A, %sign3A_37 : vector<4096x16xi32>
    %sign3A_39 = arith.extui %sign3A_38 : vector<4096x16xi1> to vector<4096x16xi32>
    %sign3A_40 = arith.subi %sign3A_35, %sign3A_39 : vector<4096x16xi32>
    %sign3A_41 = arith.constant 0 : i32
    %sign3A_42 = arith.cmpi sgt, %jit3A_29, %sign3A_41 : i32
    %sign3A_43 = arith.extui %sign3A_42 : i1 to i32
    %sign3A_44 = arith.constant 0 : i32
    %sign3A_45 = arith.cmpi slt, %jit3A_29, %sign3A_44 : i32
    %sign3A_46 = arith.extui %sign3A_45 : i1 to i32
    %sign3A_47 = arith.subi %sign3A_43, %sign3A_46 : i32
    %ne3A_48 = vector.broadcast %sign3A_47 : i32 to vector<4096x16xi32>
    %ne3A_49 = arith.cmpi ne, %sign3A_40, %ne3A_48 : vector<4096x16xi32>
    %rem3A_50 = vector.broadcast %jit3A_29 : i32 to vector<4096x16xi32>
    %rem3A_51 = arith.remsi %iota3A, %rem3A_50 : vector<4096x16xi32>
    %ne3A_52 = arith.constant 0 : i32
    %ne3A_53 = vector.broadcast %ne3A_52 : i32 to vector<4096x16xi32>
    %ne3A_54 = arith.cmpi ne, %rem3A_51, %ne3A_53 : vector<4096x16xi32>
    %and3A_55 = arith.andi %ne3A_49, %ne3A_54 : vector<4096x16xi1>
    %sub3A_56 = arith.constant 1 : i32
    %sub3A_57 = vector.broadcast %sub3A_56 : i32 to vector<4096x16xi32>
    %sub3A_58 = arith.subi %div3A_31, %sub3A_57 : vector<4096x16xi32>
    %select_n3A_59 = arith.select %and3A_55, %sub3A_58, %div3A_31 : vector<4096x16xi1>, vector<4096x16xi32>
    %jit3A_60 = arith.constant 16 : i32
    %eq3A = arith.constant 0 : i32
    %eq3A_61 = arith.cmpi eq, %jit3A_60, %eq3A : i32
    %jit3A_62 = arith.constant 1 : i32
    %select_n3A_63 = arith.select %eq3A_61, %jit3A_62, %jit3A_60 : i32
    %rem3A_64 = vector.broadcast %select_n3A_63 : i32 to vector<4096x16xi32>
    %rem3A_65 = arith.remsi %select_n3A_59, %rem3A_64 : vector<4096x16xi32>
    %ne3A_66 = arith.constant 0 : i32
    %ne3A_67 = vector.broadcast %ne3A_66 : i32 to vector<4096x16xi32>
    %ne3A_68 = arith.cmpi ne, %rem3A_65, %ne3A_67 : vector<4096x16xi32>
    %lt3A = arith.constant 0 : i32
    %lt3A_69 = vector.broadcast %lt3A : i32 to vector<4096x16xi32>
    %lt3A_70 = arith.cmpi slt, %rem3A_65, %lt3A_69 : vector<4096x16xi32>
    %lt3A_71 = arith.constant 0 : i32
    %lt3A_72 = arith.cmpi slt, %select_n3A_63, %lt3A_71 : i32
    %ne3A_73 = vector.broadcast %lt3A_72 : i1 to vector<4096x16xi1>
    %ne3A_74 = vector.broadcast %ne3A_73 : vector<4096x16xi1> to vector<4096x16xi1>
    %ne3A_75 = arith.xori %lt3A_70, %ne3A_74 : vector<4096x16xi1>
    %and3A_76 = arith.andi %ne3A_75, %ne3A_68 : vector<4096x16xi1>
    %add3A = vector.broadcast %select_n3A_63 : i32 to vector<4096x16xi32>
    %add3A_77 = arith.addi %rem3A_65, %add3A : vector<4096x16xi32>
    %select_n3A_78 = arith.select %and3A_76, %add3A_77, %rem3A_65 : vector<4096x16xi1>, vector<4096x16xi32>
    %jit3A_79 = arith.constant 16 : i32
    %eq3A_80 = arith.constant 0 : i32
    %eq3A_81 = arith.cmpi eq, %jit3A_79, %eq3A_80 : i32
    %jit3A_82 = arith.constant 1 : i32
    %select_n3A_83 = arith.select %eq3A_81, %jit3A_82, %jit3A_79 : i32
    %rem3A_84 = vector.broadcast %select_n3A_83 : i32 to vector<4096x16xi32>
    %rem3A_85 = arith.remsi %iota3A, %rem3A_84 : vector<4096x16xi32>
    %ne3A_86 = arith.constant 0 : i32
    %ne3A_87 = vector.broadcast %ne3A_86 : i32 to vector<4096x16xi32>
    %ne3A_88 = arith.cmpi ne, %rem3A_85, %ne3A_87 : vector<4096x16xi32>
    %lt3A_89 = arith.constant 0 : i32
    %lt3A_90 = vector.broadcast %lt3A_89 : i32 to vector<4096x16xi32>
    %lt3A_91 = arith.cmpi slt, %rem3A_85, %lt3A_90 : vector<4096x16xi32>
    %lt3A_92 = arith.constant 0 : i32
    %lt3A_93 = arith.cmpi slt, %select_n3A_83, %lt3A_92 : i32
    %ne3A_94 = vector.broadcast %lt3A_93 : i1 to vector<4096x16xi1>
    %ne3A_95 = vector.broadcast %ne3A_94 : vector<4096x16xi1> to vector<4096x16xi1>
    %ne3A_96 = arith.xori %lt3A_91, %ne3A_95 : vector<4096x16xi1>
    %and3A_97 = arith.andi %ne3A_96, %ne3A_88 : vector<4096x16xi1>
    %add3A_98 = vector.broadcast %select_n3A_83 : i32 to vector<4096x16xi32>
    %add3A_99 = arith.addi %rem3A_85, %add3A_98 : vector<4096x16xi32>
    %select_n3A_100 = arith.select %and3A_97, %add3A_99, %rem3A_85 : vector<4096x16xi1>, vector<4096x16xi32>
    %eq3A_101 = arith.cmpi eq, %select_n3A, %iota3A_5 : vector<4096x16xi32>
    %convert_element_type3A = arith.extui %eq3A_101 : vector<4096x16xi1> to vector<4096x16xi32>
    %convert_element_type3A_102 = arith.sitofp %convert_element_type3A : vector<4096x16xi32> to vector<4096x16xf32>
    %slice3A = vector.extract_strided_slice %get3A_4 {offsets = [0, 0, 0], sizes = [1, 16, 128], strides = [1, 1, 1]} : vector<3x16x128xf32> to vector<1x16x128xf32>
    %squeeze3A = vector.shape_cast %slice3A : vector<1x16x128xf32> to vector<16x128xf32>
    %convert_element_type3A_103 = arith.truncf %squeeze3A : vector<16x128xf32> to vector<16x128xbf16>
    %convert_element_type3A_104 = arith.extf %convert_element_type3A_103 : vector<16x128xbf16> to vector<16x128xf32>
    %sub3A_105 = arith.subf %squeeze3A, %convert_element_type3A_104 : vector<16x128xf32>
    %convert_element_type3A_106 = arith.truncf %sub3A_105 : vector<16x128xf32> to vector<16x128xbf16>
    %convert_element_type3A_107 = arith.extf %convert_element_type3A_106 : vector<16x128xbf16> to vector<16x128xf32>
    %sub3A_108 = arith.subf %squeeze3A, %convert_element_type3A_104 : vector<16x128xf32>
    %sub3A_109 = arith.subf %sub3A_108, %convert_element_type3A_107 : vector<16x128xf32>
    %dot_general3A = arith.constant dense<0.000000e+00> : vector<4096x128xf32>
    %dot_general3A_110 = tpu.matmul %convert_element_type3A_102, %convert_element_type3A_104, %dot_general3A {dimension_numbers = #tpu.dot_dimension_numbers<[1], [0], [0], [1], [0, 0, 1, 1], [], []>, transpose_lhs_hint = false} : vector<4096x16xf32>, vector<16x128xf32>, vector<4096x128xf32> -> vector<4096x128xf32>
    %dot_general3A_111 = arith.constant dense<0.000000e+00> : vector<4096x128xf32>
    %dot_general3A_112 = tpu.matmul %convert_element_type3A_102, %convert_element_type3A_107, %dot_general3A_111 {dimension_numbers = #tpu.dot_dimension_numbers<[1], [0], [0], [1], [0, 0, 1, 1], [], []>, transpose_lhs_hint = false} : vector<4096x16xf32>, vector<16x128xf32>, vector<4096x128xf32> -> vector<4096x128xf32>
    %add3A_113 = arith.addf %dot_general3A_110, %dot_general3A_112 : vector<4096x128xf32>
    %dot_general3A_114 = arith.constant dense<0.000000e+00> : vector<4096x128xf32>
    %dot_general3A_115 = tpu.matmul %convert_element_type3A_102, %sub3A_109, %dot_general3A_114 {dimension_numbers = #tpu.dot_dimension_numbers<[1], [0], [0], [1], [0, 0, 1, 1], [], []>, transpose_lhs_hint = false} : vector<4096x16xf32>, vector<16x128xf32>, vector<4096x128xf32> -> vector<4096x128xf32>
    %add3A_116 = arith.addf %add3A_113, %dot_general3A_115 : vector<4096x128xf32>
    %eq3A_117 = arith.cmpi eq, %select_n3A_78, %iota3A_5 : vector<4096x16xi32>
    %convert_element_type3A_118 = arith.extui %eq3A_117 : vector<4096x16xi1> to vector<4096x16xi32>
    %convert_element_type3A_119 = arith.sitofp %convert_element_type3A_118 : vector<4096x16xi32> to vector<4096x16xf32>
    %slice3A_120 = vector.extract_strided_slice %get3A_4 {offsets = [1, 0, 0], sizes = [1, 16, 128], strides = [1, 1, 1]} : vector<3x16x128xf32> to vector<1x16x128xf32>
    %squeeze3A_121 = vector.shape_cast %slice3A_120 : vector<1x16x128xf32> to vector<16x128xf32>
    %convert_element_type3A_122 = arith.truncf %squeeze3A_121 : vector<16x128xf32> to vector<16x128xbf16>
    %convert_element_type3A_123 = arith.extf %convert_element_type3A_122 : vector<16x128xbf16> to vector<16x128xf32>
    %sub3A_124 = arith.subf %squeeze3A_121, %convert_element_type3A_123 : vector<16x128xf32>
    %convert_element_type3A_125 = arith.truncf %sub3A_124 : vector<16x128xf32> to vector<16x128xbf16>
    %convert_element_type3A_126 = arith.extf %convert_element_type3A_125 : vector<16x128xbf16> to vector<16x128xf32>
    %sub3A_127 = arith.subf %squeeze3A_121, %convert_element_type3A_123 : vector<16x128xf32>
    %sub3A_128 = arith.subf %sub3A_127, %convert_element_type3A_126 : vector<16x128xf32>
    %dot_general3A_129 = arith.constant dense<0.000000e+00> : vector<4096x128xf32>
    %dot_general3A_130 = tpu.matmul %convert_element_type3A_119, %convert_element_type3A_123, %dot_general3A_129 {dimension_numbers = #tpu.dot_dimension_numbers<[1], [0], [0], [1], [0, 0, 1, 1], [], []>, transpose_lhs_hint = false} : vector<4096x16xf32>, vector<16x128xf32>, vector<4096x128xf32> -> vector<4096x128xf32>
    %dot_general3A_131 = arith.constant dense<0.000000e+00> : vector<4096x128xf32>
    %dot_general3A_132 = tpu.matmul %convert_element_type3A_119, %convert_element_type3A_126, %dot_general3A_131 {dimension_numbers = #tpu.dot_dimension_numbers<[1], [0], [0], [1], [0, 0, 1, 1], [], []>, transpose_lhs_hint = false} : vector<4096x16xf32>, vector<16x128xf32>, vector<4096x128xf32> -> vector<4096x128xf32>
    %add3A_133 = arith.addf %dot_general3A_130, %dot_general3A_132 : vector<4096x128xf32>
    %dot_general3A_134 = arith.constant dense<0.000000e+00> : vector<4096x128xf32>
    %dot_general3A_135 = tpu.matmul %convert_element_type3A_119, %sub3A_128, %dot_general3A_134 {dimension_numbers = #tpu.dot_dimension_numbers<[1], [0], [0], [1], [0, 0, 1, 1], [], []>, transpose_lhs_hint = false} : vector<4096x16xf32>, vector<16x128xf32>, vector<4096x128xf32> -> vector<4096x128xf32>
    %add3A_136 = arith.addf %add3A_133, %dot_general3A_135 : vector<4096x128xf32>
    %add3A_137 = arith.addf %add3A_116, %add3A_136 : vector<4096x128xf32>
    %eq3A_138 = arith.cmpi eq, %select_n3A_100, %iota3A_5 : vector<4096x16xi32>
    %convert_element_type3A_139 = arith.extui %eq3A_138 : vector<4096x16xi1> to vector<4096x16xi32>
    %convert_element_type3A_140 = arith.sitofp %convert_element_type3A_139 : vector<4096x16xi32> to vector<4096x16xf32>
    %slice3A_141 = vector.extract_strided_slice %get3A_4 {offsets = [2, 0, 0], sizes = [1, 16, 128], strides = [1, 1, 1]} : vector<3x16x128xf32> to vector<1x16x128xf32>
    %squeeze3A_142 = vector.shape_cast %slice3A_141 : vector<1x16x128xf32> to vector<16x128xf32>
    %convert_element_type3A_143 = arith.truncf %squeeze3A_142 : vector<16x128xf32> to vector<16x128xbf16>
    %convert_element_type3A_144 = arith.extf %convert_element_type3A_143 : vector<16x128xbf16> to vector<16x128xf32>
    %sub3A_145 = arith.subf %squeeze3A_142, %convert_element_type3A_144 : vector<16x128xf32>
    %convert_element_type3A_146 = arith.truncf %sub3A_145 : vector<16x128xf32> to vector<16x128xbf16>
    %convert_element_type3A_147 = arith.extf %convert_element_type3A_146 : vector<16x128xbf16> to vector<16x128xf32>
    %sub3A_148 = arith.subf %squeeze3A_142, %convert_element_type3A_144 : vector<16x128xf32>
    %sub3A_149 = arith.subf %sub3A_148, %convert_element_type3A_147 : vector<16x128xf32>
    %dot_general3A_150 = arith.constant dense<0.000000e+00> : vector<4096x128xf32>
    %dot_general3A_151 = tpu.matmul %convert_element_type3A_140, %convert_element_type3A_144, %dot_general3A_150 {dimension_numbers = #tpu.dot_dimension_numbers<[1], [0], [0], [1], [0, 0, 1, 1], [], []>, transpose_lhs_hint = false} : vector<4096x16xf32>, vector<16x128xf32>, vector<4096x128xf32> -> vector<4096x128xf32>
    %dot_general3A_152 = arith.constant dense<0.000000e+00> : vector<4096x128xf32>
    %dot_general3A_153 = tpu.matmul %convert_element_type3A_140, %convert_element_type3A_147, %dot_general3A_152 {dimension_numbers = #tpu.dot_dimension_numbers<[1], [0], [0], [1], [0, 0, 1, 1], [], []>, transpose_lhs_hint = false} : vector<4096x16xf32>, vector<16x128xf32>, vector<4096x128xf32> -> vector<4096x128xf32>
    %add3A_154 = arith.addf %dot_general3A_151, %dot_general3A_153 : vector<4096x128xf32>
    %dot_general3A_155 = arith.constant dense<0.000000e+00> : vector<4096x128xf32>
    %dot_general3A_156 = tpu.matmul %convert_element_type3A_140, %sub3A_149, %dot_general3A_155 {dimension_numbers = #tpu.dot_dimension_numbers<[1], [0], [0], [1], [0, 0, 1, 1], [], []>, transpose_lhs_hint = false} : vector<4096x16xf32>, vector<16x128xf32>, vector<4096x128xf32> -> vector<4096x128xf32>
    %add3A_157 = arith.addf %add3A_154, %dot_general3A_156 : vector<4096x128xf32>
    %add3A_158 = arith.addf %add3A_137, %add3A_157 : vector<4096x128xf32>
    %swap3A = arith.constant 0 : index
    %swap3A_159 = arith.constant 0 : index
    %swap3A_160 = arith.constant 0 : index
    %swap3A_161 = vector.load %arg2[%swap3A, %swap3A_159, %swap3A_160] : memref<1x4096x128xf32, #tpu.memory_space<vmem>>, vector<1x4096x128xf32>
    %swap3A_162 = vector.shape_cast %swap3A_161 : vector<1x4096x128xf32> to vector<4096x128xf32>
    %swap3A_163 = vector.shape_cast %add3A_158 : vector<4096x128xf32> to vector<1x4096x128xf32>
    tpu.vector_store %arg2[%swap3A, %swap3A_159, %swap3A_160], %swap3A_163 {strides = array<i32>} : memref<1x4096x128xf32, #tpu.memory_space<vmem>>, vector<1x4096x128xf32>,
    return
  }
  func.func @transform_0(%arg0: i32) -> (i32, i32, i32, i32) {
    %c0_i32 = arith.constant 0 : i32
    %c0_i32_0 = arith.constant 0 : i32
    %c0_i32_1 = arith.constant 0 : i32
    %c0_i32_2 = arith.constant 0 : i32
    return %arg0, %c0_i32, %c0_i32_0, %c0_i32_1 : i32, i32, i32, i32
  }
  func.func @transform_1(%arg0: i32) -> (i32, i32, i32) {
    %c0_i32 = arith.constant 0 : i32
    %c0_i32_0 = arith.constant 0 : i32
    %c0_i32_1 = arith.constant 0 : i32
    return %arg0, %c0_i32, %c0_i32_0 : i32, i32, i32
  }
}

module attributes {stable_mosaic.version = 14 : i64} {
  func.func @body(%arg0: memref<3x2500x128xi32, #tpu.memory_space<vmem>>, %arg1: memref<2500x128xi32, #tpu.memory_space<vmem>>) attributes {dimension_semantics = [], scalar_prefetch = 0 : i64, scratch_operands = 0 : i64, tpu.core_type = #tpu.core_type<tc>} {
    %get3A = arith.constant 0 : index
    %get3A_0 = arith.constant 0 : index
    %get3A_1 = arith.constant 0 : index
    %get3A_2 = vector.load %arg0[%get3A, %get3A_0, %get3A_1] : memref<3x2500x128xi32, #tpu.memory_space<vmem>>, vector<3x2500x128xi32>
    %slice3A = vector.extract_strided_slice %get3A_2 {offsets = [0, 0, 0], sizes = [1, 2500, 128], strides = [1, 1, 1]} : vector<3x2500x128xi32> to vector<1x2500x128xi32>
    %squeeze3A = vector.shape_cast %slice3A : vector<1x2500x128xi32> to vector<2500x128xi32>
    %mul3A = arith.constant 256 : i32
    %mul3A_3 = vector.broadcast %mul3A : i32 to vector<2500x128xi32>
    %mul3A_4 = arith.muli %squeeze3A, %mul3A_3 : vector<2500x128xi32>
    %slice3A_5 = vector.extract_strided_slice %get3A_2 {offsets = [1, 0, 0], sizes = [1, 2500, 128], strides = [1, 1, 1]} : vector<3x2500x128xi32> to vector<1x2500x128xi32>
    %squeeze3A_6 = vector.shape_cast %slice3A_5 : vector<1x2500x128xi32> to vector<2500x128xi32>
    %mul3A_7 = arith.constant 16 : i32
    %mul3A_8 = vector.broadcast %mul3A_7 : i32 to vector<2500x128xi32>
    %mul3A_9 = arith.muli %squeeze3A_6, %mul3A_8 : vector<2500x128xi32>
    %add3A = arith.addi %mul3A_4, %mul3A_9 : vector<2500x128xi32>
    %slice3A_10 = vector.extract_strided_slice %get3A_2 {offsets = [2, 0, 0], sizes = [1, 2500, 128], strides = [1, 1, 1]} : vector<3x2500x128xi32> to vector<1x2500x128xi32>
    %squeeze3A_11 = vector.shape_cast %slice3A_10 : vector<1x2500x128xi32> to vector<2500x128xi32>
    %add3A_12 = arith.addi %add3A, %squeeze3A_11 : vector<2500x128xi32>
    %swap3A = arith.constant 0 : index
    %swap3A_13 = arith.constant 0 : index
    %swap3A_14 = vector.load %arg1[%swap3A, %swap3A_13] : memref<2500x128xi32, #tpu.memory_space<vmem>>, vector<2500x128xi32>
    tpu.vector_store %arg1[%swap3A, %swap3A_13], %add3A_12 {strides = array<i32>} : memref<2500x128xi32, #tpu.memory_space<vmem>>, vector<2500x128xi32>,
    return
  }
}

module attributes {stable_mosaic.version = 14 : i64} {
  func.func @body(%arg0: i32, %arg1: memref<1000x9xi32, #tpu.memory_space<vmem>>, %arg2: memref<9x128x128xf32, #tpu.memory_space<vmem>>, %arg3: memref<1000x128xf32, #tpu.memory_space<vmem>>) attributes {dimension_semantics = [#tpu.dimension_semantics<arbitrary>], iteration_bounds = array<i64: 10>, scalar_prefetch = 0 : i64, scratch_operands = 0 : i64, tpu.core_type = #tpu.core_type<tc>, window_params = [{transform_indices = @transform_0, window_bounds = array<i64: 1000, 9>}, {pipeline_mode = #tpu.pipeline_mode<synchronous>, transform_indices = @transform_1, window_bounds = array<i64: 9, 128, 128>}, {transform_indices = @transform_2, window_bounds = array<i64: 1000, 128>}]} {
    %get3A = arith.constant 0 : index
    %get3A_0 = arith.constant 0 : index
    %get3A_1 = vector.load %arg1[%get3A, %get3A_0] : memref<1000x9xi32, #tpu.memory_space<vmem>>, vector<1000x9xi32>
    %iota3A = tpu.iota {dimensions = array<i32: 1>} : vector<1000x128xi32>
    %slice3A = vector.extract_strided_slice %get3A_1 {offsets = [0, 0], sizes = [1000, 1], strides = [1, 1]} : vector<1000x9xi32> to vector<1000x1xi32>
    %eq3A = vector.broadcast %slice3A : vector<1000x1xi32> to vector<1000x128xi32>
    %eq3A_2 = arith.cmpi eq, %eq3A, %iota3A : vector<1000x128xi32>
    %convert_element_type3A = arith.extui %eq3A_2 : vector<1000x128xi1> to vector<1000x128xi32>
    %convert_element_type3A_3 = arith.sitofp %convert_element_type3A : vector<1000x128xi32> to vector<1000x128xf32>
    %get3A_4 = arith.constant 0 : index
    %get3A_5 = arith.constant 0 : index
    %get3A_6 = arith.constant 0 : index
    %get3A_7 = vector.load %arg2[%get3A_4, %get3A_5, %get3A_6] : memref<9x128x128xf32, #tpu.memory_space<vmem>>, vector<1x128x128xf32>
    %get3A_8 = vector.shape_cast %get3A_7 : vector<1x128x128xf32> to vector<128x128xf32>
    %convert_element_type3A_9 = arith.truncf %get3A_8 : vector<128x128xf32> to vector<128x128xbf16>
    %convert_element_type3A_10 = arith.extf %convert_element_type3A_9 : vector<128x128xbf16> to vector<128x128xf32>
    %sub3A = arith.subf %get3A_8, %convert_element_type3A_10 : vector<128x128xf32>
    %convert_element_type3A_11 = arith.truncf %sub3A : vector<128x128xf32> to vector<128x128xbf16>
    %convert_element_type3A_12 = arith.extf %convert_element_type3A_11 : vector<128x128xbf16> to vector<128x128xf32>
    %sub3A_13 = arith.subf %get3A_8, %convert_element_type3A_10 : vector<128x128xf32>
    %sub3A_14 = arith.subf %sub3A_13, %convert_element_type3A_12 : vector<128x128xf32>
    %dot_general3A = arith.constant dense<0.000000e+00> : vector<1000x128xf32>
    %dot_general3A_15 = tpu.matmul %convert_element_type3A_3, %convert_element_type3A_10, %dot_general3A {dimension_numbers = #tpu.dot_dimension_numbers<[1], [0], [0], [1], [0, 0, 1, 1], [], []>, transpose_lhs_hint = false} : vector<1000x128xf32>, vector<128x128xf32>, vector<1000x128xf32> -> vector<1000x128xf32>
    %dot_general3A_16 = arith.constant dense<0.000000e+00> : vector<1000x128xf32>
    %dot_general3A_17 = tpu.matmul %convert_element_type3A_3, %convert_element_type3A_12, %dot_general3A_16 {dimension_numbers = #tpu.dot_dimension_numbers<[1], [0], [0], [1], [0, 0, 1, 1], [], []>, transpose_lhs_hint = false} : vector<1000x128xf32>, vector<128x128xf32>, vector<1000x128xf32> -> vector<1000x128xf32>
    %add3A = arith.addf %dot_general3A_15, %dot_general3A_17 : vector<1000x128xf32>
    %dot_general3A_18 = arith.constant dense<0.000000e+00> : vector<1000x128xf32>
    %dot_general3A_19 = tpu.matmul %convert_element_type3A_3, %sub3A_14, %dot_general3A_18 {dimension_numbers = #tpu.dot_dimension_numbers<[1], [0], [0], [1], [0, 0, 1, 1], [], []>, transpose_lhs_hint = false} : vector<1000x128xf32>, vector<128x128xf32>, vector<1000x128xf32> -> vector<1000x128xf32>
    %add3A_20 = arith.addf %add3A, %dot_general3A_19 : vector<1000x128xf32>
    %slice3A_21 = vector.extract_strided_slice %get3A_1 {offsets = [0, 1], sizes = [1000, 1], strides = [1, 1]} : vector<1000x9xi32> to vector<1000x1xi32>
    %eq3A_22 = vector.broadcast %slice3A_21 : vector<1000x1xi32> to vector<1000x128xi32>
    %eq3A_23 = arith.cmpi eq, %eq3A_22, %iota3A : vector<1000x128xi32>
    %convert_element_type3A_24 = arith.extui %eq3A_23 : vector<1000x128xi1> to vector<1000x128xi32>
    %convert_element_type3A_25 = arith.sitofp %convert_element_type3A_24 : vector<1000x128xi32> to vector<1000x128xf32>
    %get3A_26 = arith.constant 1 : index
    %get3A_27 = arith.constant 0 : index
    %get3A_28 = arith.constant 0 : index
    %get3A_29 = vector.load %arg2[%get3A_26, %get3A_27, %get3A_28] : memref<9x128x128xf32, #tpu.memory_space<vmem>>, vector<1x128x128xf32>
    %get3A_30 = vector.shape_cast %get3A_29 : vector<1x128x128xf32> to vector<128x128xf32>
    %convert_element_type3A_31 = arith.truncf %get3A_30 : vector<128x128xf32> to vector<128x128xbf16>
    %convert_element_type3A_32 = arith.extf %convert_element_type3A_31 : vector<128x128xbf16> to vector<128x128xf32>
    %sub3A_33 = arith.subf %get3A_30, %convert_element_type3A_32 : vector<128x128xf32>
    %convert_element_type3A_34 = arith.truncf %sub3A_33 : vector<128x128xf32> to vector<128x128xbf16>
    %convert_element_type3A_35 = arith.extf %convert_element_type3A_34 : vector<128x128xbf16> to vector<128x128xf32>
    %sub3A_36 = arith.subf %get3A_30, %convert_element_type3A_32 : vector<128x128xf32>
    %sub3A_37 = arith.subf %sub3A_36, %convert_element_type3A_35 : vector<128x128xf32>
    %dot_general3A_38 = arith.constant dense<0.000000e+00> : vector<1000x128xf32>
    %dot_general3A_39 = tpu.matmul %convert_element_type3A_25, %convert_element_type3A_32, %dot_general3A_38 {dimension_numbers = #tpu.dot_dimension_numbers<[1], [0], [0], [1], [0, 0, 1, 1], [], []>, transpose_lhs_hint = false} : vector<1000x128xf32>, vector<128x128xf32>, vector<1000x128xf32> -> vector<1000x128xf32>
    %dot_general3A_40 = arith.constant dense<0.000000e+00> : vector<1000x128xf32>
    %dot_general3A_41 = tpu.matmul %convert_element_type3A_25, %convert_element_type3A_35, %dot_general3A_40 {dimension_numbers = #tpu.dot_dimension_numbers<[1], [0], [0], [1], [0, 0, 1, 1], [], []>, transpose_lhs_hint = false} : vector<1000x128xf32>, vector<128x128xf32>, vector<1000x128xf32> -> vector<1000x128xf32>
    %add3A_42 = arith.addf %dot_general3A_39, %dot_general3A_41 : vector<1000x128xf32>
    %dot_general3A_43 = arith.constant dense<0.000000e+00> : vector<1000x128xf32>
    %dot_general3A_44 = tpu.matmul %convert_element_type3A_25, %sub3A_37, %dot_general3A_43 {dimension_numbers = #tpu.dot_dimension_numbers<[1], [0], [0], [1], [0, 0, 1, 1], [], []>, transpose_lhs_hint = false} : vector<1000x128xf32>, vector<128x128xf32>, vector<1000x128xf32> -> vector<1000x128xf32>
    %add3A_45 = arith.addf %add3A_42, %dot_general3A_44 : vector<1000x128xf32>
    %add3A_46 = arith.addf %add3A_20, %add3A_45 : vector<1000x128xf32>
    %slice3A_47 = vector.extract_strided_slice %get3A_1 {offsets = [0, 2], sizes = [1000, 1], strides = [1, 1]} : vector<1000x9xi32> to vector<1000x1xi32>
    %eq3A_48 = vector.broadcast %slice3A_47 : vector<1000x1xi32> to vector<1000x128xi32>
    %eq3A_49 = arith.cmpi eq, %eq3A_48, %iota3A : vector<1000x128xi32>
    %convert_element_type3A_50 = arith.extui %eq3A_49 : vector<1000x128xi1> to vector<1000x128xi32>
    %convert_element_type3A_51 = arith.sitofp %convert_element_type3A_50 : vector<1000x128xi32> to vector<1000x128xf32>
    %get3A_52 = arith.constant 2 : index
    %get3A_53 = arith.constant 0 : index
    %get3A_54 = arith.constant 0 : index
    %get3A_55 = vector.load %arg2[%get3A_52, %get3A_53, %get3A_54] : memref<9x128x128xf32, #tpu.memory_space<vmem>>, vector<1x128x128xf32>
    %get3A_56 = vector.shape_cast %get3A_55 : vector<1x128x128xf32> to vector<128x128xf32>
    %convert_element_type3A_57 = arith.truncf %get3A_56 : vector<128x128xf32> to vector<128x128xbf16>
    %convert_element_type3A_58 = arith.extf %convert_element_type3A_57 : vector<128x128xbf16> to vector<128x128xf32>
    %sub3A_59 = arith.subf %get3A_56, %convert_element_type3A_58 : vector<128x128xf32>
    %convert_element_type3A_60 = arith.truncf %sub3A_59 : vector<128x128xf32> to vector<128x128xbf16>
    %convert_element_type3A_61 = arith.extf %convert_element_type3A_60 : vector<128x128xbf16> to vector<128x128xf32>
    %sub3A_62 = arith.subf %get3A_56, %convert_element_type3A_58 : vector<128x128xf32>
    %sub3A_63 = arith.subf %sub3A_62, %convert_element_type3A_61 : vector<128x128xf32>
    %dot_general3A_64 = arith.constant dense<0.000000e+00> : vector<1000x128xf32>
    %dot_general3A_65 = tpu.matmul %convert_element_type3A_51, %convert_element_type3A_58, %dot_general3A_64 {dimension_numbers = #tpu.dot_dimension_numbers<[1], [0], [0], [1], [0, 0, 1, 1], [], []>, transpose_lhs_hint = false} : vector<1000x128xf32>, vector<128x128xf32>, vector<1000x128xf32> -> vector<1000x128xf32>
    %dot_general3A_66 = arith.constant dense<0.000000e+00> : vector<1000x128xf32>
    %dot_general3A_67 = tpu.matmul %convert_element_type3A_51, %convert_element_type3A_61, %dot_general3A_66 {dimension_numbers = #tpu.dot_dimension_numbers<[1], [0], [0], [1], [0, 0, 1, 1], [], []>, transpose_lhs_hint = false} : vector<1000x128xf32>, vector<128x128xf32>, vector<1000x128xf32> -> vector<1000x128xf32>
    %add3A_68 = arith.addf %dot_general3A_65, %dot_general3A_67 : vector<1000x128xf32>
    %dot_general3A_69 = arith.constant dense<0.000000e+00> : vector<1000x128xf32>
    %dot_general3A_70 = tpu.matmul %convert_element_type3A_51, %sub3A_63, %dot_general3A_69 {dimension_numbers = #tpu.dot_dimension_numbers<[1], [0], [0], [1], [0, 0, 1, 1], [], []>, transpose_lhs_hint = false} : vector<1000x128xf32>, vector<128x128xf32>, vector<1000x128xf32> -> vector<1000x128xf32>
    %add3A_71 = arith.addf %add3A_68, %dot_general3A_70 : vector<1000x128xf32>
    %add3A_72 = arith.addf %add3A_46, %add3A_71 : vector<1000x128xf32>
    %slice3A_73 = vector.extract_strided_slice %get3A_1 {offsets = [0, 3], sizes = [1000, 1], strides = [1, 1]} : vector<1000x9xi32> to vector<1000x1xi32>
    %eq3A_74 = vector.broadcast %slice3A_73 : vector<1000x1xi32> to vector<1000x128xi32>
    %eq3A_75 = arith.cmpi eq, %eq3A_74, %iota3A : vector<1000x128xi32>
    %convert_element_type3A_76 = arith.extui %eq3A_75 : vector<1000x128xi1> to vector<1000x128xi32>
    %convert_element_type3A_77 = arith.sitofp %convert_element_type3A_76 : vector<1000x128xi32> to vector<1000x128xf32>
    %get3A_78 = arith.constant 3 : index
    %get3A_79 = arith.constant 0 : index
    %get3A_80 = arith.constant 0 : index
    %get3A_81 = vector.load %arg2[%get3A_78, %get3A_79, %get3A_80] : memref<9x128x128xf32, #tpu.memory_space<vmem>>, vector<1x128x128xf32>
    %get3A_82 = vector.shape_cast %get3A_81 : vector<1x128x128xf32> to vector<128x128xf32>
    %convert_element_type3A_83 = arith.truncf %get3A_82 : vector<128x128xf32> to vector<128x128xbf16>
    %convert_element_type3A_84 = arith.extf %convert_element_type3A_83 : vector<128x128xbf16> to vector<128x128xf32>
    %sub3A_85 = arith.subf %get3A_82, %convert_element_type3A_84 : vector<128x128xf32>
    %convert_element_type3A_86 = arith.truncf %sub3A_85 : vector<128x128xf32> to vector<128x128xbf16>
    %convert_element_type3A_87 = arith.extf %convert_element_type3A_86 : vector<128x128xbf16> to vector<128x128xf32>
    %sub3A_88 = arith.subf %get3A_82, %convert_element_type3A_84 : vector<128x128xf32>
    %sub3A_89 = arith.subf %sub3A_88, %convert_element_type3A_87 : vector<128x128xf32>
    %dot_general3A_90 = arith.constant dense<0.000000e+00> : vector<1000x128xf32>
    %dot_general3A_91 = tpu.matmul %convert_element_type3A_77, %convert_element_type3A_84, %dot_general3A_90 {dimension_numbers = #tpu.dot_dimension_numbers<[1], [0], [0], [1], [0, 0, 1, 1], [], []>, transpose_lhs_hint = false} : vector<1000x128xf32>, vector<128x128xf32>, vector<1000x128xf32> -> vector<1000x128xf32>
    %dot_general3A_92 = arith.constant dense<0.000000e+00> : vector<1000x128xf32>
    %dot_general3A_93 = tpu.matmul %convert_element_type3A_77, %convert_element_type3A_87, %dot_general3A_92 {dimension_numbers = #tpu.dot_dimension_numbers<[1], [0], [0], [1], [0, 0, 1, 1], [], []>, transpose_lhs_hint = false} : vector<1000x128xf32>, vector<128x128xf32>, vector<1000x128xf32> -> vector<1000x128xf32>
    %add3A_94 = arith.addf %dot_general3A_91, %dot_general3A_93 : vector<1000x128xf32>
    %dot_general3A_95 = arith.constant dense<0.000000e+00> : vector<1000x128xf32>
    %dot_general3A_96 = tpu.matmul %convert_element_type3A_77, %sub3A_89, %dot_general3A_95 {dimension_numbers = #tpu.dot_dimension_numbers<[1], [0], [0], [1], [0, 0, 1, 1], [], []>, transpose_lhs_hint = false} : vector<1000x128xf32>, vector<128x128xf32>, vector<1000x128xf32> -> vector<1000x128xf32>
    %add3A_97 = arith.addf %add3A_94, %dot_general3A_96 : vector<1000x128xf32>
    %add3A_98 = arith.addf %add3A_72, %add3A_97 : vector<1000x128xf32>
    %slice3A_99 = vector.extract_strided_slice %get3A_1 {offsets = [0, 4], sizes = [1000, 1], strides = [1, 1]} : vector<1000x9xi32> to vector<1000x1xi32>
    %eq3A_100 = vector.broadcast %slice3A_99 : vector<1000x1xi32> to vector<1000x128xi32>
    %eq3A_101 = arith.cmpi eq, %eq3A_100, %iota3A : vector<1000x128xi32>
    %convert_element_type3A_102 = arith.extui %eq3A_101 : vector<1000x128xi1> to vector<1000x128xi32>
    %convert_element_type3A_103 = arith.sitofp %convert_element_type3A_102 : vector<1000x128xi32> to vector<1000x128xf32>
    %get3A_104 = arith.constant 4 : index
    %get3A_105 = arith.constant 0 : index
    %get3A_106 = arith.constant 0 : index
    %get3A_107 = vector.load %arg2[%get3A_104, %get3A_105, %get3A_106] : memref<9x128x128xf32, #tpu.memory_space<vmem>>, vector<1x128x128xf32>
    %get3A_108 = vector.shape_cast %get3A_107 : vector<1x128x128xf32> to vector<128x128xf32>
    %convert_element_type3A_109 = arith.truncf %get3A_108 : vector<128x128xf32> to vector<128x128xbf16>
    %convert_element_type3A_110 = arith.extf %convert_element_type3A_109 : vector<128x128xbf16> to vector<128x128xf32>
    %sub3A_111 = arith.subf %get3A_108, %convert_element_type3A_110 : vector<128x128xf32>
    %convert_element_type3A_112 = arith.truncf %sub3A_111 : vector<128x128xf32> to vector<128x128xbf16>
    %convert_element_type3A_113 = arith.extf %convert_element_type3A_112 : vector<128x128xbf16> to vector<128x128xf32>
    %sub3A_114 = arith.subf %get3A_108, %convert_element_type3A_110 : vector<128x128xf32>
    %sub3A_115 = arith.subf %sub3A_114, %convert_element_type3A_113 : vector<128x128xf32>
    %dot_general3A_116 = arith.constant dense<0.000000e+00> : vector<1000x128xf32>
    %dot_general3A_117 = tpu.matmul %convert_element_type3A_103, %convert_element_type3A_110, %dot_general3A_116 {dimension_numbers = #tpu.dot_dimension_numbers<[1], [0], [0], [1], [0, 0, 1, 1], [], []>, transpose_lhs_hint = false} : vector<1000x128xf32>, vector<128x128xf32>, vector<1000x128xf32> -> vector<1000x128xf32>
    %dot_general3A_118 = arith.constant dense<0.000000e+00> : vector<1000x128xf32>
    %dot_general3A_119 = tpu.matmul %convert_element_type3A_103, %convert_element_type3A_113, %dot_general3A_118 {dimension_numbers = #tpu.dot_dimension_numbers<[1], [0], [0], [1], [0, 0, 1, 1], [], []>, transpose_lhs_hint = false} : vector<1000x128xf32>, vector<128x128xf32>, vector<1000x128xf32> -> vector<1000x128xf32>
    %add3A_120 = arith.addf %dot_general3A_117, %dot_general3A_119 : vector<1000x128xf32>
    %dot_general3A_121 = arith.constant dense<0.000000e+00> : vector<1000x128xf32>
    %dot_general3A_122 = tpu.matmul %convert_element_type3A_103, %sub3A_115, %dot_general3A_121 {dimension_numbers = #tpu.dot_dimension_numbers<[1], [0], [0], [1], [0, 0, 1, 1], [], []>, transpose_lhs_hint = false} : vector<1000x128xf32>, vector<128x128xf32>, vector<1000x128xf32> -> vector<1000x128xf32>
    %add3A_123 = arith.addf %add3A_120, %dot_general3A_122 : vector<1000x128xf32>
    %add3A_124 = arith.addf %add3A_98, %add3A_123 : vector<1000x128xf32>
    %slice3A_125 = vector.extract_strided_slice %get3A_1 {offsets = [0, 5], sizes = [1000, 1], strides = [1, 1]} : vector<1000x9xi32> to vector<1000x1xi32>
    %eq3A_126 = vector.broadcast %slice3A_125 : vector<1000x1xi32> to vector<1000x128xi32>
    %eq3A_127 = arith.cmpi eq, %eq3A_126, %iota3A : vector<1000x128xi32>
    %convert_element_type3A_128 = arith.extui %eq3A_127 : vector<1000x128xi1> to vector<1000x128xi32>
    %convert_element_type3A_129 = arith.sitofp %convert_element_type3A_128 : vector<1000x128xi32> to vector<1000x128xf32>
    %get3A_130 = arith.constant 5 : index
    %get3A_131 = arith.constant 0 : index
    %get3A_132 = arith.constant 0 : index
    %get3A_133 = vector.load %arg2[%get3A_130, %get3A_131, %get3A_132] : memref<9x128x128xf32, #tpu.memory_space<vmem>>, vector<1x128x128xf32>
    %get3A_134 = vector.shape_cast %get3A_133 : vector<1x128x128xf32> to vector<128x128xf32>
    %convert_element_type3A_135 = arith.truncf %get3A_134 : vector<128x128xf32> to vector<128x128xbf16>
    %convert_element_type3A_136 = arith.extf %convert_element_type3A_135 : vector<128x128xbf16> to vector<128x128xf32>
    %sub3A_137 = arith.subf %get3A_134, %convert_element_type3A_136 : vector<128x128xf32>
    %convert_element_type3A_138 = arith.truncf %sub3A_137 : vector<128x128xf32> to vector<128x128xbf16>
    %convert_element_type3A_139 = arith.extf %convert_element_type3A_138 : vector<128x128xbf16> to vector<128x128xf32>
    %sub3A_140 = arith.subf %get3A_134, %convert_element_type3A_136 : vector<128x128xf32>
    %sub3A_141 = arith.subf %sub3A_140, %convert_element_type3A_139 : vector<128x128xf32>
    %dot_general3A_142 = arith.constant dense<0.000000e+00> : vector<1000x128xf32>
    %dot_general3A_143 = tpu.matmul %convert_element_type3A_129, %convert_element_type3A_136, %dot_general3A_142 {dimension_numbers = #tpu.dot_dimension_numbers<[1], [0], [0], [1], [0, 0, 1, 1], [], []>, transpose_lhs_hint = false} : vector<1000x128xf32>, vector<128x128xf32>, vector<1000x128xf32> -> vector<1000x128xf32>
    %dot_general3A_144 = arith.constant dense<0.000000e+00> : vector<1000x128xf32>
    %dot_general3A_145 = tpu.matmul %convert_element_type3A_129, %convert_element_type3A_139, %dot_general3A_144 {dimension_numbers = #tpu.dot_dimension_numbers<[1], [0], [0], [1], [0, 0, 1, 1], [], []>, transpose_lhs_hint = false} : vector<1000x128xf32>, vector<128x128xf32>, vector<1000x128xf32> -> vector<1000x128xf32>
    %add3A_146 = arith.addf %dot_general3A_143, %dot_general3A_145 : vector<1000x128xf32>
    %dot_general3A_147 = arith.constant dense<0.000000e+00> : vector<1000x128xf32>
    %dot_general3A_148 = tpu.matmul %convert_element_type3A_129, %sub3A_141, %dot_general3A_147 {dimension_numbers = #tpu.dot_dimension_numbers<[1], [0], [0], [1], [0, 0, 1, 1], [], []>, transpose_lhs_hint = false} : vector<1000x128xf32>, vector<128x128xf32>, vector<1000x128xf32> -> vector<1000x128xf32>
    %add3A_149 = arith.addf %add3A_146, %dot_general3A_148 : vector<1000x128xf32>
    %add3A_150 = arith.addf %add3A_124, %add3A_149 : vector<1000x128xf32>
    %slice3A_151 = vector.extract_strided_slice %get3A_1 {offsets = [0, 6], sizes = [1000, 1], strides = [1, 1]} : vector<1000x9xi32> to vector<1000x1xi32>
    %eq3A_152 = vector.broadcast %slice3A_151 : vector<1000x1xi32> to vector<1000x128xi32>
    %eq3A_153 = arith.cmpi eq, %eq3A_152, %iota3A : vector<1000x128xi32>
    %convert_element_type3A_154 = arith.extui %eq3A_153 : vector<1000x128xi1> to vector<1000x128xi32>
    %convert_element_type3A_155 = arith.sitofp %convert_element_type3A_154 : vector<1000x128xi32> to vector<1000x128xf32>
    %get3A_156 = arith.constant 6 : index
    %get3A_157 = arith.constant 0 : index
    %get3A_158 = arith.constant 0 : index
    %get3A_159 = vector.load %arg2[%get3A_156, %get3A_157, %get3A_158] : memref<9x128x128xf32, #tpu.memory_space<vmem>>, vector<1x128x128xf32>
    %get3A_160 = vector.shape_cast %get3A_159 : vector<1x128x128xf32> to vector<128x128xf32>
    %convert_element_type3A_161 = arith.truncf %get3A_160 : vector<128x128xf32> to vector<128x128xbf16>
    %convert_element_type3A_162 = arith.extf %convert_element_type3A_161 : vector<128x128xbf16> to vector<128x128xf32>
    %sub3A_163 = arith.subf %get3A_160, %convert_element_type3A_162 : vector<128x128xf32>
    %convert_element_type3A_164 = arith.truncf %sub3A_163 : vector<128x128xf32> to vector<128x128xbf16>
    %convert_element_type3A_165 = arith.extf %convert_element_type3A_164 : vector<128x128xbf16> to vector<128x128xf32>
    %sub3A_166 = arith.subf %get3A_160, %convert_element_type3A_162 : vector<128x128xf32>
    %sub3A_167 = arith.subf %sub3A_166, %convert_element_type3A_165 : vector<128x128xf32>
    %dot_general3A_168 = arith.constant dense<0.000000e+00> : vector<1000x128xf32>
    %dot_general3A_169 = tpu.matmul %convert_element_type3A_155, %convert_element_type3A_162, %dot_general3A_168 {dimension_numbers = #tpu.dot_dimension_numbers<[1], [0], [0], [1], [0, 0, 1, 1], [], []>, transpose_lhs_hint = false} : vector<1000x128xf32>, vector<128x128xf32>, vector<1000x128xf32> -> vector<1000x128xf32>
    %dot_general3A_170 = arith.constant dense<0.000000e+00> : vector<1000x128xf32>
    %dot_general3A_171 = tpu.matmul %convert_element_type3A_155, %convert_element_type3A_165, %dot_general3A_170 {dimension_numbers = #tpu.dot_dimension_numbers<[1], [0], [0], [1], [0, 0, 1, 1], [], []>, transpose_lhs_hint = false} : vector<1000x128xf32>, vector<128x128xf32>, vector<1000x128xf32> -> vector<1000x128xf32>
    %add3A_172 = arith.addf %dot_general3A_169, %dot_general3A_171 : vector<1000x128xf32>
    %dot_general3A_173 = arith.constant dense<0.000000e+00> : vector<1000x128xf32>
    %dot_general3A_174 = tpu.matmul %convert_element_type3A_155, %sub3A_167, %dot_general3A_173 {dimension_numbers = #tpu.dot_dimension_numbers<[1], [0], [0], [1], [0, 0, 1, 1], [], []>, transpose_lhs_hint = false} : vector<1000x128xf32>, vector<128x128xf32>, vector<1000x128xf32> -> vector<1000x128xf32>
    %add3A_175 = arith.addf %add3A_172, %dot_general3A_174 : vector<1000x128xf32>
    %add3A_176 = arith.addf %add3A_150, %add3A_175 : vector<1000x128xf32>
    %slice3A_177 = vector.extract_strided_slice %get3A_1 {offsets = [0, 7], sizes = [1000, 1], strides = [1, 1]} : vector<1000x9xi32> to vector<1000x1xi32>
    %eq3A_178 = vector.broadcast %slice3A_177 : vector<1000x1xi32> to vector<1000x128xi32>
    %eq3A_179 = arith.cmpi eq, %eq3A_178, %iota3A : vector<1000x128xi32>
    %convert_element_type3A_180 = arith.extui %eq3A_179 : vector<1000x128xi1> to vector<1000x128xi32>
    %convert_element_type3A_181 = arith.sitofp %convert_element_type3A_180 : vector<1000x128xi32> to vector<1000x128xf32>
    %get3A_182 = arith.constant 7 : index
    %get3A_183 = arith.constant 0 : index
    %get3A_184 = arith.constant 0 : index
    %get3A_185 = vector.load %arg2[%get3A_182, %get3A_183, %get3A_184] : memref<9x128x128xf32, #tpu.memory_space<vmem>>, vector<1x128x128xf32>
    %get3A_186 = vector.shape_cast %get3A_185 : vector<1x128x128xf32> to vector<128x128xf32>
    %convert_element_type3A_187 = arith.truncf %get3A_186 : vector<128x128xf32> to vector<128x128xbf16>
    %convert_element_type3A_188 = arith.extf %convert_element_type3A_187 : vector<128x128xbf16> to vector<128x128xf32>
    %sub3A_189 = arith.subf %get3A_186, %convert_element_type3A_188 : vector<128x128xf32>
    %convert_element_type3A_190 = arith.truncf %sub3A_189 : vector<128x128xf32> to vector<128x128xbf16>
    %convert_element_type3A_191 = arith.extf %convert_element_type3A_190 : vector<128x128xbf16> to vector<128x128xf32>
    %sub3A_192 = arith.subf %get3A_186, %convert_element_type3A_188 : vector<128x128xf32>
    %sub3A_193 = arith.subf %sub3A_192, %convert_element_type3A_191 : vector<128x128xf32>
    %dot_general3A_194 = arith.constant dense<0.000000e+00> : vector<1000x128xf32>
    %dot_general3A_195 = tpu.matmul %convert_element_type3A_181, %convert_element_type3A_188, %dot_general3A_194 {dimension_numbers = #tpu.dot_dimension_numbers<[1], [0], [0], [1], [0, 0, 1, 1], [], []>, transpose_lhs_hint = false} : vector<1000x128xf32>, vector<128x128xf32>, vector<1000x128xf32> -> vector<1000x128xf32>
    %dot_general3A_196 = arith.constant dense<0.000000e+00> : vector<1000x128xf32>
    %dot_general3A_197 = tpu.matmul %convert_element_type3A_181, %convert_element_type3A_191, %dot_general3A_196 {dimension_numbers = #tpu.dot_dimension_numbers<[1], [0], [0], [1], [0, 0, 1, 1], [], []>, transpose_lhs_hint = false} : vector<1000x128xf32>, vector<128x128xf32>, vector<1000x128xf32> -> vector<1000x128xf32>
    %add3A_198 = arith.addf %dot_general3A_195, %dot_general3A_197 : vector<1000x128xf32>
    %dot_general3A_199 = arith.constant dense<0.000000e+00> : vector<1000x128xf32>
    %dot_general3A_200 = tpu.matmul %convert_element_type3A_181, %sub3A_193, %dot_general3A_199 {dimension_numbers = #tpu.dot_dimension_numbers<[1], [0], [0], [1], [0, 0, 1, 1], [], []>, transpose_lhs_hint = false} : vector<1000x128xf32>, vector<128x128xf32>, vector<1000x128xf32> -> vector<1000x128xf32>
    %add3A_201 = arith.addf %add3A_198, %dot_general3A_200 : vector<1000x128xf32>
    %add3A_202 = arith.addf %add3A_176, %add3A_201 : vector<1000x128xf32>
    %slice3A_203 = vector.extract_strided_slice %get3A_1 {offsets = [0, 8], sizes = [1000, 1], strides = [1, 1]} : vector<1000x9xi32> to vector<1000x1xi32>
    %eq3A_204 = vector.broadcast %slice3A_203 : vector<1000x1xi32> to vector<1000x128xi32>
    %eq3A_205 = arith.cmpi eq, %eq3A_204, %iota3A : vector<1000x128xi32>
    %convert_element_type3A_206 = arith.extui %eq3A_205 : vector<1000x128xi1> to vector<1000x128xi32>
    %convert_element_type3A_207 = arith.sitofp %convert_element_type3A_206 : vector<1000x128xi32> to vector<1000x128xf32>
    %get3A_208 = arith.constant 8 : index
    %get3A_209 = arith.constant 0 : index
    %get3A_210 = arith.constant 0 : index
    %get3A_211 = vector.load %arg2[%get3A_208, %get3A_209, %get3A_210] : memref<9x128x128xf32, #tpu.memory_space<vmem>>, vector<1x128x128xf32>
    %get3A_212 = vector.shape_cast %get3A_211 : vector<1x128x128xf32> to vector<128x128xf32>
    %convert_element_type3A_213 = arith.truncf %get3A_212 : vector<128x128xf32> to vector<128x128xbf16>
    %convert_element_type3A_214 = arith.extf %convert_element_type3A_213 : vector<128x128xbf16> to vector<128x128xf32>
    %sub3A_215 = arith.subf %get3A_212, %convert_element_type3A_214 : vector<128x128xf32>
    %convert_element_type3A_216 = arith.truncf %sub3A_215 : vector<128x128xf32> to vector<128x128xbf16>
    %convert_element_type3A_217 = arith.extf %convert_element_type3A_216 : vector<128x128xbf16> to vector<128x128xf32>
    %sub3A_218 = arith.subf %get3A_212, %convert_element_type3A_214 : vector<128x128xf32>
    %sub3A_219 = arith.subf %sub3A_218, %convert_element_type3A_217 : vector<128x128xf32>
    %dot_general3A_220 = arith.constant dense<0.000000e+00> : vector<1000x128xf32>
    %dot_general3A_221 = tpu.matmul %convert_element_type3A_207, %convert_element_type3A_214, %dot_general3A_220 {dimension_numbers = #tpu.dot_dimension_numbers<[1], [0], [0], [1], [0, 0, 1, 1], [], []>, transpose_lhs_hint = false} : vector<1000x128xf32>, vector<128x128xf32>, vector<1000x128xf32> -> vector<1000x128xf32>
    %dot_general3A_222 = arith.constant dense<0.000000e+00> : vector<1000x128xf32>
    %dot_general3A_223 = tpu.matmul %convert_element_type3A_207, %convert_element_type3A_217, %dot_general3A_222 {dimension_numbers = #tpu.dot_dimension_numbers<[1], [0], [0], [1], [0, 0, 1, 1], [], []>, transpose_lhs_hint = false} : vector<1000x128xf32>, vector<128x128xf32>, vector<1000x128xf32> -> vector<1000x128xf32>
    %add3A_224 = arith.addf %dot_general3A_221, %dot_general3A_223 : vector<1000x128xf32>
    %dot_general3A_225 = arith.constant dense<0.000000e+00> : vector<1000x128xf32>
    %dot_general3A_226 = tpu.matmul %convert_element_type3A_207, %sub3A_219, %dot_general3A_225 {dimension_numbers = #tpu.dot_dimension_numbers<[1], [0], [0], [1], [0, 0, 1, 1], [], []>, transpose_lhs_hint = false} : vector<1000x128xf32>, vector<128x128xf32>, vector<1000x128xf32> -> vector<1000x128xf32>
    %add3A_227 = arith.addf %add3A_224, %dot_general3A_226 : vector<1000x128xf32>
    %add3A_228 = arith.addf %add3A_202, %add3A_227 : vector<1000x128xf32>
    %swap3A = arith.constant 0 : index
    %swap3A_229 = arith.constant 0 : index
    %swap3A_230 = vector.load %arg3[%swap3A, %swap3A_229] : memref<1000x128xf32, #tpu.memory_space<vmem>>, vector<1000x128xf32>
    tpu.vector_store %arg3[%swap3A, %swap3A_229], %add3A_228 {strides = array<i32>} : memref<1000x128xf32, #tpu.memory_space<vmem>>, vector<1000x128xf32>,
    return
  }
  func.func @transform_0(%arg0: i32) -> (i32, i32) {
    %c0_i32 = arith.constant 0 : i32
    %c0_i32_0 = arith.constant 0 : i32
    return %arg0, %c0_i32 : i32, i32
  }
  func.func @transform_1(%arg0: i32) -> (i32, i32, i32) {
    %c0_i32 = arith.constant 0 : i32
    %c0_i32_0 = arith.constant 0 : i32
    %c0_i32_1 = arith.constant 0 : i32
    %c0_i32_2 = arith.constant 0 : i32
    return %c0_i32, %c0_i32_0, %c0_i32_1 : i32, i32, i32
  }
  func.func @transform_2(%arg0: i32) -> (i32, i32) {
    %c0_i32 = arith.constant 0 : i32
    %c0_i32_0 = arith.constant 0 : i32
    return %arg0, %c0_i32 : i32, i32
  }
}

module attributes {stable_mosaic.version = 14 : i64} {
  func.func @body(%arg0: i32, %arg1: memref<1xf32, #tpu.memory_space<smem>>, %arg2: memref<1000x128xf32, #tpu.memory_space<vmem>>, %arg3: memref<2x1000x128xf32, #tpu.memory_space<vmem>>, %arg4: memref<128x256xf32, #tpu.memory_space<vmem>>, %arg5: memref<1x256xf32, #tpu.memory_space<vmem>>, %arg6: memref<1000x256xf32, #tpu.memory_space<vmem>>, %arg7: memref<2x256xf32, #tpu.memory_space<vmem>>) attributes {dimension_semantics = [#tpu.dimension_semantics<arbitrary>], iteration_bounds = array<i64: 10>, scalar_prefetch = 0 : i64, scratch_operands = 0 : i64, tpu.core_type = #tpu.core_type<tc>, window_params = [{transform_indices = @transform_0, window_bounds = array<i64: 1>}, {transform_indices = @transform_1, window_bounds = array<i64: 1000, 128>}, {transform_indices = @transform_2, window_bounds = array<i64: 2, 1000, 128>}, {pipeline_mode = #tpu.pipeline_mode<synchronous>, transform_indices = @transform_3, window_bounds = array<i64: 128, 256>}, {pipeline_mode = #tpu.pipeline_mode<synchronous>, transform_indices = @transform_4, window_bounds = array<i64: 1, 256>}, {transform_indices = @transform_5, window_bounds = array<i64: 1000, 256>}, {pipeline_mode = #tpu.pipeline_mode<synchronous>, transform_indices = @transform_6, window_bounds = array<i64: 2, 256>}]} {
    %get3A = arith.constant 0 : index
    %get3A_0 = memref.load %arg1[%get3A] : memref<1xf32, #tpu.memory_space<smem>>
    %add3A = arith.constant 1.000000e+00 : f32
    %add3A_1 = arith.addf %add3A, %get3A_0 : f32
    %get3A_2 = arith.constant 0 : index
    %get3A_3 = arith.constant 0 : index
    %get3A_4 = vector.load %arg2[%get3A_2, %get3A_3] : memref<1000x128xf32, #tpu.memory_space<vmem>>, vector<1000x128xf32>
    %mul3A = vector.broadcast %add3A_1 : f32 to vector<1000x128xf32>
    %mul3A_5 = arith.mulf %mul3A, %get3A_4 : vector<1000x128xf32>
    %get3A_6 = arith.constant 0 : index
    %get3A_7 = arith.constant 0 : index
    %get3A_8 = arith.constant 0 : index
    %get3A_9 = vector.load %arg3[%get3A_6, %get3A_7, %get3A_8] : memref<2x1000x128xf32, #tpu.memory_space<vmem>>, vector<1x1000x128xf32>
    %get3A_10 = vector.shape_cast %get3A_9 : vector<1x1000x128xf32> to vector<1000x128xf32>
    %add3A_11 = arith.addf %mul3A_5, %get3A_10 : vector<1000x128xf32>
    %get3A_12 = arith.constant 1 : index
    %get3A_13 = arith.constant 0 : index
    %get3A_14 = arith.constant 0 : index
    %get3A_15 = vector.load %arg3[%get3A_12, %get3A_13, %get3A_14] : memref<2x1000x128xf32, #tpu.memory_space<vmem>>, vector<1x1000x128xf32>
    %get3A_16 = vector.shape_cast %get3A_15 : vector<1x1000x128xf32> to vector<1000x128xf32>
    %add3A_17 = arith.addf %add3A_11, %get3A_16 : vector<1000x128xf32>
    %get3A_18 = arith.constant 0 : index
    %get3A_19 = arith.constant 0 : index
    %get3A_20 = vector.load %arg4[%get3A_18, %get3A_19] : memref<128x256xf32, #tpu.memory_space<vmem>>, vector<128x256xf32>
    %dot_general3A = arith.constant dense<0.000000e+00> : vector<1000x256xf32>
    %dot_general3A_21 = tpu.matmul %add3A_17, %get3A_20, %dot_general3A {dimension_numbers = #tpu.dot_dimension_numbers<[1], [0], [0], [1], [0, 0, 1, 1], [], []>, transpose_lhs_hint = false} : vector<1000x128xf32>, vector<128x256xf32>, vector<1000x256xf32> -> vector<1000x256xf32>
    %get3A_22 = arith.constant 0 : index
    %get3A_23 = arith.constant 0 : index
    %get3A_24 = vector.load %arg5[%get3A_22, %get3A_23] : memref<1x256xf32, #tpu.memory_space<vmem>>, vector<1x256xf32>
    %add3A_25 = vector.broadcast %get3A_24 : vector<1x256xf32> to vector<1000x256xf32>
    %add3A_26 = arith.addf %dot_general3A_21, %add3A_25 : vector<1000x256xf32>
    %swap3A = arith.constant 0 : index
    %swap3A_27 = arith.constant 0 : index
    %swap3A_28 = vector.load %arg6[%swap3A, %swap3A_27] : memref<1000x256xf32, #tpu.memory_space<vmem>>, vector<1000x256xf32>
    tpu.vector_store %arg6[%swap3A, %swap3A_27], %add3A_26 {strides = array<i32>} : memref<1000x256xf32, #tpu.memory_space<vmem>>, vector<1000x256xf32>,
    %reduce_sum3A = arith.constant dense<0.000000e+00> : vector<256xf32>
    %reduce_sum3A_29 = vector.multi_reduction <add>, %add3A_26, %reduce_sum3A [0] : vector<1000x256xf32> to vector<256xf32>
    %broadcast_in_dim3A = vector.shape_cast %reduce_sum3A_29 : vector<256xf32> to vector<1x256xf32>
    %mul3A_30 = arith.mulf %add3A_26, %add3A_26 : vector<1000x256xf32>
    %reduce_sum3A_31 = arith.constant dense<0.000000e+00> : vector<256xf32>
    %reduce_sum3A_32 = vector.multi_reduction <add>, %mul3A_30, %reduce_sum3A_31 [0] : vector<1000x256xf32> to vector<256xf32>
    %broadcast_in_dim3A_33 = vector.shape_cast %reduce_sum3A_32 : vector<256xf32> to vector<1x256xf32>
    %concatenate3A = tpu.concatenate %broadcast_in_dim3A, %broadcast_in_dim3A_33 in 0 : vector<1x256xf32>, vector<1x256xf32> -> vector<2x256xf32>
    %eq3A = arith.constant 0 : i32
    %eq3A_34 = arith.cmpi eq, %arg0, %eq3A : i32
    %convert_element_type3A = arith.extui %eq3A_34 : i1 to i32
    %cond3A = arith.constant 0 : i32
    %cond3A_35 = arith.cmpi ne, %convert_element_type3A, %cond3A : i32
    scf.if %cond3A_35 {
      %swap3A_40 = arith.constant 0 : index
      %swap3A_41 = arith.constant 0 : index
      %swap3A_42 = vector.load %arg7[%swap3A_40, %swap3A_41] : memref<2x256xf32, #tpu.memory_space<vmem>>, vector<2x256xf32>
      tpu.vector_store %arg7[%swap3A_40, %swap3A_41], %concatenate3A {strides = array<i32>} : memref<2x256xf32, #tpu.memory_space<vmem>>, vector<2x256xf32>,
    } else {
    }
    %gt3A = arith.constant 0 : i32
    %gt3A_36 = arith.cmpi sgt, %arg0, %gt3A : i32
    %convert_element_type3A_37 = arith.extui %gt3A_36 : i1 to i32
    %cond3A_38 = arith.constant 0 : i32
    %cond3A_39 = arith.cmpi ne, %convert_element_type3A_37, %cond3A_38 : i32
    scf.if %cond3A_39 {
      %get3A_40 = arith.constant 0 : index
      %get3A_41 = arith.constant 0 : index
      %get3A_42 = vector.load %arg7[%get3A_40, %get3A_41] : memref<2x256xf32, #tpu.memory_space<vmem>>, vector<2x256xf32>
      %add3A_43 = arith.addf %get3A_42, %concatenate3A : vector<2x256xf32>
      %swap3A_44 = arith.constant 0 : index
      %swap3A_45 = arith.constant 0 : index
      %swap3A_46 = vector.load %arg7[%swap3A_44, %swap3A_45] : memref<2x256xf32, #tpu.memory_space<vmem>>, vector<2x256xf32>
      tpu.vector_store %arg7[%swap3A_44, %swap3A_45], %add3A_43 {strides = array<i32>} : memref<2x256xf32, #tpu.memory_space<vmem>>, vector<2x256xf32>,
    } else {
    }
    return
  }
  func.func @transform_0(%arg0: i32) -> i32 {
    %c0_i32 = arith.constant 0 : i32
    %c0_i32_0 = arith.constant 0 : i32
    return %c0_i32 : i32
  }
  func.func @transform_1(%arg0: i32) -> (i32, i32) {
    %c0_i32 = arith.constant 0 : i32
    %c0_i32_0 = arith.constant 0 : i32
    return %arg0, %c0_i32 : i32, i32
  }
  func.func @transform_2(%arg0: i32) -> (i32, i32, i32) {
    %c0_i32 = arith.constant 0 : i32
    %c0_i32_0 = arith.constant 0 : i32
    %c0_i32_1 = arith.constant 0 : i32
    return %c0_i32, %arg0, %c0_i32_0 : i32, i32, i32
  }
  func.func @transform_3(%arg0: i32) -> (i32, i32) {
    %c0_i32 = arith.constant 0 : i32
    %c0_i32_0 = arith.constant 0 : i32
    %c0_i32_1 = arith.constant 0 : i32
    return %c0_i32, %c0_i32_0 : i32, i32
  }
  func.func @transform_4(%arg0: i32) -> (i32, i32) {
    %c0_i32 = arith.constant 0 : i32
    %c0_i32_0 = arith.constant 0 : i32
    %c0_i32_1 = arith.constant 0 : i32
    return %c0_i32, %c0_i32_0 : i32, i32
  }
  func.func @transform_5(%arg0: i32) -> (i32, i32) {
    %c0_i32 = arith.constant 0 : i32
    %c0_i32_0 = arith.constant 0 : i32
    return %arg0, %c0_i32 : i32, i32
  }
  func.func @transform_6(%arg0: i32) -> (i32, i32) {
    %c0_i32 = arith.constant 0 : i32
    %c0_i32_0 = arith.constant 0 : i32
    %c0_i32_1 = arith.constant 0 : i32
    return %c0_i32, %c0_i32_0 : i32, i32
  }
}

module attributes {stable_mosaic.version = 14 : i64} {
  func.func @body(%arg0: i32, %arg1: memref<1000x256xf32, #tpu.memory_space<vmem>>, %arg2: memref<2x256xf32, #tpu.memory_space<vmem>>, %arg3: memref<1x256xf32, #tpu.memory_space<vmem>>, %arg4: memref<1x256xf32, #tpu.memory_space<vmem>>, %arg5: memref<256x128xf32, #tpu.memory_space<vmem>>, %arg6: memref<1x128xf32, #tpu.memory_space<vmem>>, %arg7: memref<1000x128xf32, #tpu.memory_space<vmem>>, %arg8: memref<2x128xf32, #tpu.memory_space<vmem>>) attributes {dimension_semantics = [#tpu.dimension_semantics<arbitrary>], iteration_bounds = array<i64: 10>, scalar_prefetch = 0 : i64, scratch_operands = 0 : i64, tpu.core_type = #tpu.core_type<tc>, window_params = [{transform_indices = @transform_0, window_bounds = array<i64: 1000, 256>}, {pipeline_mode = #tpu.pipeline_mode<synchronous>, transform_indices = @transform_1, window_bounds = array<i64: 2, 256>}, {pipeline_mode = #tpu.pipeline_mode<synchronous>, transform_indices = @transform_2, window_bounds = array<i64: 1, 256>}, {pipeline_mode = #tpu.pipeline_mode<synchronous>, transform_indices = @transform_3, window_bounds = array<i64: 1, 256>}, {pipeline_mode = #tpu.pipeline_mode<synchronous>, transform_indices = @transform_4, window_bounds = array<i64: 256, 128>}, {pipeline_mode = #tpu.pipeline_mode<synchronous>, transform_indices = @transform_5, window_bounds = array<i64: 1, 128>}, {transform_indices = @transform_6, window_bounds = array<i64: 1000, 128>}, {pipeline_mode = #tpu.pipeline_mode<synchronous>, transform_indices = @transform_7, window_bounds = array<i64: 2, 128>}]} {
    %get3A = arith.constant 0 : index
    %get3A_0 = arith.constant 0 : index
    %get3A_1 = vector.load %arg2[%get3A, %get3A_0] : memref<2x256xf32, #tpu.memory_space<vmem>>, vector<2x256xf32>
    %slice3A = vector.extract_strided_slice %get3A_1 {offsets = [0, 0], sizes = [1, 256], strides = [1, 1]} : vector<2x256xf32> to vector<1x256xf32>
    %mul3A = arith.constant 9.99999974E-5 : f32
    %mul3A_2 = vector.broadcast %mul3A : f32 to vector<1x256xf32>
    %mul3A_3 = arith.mulf %slice3A, %mul3A_2 : vector<1x256xf32>
    %slice3A_4 = vector.extract_strided_slice %get3A_1 {offsets = [1, 0], sizes = [1, 256], strides = [1, 1]} : vector<2x256xf32> to vector<1x256xf32>
    %mul3A_5 = arith.constant 9.99999974E-5 : f32
    %mul3A_6 = vector.broadcast %mul3A_5 : f32 to vector<1x256xf32>
    %mul3A_7 = arith.mulf %slice3A_4, %mul3A_6 : vector<1x256xf32>
    %mul3A_8 = arith.mulf %mul3A_3, %mul3A_3 : vector<1x256xf32>
    %sub3A = arith.subf %mul3A_7, %mul3A_8 : vector<1x256xf32>
    %get3A_9 = arith.constant 0 : index
    %get3A_10 = arith.constant 0 : index
    %get3A_11 = vector.load %arg3[%get3A_9, %get3A_10] : memref<1x256xf32, #tpu.memory_space<vmem>>, vector<1x256xf32>
    %get3A_12 = arith.constant 0 : index
    %get3A_13 = arith.constant 0 : index
    %get3A_14 = vector.load %arg1[%get3A_12, %get3A_13] : memref<1000x256xf32, #tpu.memory_space<vmem>>, vector<1000x256xf32>
    %sub3A_15 = vector.broadcast %mul3A_3 : vector<1x256xf32> to vector<1000x256xf32>
    %sub3A_16 = arith.subf %get3A_14, %sub3A_15 : vector<1000x256xf32>
    %mul3A_17 = vector.broadcast %get3A_11 : vector<1x256xf32> to vector<1000x256xf32>
    %mul3A_18 = arith.mulf %mul3A_17, %sub3A_16 : vector<1000x256xf32>
    %add3A = arith.constant 9.99999974E-6 : f32
    %add3A_19 = vector.broadcast %add3A : f32 to vector<1x256xf32>
    %add3A_20 = arith.addf %sub3A, %add3A_19 : vector<1x256xf32>
    %sqrt3A = math.sqrt %add3A_20 : vector<1x256xf32>
    %div3A = vector.broadcast %sqrt3A : vector<1x256xf32> to vector<1000x256xf32>
    %div3A_21 = arith.divf %mul3A_18, %div3A : vector<1000x256xf32>
    %get3A_22 = arith.constant 0 : index
    %get3A_23 = arith.constant 0 : index
    %get3A_24 = vector.load %arg4[%get3A_22, %get3A_23] : memref<1x256xf32, #tpu.memory_space<vmem>>, vector<1x256xf32>
    %add3A_25 = vector.broadcast %get3A_24 : vector<1x256xf32> to vector<1000x256xf32>
    %add3A_26 = arith.addf %div3A_21, %add3A_25 : vector<1000x256xf32>
    %max3A = arith.constant 0.000000e+00 : f32
    %max3A_27 = vector.broadcast %max3A : f32 to vector<1000x256xf32>
    %max3A_28 = arith.maximumf %add3A_26, %max3A_27 : vector<1000x256xf32>
    %get3A_29 = arith.constant 0 : index
    %get3A_30 = arith.constant 0 : index
    %get3A_31 = vector.load %arg5[%get3A_29, %get3A_30] : memref<256x128xf32, #tpu.memory_space<vmem>>, vector<256x128xf32>
    %dot_general3A = arith.constant dense<0.000000e+00> : vector<1000x128xf32>
    %dot_general3A_32 = tpu.matmul %max3A_28, %get3A_31, %dot_general3A {dimension_numbers = #tpu.dot_dimension_numbers<[1], [0], [0], [1], [0, 0, 1, 1], [], []>, transpose_lhs_hint = false} : vector<1000x256xf32>, vector<256x128xf32>, vector<1000x128xf32> -> vector<1000x128xf32>
    %get3A_33 = arith.constant 0 : index
    %get3A_34 = arith.constant 0 : index
    %get3A_35 = vector.load %arg6[%get3A_33, %get3A_34] : memref<1x128xf32, #tpu.memory_space<vmem>>, vector<1x128xf32>
    %add3A_36 = vector.broadcast %get3A_35 : vector<1x128xf32> to vector<1000x128xf32>
    %add3A_37 = arith.addf %dot_general3A_32, %add3A_36 : vector<1000x128xf32>
    %swap3A = arith.constant 0 : index
    %swap3A_38 = arith.constant 0 : index
    %swap3A_39 = vector.load %arg7[%swap3A, %swap3A_38] : memref<1000x128xf32, #tpu.memory_space<vmem>>, vector<1000x128xf32>
    tpu.vector_store %arg7[%swap3A, %swap3A_38], %add3A_37 {strides = array<i32>} : memref<1000x128xf32, #tpu.memory_space<vmem>>, vector<1000x128xf32>,
    %reduce_sum3A = arith.constant dense<0.000000e+00> : vector<128xf32>
    %reduce_sum3A_40 = vector.multi_reduction <add>, %add3A_37, %reduce_sum3A [0] : vector<1000x128xf32> to vector<128xf32>
    %broadcast_in_dim3A = vector.shape_cast %reduce_sum3A_40 : vector<128xf32> to vector<1x128xf32>
    %mul3A_41 = arith.mulf %add3A_37, %add3A_37 : vector<1000x128xf32>
    %reduce_sum3A_42 = arith.constant dense<0.000000e+00> : vector<128xf32>
    %reduce_sum3A_43 = vector.multi_reduction <add>, %mul3A_41, %reduce_sum3A_42 [0] : vector<1000x128xf32> to vector<128xf32>
    %broadcast_in_dim3A_44 = vector.shape_cast %reduce_sum3A_43 : vector<128xf32> to vector<1x128xf32>
    %concatenate3A = tpu.concatenate %broadcast_in_dim3A, %broadcast_in_dim3A_44 in 0 : vector<1x128xf32>, vector<1x128xf32> -> vector<2x128xf32>
    %eq3A = arith.constant 0 : i32
    %eq3A_45 = arith.cmpi eq, %arg0, %eq3A : i32
    %convert_element_type3A = arith.extui %eq3A_45 : i1 to i32
    %cond3A = arith.constant 0 : i32
    %cond3A_46 = arith.cmpi ne, %convert_element_type3A, %cond3A : i32
    scf.if %cond3A_46 {
      %swap3A_51 = arith.constant 0 : index
      %swap3A_52 = arith.constant 0 : index
      %swap3A_53 = vector.load %arg8[%swap3A_51, %swap3A_52] : memref<2x128xf32, #tpu.memory_space<vmem>>, vector<2x128xf32>
      tpu.vector_store %arg8[%swap3A_51, %swap3A_52], %concatenate3A {strides = array<i32>} : memref<2x128xf32, #tpu.memory_space<vmem>>, vector<2x128xf32>,
    } else {
    }
    %gt3A = arith.constant 0 : i32
    %gt3A_47 = arith.cmpi sgt, %arg0, %gt3A : i32
    %convert_element_type3A_48 = arith.extui %gt3A_47 : i1 to i32
    %cond3A_49 = arith.constant 0 : i32
    %cond3A_50 = arith.cmpi ne, %convert_element_type3A_48, %cond3A_49 : i32
    scf.if %cond3A_50 {
      %get3A_51 = arith.constant 0 : index
      %get3A_52 = arith.constant 0 : index
      %get3A_53 = vector.load %arg8[%get3A_51, %get3A_52] : memref<2x128xf32, #tpu.memory_space<vmem>>, vector<2x128xf32>
      %add3A_54 = arith.addf %get3A_53, %concatenate3A : vector<2x128xf32>
      %swap3A_55 = arith.constant 0 : index
      %swap3A_56 = arith.constant 0 : index
      %swap3A_57 = vector.load %arg8[%swap3A_55, %swap3A_56] : memref<2x128xf32, #tpu.memory_space<vmem>>, vector<2x128xf32>
      tpu.vector_store %arg8[%swap3A_55, %swap3A_56], %add3A_54 {strides = array<i32>} : memref<2x128xf32, #tpu.memory_space<vmem>>, vector<2x128xf32>,
    } else {
    }
    return
  }
  func.func @transform_0(%arg0: i32) -> (i32, i32) {
    %c0_i32 = arith.constant 0 : i32
    %c0_i32_0 = arith.constant 0 : i32
    return %arg0, %c0_i32 : i32, i32
  }
  func.func @transform_1(%arg0: i32) -> (i32, i32) {
    %c0_i32 = arith.constant 0 : i32
    %c0_i32_0 = arith.constant 0 : i32
    %c0_i32_1 = arith.constant 0 : i32
    return %c0_i32, %c0_i32_0 : i32, i32
  }
  func.func @transform_2(%arg0: i32) -> (i32, i32) {
    %c0_i32 = arith.constant 0 : i32
    %c0_i32_0 = arith.constant 0 : i32
    %c0_i32_1 = arith.constant 0 : i32
    return %c0_i32, %c0_i32_0 : i32, i32
  }
  func.func @transform_3(%arg0: i32) -> (i32, i32) {
    %c0_i32 = arith.constant 0 : i32
    %c0_i32_0 = arith.constant 0 : i32
    %c0_i32_1 = arith.constant 0 : i32
    return %c0_i32, %c0_i32_0 : i32, i32
  }
  func.func @transform_4(%arg0: i32) -> (i32, i32) {
    %c0_i32 = arith.constant 0 : i32
    %c0_i32_0 = arith.constant 0 : i32
    %c0_i32_1 = arith.constant 0 : i32
    return %c0_i32, %c0_i32_0 : i32, i32
  }
  func.func @transform_5(%arg0: i32) -> (i32, i32) {
    %c0_i32 = arith.constant 0 : i32
    %c0_i32_0 = arith.constant 0 : i32
    %c0_i32_1 = arith.constant 0 : i32
    return %c0_i32, %c0_i32_0 : i32, i32
  }
  func.func @transform_6(%arg0: i32) -> (i32, i32) {
    %c0_i32 = arith.constant 0 : i32
    %c0_i32_0 = arith.constant 0 : i32
    return %arg0, %c0_i32 : i32, i32
  }
  func.func @transform_7(%arg0: i32) -> (i32, i32) {
    %c0_i32 = arith.constant 0 : i32
    %c0_i32_0 = arith.constant 0 : i32
    %c0_i32_1 = arith.constant 0 : i32
    return %c0_i32, %c0_i32_0 : i32, i32
  }
}

module attributes {stable_mosaic.version = 14 : i64} {
  func.func @body(%arg0: i32, %arg1: memref<1000x128xf32, #tpu.memory_space<vmem>>, %arg2: memref<2x128xf32, #tpu.memory_space<vmem>>, %arg3: memref<1x128xf32, #tpu.memory_space<vmem>>, %arg4: memref<1x128xf32, #tpu.memory_space<vmem>>, %arg5: memref<1x128xf32, #tpu.memory_space<vmem>>, %arg6: memref<1000x128xf32, #tpu.memory_space<vmem>>) attributes {dimension_semantics = [#tpu.dimension_semantics<arbitrary>], iteration_bounds = array<i64: 10>, scalar_prefetch = 0 : i64, scratch_operands = 0 : i64, tpu.core_type = #tpu.core_type<tc>, window_params = [{transform_indices = @transform_0, window_bounds = array<i64: 1000, 128>}, {pipeline_mode = #tpu.pipeline_mode<synchronous>, transform_indices = @transform_1, window_bounds = array<i64: 2, 128>}, {pipeline_mode = #tpu.pipeline_mode<synchronous>, transform_indices = @transform_2, window_bounds = array<i64: 1, 128>}, {pipeline_mode = #tpu.pipeline_mode<synchronous>, transform_indices = @transform_3, window_bounds = array<i64: 1, 128>}, {pipeline_mode = #tpu.pipeline_mode<synchronous>, transform_indices = @transform_4, window_bounds = array<i64: 1, 128>}, {transform_indices = @transform_5, window_bounds = array<i64: 1000, 128>}]} {
    %get3A = arith.constant 0 : index
    %get3A_0 = arith.constant 0 : index
    %get3A_1 = vector.load %arg2[%get3A, %get3A_0] : memref<2x128xf32, #tpu.memory_space<vmem>>, vector<2x128xf32>
    %slice3A = vector.extract_strided_slice %get3A_1 {offsets = [0, 0], sizes = [1, 128], strides = [1, 1]} : vector<2x128xf32> to vector<1x128xf32>
    %mul3A = arith.constant 9.99999974E-5 : f32
    %mul3A_2 = vector.broadcast %mul3A : f32 to vector<1x128xf32>
    %mul3A_3 = arith.mulf %slice3A, %mul3A_2 : vector<1x128xf32>
    %slice3A_4 = vector.extract_strided_slice %get3A_1 {offsets = [1, 0], sizes = [1, 128], strides = [1, 1]} : vector<2x128xf32> to vector<1x128xf32>
    %mul3A_5 = arith.constant 9.99999974E-5 : f32
    %mul3A_6 = vector.broadcast %mul3A_5 : f32 to vector<1x128xf32>
    %mul3A_7 = arith.mulf %slice3A_4, %mul3A_6 : vector<1x128xf32>
    %mul3A_8 = arith.mulf %mul3A_3, %mul3A_3 : vector<1x128xf32>
    %sub3A = arith.subf %mul3A_7, %mul3A_8 : vector<1x128xf32>
    %get3A_9 = arith.constant 0 : index
    %get3A_10 = arith.constant 0 : index
    %get3A_11 = vector.load %arg3[%get3A_9, %get3A_10] : memref<1x128xf32, #tpu.memory_space<vmem>>, vector<1x128xf32>
    %get3A_12 = arith.constant 0 : index
    %get3A_13 = arith.constant 0 : index
    %get3A_14 = vector.load %arg1[%get3A_12, %get3A_13] : memref<1000x128xf32, #tpu.memory_space<vmem>>, vector<1000x128xf32>
    %sub3A_15 = vector.broadcast %mul3A_3 : vector<1x128xf32> to vector<1000x128xf32>
    %sub3A_16 = arith.subf %get3A_14, %sub3A_15 : vector<1000x128xf32>
    %mul3A_17 = vector.broadcast %get3A_11 : vector<1x128xf32> to vector<1000x128xf32>
    %mul3A_18 = arith.mulf %mul3A_17, %sub3A_16 : vector<1000x128xf32>
    %add3A = arith.constant 9.99999974E-6 : f32
    %add3A_19 = vector.broadcast %add3A : f32 to vector<1x128xf32>
    %add3A_20 = arith.addf %sub3A, %add3A_19 : vector<1x128xf32>
    %sqrt3A = math.sqrt %add3A_20 : vector<1x128xf32>
    %div3A = vector.broadcast %sqrt3A : vector<1x128xf32> to vector<1000x128xf32>
    %div3A_21 = arith.divf %mul3A_18, %div3A : vector<1000x128xf32>
    %get3A_22 = arith.constant 0 : index
    %get3A_23 = arith.constant 0 : index
    %get3A_24 = vector.load %arg4[%get3A_22, %get3A_23] : memref<1x128xf32, #tpu.memory_space<vmem>>, vector<1x128xf32>
    %add3A_25 = vector.broadcast %get3A_24 : vector<1x128xf32> to vector<1000x128xf32>
    %add3A_26 = arith.addf %div3A_21, %add3A_25 : vector<1000x128xf32>
    %max3A = arith.constant 0.000000e+00 : f32
    %max3A_27 = vector.broadcast %max3A : f32 to vector<1000x128xf32>
    %max3A_28 = arith.maximumf %add3A_26, %max3A_27 : vector<1000x128xf32>
    %get3A_29 = arith.constant 0 : index
    %get3A_30 = arith.constant 0 : index
    %get3A_31 = vector.load %arg5[%get3A_29, %get3A_30] : memref<1x128xf32, #tpu.memory_space<vmem>>, vector<1x128xf32>
    %add3A_32 = vector.broadcast %get3A_31 : vector<1x128xf32> to vector<1000x128xf32>
    %add3A_33 = arith.addf %max3A_28, %add3A_32 : vector<1000x128xf32>
    %swap3A = arith.constant 0 : index
    %swap3A_34 = arith.constant 0 : index
    %swap3A_35 = vector.load %arg6[%swap3A, %swap3A_34] : memref<1000x128xf32, #tpu.memory_space<vmem>>, vector<1000x128xf32>
    tpu.vector_store %arg6[%swap3A, %swap3A_34], %add3A_33 {strides = array<i32>} : memref<1000x128xf32, #tpu.memory_space<vmem>>, vector<1000x128xf32>,
    return
  }
  func.func @transform_0(%arg0: i32) -> (i32, i32) {
    %c0_i32 = arith.constant 0 : i32
    %c0_i32_0 = arith.constant 0 : i32
    return %arg0, %c0_i32 : i32, i32
  }
  func.func @transform_1(%arg0: i32) -> (i32, i32) {
    %c0_i32 = arith.constant 0 : i32
    %c0_i32_0 = arith.constant 0 : i32
    %c0_i32_1 = arith.constant 0 : i32
    return %c0_i32, %c0_i32_0 : i32, i32
  }
  func.func @transform_2(%arg0: i32) -> (i32, i32) {
    %c0_i32 = arith.constant 0 : i32
    %c0_i32_0 = arith.constant 0 : i32
    %c0_i32_1 = arith.constant 0 : i32
    return %c0_i32, %c0_i32_0 : i32, i32
  }
  func.func @transform_3(%arg0: i32) -> (i32, i32) {
    %c0_i32 = arith.constant 0 : i32
    %c0_i32_0 = arith.constant 0 : i32
    %c0_i32_1 = arith.constant 0 : i32
    return %c0_i32, %c0_i32_0 : i32, i32
  }
  func.func @transform_4(%arg0: i32) -> (i32, i32) {
    %c0_i32 = arith.constant 0 : i32
    %c0_i32_0 = arith.constant 0 : i32
    %c0_i32_1 = arith.constant 0 : i32
    return %c0_i32, %c0_i32_0 : i32, i32
  }
  func.func @transform_5(%arg0: i32) -> (i32, i32) {
    %c0_i32 = arith.constant 0 : i32
    %c0_i32_0 = arith.constant 0 : i32
    return %arg0, %c0_i32 : i32, i32
  }
}

module attributes {stable_mosaic.version = 14 : i64} {
  func.func @body(%arg0: i32, %arg1: memref<1000x128xf32, #tpu.memory_space<vmem>>, %arg2: memref<2x128xf32, #tpu.memory_space<vmem>>, %arg3: memref<1x128xf32, #tpu.memory_space<vmem>>, %arg4: memref<1x128xf32, #tpu.memory_space<vmem>>, %arg5: memref<1000x1xi32, #tpu.memory_space<vmem>>, %arg6: memref<1000x128xf32, #tpu.memory_space<vmem>>, %arg7: memref<128x128xf32, #tpu.memory_space<vmem>>) attributes {dimension_semantics = [#tpu.dimension_semantics<arbitrary>], iteration_bounds = array<i64: 10>, scalar_prefetch = 0 : i64, scratch_operands = 0 : i64, tpu.core_type = #tpu.core_type<tc>, window_params = [{transform_indices = @transform_0, window_bounds = array<i64: 1000, 128>}, {pipeline_mode = #tpu.pipeline_mode<synchronous>, transform_indices = @transform_1, window_bounds = array<i64: 2, 128>}, {pipeline_mode = #tpu.pipeline_mode<synchronous>, transform_indices = @transform_2, window_bounds = array<i64: 1, 128>}, {pipeline_mode = #tpu.pipeline_mode<synchronous>, transform_indices = @transform_3, window_bounds = array<i64: 1, 128>}, {transform_indices = @transform_4, window_bounds = array<i64: 1000, 1>}, {transform_indices = @transform_5, window_bounds = array<i64: 1000, 128>}, {pipeline_mode = #tpu.pipeline_mode<synchronous>, transform_indices = @transform_6, window_bounds = array<i64: 128, 128>}]} {
    %get3A = arith.constant 0 : index
    %get3A_0 = arith.constant 0 : index
    %get3A_1 = vector.load %arg2[%get3A, %get3A_0] : memref<2x128xf32, #tpu.memory_space<vmem>>, vector<2x128xf32>
    %slice3A = vector.extract_strided_slice %get3A_1 {offsets = [0, 0], sizes = [1, 128], strides = [1, 1]} : vector<2x128xf32> to vector<1x128xf32>
    %mul3A = arith.constant 9.99999974E-5 : f32
    %mul3A_2 = vector.broadcast %mul3A : f32 to vector<1x128xf32>
    %mul3A_3 = arith.mulf %slice3A, %mul3A_2 : vector<1x128xf32>
    %slice3A_4 = vector.extract_strided_slice %get3A_1 {offsets = [1, 0], sizes = [1, 128], strides = [1, 1]} : vector<2x128xf32> to vector<1x128xf32>
    %mul3A_5 = arith.constant 9.99999974E-5 : f32
    %mul3A_6 = vector.broadcast %mul3A_5 : f32 to vector<1x128xf32>
    %mul3A_7 = arith.mulf %slice3A_4, %mul3A_6 : vector<1x128xf32>
    %mul3A_8 = arith.mulf %mul3A_3, %mul3A_3 : vector<1x128xf32>
    %sub3A = arith.subf %mul3A_7, %mul3A_8 : vector<1x128xf32>
    %get3A_9 = arith.constant 0 : index
    %get3A_10 = arith.constant 0 : index
    %get3A_11 = vector.load %arg3[%get3A_9, %get3A_10] : memref<1x128xf32, #tpu.memory_space<vmem>>, vector<1x128xf32>
    %get3A_12 = arith.constant 0 : index
    %get3A_13 = arith.constant 0 : index
    %get3A_14 = vector.load %arg1[%get3A_12, %get3A_13] : memref<1000x128xf32, #tpu.memory_space<vmem>>, vector<1000x128xf32>
    %sub3A_15 = vector.broadcast %mul3A_3 : vector<1x128xf32> to vector<1000x128xf32>
    %sub3A_16 = arith.subf %get3A_14, %sub3A_15 : vector<1000x128xf32>
    %mul3A_17 = vector.broadcast %get3A_11 : vector<1x128xf32> to vector<1000x128xf32>
    %mul3A_18 = arith.mulf %mul3A_17, %sub3A_16 : vector<1000x128xf32>
    %add3A = arith.constant 9.99999974E-6 : f32
    %add3A_19 = vector.broadcast %add3A : f32 to vector<1x128xf32>
    %add3A_20 = arith.addf %sub3A, %add3A_19 : vector<1x128xf32>
    %sqrt3A = math.sqrt %add3A_20 : vector<1x128xf32>
    %div3A = vector.broadcast %sqrt3A : vector<1x128xf32> to vector<1000x128xf32>
    %div3A_21 = arith.divf %mul3A_18, %div3A : vector<1000x128xf32>
    %get3A_22 = arith.constant 0 : index
    %get3A_23 = arith.constant 0 : index
    %get3A_24 = vector.load %arg4[%get3A_22, %get3A_23] : memref<1x128xf32, #tpu.memory_space<vmem>>, vector<1x128xf32>
    %add3A_25 = vector.broadcast %get3A_24 : vector<1x128xf32> to vector<1000x128xf32>
    %add3A_26 = arith.addf %div3A_21, %add3A_25 : vector<1000x128xf32>
    %max3A = arith.constant 0.000000e+00 : f32
    %max3A_27 = vector.broadcast %max3A : f32 to vector<1000x128xf32>
    %max3A_28 = arith.maximumf %add3A_26, %max3A_27 : vector<1000x128xf32>
    %swap3A = arith.constant 0 : index
    %swap3A_29 = arith.constant 0 : index
    %swap3A_30 = vector.load %arg6[%swap3A, %swap3A_29] : memref<1000x128xf32, #tpu.memory_space<vmem>>, vector<1000x128xf32>
    tpu.vector_store %arg6[%swap3A, %swap3A_29], %max3A_28 {strides = array<i32>} : memref<1000x128xf32, #tpu.memory_space<vmem>>, vector<1000x128xf32>,
    %iota3A = tpu.iota {dimensions = array<i32: 1>} : vector<1000x128xi32>
    %get3A_31 = arith.constant 0 : index
    %get3A_32 = arith.constant 0 : index
    %get3A_33 = vector.load %arg5[%get3A_31, %get3A_32] : memref<1000x1xi32, #tpu.memory_space<vmem>>, vector<1000x1xi32>
    %eq3A = vector.broadcast %get3A_33 : vector<1000x1xi32> to vector<1000x128xi32>
    %eq3A_34 = arith.cmpi eq, %eq3A, %iota3A : vector<1000x128xi32>
    %convert_element_type3A = arith.extui %eq3A_34 : vector<1000x128xi1> to vector<1000x128xi32>
    %convert_element_type3A_35 = arith.sitofp %convert_element_type3A : vector<1000x128xi32> to vector<1000x128xf32>
    %dot_general3A = arith.constant dense<0.000000e+00> : vector<128x128xf32>
    %dot_general3A_36 = tpu.matmul %convert_element_type3A_35, %max3A_28, %dot_general3A {dimension_numbers = #tpu.dot_dimension_numbers<[0], [0], [1], [1], [0, 1, 1, 1], [], []>, precision = #tpu.contract_precision<fp32>, transpose_lhs_hint = false} : vector<1000x128xf32>, vector<1000x128xf32>, vector<128x128xf32> -> vector<128x128xf32>
    %eq3A_37 = arith.constant 0 : i32
    %eq3A_38 = arith.cmpi eq, %arg0, %eq3A_37 : i32
    %convert_element_type3A_39 = arith.extui %eq3A_38 : i1 to i32
    %cond3A = arith.constant 0 : i32
    %cond3A_40 = arith.cmpi ne, %convert_element_type3A_39, %cond3A : i32
    scf.if %cond3A_40 {
      %swap3A_45 = arith.constant 0 : index
      %swap3A_46 = arith.constant 0 : index
      %swap3A_47 = vector.load %arg7[%swap3A_45, %swap3A_46] : memref<128x128xf32, #tpu.memory_space<vmem>>, vector<128x128xf32>
      tpu.vector_store %arg7[%swap3A_45, %swap3A_46], %dot_general3A_36 {strides = array<i32>} : memref<128x128xf32, #tpu.memory_space<vmem>>, vector<128x128xf32>,
    } else {
    }
    %gt3A = arith.constant 0 : i32
    %gt3A_41 = arith.cmpi sgt, %arg0, %gt3A : i32
    %convert_element_type3A_42 = arith.extui %gt3A_41 : i1 to i32
    %cond3A_43 = arith.constant 0 : i32
    %cond3A_44 = arith.cmpi ne, %convert_element_type3A_42, %cond3A_43 : i32
    scf.if %cond3A_44 {
      %get3A_45 = arith.constant 0 : index
      %get3A_46 = arith.constant 0 : index
      %get3A_47 = vector.load %arg7[%get3A_45, %get3A_46] : memref<128x128xf32, #tpu.memory_space<vmem>>, vector<128x128xf32>
      %add3A_48 = arith.addf %get3A_47, %dot_general3A_36 : vector<128x128xf32>
      %swap3A_49 = arith.constant 0 : index
      %swap3A_50 = arith.constant 0 : index
      %swap3A_51 = vector.load %arg7[%swap3A_49, %swap3A_50] : memref<128x128xf32, #tpu.memory_space<vmem>>, vector<128x128xf32>
      tpu.vector_store %arg7[%swap3A_49, %swap3A_50], %add3A_48 {strides = array<i32>} : memref<128x128xf32, #tpu.memory_space<vmem>>, vector<128x128xf32>,
    } else {
    }
    return
  }
  func.func @transform_0(%arg0: i32) -> (i32, i32) {
    %c0_i32 = arith.constant 0 : i32
    %c0_i32_0 = arith.constant 0 : i32
    return %arg0, %c0_i32 : i32, i32
  }
  func.func @transform_1(%arg0: i32) -> (i32, i32) {
    %c0_i32 = arith.constant 0 : i32
    %c0_i32_0 = arith.constant 0 : i32
    %c0_i32_1 = arith.constant 0 : i32
    return %c0_i32, %c0_i32_0 : i32, i32
  }
  func.func @transform_2(%arg0: i32) -> (i32, i32) {
    %c0_i32 = arith.constant 0 : i32
    %c0_i32_0 = arith.constant 0 : i32
    %c0_i32_1 = arith.constant 0 : i32
    return %c0_i32, %c0_i32_0 : i32, i32
  }
  func.func @transform_3(%arg0: i32) -> (i32, i32) {
    %c0_i32 = arith.constant 0 : i32
    %c0_i32_0 = arith.constant 0 : i32
    %c0_i32_1 = arith.constant 0 : i32
    return %c0_i32, %c0_i32_0 : i32, i32
  }
  func.func @transform_4(%arg0: i32) -> (i32, i32) {
    %c0_i32 = arith.constant 0 : i32
    %c0_i32_0 = arith.constant 0 : i32
    return %arg0, %c0_i32 : i32, i32
  }
  func.func @transform_5(%arg0: i32) -> (i32, i32) {
    %c0_i32 = arith.constant 0 : i32
    %c0_i32_0 = arith.constant 0 : i32
    return %arg0, %c0_i32 : i32, i32
  }
  func.func @transform_6(%arg0: i32) -> (i32, i32) {
    %c0_i32 = arith.constant 0 : i32
    %c0_i32_0 = arith.constant 0 : i32
    %c0_i32_1 = arith.constant 0 : i32
    return %c0_i32, %c0_i32_0 : i32, i32
  }
}

module attributes {stable_mosaic.version = 14 : i64} {
  func.func @body(%arg0: memref<128x128xf32, #tpu.memory_space<vmem>>, %arg1: memref<10000x1xi32, #tpu.memory_space<vmem>>, %arg2: memref<1x128xf32, #tpu.memory_space<vmem>>, %arg3: memref<128x256xf32, #tpu.memory_space<vmem>>, %arg4: memref<1x256xf32, #tpu.memory_space<vmem>>, %arg5: memref<1x256xf32, #tpu.memory_space<vmem>>, %arg6: memref<1x256xf32, #tpu.memory_space<vmem>>, %arg7: memref<256x128xf32, #tpu.memory_space<vmem>>, %arg8: memref<1x128xf32, #tpu.memory_space<vmem>>, %arg9: memref<1x128xf32, #tpu.memory_space<vmem>>, %arg10: memref<1x128xf32, #tpu.memory_space<vmem>>, %arg11: memref<128x128xf32, #tpu.memory_space<vmem>>) attributes {dimension_semantics = [], scalar_prefetch = 0 : i64, scratch_operands = 0 : i64, tpu.core_type = #tpu.core_type<tc>} {
    %get3A = arith.constant 9999 : index
    %get3A_0 = arith.constant 0 : index
    %get3A_1 = vector.load %arg1[%get3A, %get3A_0] : memref<10000x1xi32, #tpu.memory_space<vmem>>, vector<1x1xi32>
    %get3A_2 = vector.extract %get3A_1[0, 0] : i32 from vector<1x1xi32>
    %add3A = arith.constant 1 : i32
    %add3A_3 = arith.addi %get3A_2, %add3A : i32
    %iota3A = tpu.iota {dimensions = array<i32: 0>} : vector<128x1xi32>
    %lt3A = vector.broadcast %add3A_3 : i32 to vector<128x1xi32>
    %lt3A_4 = arith.cmpi slt, %iota3A, %lt3A : vector<128x1xi32>
    %convert_element_type3A = arith.extui %lt3A_4 : vector<128x1xi1> to vector<128x1xi32>
    %convert_element_type3A_5 = arith.sitofp %convert_element_type3A : vector<128x1xi32> to vector<128x1xf32>
    %convert_element_type3A_6 = arith.sitofp %add3A_3 : i32 to f32
    %get3A_7 = arith.constant 0 : index
    %get3A_8 = arith.constant 0 : index
    %get3A_9 = vector.load %arg0[%get3A_7, %get3A_8] : memref<128x128xf32, #tpu.memory_space<vmem>>, vector<128x128xf32>
    %get3A_10 = arith.constant 0 : index
    %get3A_11 = arith.constant 0 : index
    %get3A_12 = vector.load %arg2[%get3A_10, %get3A_11] : memref<1x128xf32, #tpu.memory_space<vmem>>, vector<1x128xf32>
    %add3A_13 = vector.broadcast %get3A_12 : vector<1x128xf32> to vector<128x128xf32>
    %add3A_14 = arith.addf %get3A_9, %add3A_13 : vector<128x128xf32>
    %get3A_15 = arith.constant 0 : index
    %get3A_16 = arith.constant 0 : index
    %get3A_17 = vector.load %arg3[%get3A_15, %get3A_16] : memref<128x256xf32, #tpu.memory_space<vmem>>, vector<128x256xf32>
    %dot_general3A = arith.constant dense<0.000000e+00> : vector<128x256xf32>
    %dot_general3A_18 = tpu.matmul %add3A_14, %get3A_17, %dot_general3A {dimension_numbers = #tpu.dot_dimension_numbers<[1], [0], [0], [1], [0, 0, 1, 1], [], []>, transpose_lhs_hint = false} : vector<128x128xf32>, vector<128x256xf32>, vector<128x256xf32> -> vector<128x256xf32>
    %get3A_19 = arith.constant 0 : index
    %get3A_20 = arith.constant 0 : index
    %get3A_21 = vector.load %arg4[%get3A_19, %get3A_20] : memref<1x256xf32, #tpu.memory_space<vmem>>, vector<1x256xf32>
    %add3A_22 = vector.broadcast %get3A_21 : vector<1x256xf32> to vector<128x256xf32>
    %add3A_23 = arith.addf %dot_general3A_18, %add3A_22 : vector<128x256xf32>
    %get3A_24 = arith.constant 0 : index
    %get3A_25 = arith.constant 0 : index
    %get3A_26 = vector.load %arg5[%get3A_24, %get3A_25] : memref<1x256xf32, #tpu.memory_space<vmem>>, vector<1x256xf32>
    %get3A_27 = arith.constant 0 : index
    %get3A_28 = arith.constant 0 : index
    %get3A_29 = vector.load %arg6[%get3A_27, %get3A_28] : memref<1x256xf32, #tpu.memory_space<vmem>>, vector<1x256xf32>
    %mul3A = vector.broadcast %convert_element_type3A_5 : vector<128x1xf32> to vector<128x256xf32>
    %mul3A_30 = arith.mulf %add3A_23, %mul3A : vector<128x256xf32>
    %reduce_sum3A = arith.constant dense<0.000000e+00> : vector<256xf32>
    %reduce_sum3A_31 = vector.multi_reduction <add>, %mul3A_30, %reduce_sum3A [0] : vector<128x256xf32> to vector<256xf32>
    %broadcast_in_dim3A = vector.shape_cast %reduce_sum3A_31 : vector<256xf32> to vector<1x256xf32>
    %div3A = vector.broadcast %convert_element_type3A_6 : f32 to vector<1x256xf32>
    %div3A_32 = arith.divf %broadcast_in_dim3A, %div3A : vector<1x256xf32>
    %sub3A = vector.broadcast %div3A_32 : vector<1x256xf32> to vector<128x256xf32>
    %sub3A_33 = arith.subf %add3A_23, %sub3A : vector<128x256xf32>
    %mul3A_34 = vector.broadcast %convert_element_type3A_5 : vector<128x1xf32> to vector<128x256xf32>
    %mul3A_35 = arith.mulf %sub3A_33, %mul3A_34 : vector<128x256xf32>
    %mul3A_36 = arith.mulf %mul3A_35, %mul3A_35 : vector<128x256xf32>
    %reduce_sum3A_37 = arith.constant dense<0.000000e+00> : vector<256xf32>
    %reduce_sum3A_38 = vector.multi_reduction <add>, %mul3A_36, %reduce_sum3A_37 [0] : vector<128x256xf32> to vector<256xf32>
    %broadcast_in_dim3A_39 = vector.shape_cast %reduce_sum3A_38 : vector<256xf32> to vector<1x256xf32>
    %div3A_40 = vector.broadcast %convert_element_type3A_6 : f32 to vector<1x256xf32>
    %div3A_41 = arith.divf %broadcast_in_dim3A_39, %div3A_40 : vector<1x256xf32>
    %sub3A_42 = vector.broadcast %div3A_32 : vector<1x256xf32> to vector<128x256xf32>
    %sub3A_43 = arith.subf %add3A_23, %sub3A_42 : vector<128x256xf32>
    %mul3A_44 = vector.broadcast %get3A_26 : vector<1x256xf32> to vector<128x256xf32>
    %mul3A_45 = arith.mulf %mul3A_44, %sub3A_43 : vector<128x256xf32>
    %add3A_46 = arith.constant 9.99999974E-6 : f32
    %add3A_47 = vector.broadcast %add3A_46 : f32 to vector<1x256xf32>
    %add3A_48 = arith.addf %div3A_41, %add3A_47 : vector<1x256xf32>
    %sqrt3A = math.sqrt %add3A_48 : vector<1x256xf32>
    %div3A_49 = vector.broadcast %sqrt3A : vector<1x256xf32> to vector<128x256xf32>
    %div3A_50 = arith.divf %mul3A_45, %div3A_49 : vector<128x256xf32>
    %add3A_51 = vector.broadcast %get3A_29 : vector<1x256xf32> to vector<128x256xf32>
    %add3A_52 = arith.addf %div3A_50, %add3A_51 : vector<128x256xf32>
    %max3A = arith.constant 0.000000e+00 : f32
    %max3A_53 = vector.broadcast %max3A : f32 to vector<128x256xf32>
    %max3A_54 = arith.maximumf %add3A_52, %max3A_53 : vector<128x256xf32>
    %get3A_55 = arith.constant 0 : index
    %get3A_56 = arith.constant 0 : index
    %get3A_57 = vector.load %arg7[%get3A_55, %get3A_56] : memref<256x128xf32, #tpu.memory_space<vmem>>, vector<256x128xf32>
    %dot_general3A_58 = arith.constant dense<0.000000e+00> : vector<128x128xf32>
    %dot_general3A_59 = tpu.matmul %max3A_54, %get3A_57, %dot_general3A_58 {dimension_numbers = #tpu.dot_dimension_numbers<[1], [0], [0], [1], [0, 0, 1, 1], [], []>, transpose_lhs_hint = false} : vector<128x256xf32>, vector<256x128xf32>, vector<128x128xf32> -> vector<128x128xf32>
    %get3A_60 = arith.constant 0 : index
    %get3A_61 = arith.constant 0 : index
    %get3A_62 = vector.load %arg8[%get3A_60, %get3A_61] : memref<1x128xf32, #tpu.memory_space<vmem>>, vector<1x128xf32>
    %add3A_63 = vector.broadcast %get3A_62 : vector<1x128xf32> to vector<128x128xf32>
    %add3A_64 = arith.addf %dot_general3A_59, %add3A_63 : vector<128x128xf32>
    %get3A_65 = arith.constant 0 : index
    %get3A_66 = arith.constant 0 : index
    %get3A_67 = vector.load %arg9[%get3A_65, %get3A_66] : memref<1x128xf32, #tpu.memory_space<vmem>>, vector<1x128xf32>
    %get3A_68 = arith.constant 0 : index
    %get3A_69 = arith.constant 0 : index
    %get3A_70 = vector.load %arg10[%get3A_68, %get3A_69] : memref<1x128xf32, #tpu.memory_space<vmem>>, vector<1x128xf32>
    %mul3A_71 = vector.broadcast %convert_element_type3A_5 : vector<128x1xf32> to vector<128x128xf32>
    %mul3A_72 = arith.mulf %add3A_64, %mul3A_71 : vector<128x128xf32>
    %reduce_sum3A_73 = arith.constant dense<0.000000e+00> : vector<128xf32>
    %reduce_sum3A_74 = vector.multi_reduction <add>, %mul3A_72, %reduce_sum3A_73 [0] : vector<128x128xf32> to vector<128xf32>
    %broadcast_in_dim3A_75 = vector.shape_cast %reduce_sum3A_74 : vector<128xf32> to vector<1x128xf32>
    %div3A_76 = vector.broadcast %convert_element_type3A_6 : f32 to vector<1x128xf32>
    %div3A_77 = arith.divf %broadcast_in_dim3A_75, %div3A_76 : vector<1x128xf32>
    %sub3A_78 = vector.broadcast %div3A_77 : vector<1x128xf32> to vector<128x128xf32>
    %sub3A_79 = arith.subf %add3A_64, %sub3A_78 : vector<128x128xf32>
    %mul3A_80 = vector.broadcast %convert_element_type3A_5 : vector<128x1xf32> to vector<128x128xf32>
    %mul3A_81 = arith.mulf %sub3A_79, %mul3A_80 : vector<128x128xf32>
    %mul3A_82 = arith.mulf %mul3A_81, %mul3A_81 : vector<128x128xf32>
    %reduce_sum3A_83 = arith.constant dense<0.000000e+00> : vector<128xf32>
    %reduce_sum3A_84 = vector.multi_reduction <add>, %mul3A_82, %reduce_sum3A_83 [0] : vector<128x128xf32> to vector<128xf32>
    %broadcast_in_dim3A_85 = vector.shape_cast %reduce_sum3A_84 : vector<128xf32> to vector<1x128xf32>
    %div3A_86 = vector.broadcast %convert_element_type3A_6 : f32 to vector<1x128xf32>
    %div3A_87 = arith.divf %broadcast_in_dim3A_85, %div3A_86 : vector<1x128xf32>
    %sub3A_88 = vector.broadcast %div3A_77 : vector<1x128xf32> to vector<128x128xf32>
    %sub3A_89 = arith.subf %add3A_64, %sub3A_88 : vector<128x128xf32>
    %mul3A_90 = vector.broadcast %get3A_67 : vector<1x128xf32> to vector<128x128xf32>
    %mul3A_91 = arith.mulf %mul3A_90, %sub3A_89 : vector<128x128xf32>
    %add3A_92 = arith.constant 9.99999974E-6 : f32
    %add3A_93 = vector.broadcast %add3A_92 : f32 to vector<1x128xf32>
    %add3A_94 = arith.addf %div3A_87, %add3A_93 : vector<1x128xf32>
    %sqrt3A_95 = math.sqrt %add3A_94 : vector<1x128xf32>
    %div3A_96 = vector.broadcast %sqrt3A_95 : vector<1x128xf32> to vector<128x128xf32>
    %div3A_97 = arith.divf %mul3A_91, %div3A_96 : vector<128x128xf32>
    %add3A_98 = vector.broadcast %get3A_70 : vector<1x128xf32> to vector<128x128xf32>
    %add3A_99 = arith.addf %div3A_97, %add3A_98 : vector<128x128xf32>
    %max3A_100 = arith.constant 0.000000e+00 : f32
    %max3A_101 = vector.broadcast %max3A_100 : f32 to vector<128x128xf32>
    %max3A_102 = arith.maximumf %add3A_99, %max3A_101 : vector<128x128xf32>
    %swap3A = arith.constant 0 : index
    %swap3A_103 = arith.constant 0 : index
    %swap3A_104 = vector.load %arg11[%swap3A, %swap3A_103] : memref<128x128xf32, #tpu.memory_space<vmem>>, vector<128x128xf32>
    tpu.vector_store %arg11[%swap3A, %swap3A_103], %max3A_102 {strides = array<i32>} : memref<128x128xf32, #tpu.memory_space<vmem>>, vector<128x128xf32>,
    return
  }
}

module attributes {stable_mosaic.version = 14 : i64} {
  func.func @body(%arg0: i32, %arg1: memref<1000x128xf32, #tpu.memory_space<vmem>>, %arg2: memref<128x128xf32, #tpu.memory_space<vmem>>, %arg3: memref<1000x1xi32, #tpu.memory_space<vmem>>, %arg4: memref<1000x128xf32, #tpu.memory_space<vmem>>) attributes {dimension_semantics = [#tpu.dimension_semantics<arbitrary>], iteration_bounds = array<i64: 10>, scalar_prefetch = 0 : i64, scratch_operands = 0 : i64, tpu.core_type = #tpu.core_type<tc>, window_params = [{transform_indices = @transform_0, window_bounds = array<i64: 1000, 128>}, {pipeline_mode = #tpu.pipeline_mode<synchronous>, transform_indices = @transform_1, window_bounds = array<i64: 128, 128>}, {transform_indices = @transform_2, window_bounds = array<i64: 1000, 1>}, {transform_indices = @transform_3, window_bounds = array<i64: 1000, 128>}]} {
    %iota3A = tpu.iota {dimensions = array<i32: 1>} : vector<1000x128xi32>
    %get3A = arith.constant 0 : index
    %get3A_0 = arith.constant 0 : index
    %get3A_1 = vector.load %arg3[%get3A, %get3A_0] : memref<1000x1xi32, #tpu.memory_space<vmem>>, vector<1000x1xi32>
    %eq3A = vector.broadcast %get3A_1 : vector<1000x1xi32> to vector<1000x128xi32>
    %eq3A_2 = arith.cmpi eq, %eq3A, %iota3A : vector<1000x128xi32>
    %convert_element_type3A = arith.extui %eq3A_2 : vector<1000x128xi1> to vector<1000x128xi32>
    %convert_element_type3A_3 = arith.sitofp %convert_element_type3A : vector<1000x128xi32> to vector<1000x128xf32>
    %get3A_4 = arith.constant 0 : index
    %get3A_5 = arith.constant 0 : index
    %get3A_6 = vector.load %arg1[%get3A_4, %get3A_5] : memref<1000x128xf32, #tpu.memory_space<vmem>>, vector<1000x128xf32>
    %get3A_7 = arith.constant 0 : index
    %get3A_8 = arith.constant 0 : index
    %get3A_9 = vector.load %arg2[%get3A_7, %get3A_8] : memref<128x128xf32, #tpu.memory_space<vmem>>, vector<128x128xf32>
    %convert_element_type3A_10 = arith.truncf %get3A_9 : vector<128x128xf32> to vector<128x128xbf16>
    %convert_element_type3A_11 = arith.extf %convert_element_type3A_10 : vector<128x128xbf16> to vector<128x128xf32>
    %sub3A = arith.subf %get3A_9, %convert_element_type3A_11 : vector<128x128xf32>
    %convert_element_type3A_12 = arith.truncf %sub3A : vector<128x128xf32> to vector<128x128xbf16>
    %convert_element_type3A_13 = arith.extf %convert_element_type3A_12 : vector<128x128xbf16> to vector<128x128xf32>
    %sub3A_14 = arith.subf %get3A_9, %convert_element_type3A_11 : vector<128x128xf32>
    %sub3A_15 = arith.subf %sub3A_14, %convert_element_type3A_13 : vector<128x128xf32>
    %dot_general3A = arith.constant dense<0.000000e+00> : vector<1000x128xf32>
    %dot_general3A_16 = tpu.matmul %convert_element_type3A_3, %convert_element_type3A_11, %dot_general3A {dimension_numbers = #tpu.dot_dimension_numbers<[1], [0], [0], [1], [0, 0, 1, 1], [], []>, transpose_lhs_hint = false} : vector<1000x128xf32>, vector<128x128xf32>, vector<1000x128xf32> -> vector<1000x128xf32>
    %dot_general3A_17 = arith.constant dense<0.000000e+00> : vector<1000x128xf32>
    %dot_general3A_18 = tpu.matmul %convert_element_type3A_3, %convert_element_type3A_13, %dot_general3A_17 {dimension_numbers = #tpu.dot_dimension_numbers<[1], [0], [0], [1], [0, 0, 1, 1], [], []>, transpose_lhs_hint = false} : vector<1000x128xf32>, vector<128x128xf32>, vector<1000x128xf32> -> vector<1000x128xf32>
    %add3A = arith.addf %dot_general3A_16, %dot_general3A_18 : vector<1000x128xf32>
    %dot_general3A_19 = arith.constant dense<0.000000e+00> : vector<1000x128xf32>
    %dot_general3A_20 = tpu.matmul %convert_element_type3A_3, %sub3A_15, %dot_general3A_19 {dimension_numbers = #tpu.dot_dimension_numbers<[1], [0], [0], [1], [0, 0, 1, 1], [], []>, transpose_lhs_hint = false} : vector<1000x128xf32>, vector<128x128xf32>, vector<1000x128xf32> -> vector<1000x128xf32>
    %add3A_21 = arith.addf %add3A, %dot_general3A_20 : vector<1000x128xf32>
    %add3A_22 = arith.addf %get3A_6, %add3A_21 : vector<1000x128xf32>
    %swap3A = arith.constant 0 : index
    %swap3A_23 = arith.constant 0 : index
    %swap3A_24 = vector.load %arg4[%swap3A, %swap3A_23] : memref<1000x128xf32, #tpu.memory_space<vmem>>, vector<1000x128xf32>
    tpu.vector_store %arg4[%swap3A, %swap3A_23], %add3A_22 {strides = array<i32>} : memref<1000x128xf32, #tpu.memory_space<vmem>>, vector<1000x128xf32>,
    return
  }
  func.func @transform_0(%arg0: i32) -> (i32, i32) {
    %c0_i32 = arith.constant 0 : i32
    %c0_i32_0 = arith.constant 0 : i32
    return %arg0, %c0_i32 : i32, i32
  }
  func.func @transform_1(%arg0: i32) -> (i32, i32) {
    %c0_i32 = arith.constant 0 : i32
    %c0_i32_0 = arith.constant 0 : i32
    %c0_i32_1 = arith.constant 0 : i32
    return %c0_i32, %c0_i32_0 : i32, i32
  }
  func.func @transform_2(%arg0: i32) -> (i32, i32) {
    %c0_i32 = arith.constant 0 : i32
    %c0_i32_0 = arith.constant 0 : i32
    return %arg0, %c0_i32 : i32, i32
  }
  func.func @transform_3(%arg0: i32) -> (i32, i32) {
    %c0_i32 = arith.constant 0 : i32
    %c0_i32_0 = arith.constant 0 : i32
    return %arg0, %c0_i32 : i32, i32
  }
}

module attributes {stable_mosaic.version = 14 : i64} {
  func.func @body(%arg0: i32, %arg1: memref<1000x128xf32, #tpu.memory_space<vmem>>, %arg2: memref<2x128xf32, #tpu.memory_space<vmem>>, %arg3: memref<1x128xf32, #tpu.memory_space<vmem>>, %arg4: memref<1x128xf32, #tpu.memory_space<vmem>>, %arg5: memref<1000x128xf32, #tpu.memory_space<vmem>>) attributes {dimension_semantics = [#tpu.dimension_semantics<arbitrary>], iteration_bounds = array<i64: 10>, scalar_prefetch = 0 : i64, scratch_operands = 0 : i64, tpu.core_type = #tpu.core_type<tc>, window_params = [{transform_indices = @transform_0, window_bounds = array<i64: 1000, 128>}, {pipeline_mode = #tpu.pipeline_mode<synchronous>, transform_indices = @transform_1, window_bounds = array<i64: 2, 128>}, {pipeline_mode = #tpu.pipeline_mode<synchronous>, transform_indices = @transform_2, window_bounds = array<i64: 1, 128>}, {pipeline_mode = #tpu.pipeline_mode<synchronous>, transform_indices = @transform_3, window_bounds = array<i64: 1, 128>}, {transform_indices = @transform_4, window_bounds = array<i64: 1000, 128>}]} {
    %get3A = arith.constant 0 : index
    %get3A_0 = arith.constant 0 : index
    %get3A_1 = vector.load %arg2[%get3A, %get3A_0] : memref<2x128xf32, #tpu.memory_space<vmem>>, vector<2x128xf32>
    %slice3A = vector.extract_strided_slice %get3A_1 {offsets = [0, 0], sizes = [1, 128], strides = [1, 1]} : vector<2x128xf32> to vector<1x128xf32>
    %mul3A = arith.constant 9.99999974E-5 : f32
    %mul3A_2 = vector.broadcast %mul3A : f32 to vector<1x128xf32>
    %mul3A_3 = arith.mulf %slice3A, %mul3A_2 : vector<1x128xf32>
    %slice3A_4 = vector.extract_strided_slice %get3A_1 {offsets = [1, 0], sizes = [1, 128], strides = [1, 1]} : vector<2x128xf32> to vector<1x128xf32>
    %mul3A_5 = arith.constant 9.99999974E-5 : f32
    %mul3A_6 = vector.broadcast %mul3A_5 : f32 to vector<1x128xf32>
    %mul3A_7 = arith.mulf %slice3A_4, %mul3A_6 : vector<1x128xf32>
    %mul3A_8 = arith.mulf %mul3A_3, %mul3A_3 : vector<1x128xf32>
    %sub3A = arith.subf %mul3A_7, %mul3A_8 : vector<1x128xf32>
    %get3A_9 = arith.constant 0 : index
    %get3A_10 = arith.constant 0 : index
    %get3A_11 = vector.load %arg3[%get3A_9, %get3A_10] : memref<1x128xf32, #tpu.memory_space<vmem>>, vector<1x128xf32>
    %get3A_12 = arith.constant 0 : index
    %get3A_13 = arith.constant 0 : index
    %get3A_14 = vector.load %arg1[%get3A_12, %get3A_13] : memref<1000x128xf32, #tpu.memory_space<vmem>>, vector<1000x128xf32>
    %sub3A_15 = vector.broadcast %mul3A_3 : vector<1x128xf32> to vector<1000x128xf32>
    %sub3A_16 = arith.subf %get3A_14, %sub3A_15 : vector<1000x128xf32>
    %mul3A_17 = vector.broadcast %get3A_11 : vector<1x128xf32> to vector<1000x128xf32>
    %mul3A_18 = arith.mulf %mul3A_17, %sub3A_16 : vector<1000x128xf32>
    %add3A = arith.constant 9.99999974E-6 : f32
    %add3A_19 = vector.broadcast %add3A : f32 to vector<1x128xf32>
    %add3A_20 = arith.addf %sub3A, %add3A_19 : vector<1x128xf32>
    %sqrt3A = math.sqrt %add3A_20 : vector<1x128xf32>
    %div3A = vector.broadcast %sqrt3A : vector<1x128xf32> to vector<1000x128xf32>
    %div3A_21 = arith.divf %mul3A_18, %div3A : vector<1000x128xf32>
    %get3A_22 = arith.constant 0 : index
    %get3A_23 = arith.constant 0 : index
    %get3A_24 = vector.load %arg4[%get3A_22, %get3A_23] : memref<1x128xf32, #tpu.memory_space<vmem>>, vector<1x128xf32>
    %add3A_25 = vector.broadcast %get3A_24 : vector<1x128xf32> to vector<1000x128xf32>
    %add3A_26 = arith.addf %div3A_21, %add3A_25 : vector<1000x128xf32>
    %swap3A = arith.constant 0 : index
    %swap3A_27 = arith.constant 0 : index
    %swap3A_28 = vector.load %arg5[%swap3A, %swap3A_27] : memref<1000x128xf32, #tpu.memory_space<vmem>>, vector<1000x128xf32>
    tpu.vector_store %arg5[%swap3A, %swap3A_27], %add3A_26 {strides = array<i32>} : memref<1000x128xf32, #tpu.memory_space<vmem>>, vector<1000x128xf32>,
    return
  }
  func.func @transform_0(%arg0: i32) -> (i32, i32) {
    %c0_i32 = arith.constant 0 : i32
    %c0_i32_0 = arith.constant 0 : i32
    return %arg0, %c0_i32 : i32, i32
  }
  func.func @transform_1(%arg0: i32) -> (i32, i32) {
    %c0_i32 = arith.constant 0 : i32
    %c0_i32_0 = arith.constant 0 : i32
    %c0_i32_1 = arith.constant 0 : i32
    return %c0_i32, %c0_i32_0 : i32, i32
  }
  func.func @transform_2(%arg0: i32) -> (i32, i32) {
    %c0_i32 = arith.constant 0 : i32
    %c0_i32_0 = arith.constant 0 : i32
    %c0_i32_1 = arith.constant 0 : i32
    return %c0_i32, %c0_i32_0 : i32, i32
  }
  func.func @transform_3(%arg0: i32) -> (i32, i32) {
    %c0_i32 = arith.constant 0 : i32
    %c0_i32_0 = arith.constant 0 : i32
    %c0_i32_1 = arith.constant 0 : i32
    return %c0_i32, %c0_i32_0 : i32, i32
  }
  func.func @transform_4(%arg0: i32) -> (i32, i32) {
    %c0_i32 = arith.constant 0 : i32
    %c0_i32_0 = arith.constant 0 : i32
    return %arg0, %c0_i32 : i32, i32
  }
}

</mosaic_0001>

<sc_bundles>
// kernel: kernel.19.cloned.1.call-start
scs
__scs_entry_jumppad:
0x0: {  	(pc) =	sbr.rel $0x88, $3  }
0x1: {  	(tag) =	ssettag $0x0;
	lr =	simm.s32 $0x1  }
0x2: {  	[smem:$0x3F89] =	sst lr;
	_ =	strace $0xD0000000  }
0x3: {  	_ = 	snop  }
0x4: {  	_ = 	snop  }
0x5: {  	_ = 	snop  }
0x6: {  	_ = 	snop  }
0x7: {  	_ = 	snop  }
__scs_overlays_trampoline_lowered:
0x8: {  	[smem:$0x3F98] =	sst s0  }
0x9: {  	[smem:$0x3F99] =	sst s1  }
0xa: {  	[smem:$0x3F9A] =	sst s2  }
0xb: {  	[smem:$0x3F9B] =	sst s3  }
0xc: {  	[smem:$0x3F9C] =	sst s4  }
0xd: {  	[smem:$0x3F9D] =	sst s5  }
0xe: {  	[smem:$0x3F9E] =	sst s6  }
0xf: {  	[smem:$0x3F9F] =	sst s7  }
0x10: {  	[smem:$0x3FA0] =	sst s8  }
0x11: {  	[smem:$0x3FA1] =	sst s9;
	s0 =	simm.s32 @!p0 $0x0  }
0x12: {  	s1 =	sld [smem:$0x3F87];
	s0 =	simm.s32 @p0 $0x1  }
0x13: {  	[smem:$0x3FA2] =	sst s0;
	s0 =	simm.s32 @!p1 $0x0  }
0x14: {  	s2 =	sld [smem:$0x3F86];
	s0 =	simm.s32 @p1 $0x1  }
0x15: {  	[smem:$0x3FA3] =	sst s0;
	s0 =	simm.s32 @!p2 $0x0  }
0x16: {  	s3 =	sld [smem:$0x3FDB];
	s0 =	simm.s32 @p2 $0x1  }
0x17: {  	s4 =	simm.s32 $0x1BF5;
	[smem:$0x3FA5] =	sst s0  }
0x18: {  	s0 =	sld [smem:$0x3F88];
	_ =	swait.ge [sflag:s4], $0x0  }
0x19: {  	s7 =	sld [smem:$0x3F89]  }
0x1a: {  	s8 =	sadd.s32 $0xFFFFE003, lr  }
0x1b: {  	s9 =	sadd.s32 $0xFFFFFEF7, lr;
	s5 =	simm.s32 $0xFFFFFFFF;
	p2 =	slt.u32 s8, $0xFFFFF086  }
0x1c: {  	p1 =	slt.u32 s9, $0xF7A;
	s5 =	simm.s32 @!p2 $0x0  }
0x1d: {  	s5 =	simm.s32 @p1 $0x1;
	p0 =	seq.s32 s7, s2  }
0x1e: {  	s7 =	smul.u32 @!p0 $0xF7A, s2;
	p2 =	seq.s32 @!p0 s5, $0x0  }
0x1f: {  	s9 =	smul.u32 $0xF7A, s1;
	s8 =	simm.s32 @!p0 $0x1BF5;
	p2 =	por !p2, p0  }
0x20: {  	[sflag:s8] =	ssyncset.s32 @!p0 $0xFFFFF086;
	s6 =	sadd.s32 @!p0 s3, s7;
	s7 =	simm.s32 @!p0 $0x108  }
0x21: {  	s3 =	sadd.s32 s3, s9;
	s6 =	sadd.s32 @!p0 $0x88, s6;
	s7 =	simm.s32 @p2 $0x1082  }
0x22: {  	[simem:s7], [sflag:s8] =	dma.local @!p0 [hbm:s6], $0xF7A  }
0x23: {  	s9 =	sor.u32 $0xD0000000, s2;
	s6 =	simm.s32 $0x108;
	_ =	swait.ge @!p0 [sflag:s8], $0x0  }
0x24: {  	s3 =	sadd.s32 $0x88, s3;
	s6 =	simm.s32 @!p1 $0x1082;
	[sflag:s4] =	ssyncset.s32 $0xFFFFF086  }
0x25: {  	[simem:s6], [sflag:s4] =	dma.local [hbm:s3], $0xF7A  }
0x26: {  	[smem:$0x3F89] =	sst s1;
	(tag) =	ssettag s2;
	_ =	strace s9  }
0x27: {  	s1 =	sld [smem:$0x3F99]  }
0x28: {  	s2 =	sld [smem:$0x3F9A]  }
0x29: {  	s4 =	sld [smem:$0x3F9C]  }
0x2a: {  	p0 =	seq.s32 s5, $0x0;
	s5 =	sld [smem:$0x3F9D]  }
0x2b: {  	s6 =	sld [smem:$0x3F9E]  }
0x2c: {  	s7 =	sld [smem:$0x3F9F]  }
0x2d: {  	s3 =	simm.s32 $0x108;
	s8 =	sld [smem:$0x3FA0]  }
0x2e: {  	s3 =	simm.s32 @!p0 $0x1082;
	s9 =	sld [smem:$0x3FA1]  }
0x2f: {  	lr =	sadd.s32 s0, s3;
	s0 =	sld [smem:$0x3F98]  }
0x30: {  	s3 =	sld [smem:$0x3F9B]  }
0x31: {  	[smem:$0x3FA4] =	sst s10  }
0x32: {  	s10 =	sld [smem:$0x3FA2];
	_ =	sdelay $0x3  }
0x33: {  	p0 =	seq.s32 s10, $0x1;
	s10 =	sld [smem:$0x3FA4];
	_ =	sdelay $0x3  }
0x34: {  	[smem:$0x3FA4] =	sst s10  }
0x35: {  	s10 =	sld [smem:$0x3FA3];
	_ =	sdelay $0x3  }
0x36: {  	p1 =	seq.s32 s10, $0x1;
	s10 =	sld [smem:$0x3FA4];
	_ =	sdelay $0x3  }
0x37: {  	[smem:$0x3FA4] =	sst s10  }
0x38: {  	s10 =	sld [smem:$0x3FA5]  }
0x39: {  	_ = 	snop;
	(pc) =	sbr.ind lr, $3  }
0x3a: {  	_ = 	snop  }
0x3b: {  	_ = 	snop  }
0x3c: {  	p2 =	seq.s32 s10, $0x1;
	s10 =	sld [smem:$0x3FA4]  }
0x3d: {  	_ =	shalt  }
0x3e: {  	_ =	shalt  }
0x3f: {  	_ =	shalt  }
0x40: {  	_ =	shalt  }
0x41: {  	_ =	shalt  }
0x42: {  	_ =	shalt  }
0x43: {  	_ =	shalt  }
0x44: {  	_ =	shalt  }
0x45: {  	_ =	shalt  }
0x46: {  	_ =	shalt  }
0x47: {  	_ =	shalt  }
0x48: {  	_ =	shalt  }
0x49: {  	_ =	shalt  }
0x4a: {  	_ =	shalt  }
0x4b: {  	_ =	shalt  }
0x4c: {  	_ =	shalt  }
0x4d: {  	_ =	shalt  }
0x4e: {  	_ =	shalt  }
0x4f: {  	_ =	shalt  }
0x50: {  	_ =	shalt  }
0x51: {  	_ =	shalt  }
0x52: {  	_ =	shalt  }
0x53: {  	_ =	shalt  }
0x54: {  	_ =	shalt  }
0x55: {  	_ =	shalt  }
0x56: {  	_ =	shalt  }
0x57: {  	_ =	shalt  }
0x58: {  	_ =	shalt  }
0x59: {  	_ =	shalt  }
0x5a: {  	_ =	shalt  }
0x5b: {  	_ =	shalt  }
0x5c: {  	_ =	shalt  }
0x5d: {  	_ =	shalt  }
0x5e: {  	_ =	shalt  }
0x5f: {  	_ =	shalt  }
0x60: {  	_ =	shalt  }
0x61: {  	_ =	shalt  }
0x62: {  	_ =	shalt  }
0x63: {  	_ =	shalt  }
0x64: {  	_ =	shalt  }
0x65: {  	_ =	shalt  }
0x66: {  	_ =	shalt  }
0x67: {  	_ =	shalt  }
0x68: {  	_ =	shalt  }
0x69: {  	_ =	shalt  }
0x6a: {  	_ =	shalt  }
0x6b: {  	_ =	shalt  }
0x6c: {  	_ =	shalt  }
0x6d: {  	_ =	shalt  }
0x6e: {  	_ =	shalt  }
0x6f: {  	_ =	shalt  }
0x70: {  	_ =	shalt  }
0x71: {  	_ =	shalt  }
0x72: {  	_ =	shalt  }
0x73: {  	_ =	shalt  }
0x74: {  	_ =	shalt  }
0x75: {  	_ =	shalt  }
0x76: {  	_ =	shalt  }
0x77: {  	_ =	shalt  }
0x78: {  	_ =	shalt  }
0x79: {  	_ =	shalt  }
0x7a: {  	_ =	shalt  }
0x7b: {  	_ =	shalt  }
0x7c: {  	_ =	shalt  }
0x7d: {  	_ =	shalt  }
0x7e: {  	_ =	shalt  }
0x7f: {  	_ =	shalt  }
0x80: {  	_ =	shalt  }
0x81: {  	_ =	shalt  }
0x82: {  	_ =	shalt  }
0x83: {  	_ =	shalt  }
0x84: {  	_ =	shalt  }
0x85: {  	_ =	shalt  }
0x86: {  	_ =	shalt  }
0x87: {  	_ =	shalt  }
.Lfunc_end0:
.L_simem_size_0:
called_computation_lowered:
.L_overlay_start_0:
0x88: {  	s2 =	sld [smem:$0x3FD9]  }
0x89: {  	s3 =	sld [smem:$0x3FFE];
	_ =	sdelay $0x1  }
0x8a: {  	s1 =	srdreg.scid  }
0x8b: {  	s0 =	sand.u32 $0x1, s1  }
0x8c: {  	s17 =	sshll.u32 s0, $0xA;
	s2 =	sadd.s32 s3, s2  }
0x8d: {  	s2 =	sadd.s32 s2, s17  }
0x8e: {  	[smem:$0x3FB0] =	sst s2  }
0x8f: {  	_ = 	snop  }
0x90: {  	s2 =	sld [smem:$0x3FD0];
	(tm) =	ssettm $0x1  }
0x91: {  	s18 =	sld [smem:$0x3FFB];
	_ =	sdelay $0x3  }
0x92: {  	_ =	strace s18  }
0x93: {  	s3 =	sld [smem:$0x3FFC];
	_ =	sdelay $0x3  }
0x94: {  	_ =	strace s3  }
0x95: {  	s3 =	sld [smem:$0x3FFD];
	_ =	sdelay $0x3  }
0x96: {  	_ =	strace s3  }
0x97: {  	_ =	strace $0x8FFFFFFF  }
0x98: {  	s19 =	sld [smem:$0x3FDB];
	_ =	sdelay $0x1  }
0x99: {  	s4 =	simm.s32 $_scs_section_size  }
0x9a: {  	s5 =	simm.s32 $_size__tile_overlayer_lowered;
	s6 =	simm.s32 $_tile_overlayer_lowered  }
0x9b: {  	s22 =	simm.s32 $0x1BFF;
	s21 =	sshll.u32 s6, $0x1;
	s3 =	sadd.s32 s4, s19  }
0x9c: {  	s7 =	simm.s32 $0x0;
	s20 =	sshll.u32 s5, $0x1;
	s5 =	sadd.s32 s21, s3  }
0x9d: {  	[timem:s7], [sflag:s22] =	dma.local [hbm:s5], s20  }
0x9e: {  	_ =	swait.ge [sflag:s22], s20  }
0x9f: {  	s4 =	ssub.s32 $0x0, s20;
	[sflag:s22] =	ssyncset.done $0x0  }
0xa0: {  	[sflag:s22] =	ssyncadd.s32 s4;
	_ =	sdelay $0x1  }
0xa1: {  	s23 =	simm.s32 $0x1B8B  }
0xa2: {  	_ =	swait.ge [sflag:s23], $0x1  }
0xa3: {  	[sflag:s23] =	ssyncset.done $0x0  }
0xa4: {  	s25 =	simm.s32 $0x1B8E;
	s24 =	sld [smem:$0x3FFE];
	[sflag:s23] =	ssyncadd.s32 $0xFFFFFFFF  }
0xa5: {  	s26 =	simm.s32 $execute0_lowered;
	[smem:$0x3FD2] =	sst s25  }
0xa6: {  	s5 =	sshll.u32 s26, $0x1;
	_ =	strace $0x80000046;
	[dreg:$0x1] =	wrdreg $0xFFFFFFFF  }
0xa7: {  	s28 =	simm.s32 $_size_execute0_lowered;
	s3 =	sadd.s32 s3, s5;
	[dreg:$0x0] =	wrdreg $0x0  }
0xa8: {  	s5 =	sshll.u32 s28, $0x1;
	[dreg:$0x2] =	wrdreg s3  }
0xa9: {  	[dreg:$0x3] =	wrdreg s5  }
0xaa: {  	[dreg:$0x4] =	wrdreg $0xC0  }
0xab: {  	_ =	task [dreg:s7], $0x5FFFF  }
0xac: {  	[dreg:$0x1] =	wrdreg $0xFFFFFFFF  }
0xad: {  	[dreg:$0x0] =	wrdreg $0x60  }
0xae: {  	[dreg:$0x2] =	wrdreg s2  }
0xaf: {  	[dreg:$0x3] =	wrdreg s24  }
0xb0: {  	[dreg:$0x4] =	wrdreg $0x0  }
0xb1: {  	[dreg:$0x5] =	wrdreg $0x9  }
0xb2: {  	_ =	task.clear_ibuf [dreg:s7], $0x6FFFF;
	_ =	strace $0x90000046  }
0xb3: {  	s29 =	simm.s32 $0x9;
	_ =	strace $0x80000048  }
0xb4: {  	_ =	swait.ge [sflag:s29], $0x1  }
0xb5: {  	[sflag:s29] =	ssyncadd.s32 $0xFFFFFFFF  }
0xb6: {  	_ =	strace $0x90000048  }
0xb7: {  	_ =	sfence  }
0xb8: {  	s30 =	sld [smem:$0x0];
	_ =	sdelay $0x2  }
0xb9: {  	s31 =	sshll.u32 s1, $0xD;
	s1 =	sshrl.u32 s1, $0x2  }
0xba: {  	s3 =	sand.u32 $0x4000, s31;
	s1 =	sadd.s32 s1, s30  }
0xbb: {  	s0 =	sor.u32 s3, s0;
	s1 =	sshll.u32 s1, $0x11  }
0xbc: {  	s0 =	sor.u32 s1, s0  }
0xbd: {  	s0 =	sadd.s32 $0x8F2B, s0  }
0xbe: {  	[sflag:s0] =	ssyncadd.remote.s32 $0x1  }
0xbf: {  	_ =	sfence.sel $0xFFFF  }
0xc0: {  	[dreg:$0x0] =	wrdreg $0xFFFFFFFF;
	(pc) =	sbr.abs _section_cstart, $3  }
0xc1: {  	[dreg:$0x1] =	wrdreg $0xFFFFFFFF  }
0xc2: {  	_ =	task.clear_ibuf [dreg:s7], $0x2FFFF;
	_ =	strace $0x9FFFFFFF  }
0xc3: {  	(tm) =	ssettm $0x7FFFFFFF  }
tec
execute0_lowered:
.L_overlay_start_1:
0x0: {  	(tag) =	ssettag $0x1  }
0x1: {  	s1 =	rddreg [dreg:$0x0]  }
0x2: {  	s0 =	rddreg [dreg:$0x1]  }
0x3: {  	s2 =	rddreg [dreg:$0x2];
	s3 =	simm.s32 $0x0;
	s8 =	srdreg.scid  }
0x4: {  	s26 =	stileid.u32;
	s28 =	simm.s32 $0x3;
	s29 =	simm.s32 $0x13880  }
0x5: {  	s30 =	simm.s32 $0x13900;
	s31 =	simm.s32 $0x13980;
	[smem:$0x7FF] =	sst s3  }
0x6: {  	s4 =	sadd.s32 $0x6A00, s0;
	s5 =	sadd.s32 $0x40800, s0;
	s6 =	sadd.s32 $0x36A00, s0  }
0x7: {  	s7 =	sadd.s32 $0x4A600, s0;
	s8 =	sand.u32 $0x1, s8;
	s16 =	smul.u32 $0x270, s26  }
0x8: {  	s0 =	sadd.s32 $0x54400, s0;
	s12 =	smul.u32 $0x4E000, s26;
	s9 =	ssub.s32 $0x2, s8  }
0x9: {  	_ =	strace $0x80000047;
	s11 =	sshll.u32 s8, $0x4;
	s10 =	sshrl.u32 s9, $0x1  }
0xa: {  	s13 =	sor.u32 s26, s11;
	s18 =	sadd.s32 $0x68, s16;
	s21 =	sshrl.u32 s12, $0x2  }
0xb: {  	s19 =	sadd.s32 $0xD0, s16;
	s20 =	sadd.s32 $0x138, s16;
	s17 =	ssub.s32 s9, s10  }
0xc: {  	s22 =	sshll.u32 s18, $0x7;
	s9 =	sadd.s32 s21, s2;
	s23 =	sshll.u32 s19, $0x7  }
0xd: {  	s21 =	sadd.s32 $0x1A0, s16;
	s14 =	sshll.u32 s20, $0x7;
	s24 =	smul.u32 $0x4E, s13  }
0xe: {  	p0 =	slt.u32 s13, $0x4;
	s13 =	smin.u32 s13, $0x4;
	s10 =	sadd.s32 s22, s2  }
0xf: {  	s11 =	sadd.s32 s23, s2;
	s15 =	sshll.u32 s21, $0x7;
	s22 =	sadd.s32 $0x208, s16  }
0x10: {  	s23 =	sshll.u32 s22, $0x7;
	s12 =	sadd.s32 s13, s24;
	s24 =	smul.u32 $0x2710, s8  }
0x11: {  	s13 =	sadd.s32 s14, s2;
	s14 =	sadd.s32 s15, s2;
	s8 =	smul.u32 $0x138800, s8  }
0x12: {  	s15 =	sadd.s32 s23, s2;
	s25 =	sadd.s32 s16, s24;
	s18 =	sadd.s32 s24, s18  }
0x13: {  	s19 =	sadd.s32 s24, s19;
	s20 =	sadd.s32 s24, s20;
	s21 =	sadd.s32 s24, s21  }
0x14: {  	s22 =	sadd.s32 s24, s22;
	s16 =	simm.s32 $0x4F;
	s8 =	sshrl.u32 s8, $0x3  }
0x15: {  	s23 =	sshll.u32 s25, $0x4;
	s18 =	sshll.u32 s18, $0x4;
	s19 =	sshll.u32 s19, $0x4  }
0x16: {  	s20 =	sshll.u32 s20, $0x4;
	s24 =	sshll.u32 s22, $0x4;
	s23 =	sadd.s32 s0, s23  }
0x17: {  	s16 =	simm.s32 @!p0 $0x4E;
	s18 =	sadd.s32 s0, s18;
	[dreg:$0x4] =	wrdreg s23  }
0x18: {  	p0 =	sne.s32 s26, $0x0;
	s25 =	sadd.s32 s0, s24;
	[dreg:$0x5] =	wrdreg s18  }
0x19: {  	s26 =	simm.s32 $0x13A00;
	s18 =	sadd.s32 s0, s19;
	[dreg:$0x9] =	wrdreg s25  }
0x1a: {  	s23 =	sshll.u32 s21, $0x4;
	[dreg:$0x6] =	wrdreg s18;
	s18 =	sadd.s32 s0, s20  }
0x1b: {  	s25 =	smax.u32 s17, $0x1;
	s17 =	simm.s32 $0x1;
	[dreg:$0x7] =	wrdreg s18  }
0x1c: {  	s18 =	sadd.s32 s0, s23;
	s0 =	sadd.s32 s0, s8;
	s23 =	sadd.s32 $0x138000, s2  }
0x1d: {  	s8 =	simm.s32 $0x17A00;
	[dreg:$0x8] =	wrdreg s18;
	s0 =	sadd.s32 $0x27000, s0  }
0x1e: {  	v0 =	vimm.f32 $0.0e+00;
	s18 =	simm.s32 $0x2;
	[dreg:$0xa] =	wrdreg s0;
	s0 =	simm.s32 $0x80  }
.LBB2_1:
0x1f: {  	s19 =	simm.s32 $0x0;
	s20 =	simm.s32 $0x200  }
.LBB2_2:
0x20: {  	p1 =	sne.s32 s20, $0xCE00;
	[tilespmem:s19+$0x13A70] =	vst v0  }
0x21: {  	[tilespmem:s19+$0x13A00] =	vst v0  }
0x22: {  	[tilespmem:s19+$0x13A10] =	vst v0  }
.Ltmp0:
0x23: {  	[tilespmem:s19+$0x13A20] =	vst v0;
	(pc) =	sbr.rel @p1 .LBB2_2-.Ltmp0, $4  }
0x24: {  	[tilespmem:s19+$0x13A30] =	vst v0  }
0x25: {  	[tilespmem:s19+$0x13A40] =	vst v0  }
0x26: {  	[tilespmem:s19+$0x13A50] =	vst v0  }
0x27: {  	[tilespmem:s19+$0x13A60] =	vst v0;
	s19 =	sshra.s32 s20, $0x2;
	s20 =	sadd.s32 $0x200, s20  }
0x28: {  	[tilespmem:s19+$0x13A70] =	vst v0  }
0x29: {  	[tilespmem:s19+$0x13A00] =	vst v0  }
0x2a: {  	[tilespmem:s19+$0x13A10] =	vst v0  }
0x2b: {  	[tilespmem:s19+$0x13A20] =	vst v0  }
0x2c: {  	[tilespmem:s19+$0x13A30] =	vst v0  }
0x2d: {  	[tilespmem:s19+$0x13A40] =	vst v0  }
0x2e: {  	[tilespmem:s19+$0x13A50] =	vst v0  }
0x2f: {  	[tilespmem:s19+$0x13A60] =	vst v0  }
0x30: {  	[spmem:s9] =	stream.linear.scatter [tilespmem:s26], [sflag:$0x3], $0x3400, $0x38;
	[tilespmem:$0x1BA00] =	vst v63  }
0x31: {  	_ =	swait.ge [sflag:s28], $0x3400  }
0x32: {  	[sflag:s28] =	ssyncset.done $0x0  }
0x33: {  	[sflag:s28] =	ssyncadd.s32 $0xFFFFCC00  }
0x34: {  	[spmem:s10] =	stream.linear.scatter [tilespmem:s26], [sflag:$0x3], $0x3400, $0x38;
	[tilespmem:$0x1BA00] =	vst v63  }
0x35: {  	_ =	swait.ge [sflag:s28], $0x3400  }
0x36: {  	[sflag:s28] =	ssyncset.done $0x0  }
0x37: {  	[sflag:s28] =	ssyncadd.s32 $0xFFFFCC00  }
0x38: {  	[spmem:s11] =	stream.linear.scatter [tilespmem:s26], [sflag:$0x3], $0x3400, $0x38;
	[tilespmem:$0x1BA00] =	vst v63  }
0x39: {  	_ =	swait.ge [sflag:s28], $0x3400  }
0x3a: {  	[sflag:s28] =	ssyncset.done $0x0  }
0x3b: {  	[sflag:s28] =	ssyncadd.s32 $0xFFFFCC00  }
0x3c: {  	[spmem:s13] =	stream.linear.scatter [tilespmem:s26], [sflag:$0x3], $0x3400, $0x38;
	[tilespmem:$0x1BA00] =	vst v63  }
0x3d: {  	_ =	swait.ge [sflag:s28], $0x3400  }
0x3e: {  	[sflag:s28] =	ssyncset.done $0x0  }
0x3f: {  	[sflag:s28] =	ssyncadd.s32 $0xFFFFCC00  }
0x40: {  	[spmem:s14] =	stream.linear.scatter [tilespmem:s26], [sflag:$0x3], $0x3400, $0x38;
	[tilespmem:$0x1BA00] =	vst v63  }
0x41: {  	_ =	swait.ge [sflag:s28], $0x3400  }
0x42: {  	[sflag:s28] =	ssyncset.done $0x0  }
0x43: {  	[sflag:s28] =	ssyncadd.s32 $0xFFFFCC00  }
0x44: {  	[spmem:s15] =	stream.linear.scatter [tilespmem:s26], [sflag:$0x3], $0x3400, $0x38;
	[tilespmem:$0x1BA00] =	vst v63  }
0x45: {  	_ =	swait.ge [sflag:s28], $0x3400  }
0x46: {  	[sflag:s28] =	ssyncset.done $0x0  }
0x47: {  	s19 =	simm.s32 @!p0 $0x13A00;
	[sflag:s28] =	ssyncadd.s32 $0xFFFFCC00  }
0x48: {  	[spmem:s23] =	stream.linear.scatter @!p0 [tilespmem:s19], [sflag:$0x3], $0x800, $0x38;
	[tilespmem:$0x1BA00] =	vst v63  }
0x49: {  	s19 =	simm.s32 @!p0 $0x3  }
0x4a: {  	_ =	swait.ge @!p0 [sflag:s19], $0x800  }
0x4b: {  	[sflag:s19] =	ssyncset.done @!p0 $0x0  }
0x4c: {  	[sflag:s19] =	ssyncadd.s32 @!p0 $0xFFFFF800  }
0x4d: {  	s20 =	simm.s32 $0x0;
	s19 =	simm.s32 $0x0;
	[bflag:$0x0] =	sbarrier.arrive $0xFFFF  }
.LBB2_4:
0x4e: {  	s21 =	sadd.s32 s20, s12  }
0x4f: {  	s21 =	sshll.u32 s21, $0x4  }
0x50: {  	s21 =	sand.u32 $0x1FFFFFF0, s21  }
0x51: {  	s22 =	sadd.s32 s5, s21  }
0x52: {  	[tilespmem:s29], [sflag:$0x3] =	stream.linear.gather [hbm4b:s22+s19], $0x80, $0x38;
	[tilespmem:$0x1BA00] =	vst v63  }
0x53: {  	_ =	swait.ge [sflag:s28], $0x80  }
0x54: {  	[sflag:s28] =	ssyncset.done $0x0  }
0x55: {  	s24 =	sadd.s32 s7, s21;
	[sflag:s28] =	ssyncadd.s32 $0xFFFFFF80  }
0x56: {  	[tilespmem:s30], [sflag:$0x3] =	stream.linear.gather [hbm4b:s24+s19], $0x80, $0x38;
	[tilespmem:$0x1BA00] =	vst v63  }
0x57: {  	_ =	swait.ge [sflag:s28], $0x80  }
0x58: {  	[sflag:s28] =	ssyncset.done $0x0  }
0x59: {  	s21 =	sadd.s32 s6, s21;
	[sflag:s28] =	ssyncadd.s32 $0xFFFFFF80  }
0x5a: {  	[tilespmem:s31], [sflag:$0x3] =	stream.linear.gather [hbm4b:s21+s19], $0x80, $0x38;
	[tilespmem:$0x1BA00] =	vst v63  }
0x5b: {  	_ =	swait.ge [sflag:s28], $0x80  }
0x5c: {  	[sflag:s28] =	ssyncset.done $0x0  }
0x5d: {  	[sflag:s28] =	ssyncadd.s32 $0xFFFFFF80  }
0x5e: {  	[tilespmem:s26], [sflag:$0x1] =	stream.indirect.gather [hbm4b:s1+s0], $0x80, s29, s0, $0xb8;
	[tilespmem:$0x1BA00] =	vst v63  }
0x5f: {  	_ = 	snop  }
0x60: {  	[tilespmem:s8], [sflag:$0x2] =	stream.indirect.gather [hbm4b:s4+s0], $0x80, s30, s0, $0xb8;
	[tilespmem:$0x1BA00] =	vst v63  }
0x61: {  	_ =	swait.ge [sflag:s17], $0x4000  }
0x62: {  	[sflag:s17] =	ssyncset.done $0x0  }
0x63: {  	[sflag:s17] =	ssyncadd.s32 $0xFFFFC000  }
0x64: {  	_ =	swait.ge [sflag:s18], $0x4000  }
0x65: {  	[sflag:s18] =	ssyncset.done $0x0  }
0x66: {  	s21 =	simm.s32 $0x0;
	[sflag:s18] =	ssyncadd.s32 $0xFFFFC000  }
0x67: {  	v7 =	vld [tilespmem:s21+$0x17A00]  }
0x68: {  	v12 =	vld [tilespmem:s21+$0x17A10]  }
0x69: {  	v6 =	vld [tilespmem:s21+$0x17A20]  }
0x6a: {  	v5 =	vld [tilespmem:s21+$0x17A30]  }
0x6b: {  	v4 =	vld [tilespmem:s21+$0x17A40]  }
0x6c: {  	v3 =	vld [tilespmem:s21+$0x17A50]  }
0x6d: {  	v2 =	vld [tilespmem:s21+$0x17A60]  }
0x6e: {  	v1 =	vld [tilespmem:s21+$0x17A70]  }
0x6f: {  	v13 =	vld [tilespmem:s21+$0x13A00]  }
0x70: {  	v14 =	vld [tilespmem:s21+$0x13A10]  }
0x71: {  	v11 =	vld [tilespmem:s21+$0x13A20]  }
0x72: {  	v10 =	vld [tilespmem:s21+$0x13A30]  }
0x73: {  	v9 =	vld [tilespmem:s21+$0x13A40]  }
0x74: {  	v8 =	vld [tilespmem:s21+$0x13A50];
	v13 =	vadd.f32 v7, v13  }
0x75: {  	s22 =	simm.s32 $0x200;
	v12 =	vadd.f32 v12, v14;
	v7 =	vld [tilespmem:s21+$0x13A60]  }
.LBB2_5:
0x76: {  	s24 =	sshra.s32 s22, $0x2;
	p1 =	sne.s32 s22, $0xFE00;
	v13 =	vmax.f32 v13, $0.0e+00;
	v6 =	vadd.f32 v6, v11;
	v11 =	vld [tilespmem:s21+$0x13A70]  }
0x77: {  	v14 =	vld [tilespmem:s24+$0x17A00];
	[tilespmem:s21+$0x13A00] =	vst v13;
	v12 =	vmax.f32 v12, $0.0e+00;
	v5 =	vadd.f32 v5, v10  }
0x78: {  	v15 =	vld [tilespmem:s24+$0x17A10];
	[tilespmem:s21+$0x13A10] =	vst v12;
	v10 =	vmax.f32 v6, $0.0e+00;
	v4 =	vadd.f32 v4, v9  }
0x79: {  	v6 =	vld [tilespmem:s24+$0x17A20];
	[tilespmem:s21+$0x13A20] =	vst v10;
	v9 =	vmax.f32 v5, $0.0e+00;
	v3 =	vadd.f32 v3, v8  }
0x7a: {  	v5 =	vld [tilespmem:s24+$0x17A30];
	[tilespmem:s21+$0x13A30] =	vst v9;
	v8 =	vmax.f32 v4, $0.0e+00;
	v2 =	vadd.f32 v2, v7  }
0x7b: {  	v4 =	vld [tilespmem:s24+$0x17A40];
	[tilespmem:s21+$0x13A40] =	vst v8;
	v7 =	vmax.f32 v3, $0.0e+00;
	v1 =	vadd.f32 v1, v11  }
0x7c: {  	v3 =	vld [tilespmem:s24+$0x17A50];
	[tilespmem:s21+$0x13A50] =	vst v7;
	v7 =	vmax.f32 v2, $0.0e+00  }
0x7d: {  	v2 =	vld [tilespmem:s24+$0x17A60];
	[tilespmem:s21+$0x13A60] =	vst v7;
	v7 =	vmax.f32 v1, $0.0e+00  }
0x7e: {  	v1 =	vld [tilespmem:s24+$0x17A70];
	[tilespmem:s21+$0x13A70] =	vst v7;
	s21 =	smov.u32 s24  }
0x7f: {  	v7 =	vld [tilespmem:s21+$0x13A00]  }
0x80: {  	v12 =	vld [tilespmem:s21+$0x13A10]  }
.Ltmp1:
0x81: {  	v11 =	vld [tilespmem:s21+$0x13A20];
	(pc) =	sbr.rel @p1 .LBB2_5-.Ltmp1, $4  }
0x82: {  	v10 =	vld [tilespmem:s21+$0x13A30]  }
0x83: {  	v9 =	vld [tilespmem:s21+$0x13A40]  }
0x84: {  	v13 =	vadd.f32 v14, v7;
	v8 =	vld [tilespmem:s21+$0x13A50]  }
0x85: {  	s22 =	sadd.s32 $0x200, s22;
	v12 =	vadd.f32 v15, v12;
	v7 =	vld [tilespmem:s21+$0x13A60]  }
0x86: {  	v13 =	vmax.f32 v13, $0.0e+00;
	v6 =	vadd.f32 v6, v11;
	v63 =	vld [tilespmem:s21+$0x13A70]  }
0x87: {  	[tilespmem:s21+$0x13A00] =	vst v13;
	v12 =	vmax.f32 v12, $0.0e+00;
	v5 =	vadd.f32 v5, v10  }
0x88: {  	[tilespmem:s21+$0x13A10] =	vst v12;
	v6 =	vmax.f32 v6, $0.0e+00;
	v4 =	vadd.f32 v4, v9  }
0x89: {  	[tilespmem:s21+$0x13A20] =	vst v6;
	v5 =	vmax.f32 v5, $0.0e+00;
	v3 =	vadd.f32 v3, v8  }
0x8a: {  	[tilespmem:s21+$0x13A30] =	vst v5;
	v4 =	vmax.f32 v4, $0.0e+00;
	v2 =	vadd.f32 v2, v7  }
0x8b: {  	[tilespmem:s21+$0x13A40] =	vst v4;
	v3 =	vmax.f32 v3, $0.0e+00;
	v1 =	vadd.f32 v1, v63  }
0x8c: {  	s20 =	sadd.s32 $0x1, s20;
	[tilespmem:s21+$0x13A50] =	vst v3;
	v2 =	vmax.f32 v2, $0.0e+00  }
0x8d: {  	p1 =	sne.s32 s20, s16;
	[tilespmem:s21+$0x13A60] =	vst v2;
	v1 =	vmax.f32 v1, $0.0e+00  }
.Ltmp2:
0x8e: {  	[tilespmem:s21+$0x13A70] =	vst v1;
	(pc) =	sbr.rel @p1 .LBB2_4-.Ltmp2, $4  }
0x8f: {  	[spmem:s2] =	stream.indirect.scatter.add.f32 [tilespmem:s26], [sflag:$0x3], $0x80, s31, s0, $0xb8;
	[tilespmem:$0x1BA00] =	vst v63  }
0x90: {  	_ =	swait.ge [sflag:s28], $0x4000  }
0x91: {  	[sflag:s28] =	ssyncset.done $0x0  }
0x92: {  	[sflag:s28] =	ssyncadd.s32 $0xFFFFC000  }
0x93: {  	s19 =	stileid.u32  }
0x94: {  	[bflag:$0x0] =	sbarrier.arrive $0xFFFF;
	s19 =	sshll.u32 s19, $0x6  }
0x95: {  	s20 =	sshrl.u32 s9, $0x3;
	s21 =	rddreg [dreg:$0x4];
	s19 =	sor.u32 $0x1C03, s19  }
0x96: {  	[hbm:s21], [sflag:s19] =	dma.local [spmem:s20], $0x680  }
0x97: {  	_ =	swait.ge [sflag:s28], $0x680  }
0x98: {  	[sflag:s28] =	ssyncset.done $0x0  }
0x99: {  	s22 =	sshrl.u32 s10, $0x3;
	s24 =	rddreg [dreg:$0x5];
	[sflag:s28] =	ssyncadd.s32 $0xFFFFF980  }
0x9a: {  	[hbm:s24], [sflag:s19] =	dma.local [spmem:s22], $0x680  }
0x9b: {  	_ =	swait.ge [sflag:s28], $0x680  }
0x9c: {  	[sflag:s28] =	ssyncset.done $0x0  }
0x9d: {  	s22 =	sshrl.u32 s11, $0x3;
	s24 =	rddreg [dreg:$0x6];
	[sflag:s28] =	ssyncadd.s32 $0xFFFFF980  }
0x9e: {  	[hbm:s24], [sflag:s19] =	dma.local [spmem:s22], $0x680  }
0x9f: {  	_ =	swait.ge [sflag:s28], $0x680  }
0xa0: {  	[sflag:s28] =	ssyncset.done $0x0  }
0xa1: {  	s22 =	sshrl.u32 s13, $0x3;
	s24 =	rddreg [dreg:$0x7];
	[sflag:s28] =	ssyncadd.s32 $0xFFFFF980  }
0xa2: {  	[hbm:s24], [sflag:s19] =	dma.local [spmem:s22], $0x680  }
0xa3: {  	_ =	swait.ge [sflag:s28], $0x680  }
0xa4: {  	[sflag:s28] =	ssyncset.done $0x0  }
0xa5: {  	s22 =	sshrl.u32 s14, $0x3;
	s24 =	rddreg [dreg:$0x8];
	[sflag:s28] =	ssyncadd.s32 $0xFFFFF980  }
0xa6: {  	[hbm:s24], [sflag:s19] =	dma.local [spmem:s22], $0x680  }
0xa7: {  	_ =	swait.ge [sflag:s28], $0x680  }
0xa8: {  	[sflag:s28] =	ssyncset.done $0x0  }
0xa9: {  	s22 =	sshrl.u32 s15, $0x3;
	s24 =	rddreg [dreg:$0x9];
	[sflag:s28] =	ssyncadd.s32 $0xFFFFF980  }
0xaa: {  	[hbm:s24], [sflag:s19] =	dma.local [spmem:s22], $0x680  }
0xab: {  	s3 =	sadd.s32 $0x1, s3;
	_ =	swait.ge [sflag:s28], $0x680  }
0xac: {  	p1 =	sne.s32 s3, s25;
	[sflag:s28] =	ssyncset.done $0x0  }
0xad: {  	s20 =	sshrl.u32 @!p0 s23, $0x3;
	s21 =	rddreg [dreg:$0xa];
	[sflag:s28] =	ssyncadd.s32 $0xFFFFF980  }
0xae: {  	[hbm:s21], [sflag:s19] =	dma.local @!p0 [spmem:s20], $0x100  }
.Ltmp3:
0xaf: {  	_ = 	snop;
	(pc) =	sbr.rel @p1 .LBB2_1-.Ltmp3, $4  }
0xb0: {  	s19 =	simm.s32 @!p0 $0x3  }
0xb1: {  	_ =	swait.ge @!p0 [sflag:s19], $0x100  }
0xb2: {  	[sflag:s19] =	ssyncset.done @!p0 $0x0  }
0xb3: {  	[sflag:s19] =	ssyncadd.s32 @!p0 $0xFFFFFF00  }
0xb4: {  	_ =	sfence.sel $0x180000  }
0xb5: {  	[bflag:$0x0] =	sbarrier.arrive $0xFFFF  }
0xb6: {  	_ =	strace $0x90000047  }
0xb7: {  	[bflag:$0x2] =	sbarrier.arrive $0xFFFF  }
0xb8: {  	s0 =	rddreg [dreg:$0x3]  }
0xb9: {  	s0 =	sadd.s32 @!p0 $0x100000, s0  }
0xba: {  	[sflag:s0] =	ssyncadd.tile.s32 @!p0 $0x1;
	_ =	shalt  }
.Lfunc_end2:
_tile_overlayer_lowered:
.L_overlay_start_2:
0xbb: {  	(tag) =	ssettag $0x2  }
0xbc: {  	s0 =	rddreg [dreg:$0x0];
	s2 =	stileid.u32  }
0xbd: {  	s1 =	rddreg [dreg:$0x1];
	p0 =	sne.s32 s2, $0x0  }
0xbe: {  	s3 =	rddreg [dreg:$0x2];
	[bflag:$0x3] =	sbarrier.arrive $0xFFFF;
	s2 =	simm.s32 @!p0 $0x1C03  }
0xbf: {  	[timem:s3], [sflag:s2] =	dma.local @!p0 [hbm:s0], s1  }
0xc0: {  	s0 =	simm.s32 @!p0 $0x3  }
0xc1: {  	_ =	swait.ge @!p0 [sflag:s0], s1  }
0xc2: {  	s1 =	ssub.s32 @!p0 $0x0, s1;
	[sflag:s0] =	ssyncset.done @!p0 $0x0  }
0xc3: {  	[sflag:s0] =	ssyncadd.s32 @!p0 s1  }
0xc4: {  	[bflag:$0x3] =	sbarrier.arrive $0xFFFF  }
0xc5: {  	_ =	shalt  }

// kernel: kernel.22.cloned.1.call-start
scs
__scs_entry_jumppad:
0x0: {  	(pc) =	sbr.rel $0x88, $3  }
0x1: {  	(tag) =	ssettag $0x0;
	lr =	simm.s32 $0x1  }
0x2: {  	[smem:$0x3F89] =	sst lr;
	_ =	strace $0xD0000000  }
0x3: {  	_ = 	snop  }
0x4: {  	_ = 	snop  }
0x5: {  	_ = 	snop  }
0x6: {  	_ = 	snop  }
0x7: {  	_ = 	snop  }
__scs_overlays_trampoline_lowered:
0x8: {  	[smem:$0x3F98] =	sst s0  }
0x9: {  	[smem:$0x3F99] =	sst s1  }
0xa: {  	[smem:$0x3F9A] =	sst s2  }
0xb: {  	[smem:$0x3F9B] =	sst s3  }
0xc: {  	[smem:$0x3F9C] =	sst s4  }
0xd: {  	[smem:$0x3F9D] =	sst s5  }
0xe: {  	[smem:$0x3F9E] =	sst s6  }
0xf: {  	[smem:$0x3F9F] =	sst s7  }
0x10: {  	[smem:$0x3FA0] =	sst s8  }
0x11: {  	[smem:$0x3FA1] =	sst s9;
	s0 =	simm.s32 @!p0 $0x0  }
0x12: {  	s1 =	sld [smem:$0x3F87];
	s0 =	simm.s32 @p0 $0x1  }
0x13: {  	[smem:$0x3FA2] =	sst s0;
	s0 =	simm.s32 @!p1 $0x0  }
0x14: {  	s2 =	sld [smem:$0x3F86];
	s0 =	simm.s32 @p1 $0x1  }
0x15: {  	[smem:$0x3FA3] =	sst s0;
	s0 =	simm.s32 @!p2 $0x0  }
0x16: {  	s3 =	sld [smem:$0x3FDB];
	s0 =	simm.s32 @p2 $0x1  }
0x17: {  	s4 =	simm.s32 $0x1BF5;
	[smem:$0x3FA5] =	sst s0  }
0x18: {  	s0 =	sld [smem:$0x3F88];
	_ =	swait.ge [sflag:s4], $0x0  }
0x19: {  	s7 =	sld [smem:$0x3F89]  }
0x1a: {  	s8 =	sadd.s32 $0xFFFFE003, lr  }
0x1b: {  	s9 =	sadd.s32 $0xFFFFFEF7, lr;
	s5 =	simm.s32 $0xFFFFFFFF;
	p2 =	slt.u32 s8, $0xFFFFF086  }
0x1c: {  	p1 =	slt.u32 s9, $0xF7A;
	s5 =	simm.s32 @!p2 $0x0  }
0x1d: {  	s5 =	simm.s32 @p1 $0x1;
	p0 =	seq.s32 s7, s2  }
0x1e: {  	s7 =	smul.u32 @!p0 $0xF7A, s2;
	p2 =	seq.s32 @!p0 s5, $0x0  }
0x1f: {  	s9 =	smul.u32 $0xF7A, s1;
	s8 =	simm.s32 @!p0 $0x1BF5;
	p2 =	por !p2, p0  }
0x20: {  	[sflag:s8] =	ssyncset.s32 @!p0 $0xFFFFF086;
	s6 =	sadd.s32 @!p0 s3, s7;
	s7 =	simm.s32 @!p0 $0x108  }
0x21: {  	s3 =	sadd.s32 s3, s9;
	s6 =	sadd.s32 @!p0 $0x88, s6;
	s7 =	simm.s32 @p2 $0x1082  }
0x22: {  	[simem:s7], [sflag:s8] =	dma.local @!p0 [hbm:s6], $0xF7A  }
0x23: {  	s9 =	sor.u32 $0xD0000000, s2;
	s6 =	simm.s32 $0x108;
	_ =	swait.ge @!p0 [sflag:s8], $0x0  }
0x24: {  	s3 =	sadd.s32 $0x88, s3;
	s6 =	simm.s32 @!p1 $0x1082;
	[sflag:s4] =	ssyncset.s32 $0xFFFFF086  }
0x25: {  	[simem:s6], [sflag:s4] =	dma.local [hbm:s3], $0xF7A  }
0x26: {  	[smem:$0x3F89] =	sst s1;
	(tag) =	ssettag s2;
	_ =	strace s9  }
0x27: {  	s1 =	sld [smem:$0x3F99]  }
0x28: {  	s2 =	sld [smem:$0x3F9A]  }
0x29: {  	s4 =	sld [smem:$0x3F9C]  }
0x2a: {  	p0 =	seq.s32 s5, $0x0;
	s5 =	sld [smem:$0x3F9D]  }
0x2b: {  	s6 =	sld [smem:$0x3F9E]  }
0x2c: {  	s7 =	sld [smem:$0x3F9F]  }
0x2d: {  	s3 =	simm.s32 $0x108;
	s8 =	sld [smem:$0x3FA0]  }
0x2e: {  	s3 =	simm.s32 @!p0 $0x1082;
	s9 =	sld [smem:$0x3FA1]  }
0x2f: {  	lr =	sadd.s32 s0, s3;
	s0 =	sld [smem:$0x3F98]  }
0x30: {  	s3 =	sld [smem:$0x3F9B]  }
0x31: {  	[smem:$0x3FA4] =	sst s10  }
0x32: {  	s10 =	sld [smem:$0x3FA2];
	_ =	sdelay $0x3  }
0x33: {  	p0 =	seq.s32 s10, $0x1;
	s10 =	sld [smem:$0x3FA4];
	_ =	sdelay $0x3  }
0x34: {  	[smem:$0x3FA4] =	sst s10  }
0x35: {  	s10 =	sld [smem:$0x3FA3];
	_ =	sdelay $0x3  }
0x36: {  	p1 =	seq.s32 s10, $0x1;
	s10 =	sld [smem:$0x3FA4];
	_ =	sdelay $0x3  }
0x37: {  	[smem:$0x3FA4] =	sst s10  }
0x38: {  	s10 =	sld [smem:$0x3FA5]  }
0x39: {  	_ = 	snop;
	(pc) =	sbr.ind lr, $3  }
0x3a: {  	_ = 	snop  }
0x3b: {  	_ = 	snop  }
0x3c: {  	p2 =	seq.s32 s10, $0x1;
	s10 =	sld [smem:$0x3FA4]  }
0x3d: {  	_ =	shalt  }
0x3e: {  	_ =	shalt  }
0x3f: {  	_ =	shalt  }
0x40: {  	_ =	shalt  }
0x41: {  	_ =	shalt  }
0x42: {  	_ =	shalt  }
0x43: {  	_ =	shalt  }
0x44: {  	_ =	shalt  }
0x45: {  	_ =	shalt  }
0x46: {  	_ =	shalt  }
0x47: {  	_ =	shalt  }
0x48: {  	_ =	shalt  }
0x49: {  	_ =	shalt  }
0x4a: {  	_ =	shalt  }
0x4b: {  	_ =	shalt  }
0x4c: {  	_ =	shalt  }
0x4d: {  	_ =	shalt  }
0x4e: {  	_ =	shalt  }
0x4f: {  	_ =	shalt  }
0x50: {  	_ =	shalt  }
0x51: {  	_ =	shalt  }
0x52: {  	_ =	shalt  }
0x53: {  	_ =	shalt  }
0x54: {  	_ =	shalt  }
0x55: {  	_ =	shalt  }
0x56: {  	_ =	shalt  }
0x57: {  	_ =	shalt  }
0x58: {  	_ =	shalt  }
0x59: {  	_ =	shalt  }
0x5a: {  	_ =	shalt  }
0x5b: {  	_ =	shalt  }
0x5c: {  	_ =	shalt  }
0x5d: {  	_ =	shalt  }
0x5e: {  	_ =	shalt  }
0x5f: {  	_ =	shalt  }
0x60: {  	_ =	shalt  }
0x61: {  	_ =	shalt  }
0x62: {  	_ =	shalt  }
0x63: {  	_ =	shalt  }
0x64: {  	_ =	shalt  }
0x65: {  	_ =	shalt  }
0x66: {  	_ =	shalt  }
0x67: {  	_ =	shalt  }
0x68: {  	_ =	shalt  }
0x69: {  	_ =	shalt  }
0x6a: {  	_ =	shalt  }
0x6b: {  	_ =	shalt  }
0x6c: {  	_ =	shalt  }
0x6d: {  	_ =	shalt  }
0x6e: {  	_ =	shalt  }
0x6f: {  	_ =	shalt  }
0x70: {  	_ =	shalt  }
0x71: {  	_ =	shalt  }
0x72: {  	_ =	shalt  }
0x73: {  	_ =	shalt  }
0x74: {  	_ =	shalt  }
0x75: {  	_ =	shalt  }
0x76: {  	_ =	shalt  }
0x77: {  	_ =	shalt  }
0x78: {  	_ =	shalt  }
0x79: {  	_ =	shalt  }
0x7a: {  	_ =	shalt  }
0x7b: {  	_ =	shalt  }
0x7c: {  	_ =	shalt  }
0x7d: {  	_ =	shalt  }
0x7e: {  	_ =	shalt  }
0x7f: {  	_ =	shalt  }
0x80: {  	_ =	shalt  }
0x81: {  	_ =	shalt  }
0x82: {  	_ =	shalt  }
0x83: {  	_ =	shalt  }
0x84: {  	_ =	shalt  }
0x85: {  	_ =	shalt  }
0x86: {  	_ =	shalt  }
0x87: {  	_ =	shalt  }
.Lfunc_end0:
.L_simem_size_0:
called_computation.1_lowered:
.L_overlay_start_0:
0x88: {  	s2 =	sld [smem:$0x3FD9]  }
0x89: {  	s3 =	sld [smem:$0x3FFE];
	_ =	sdelay $0x1  }
0x8a: {  	s1 =	srdreg.scid  }
0x8b: {  	s0 =	sand.u32 $0x1, s1  }
0x8c: {  	s17 =	sshll.u32 s0, $0xA;
	s2 =	sadd.s32 s3, s2  }
0x8d: {  	s2 =	sadd.s32 s2, s17  }
0x8e: {  	[smem:$0x3FB0] =	sst s2  }
0x8f: {  	_ = 	snop  }
0x90: {  	s2 =	sld [smem:$0x3FD0];
	(tm) =	ssettm $0x1  }
0x91: {  	s18 =	sld [smem:$0x3FFB];
	_ =	sdelay $0x3  }
0x92: {  	_ =	strace s18  }
0x93: {  	s3 =	sld [smem:$0x3FFC];
	_ =	sdelay $0x3  }
0x94: {  	_ =	strace s3  }
0x95: {  	s3 =	sld [smem:$0x3FFD];
	_ =	sdelay $0x3  }
0x96: {  	_ =	strace s3  }
0x97: {  	_ =	strace $0x8FFFFFFF  }
0x98: {  	s19 =	sld [smem:$0x3FDB];
	_ =	sdelay $0x1  }
0x99: {  	s4 =	simm.s32 $_scs_section_size  }
0x9a: {  	s5 =	simm.s32 $_size__tile_overlayer_lowered;
	s6 =	simm.s32 $_tile_overlayer_lowered  }
0x9b: {  	s22 =	simm.s32 $0x1BFF;
	s21 =	sshll.u32 s6, $0x1;
	s3 =	sadd.s32 s4, s19  }
0x9c: {  	s7 =	simm.s32 $0x0;
	s20 =	sshll.u32 s5, $0x1;
	s5 =	sadd.s32 s21, s3  }
0x9d: {  	[timem:s7], [sflag:s22] =	dma.local [hbm:s5], s20  }
0x9e: {  	_ =	swait.ge [sflag:s22], s20  }
0x9f: {  	s4 =	ssub.s32 $0x0, s20;
	[sflag:s22] =	ssyncset.done $0x0  }
0xa0: {  	[sflag:s22] =	ssyncadd.s32 s4;
	_ =	sdelay $0x1  }
0xa1: {  	s23 =	simm.s32 $0x1B8B  }
0xa2: {  	_ =	swait.ge [sflag:s23], $0x1  }
0xa3: {  	[sflag:s23] =	ssyncset.done $0x0  }
0xa4: {  	s25 =	simm.s32 $0x1B8E;
	s24 =	sld [smem:$0x3FFE];
	[sflag:s23] =	ssyncadd.s32 $0xFFFFFFFF  }
0xa5: {  	s26 =	simm.s32 $execute0_lowered;
	[smem:$0x3FD2] =	sst s25  }
0xa6: {  	s5 =	sshll.u32 s26, $0x1;
	_ =	strace $0x80000049;
	[dreg:$0x1] =	wrdreg $0xFFFFFFFF  }
0xa7: {  	s28 =	simm.s32 $_size_execute0_lowered;
	s3 =	sadd.s32 s3, s5;
	[dreg:$0x0] =	wrdreg $0x0  }
0xa8: {  	s5 =	sshll.u32 s28, $0x1;
	[dreg:$0x2] =	wrdreg s3  }
0xa9: {  	[dreg:$0x3] =	wrdreg s5  }
0xaa: {  	[dreg:$0x4] =	wrdreg $0xC0  }
0xab: {  	_ =	task [dreg:s7], $0x5FFFF  }
0xac: {  	[dreg:$0x1] =	wrdreg $0xFFFFFFFF  }
0xad: {  	[dreg:$0x0] =	wrdreg $0x60  }
0xae: {  	[dreg:$0x2] =	wrdreg s2  }
0xaf: {  	[dreg:$0x3] =	wrdreg s24  }
0xb0: {  	[dreg:$0x4] =	wrdreg $0x0  }
0xb1: {  	[dreg:$0x5] =	wrdreg $0x9  }
0xb2: {  	_ =	task.clear_ibuf [dreg:s7], $0x6FFFF;
	_ =	strace $0x90000049  }
0xb3: {  	s29 =	simm.s32 $0x9;
	_ =	strace $0x8000004B  }
0xb4: {  	_ =	swait.ge [sflag:s29], $0x1  }
0xb5: {  	[sflag:s29] =	ssyncadd.s32 $0xFFFFFFFF  }
0xb6: {  	_ =	strace $0x9000004B  }
0xb7: {  	_ =	sfence  }
0xb8: {  	s30 =	sld [smem:$0x0];
	_ =	sdelay $0x2  }
0xb9: {  	s31 =	sshll.u32 s1, $0xD;
	s1 =	sshrl.u32 s1, $0x2  }
0xba: {  	s3 =	sand.u32 $0x4000, s31;
	s1 =	sadd.s32 s1, s30  }
0xbb: {  	s0 =	sor.u32 s3, s0;
	s1 =	sshll.u32 s1, $0x11  }
0xbc: {  	s0 =	sor.u32 s1, s0  }
0xbd: {  	s0 =	sadd.s32 $0x8F2B, s0  }
0xbe: {  	[sflag:s0] =	ssyncadd.remote.s32 $0x1  }
0xbf: {  	_ =	sfence.sel $0xFFFF  }
0xc0: {  	[dreg:$0x0] =	wrdreg $0xFFFFFFFF;
	(pc) =	sbr.abs _section_cstart, $3  }
0xc1: {  	[dreg:$0x1] =	wrdreg $0xFFFFFFFF  }
0xc2: {  	_ =	task.clear_ibuf [dreg:s7], $0x2FFFF;
	_ =	strace $0x9FFFFFFF  }
0xc3: {  	(tm) =	ssettm $0x7FFFFFFF  }
tec
execute0_lowered:
.L_overlay_start_1:
0x0: {  	(tag) =	ssettag $0x1  }
0x1: {  	s1 =	rddreg [dreg:$0x0]  }
0x2: {  	s0 =	rddreg [dreg:$0x1]  }
0x3: {  	s2 =	rddreg [dreg:$0x2];
	s3 =	simm.s32 $0x0;
	s8 =	srdreg.scid  }
0x4: {  	s26 =	stileid.u32;
	s28 =	simm.s32 $0x3;
	s29 =	simm.s32 $0x13880  }
0x5: {  	s30 =	simm.s32 $0x13900;
	s31 =	simm.s32 $0x13980;
	[smem:$0x7FF] =	sst s3  }
0x6: {  	s4 =	sadd.s32 $0x16A00, s0;
	s5 =	sadd.s32 $0x40800, s0;
	s6 =	sadd.s32 $0x36A00, s0  }
0x7: {  	s7 =	sadd.s32 $0x4A600, s0;
	s8 =	sand.u32 $0x1, s8;
	s16 =	smul.u32 $0x270, s26  }
0x8: {  	s0 =	sadd.s32 $0x54400, s0;
	s12 =	smul.u32 $0x4E000, s26;
	s9 =	ssub.s32 $0x2, s8  }
0x9: {  	_ =	strace $0x8000004A;
	s11 =	sshll.u32 s8, $0x4;
	s10 =	sshrl.u32 s9, $0x1  }
0xa: {  	s13 =	sor.u32 s26, s11;
	s18 =	sadd.s32 $0x68, s16;
	s21 =	sshrl.u32 s12, $0x2  }
0xb: {  	s19 =	sadd.s32 $0xD0, s16;
	s20 =	sadd.s32 $0x138, s16;
	s17 =	ssub.s32 s9, s10  }
0xc: {  	s22 =	sshll.u32 s18, $0x7;
	s9 =	sadd.s32 s21, s2;
	s23 =	sshll.u32 s19, $0x7  }
0xd: {  	s21 =	sadd.s32 $0x1A0, s16;
	s14 =	sshll.u32 s20, $0x7;
	s24 =	smul.u32 $0x4E, s13  }
0xe: {  	p0 =	slt.u32 s13, $0x4;
	s13 =	smin.u32 s13, $0x4;
	s10 =	sadd.s32 s22, s2  }
0xf: {  	s11 =	sadd.s32 s23, s2;
	s15 =	sshll.u32 s21, $0x7;
	s22 =	sadd.s32 $0x208, s16  }
0x10: {  	s23 =	sshll.u32 s22, $0x7;
	s12 =	sadd.s32 s13, s24;
	s24 =	smul.u32 $0x2710, s8  }
0x11: {  	s13 =	sadd.s32 s14, s2;
	s14 =	sadd.s32 s15, s2;
	s8 =	smul.u32 $0x138800, s8  }
0x12: {  	s15 =	sadd.s32 s23, s2;
	s25 =	sadd.s32 s16, s24;
	s18 =	sadd.s32 s24, s18  }
0x13: {  	s19 =	sadd.s32 s24, s19;
	s20 =	sadd.s32 s24, s20;
	s21 =	sadd.s32 s24, s21  }
0x14: {  	s22 =	sadd.s32 s24, s22;
	s16 =	simm.s32 $0x4F;
	s8 =	sshrl.u32 s8, $0x3  }
0x15: {  	s23 =	sshll.u32 s25, $0x4;
	s18 =	sshll.u32 s18, $0x4;
	s19 =	sshll.u32 s19, $0x4  }
0x16: {  	s20 =	sshll.u32 s20, $0x4;
	s24 =	sshll.u32 s22, $0x4;
	s23 =	sadd.s32 s0, s23  }
0x17: {  	s16 =	simm.s32 @!p0 $0x4E;
	s18 =	sadd.s32 s0, s18;
	[dreg:$0x4] =	wrdreg s23  }
0x18: {  	p0 =	sne.s32 s26, $0x0;
	s25 =	sadd.s32 s0, s24;
	[dreg:$0x5] =	wrdreg s18  }
0x19: {  	s26 =	simm.s32 $0x13A00;
	s18 =	sadd.s32 s0, s19;
	[dreg:$0x9] =	wrdreg s25  }
0x1a: {  	s23 =	sshll.u32 s21, $0x4;
	[dreg:$0x6] =	wrdreg s18;
	s18 =	sadd.s32 s0, s20  }
0x1b: {  	s25 =	smax.u32 s17, $0x1;
	s17 =	simm.s32 $0x1;
	[dreg:$0x7] =	wrdreg s18  }
0x1c: {  	s18 =	sadd.s32 s0, s23;
	s0 =	sadd.s32 s0, s8;
	s23 =	sadd.s32 $0x138000, s2  }
0x1d: {  	s8 =	simm.s32 $0x17A00;
	[dreg:$0x8] =	wrdreg s18;
	s0 =	sadd.s32 $0x27000, s0  }
0x1e: {  	v0 =	vimm.f32 $0.0e+00;
	s18 =	simm.s32 $0x2;
	[dreg:$0xa] =	wrdreg s0;
	s0 =	simm.s32 $0x80  }
.LBB2_1:
0x1f: {  	s19 =	simm.s32 $0x0;
	s20 =	simm.s32 $0x200  }
.LBB2_2:
0x20: {  	p1 =	sne.s32 s20, $0xCE00;
	[tilespmem:s19+$0x13A70] =	vst v0  }
0x21: {  	[tilespmem:s19+$0x13A00] =	vst v0  }
0x22: {  	[tilespmem:s19+$0x13A10] =	vst v0  }
.Ltmp0:
0x23: {  	[tilespmem:s19+$0x13A20] =	vst v0;
	(pc) =	sbr.rel @p1 .LBB2_2-.Ltmp0, $4  }
0x24: {  	[tilespmem:s19+$0x13A30] =	vst v0  }
0x25: {  	[tilespmem:s19+$0x13A40] =	vst v0  }
0x26: {  	[tilespmem:s19+$0x13A50] =	vst v0  }
0x27: {  	[tilespmem:s19+$0x13A60] =	vst v0;
	s19 =	sshra.s32 s20, $0x2;
	s20 =	sadd.s32 $0x200, s20  }
0x28: {  	[tilespmem:s19+$0x13A70] =	vst v0  }
0x29: {  	[tilespmem:s19+$0x13A00] =	vst v0  }
0x2a: {  	[tilespmem:s19+$0x13A10] =	vst v0  }
0x2b: {  	[tilespmem:s19+$0x13A20] =	vst v0  }
0x2c: {  	[tilespmem:s19+$0x13A30] =	vst v0  }
0x2d: {  	[tilespmem:s19+$0x13A40] =	vst v0  }
0x2e: {  	[tilespmem:s19+$0x13A50] =	vst v0  }
0x2f: {  	[tilespmem:s19+$0x13A60] =	vst v0  }
0x30: {  	[spmem:s9] =	stream.linear.scatter [tilespmem:s26], [sflag:$0x3], $0x3400, $0x38;
	[tilespmem:$0x1BA00] =	vst v63  }
0x31: {  	_ =	swait.ge [sflag:s28], $0x3400  }
0x32: {  	[sflag:s28] =	ssyncset.done $0x0  }
0x33: {  	[sflag:s28] =	ssyncadd.s32 $0xFFFFCC00  }
0x34: {  	[spmem:s10] =	stream.linear.scatter [tilespmem:s26], [sflag:$0x3], $0x3400, $0x38;
	[tilespmem:$0x1BA00] =	vst v63  }
0x35: {  	_ =	swait.ge [sflag:s28], $0x3400  }
0x36: {  	[sflag:s28] =	ssyncset.done $0x0  }
0x37: {  	[sflag:s28] =	ssyncadd.s32 $0xFFFFCC00  }
0x38: {  	[spmem:s11] =	stream.linear.scatter [tilespmem:s26], [sflag:$0x3], $0x3400, $0x38;
	[tilespmem:$0x1BA00] =	vst v63  }
0x39: {  	_ =	swait.ge [sflag:s28], $0x3400  }
0x3a: {  	[sflag:s28] =	ssyncset.done $0x0  }
0x3b: {  	[sflag:s28] =	ssyncadd.s32 $0xFFFFCC00  }
0x3c: {  	[spmem:s13] =	stream.linear.scatter [tilespmem:s26], [sflag:$0x3], $0x3400, $0x38;
	[tilespmem:$0x1BA00] =	vst v63  }
0x3d: {  	_ =	swait.ge [sflag:s28], $0x3400  }
0x3e: {  	[sflag:s28] =	ssyncset.done $0x0  }
0x3f: {  	[sflag:s28] =	ssyncadd.s32 $0xFFFFCC00  }
0x40: {  	[spmem:s14] =	stream.linear.scatter [tilespmem:s26], [sflag:$0x3], $0x3400, $0x38;
	[tilespmem:$0x1BA00] =	vst v63  }
0x41: {  	_ =	swait.ge [sflag:s28], $0x3400  }
0x42: {  	[sflag:s28] =	ssyncset.done $0x0  }
0x43: {  	[sflag:s28] =	ssyncadd.s32 $0xFFFFCC00  }
0x44: {  	[spmem:s15] =	stream.linear.scatter [tilespmem:s26], [sflag:$0x3], $0x3400, $0x38;
	[tilespmem:$0x1BA00] =	vst v63  }
0x45: {  	_ =	swait.ge [sflag:s28], $0x3400  }
0x46: {  	[sflag:s28] =	ssyncset.done $0x0  }
0x47: {  	s19 =	simm.s32 @!p0 $0x13A00;
	[sflag:s28] =	ssyncadd.s32 $0xFFFFCC00  }
0x48: {  	[spmem:s23] =	stream.linear.scatter @!p0 [tilespmem:s19], [sflag:$0x3], $0x800, $0x38;
	[tilespmem:$0x1BA00] =	vst v63  }
0x49: {  	s19 =	simm.s32 @!p0 $0x3  }
0x4a: {  	_ =	swait.ge @!p0 [sflag:s19], $0x800  }
0x4b: {  	[sflag:s19] =	ssyncset.done @!p0 $0x0  }
0x4c: {  	[sflag:s19] =	ssyncadd.s32 @!p0 $0xFFFFF800  }
0x4d: {  	s20 =	simm.s32 $0x0;
	s19 =	simm.s32 $0x0;
	[bflag:$0x0] =	sbarrier.arrive $0xFFFF  }
.LBB2_4:
0x4e: {  	s21 =	sadd.s32 s20, s12  }
0x4f: {  	s21 =	sshll.u32 s21, $0x4  }
0x50: {  	s21 =	sand.u32 $0x1FFFFFF0, s21  }
0x51: {  	s22 =	sadd.s32 s5, s21  }
0x52: {  	[tilespmem:s29], [sflag:$0x3] =	stream.linear.gather [hbm4b:s22+s19], $0x80, $0x38;
	[tilespmem:$0x1BA00] =	vst v63  }
0x53: {  	_ =	swait.ge [sflag:s28], $0x80  }
0x54: {  	[sflag:s28] =	ssyncset.done $0x0  }
0x55: {  	s24 =	sadd.s32 s7, s21;
	[sflag:s28] =	ssyncadd.s32 $0xFFFFFF80  }
0x56: {  	[tilespmem:s30], [sflag:$0x3] =	stream.linear.gather [hbm4b:s24+s19], $0x80, $0x38;
	[tilespmem:$0x1BA00] =	vst v63  }
0x57: {  	_ =	swait.ge [sflag:s28], $0x80  }
0x58: {  	[sflag:s28] =	ssyncset.done $0x0  }
0x59: {  	s21 =	sadd.s32 s6, s21;
	[sflag:s28] =	ssyncadd.s32 $0xFFFFFF80  }
0x5a: {  	[tilespmem:s31], [sflag:$0x3] =	stream.linear.gather [hbm4b:s21+s19], $0x80, $0x38;
	[tilespmem:$0x1BA00] =	vst v63  }
0x5b: {  	_ =	swait.ge [sflag:s28], $0x80  }
0x5c: {  	[sflag:s28] =	ssyncset.done $0x0  }
0x5d: {  	[sflag:s28] =	ssyncadd.s32 $0xFFFFFF80  }
0x5e: {  	[tilespmem:s26], [sflag:$0x1] =	stream.indirect.gather [hbm4b:s1+s0], $0x80, s29, s0, $0xb8;
	[tilespmem:$0x1BA00] =	vst v63  }
0x5f: {  	_ = 	snop  }
0x60: {  	[tilespmem:s8], [sflag:$0x2] =	stream.indirect.gather [hbm4b:s4+s0], $0x80, s30, s0, $0xb8;
	[tilespmem:$0x1BA00] =	vst v63  }
0x61: {  	_ =	swait.ge [sflag:s17], $0x4000  }
0x62: {  	[sflag:s17] =	ssyncset.done $0x0  }
0x63: {  	[sflag:s17] =	ssyncadd.s32 $0xFFFFC000  }
0x64: {  	_ =	swait.ge [sflag:s18], $0x4000  }
0x65: {  	[sflag:s18] =	ssyncset.done $0x0  }
0x66: {  	s21 =	simm.s32 $0x0;
	[sflag:s18] =	ssyncadd.s32 $0xFFFFC000  }
0x67: {  	v7 =	vld [tilespmem:s21+$0x17A00]  }
0x68: {  	v12 =	vld [tilespmem:s21+$0x17A10]  }
0x69: {  	v6 =	vld [tilespmem:s21+$0x17A20]  }
0x6a: {  	v5 =	vld [tilespmem:s21+$0x17A30]  }
0x6b: {  	v4 =	vld [tilespmem:s21+$0x17A40]  }
0x6c: {  	v3 =	vld [tilespmem:s21+$0x17A50]  }
0x6d: {  	v2 =	vld [tilespmem:s21+$0x17A60]  }
0x6e: {  	v1 =	vld [tilespmem:s21+$0x17A70]  }
0x6f: {  	v13 =	vld [tilespmem:s21+$0x13A00]  }
0x70: {  	v14 =	vld [tilespmem:s21+$0x13A10]  }
0x71: {  	v11 =	vld [tilespmem:s21+$0x13A20]  }
0x72: {  	v10 =	vld [tilespmem:s21+$0x13A30]  }
0x73: {  	v9 =	vld [tilespmem:s21+$0x13A40]  }
0x74: {  	v8 =	vld [tilespmem:s21+$0x13A50];
	v13 =	vadd.f32 v7, v13  }
0x75: {  	s22 =	simm.s32 $0x200;
	v12 =	vadd.f32 v12, v14;
	v7 =	vld [tilespmem:s21+$0x13A60]  }
.LBB2_5:
0x76: {  	s24 =	sshra.s32 s22, $0x2;
	p1 =	sne.s32 s22, $0xFE00;
	v13 =	vmax.f32 v13, $0.0e+00;
	v6 =	vadd.f32 v6, v11;
	v11 =	vld [tilespmem:s21+$0x13A70]  }
0x77: {  	v14 =	vld [tilespmem:s24+$0x17A00];
	[tilespmem:s21+$0x13A00] =	vst v13;
	v12 =	vmax.f32 v12, $0.0e+00;
	v5 =	vadd.f32 v5, v10  }
0x78: {  	v15 =	vld [tilespmem:s24+$0x17A10];
	[tilespmem:s21+$0x13A10] =	vst v12;
	v10 =	vmax.f32 v6, $0.0e+00;
	v4 =	vadd.f32 v4, v9  }
0x79: {  	v6 =	vld [tilespmem:s24+$0x17A20];
	[tilespmem:s21+$0x13A20] =	vst v10;
	v9 =	vmax.f32 v5, $0.0e+00;
	v3 =	vadd.f32 v3, v8  }
0x7a: {  	v5 =	vld [tilespmem:s24+$0x17A30];
	[tilespmem:s21+$0x13A30] =	vst v9;
	v8 =	vmax.f32 v4, $0.0e+00;
	v2 =	vadd.f32 v2, v7  }
0x7b: {  	v4 =	vld [tilespmem:s24+$0x17A40];
	[tilespmem:s21+$0x13A40] =	vst v8;
	v7 =	vmax.f32 v3, $0.0e+00;
	v1 =	vadd.f32 v1, v11  }
0x7c: {  	v3 =	vld [tilespmem:s24+$0x17A50];
	[tilespmem:s21+$0x13A50] =	vst v7;
	v7 =	vmax.f32 v2, $0.0e+00  }
0x7d: {  	v2 =	vld [tilespmem:s24+$0x17A60];
	[tilespmem:s21+$0x13A60] =	vst v7;
	v7 =	vmax.f32 v1, $0.0e+00  }
0x7e: {  	v1 =	vld [tilespmem:s24+$0x17A70];
	[tilespmem:s21+$0x13A70] =	vst v7;
	s21 =	smov.u32 s24  }
0x7f: {  	v7 =	vld [tilespmem:s21+$0x13A00]  }
0x80: {  	v12 =	vld [tilespmem:s21+$0x13A10]  }
.Ltmp1:
0x81: {  	v11 =	vld [tilespmem:s21+$0x13A20];
	(pc) =	sbr.rel @p1 .LBB2_5-.Ltmp1, $4  }
0x82: {  	v10 =	vld [tilespmem:s21+$0x13A30]  }
0x83: {  	v9 =	vld [tilespmem:s21+$0x13A40]  }
0x84: {  	v13 =	vadd.f32 v14, v7;
	v8 =	vld [tilespmem:s21+$0x13A50]  }
0x85: {  	s22 =	sadd.s32 $0x200, s22;
	v12 =	vadd.f32 v15, v12;
	v7 =	vld [tilespmem:s21+$0x13A60]  }
0x86: {  	v13 =	vmax.f32 v13, $0.0e+00;
	v6 =	vadd.f32 v6, v11;
	v63 =	vld [tilespmem:s21+$0x13A70]  }
0x87: {  	[tilespmem:s21+$0x13A00] =	vst v13;
	v12 =	vmax.f32 v12, $0.0e+00;
	v5 =	vadd.f32 v5, v10  }
0x88: {  	[tilespmem:s21+$0x13A10] =	vst v12;
	v6 =	vmax.f32 v6, $0.0e+00;
	v4 =	vadd.f32 v4, v9  }
0x89: {  	[tilespmem:s21+$0x13A20] =	vst v6;
	v5 =	vmax.f32 v5, $0.0e+00;
	v3 =	vadd.f32 v3, v8  }
0x8a: {  	[tilespmem:s21+$0x13A30] =	vst v5;
	v4 =	vmax.f32 v4, $0.0e+00;
	v2 =	vadd.f32 v2, v7  }
0x8b: {  	[tilespmem:s21+$0x13A40] =	vst v4;
	v3 =	vmax.f32 v3, $0.0e+00;
	v1 =	vadd.f32 v1, v63  }
0x8c: {  	s20 =	sadd.s32 $0x1, s20;
	[tilespmem:s21+$0x13A50] =	vst v3;
	v2 =	vmax.f32 v2, $0.0e+00  }
0x8d: {  	p1 =	sne.s32 s20, s16;
	[tilespmem:s21+$0x13A60] =	vst v2;
	v1 =	vmax.f32 v1, $0.0e+00  }
.Ltmp2:
0x8e: {  	[tilespmem:s21+$0x13A70] =	vst v1;
	(pc) =	sbr.rel @p1 .LBB2_4-.Ltmp2, $4  }
0x8f: {  	[spmem:s2] =	stream.indirect.scatter.add.f32 [tilespmem:s26], [sflag:$0x3], $0x80, s31, s0, $0xb8;
	[tilespmem:$0x1BA00] =	vst v63  }
0x90: {  	_ =	swait.ge [sflag:s28], $0x4000  }
0x91: {  	[sflag:s28] =	ssyncset.done $0x0  }
0x92: {  	[sflag:s28] =	ssyncadd.s32 $0xFFFFC000  }
0x93: {  	s19 =	stileid.u32  }
0x94: {  	[bflag:$0x0] =	sbarrier.arrive $0xFFFF;
	s19 =	sshll.u32 s19, $0x6  }
0x95: {  	s20 =	sshrl.u32 s9, $0x3;
	s21 =	rddreg [dreg:$0x4];
	s19 =	sor.u32 $0x1C03, s19  }
0x96: {  	[hbm:s21], [sflag:s19] =	dma.local [spmem:s20], $0x680  }
0x97: {  	_ =	swait.ge [sflag:s28], $0x680  }
0x98: {  	[sflag:s28] =	ssyncset.done $0x0  }
0x99: {  	s22 =	sshrl.u32 s10, $0x3;
	s24 =	rddreg [dreg:$0x5];
	[sflag:s28] =	ssyncadd.s32 $0xFFFFF980  }
0x9a: {  	[hbm:s24], [sflag:s19] =	dma.local [spmem:s22], $0x680  }
0x9b: {  	_ =	swait.ge [sflag:s28], $0x680  }
0x9c: {  	[sflag:s28] =	ssyncset.done $0x0  }
0x9d: {  	s22 =	sshrl.u32 s11, $0x3;
	s24 =	rddreg [dreg:$0x6];
	[sflag:s28] =	ssyncadd.s32 $0xFFFFF980  }
0x9e: {  	[hbm:s24], [sflag:s19] =	dma.local [spmem:s22], $0x680  }
0x9f: {  	_ =	swait.ge [sflag:s28], $0x680  }
0xa0: {  	[sflag:s28] =	ssyncset.done $0x0  }
0xa1: {  	s22 =	sshrl.u32 s13, $0x3;
	s24 =	rddreg [dreg:$0x7];
	[sflag:s28] =	ssyncadd.s32 $0xFFFFF980  }
0xa2: {  	[hbm:s24], [sflag:s19] =	dma.local [spmem:s22], $0x680  }
0xa3: {  	_ =	swait.ge [sflag:s28], $0x680  }
0xa4: {  	[sflag:s28] =	ssyncset.done $0x0  }
0xa5: {  	s22 =	sshrl.u32 s14, $0x3;
	s24 =	rddreg [dreg:$0x8];
	[sflag:s28] =	ssyncadd.s32 $0xFFFFF980  }
0xa6: {  	[hbm:s24], [sflag:s19] =	dma.local [spmem:s22], $0x680  }
0xa7: {  	_ =	swait.ge [sflag:s28], $0x680  }
0xa8: {  	[sflag:s28] =	ssyncset.done $0x0  }
0xa9: {  	s22 =	sshrl.u32 s15, $0x3;
	s24 =	rddreg [dreg:$0x9];
	[sflag:s28] =	ssyncadd.s32 $0xFFFFF980  }
0xaa: {  	[hbm:s24], [sflag:s19] =	dma.local [spmem:s22], $0x680  }
0xab: {  	s3 =	sadd.s32 $0x1, s3;
	_ =	swait.ge [sflag:s28], $0x680  }
0xac: {  	p1 =	sne.s32 s3, s25;
	[sflag:s28] =	ssyncset.done $0x0  }
0xad: {  	s20 =	sshrl.u32 @!p0 s23, $0x3;
	s21 =	rddreg [dreg:$0xa];
	[sflag:s28] =	ssyncadd.s32 $0xFFFFF980  }
0xae: {  	[hbm:s21], [sflag:s19] =	dma.local @!p0 [spmem:s20], $0x100  }
.Ltmp3:
0xaf: {  	_ = 	snop;
	(pc) =	sbr.rel @p1 .LBB2_1-.Ltmp3, $4  }
0xb0: {  	s19 =	simm.s32 @!p0 $0x3  }
0xb1: {  	_ =	swait.ge @!p0 [sflag:s19], $0x100  }
0xb2: {  	[sflag:s19] =	ssyncset.done @!p0 $0x0  }
0xb3: {  	[sflag:s19] =	ssyncadd.s32 @!p0 $0xFFFFFF00  }
0xb4: {  	_ =	sfence.sel $0x180000  }
0xb5: {  	[bflag:$0x0] =	sbarrier.arrive $0xFFFF  }
0xb6: {  	_ =	strace $0x9000004A  }
0xb7: {  	[bflag:$0x2] =	sbarrier.arrive $0xFFFF  }
0xb8: {  	s0 =	rddreg [dreg:$0x3]  }
0xb9: {  	s0 =	sadd.s32 @!p0 $0x100000, s0  }
0xba: {  	[sflag:s0] =	ssyncadd.tile.s32 @!p0 $0x1;
	_ =	shalt  }
.Lfunc_end2:
_tile_overlayer_lowered:
.L_overlay_start_2:
0xbb: {  	(tag) =	ssettag $0x2  }
0xbc: {  	s0 =	rddreg [dreg:$0x0];
	s2 =	stileid.u32  }
0xbd: {  	s1 =	rddreg [dreg:$0x1];
	p0 =	sne.s32 s2, $0x0  }
0xbe: {  	s3 =	rddreg [dreg:$0x2];
	[bflag:$0x3] =	sbarrier.arrive $0xFFFF;
	s2 =	simm.s32 @!p0 $0x1C03  }
0xbf: {  	[timem:s3], [sflag:s2] =	dma.local @!p0 [hbm:s0], s1  }
0xc0: {  	s0 =	simm.s32 @!p0 $0x3  }
0xc1: {  	_ =	swait.ge @!p0 [sflag:s0], s1  }
0xc2: {  	s1 =	ssub.s32 @!p0 $0x0, s1;
	[sflag:s0] =	ssyncset.done @!p0 $0x0  }
0xc3: {  	[sflag:s0] =	ssyncadd.s32 @!p0 s1  }
0xc4: {  	[bflag:$0x3] =	sbarrier.arrive $0xFFFF  }
0xc5: {  	_ =	shalt  }

// kernel: kernel.25.cloned.1.call-start
scs
__scs_entry_jumppad:
0x0: {  	(pc) =	sbr.rel $0x88, $3  }
0x1: {  	(tag) =	ssettag $0x0;
	lr =	simm.s32 $0x1  }
0x2: {  	[smem:$0x3F89] =	sst lr;
	_ =	strace $0xD0000000  }
0x3: {  	_ = 	snop  }
0x4: {  	_ = 	snop  }
0x5: {  	_ = 	snop  }
0x6: {  	_ = 	snop  }
0x7: {  	_ = 	snop  }
__scs_overlays_trampoline_lowered:
0x8: {  	[smem:$0x3F98] =	sst s0  }
0x9: {  	[smem:$0x3F99] =	sst s1  }
0xa: {  	[smem:$0x3F9A] =	sst s2  }
0xb: {  	[smem:$0x3F9B] =	sst s3  }
0xc: {  	[smem:$0x3F9C] =	sst s4  }
0xd: {  	[smem:$0x3F9D] =	sst s5  }
0xe: {  	[smem:$0x3F9E] =	sst s6  }
0xf: {  	[smem:$0x3F9F] =	sst s7  }
0x10: {  	[smem:$0x3FA0] =	sst s8  }
0x11: {  	[smem:$0x3FA1] =	sst s9;
	s0 =	simm.s32 @!p0 $0x0  }
0x12: {  	s1 =	sld [smem:$0x3F87];
	s0 =	simm.s32 @p0 $0x1  }
0x13: {  	[smem:$0x3FA2] =	sst s0;
	s0 =	simm.s32 @!p1 $0x0  }
0x14: {  	s2 =	sld [smem:$0x3F86];
	s0 =	simm.s32 @p1 $0x1  }
0x15: {  	[smem:$0x3FA3] =	sst s0;
	s0 =	simm.s32 @!p2 $0x0  }
0x16: {  	s3 =	sld [smem:$0x3FDB];
	s0 =	simm.s32 @p2 $0x1  }
0x17: {  	s4 =	simm.s32 $0x1BF5;
	[smem:$0x3FA5] =	sst s0  }
0x18: {  	s0 =	sld [smem:$0x3F88];
	_ =	swait.ge [sflag:s4], $0x0  }
0x19: {  	s7 =	sld [smem:$0x3F89]  }
0x1a: {  	s8 =	sadd.s32 $0xFFFFE003, lr  }
0x1b: {  	s9 =	sadd.s32 $0xFFFFFEF7, lr;
	s5 =	simm.s32 $0xFFFFFFFF;
	p2 =	slt.u32 s8, $0xFFFFF086  }
0x1c: {  	p1 =	slt.u32 s9, $0xF7A;
	s5 =	simm.s32 @!p2 $0x0  }
0x1d: {  	s5 =	simm.s32 @p1 $0x1;
	p0 =	seq.s32 s7, s2  }
0x1e: {  	s7 =	smul.u32 @!p0 $0xF7A, s2;
	p2 =	seq.s32 @!p0 s5, $0x0  }
0x1f: {  	s9 =	smul.u32 $0xF7A, s1;
	s8 =	simm.s32 @!p0 $0x1BF5;
	p2 =	por !p2, p0  }
0x20: {  	[sflag:s8] =	ssyncset.s32 @!p0 $0xFFFFF086;
	s6 =	sadd.s32 @!p0 s3, s7;
	s7 =	simm.s32 @!p0 $0x108  }
0x21: {  	s3 =	sadd.s32 s3, s9;
	s6 =	sadd.s32 @!p0 $0x88, s6;
	s7 =	simm.s32 @p2 $0x1082  }
0x22: {  	[simem:s7], [sflag:s8] =	dma.local @!p0 [hbm:s6], $0xF7A  }
0x23: {  	s9 =	sor.u32 $0xD0000000, s2;
	s6 =	simm.s32 $0x108;
	_ =	swait.ge @!p0 [sflag:s8], $0x0  }
0x24: {  	s3 =	sadd.s32 $0x88, s3;
	s6 =	simm.s32 @!p1 $0x1082;
	[sflag:s4] =	ssyncset.s32 $0xFFFFF086  }
0x25: {  	[simem:s6], [sflag:s4] =	dma.local [hbm:s3], $0xF7A  }
0x26: {  	[smem:$0x3F89] =	sst s1;
	(tag) =	ssettag s2;
	_ =	strace s9  }
0x27: {  	s1 =	sld [smem:$0x3F99]  }
0x28: {  	s2 =	sld [smem:$0x3F9A]  }
0x29: {  	s4 =	sld [smem:$0x3F9C]  }
0x2a: {  	p0 =	seq.s32 s5, $0x0;
	s5 =	sld [smem:$0x3F9D]  }
0x2b: {  	s6 =	sld [smem:$0x3F9E]  }
0x2c: {  	s7 =	sld [smem:$0x3F9F]  }
0x2d: {  	s3 =	simm.s32 $0x108;
	s8 =	sld [smem:$0x3FA0]  }
0x2e: {  	s3 =	simm.s32 @!p0 $0x1082;
	s9 =	sld [smem:$0x3FA1]  }
0x2f: {  	lr =	sadd.s32 s0, s3;
	s0 =	sld [smem:$0x3F98]  }
0x30: {  	s3 =	sld [smem:$0x3F9B]  }
0x31: {  	[smem:$0x3FA4] =	sst s10  }
0x32: {  	s10 =	sld [smem:$0x3FA2];
	_ =	sdelay $0x3  }
0x33: {  	p0 =	seq.s32 s10, $0x1;
	s10 =	sld [smem:$0x3FA4];
	_ =	sdelay $0x3  }
0x34: {  	[smem:$0x3FA4] =	sst s10  }
0x35: {  	s10 =	sld [smem:$0x3FA3];
	_ =	sdelay $0x3  }
0x36: {  	p1 =	seq.s32 s10, $0x1;
	s10 =	sld [smem:$0x3FA4];
	_ =	sdelay $0x3  }
0x37: {  	[smem:$0x3FA4] =	sst s10  }
0x38: {  	s10 =	sld [smem:$0x3FA5]  }
0x39: {  	_ = 	snop;
	(pc) =	sbr.ind lr, $3  }
0x3a: {  	_ = 	snop  }
0x3b: {  	_ = 	snop  }
0x3c: {  	p2 =	seq.s32 s10, $0x1;
	s10 =	sld [smem:$0x3FA4]  }
0x3d: {  	_ =	shalt  }
0x3e: {  	_ =	shalt  }
0x3f: {  	_ =	shalt  }
0x40: {  	_ =	shalt  }
0x41: {  	_ =	shalt  }
0x42: {  	_ =	shalt  }
0x43: {  	_ =	shalt  }
0x44: {  	_ =	shalt  }
0x45: {  	_ =	shalt  }
0x46: {  	_ =	shalt  }
0x47: {  	_ =	shalt  }
0x48: {  	_ =	shalt  }
0x49: {  	_ =	shalt  }
0x4a: {  	_ =	shalt  }
0x4b: {  	_ =	shalt  }
0x4c: {  	_ =	shalt  }
0x4d: {  	_ =	shalt  }
0x4e: {  	_ =	shalt  }
0x4f: {  	_ =	shalt  }
0x50: {  	_ =	shalt  }
0x51: {  	_ =	shalt  }
0x52: {  	_ =	shalt  }
0x53: {  	_ =	shalt  }
0x54: {  	_ =	shalt  }
0x55: {  	_ =	shalt  }
0x56: {  	_ =	shalt  }
0x57: {  	_ =	shalt  }
0x58: {  	_ =	shalt  }
0x59: {  	_ =	shalt  }
0x5a: {  	_ =	shalt  }
0x5b: {  	_ =	shalt  }
0x5c: {  	_ =	shalt  }
0x5d: {  	_ =	shalt  }
0x5e: {  	_ =	shalt  }
0x5f: {  	_ =	shalt  }
0x60: {  	_ =	shalt  }
0x61: {  	_ =	shalt  }
0x62: {  	_ =	shalt  }
0x63: {  	_ =	shalt  }
0x64: {  	_ =	shalt  }
0x65: {  	_ =	shalt  }
0x66: {  	_ =	shalt  }
0x67: {  	_ =	shalt  }
0x68: {  	_ =	shalt  }
0x69: {  	_ =	shalt  }
0x6a: {  	_ =	shalt  }
0x6b: {  	_ =	shalt  }
0x6c: {  	_ =	shalt  }
0x6d: {  	_ =	shalt  }
0x6e: {  	_ =	shalt  }
0x6f: {  	_ =	shalt  }
0x70: {  	_ =	shalt  }
0x71: {  	_ =	shalt  }
0x72: {  	_ =	shalt  }
0x73: {  	_ =	shalt  }
0x74: {  	_ =	shalt  }
0x75: {  	_ =	shalt  }
0x76: {  	_ =	shalt  }
0x77: {  	_ =	shalt  }
0x78: {  	_ =	shalt  }
0x79: {  	_ =	shalt  }
0x7a: {  	_ =	shalt  }
0x7b: {  	_ =	shalt  }
0x7c: {  	_ =	shalt  }
0x7d: {  	_ =	shalt  }
0x7e: {  	_ =	shalt  }
0x7f: {  	_ =	shalt  }
0x80: {  	_ =	shalt  }
0x81: {  	_ =	shalt  }
0x82: {  	_ =	shalt  }
0x83: {  	_ =	shalt  }
0x84: {  	_ =	shalt  }
0x85: {  	_ =	shalt  }
0x86: {  	_ =	shalt  }
0x87: {  	_ =	shalt  }
.Lfunc_end0:
.L_simem_size_0:
called_computation.2_lowered:
.L_overlay_start_0:
0x88: {  	s2 =	sld [smem:$0x3FD9]  }
0x89: {  	s3 =	sld [smem:$0x3FFE];
	_ =	sdelay $0x1  }
0x8a: {  	s1 =	srdreg.scid  }
0x8b: {  	s0 =	sand.u32 $0x1, s1  }
0x8c: {  	s17 =	sshll.u32 s0, $0xA;
	s2 =	sadd.s32 s3, s2  }
0x8d: {  	s2 =	sadd.s32 s2, s17  }
0x8e: {  	[smem:$0x3FB0] =	sst s2  }
0x8f: {  	_ = 	snop  }
0x90: {  	s2 =	sld [smem:$0x3FD0];
	(tm) =	ssettm $0x1  }
0x91: {  	s18 =	sld [smem:$0x3FFB];
	_ =	sdelay $0x3  }
0x92: {  	_ =	strace s18  }
0x93: {  	s3 =	sld [smem:$0x3FFC];
	_ =	sdelay $0x3  }
0x94: {  	_ =	strace s3  }
0x95: {  	s3 =	sld [smem:$0x3FFD];
	_ =	sdelay $0x3  }
0x96: {  	_ =	strace s3  }
0x97: {  	_ =	strace $0x8FFFFFFF  }
0x98: {  	s19 =	sld [smem:$0x3FDB];
	_ =	sdelay $0x1  }
0x99: {  	s4 =	simm.s32 $_scs_section_size  }
0x9a: {  	s5 =	simm.s32 $_size__tile_overlayer_lowered;
	s6 =	simm.s32 $_tile_overlayer_lowered  }
0x9b: {  	s22 =	simm.s32 $0x1BFF;
	s21 =	sshll.u32 s6, $0x1;
	s3 =	sadd.s32 s4, s19  }
0x9c: {  	s7 =	simm.s32 $0x0;
	s20 =	sshll.u32 s5, $0x1;
	s5 =	sadd.s32 s21, s3  }
0x9d: {  	[timem:s7], [sflag:s22] =	dma.local [hbm:s5], s20  }
0x9e: {  	_ =	swait.ge [sflag:s22], s20  }
0x9f: {  	s4 =	ssub.s32 $0x0, s20;
	[sflag:s22] =	ssyncset.done $0x0  }
0xa0: {  	[sflag:s22] =	ssyncadd.s32 s4;
	_ =	sdelay $0x1  }
0xa1: {  	s23 =	simm.s32 $0x1B8B  }
0xa2: {  	_ =	swait.ge [sflag:s23], $0x1  }
0xa3: {  	[sflag:s23] =	ssyncset.done $0x0  }
0xa4: {  	s25 =	simm.s32 $0x1B8E;
	s24 =	sld [smem:$0x3FFE];
	[sflag:s23] =	ssyncadd.s32 $0xFFFFFFFF  }
0xa5: {  	s26 =	simm.s32 $execute0_lowered;
	[smem:$0x3FD2] =	sst s25  }
0xa6: {  	s5 =	sshll.u32 s26, $0x1;
	_ =	strace $0x8000004C;
	[dreg:$0x1] =	wrdreg $0xFFFFFFFF  }
0xa7: {  	s28 =	simm.s32 $_size_execute0_lowered;
	s3 =	sadd.s32 s3, s5;
	[dreg:$0x0] =	wrdreg $0x0  }
0xa8: {  	s5 =	sshll.u32 s28, $0x1;
	[dreg:$0x2] =	wrdreg s3  }
0xa9: {  	[dreg:$0x3] =	wrdreg s5  }
0xaa: {  	[dreg:$0x4] =	wrdreg $0xC0  }
0xab: {  	_ =	task [dreg:s7], $0x5FFFF  }
0xac: {  	[dreg:$0x1] =	wrdreg $0xFFFFFFFF  }
0xad: {  	[dreg:$0x0] =	wrdreg $0x60  }
0xae: {  	[dreg:$0x2] =	wrdreg s2  }
0xaf: {  	[dreg:$0x3] =	wrdreg s24  }
0xb0: {  	[dreg:$0x4] =	wrdreg $0x0  }
0xb1: {  	[dreg:$0x5] =	wrdreg $0x9  }
0xb2: {  	_ =	task.clear_ibuf [dreg:s7], $0x6FFFF;
	_ =	strace $0x9000004C  }
0xb3: {  	s29 =	simm.s32 $0x9;
	_ =	strace $0x8000004E  }
0xb4: {  	_ =	swait.ge [sflag:s29], $0x1  }
0xb5: {  	[sflag:s29] =	ssyncadd.s32 $0xFFFFFFFF  }
0xb6: {  	_ =	strace $0x9000004E  }
0xb7: {  	_ =	sfence  }
0xb8: {  	s30 =	sld [smem:$0x0];
	_ =	sdelay $0x2  }
0xb9: {  	s31 =	sshll.u32 s1, $0xD;
	s1 =	sshrl.u32 s1, $0x2  }
0xba: {  	s3 =	sand.u32 $0x4000, s31;
	s1 =	sadd.s32 s1, s30  }
0xbb: {  	s0 =	sor.u32 s3, s0;
	s1 =	sshll.u32 s1, $0x11  }
0xbc: {  	s0 =	sor.u32 s1, s0  }
0xbd: {  	s0 =	sadd.s32 $0x8F2B, s0  }
0xbe: {  	[sflag:s0] =	ssyncadd.remote.s32 $0x1  }
0xbf: {  	_ =	sfence.sel $0xFFFF  }
0xc0: {  	[dreg:$0x0] =	wrdreg $0xFFFFFFFF;
	(pc) =	sbr.abs _section_cstart, $3  }
0xc1: {  	[dreg:$0x1] =	wrdreg $0xFFFFFFFF  }
0xc2: {  	_ =	task.clear_ibuf [dreg:s7], $0x2FFFF;
	_ =	strace $0x9FFFFFFF  }
0xc3: {  	(tm) =	ssettm $0x7FFFFFFF  }
tec
execute0_lowered:
.L_overlay_start_1:
0x0: {  	(tag) =	ssettag $0x1  }
0x1: {  	s1 =	rddreg [dreg:$0x0]  }
0x2: {  	s0 =	rddreg [dreg:$0x1]  }
0x3: {  	s2 =	rddreg [dreg:$0x2];
	s3 =	simm.s32 $0x0;
	s8 =	srdreg.scid  }
0x4: {  	s26 =	stileid.u32;
	s28 =	simm.s32 $0x3;
	s29 =	simm.s32 $0x13880  }
0x5: {  	s30 =	simm.s32 $0x13900;
	s31 =	simm.s32 $0x13980;
	[smem:$0x7FF] =	sst s3  }
0x6: {  	s4 =	sadd.s32 $0x26A00, s0;
	s5 =	sadd.s32 $0x40800, s0;
	s6 =	sadd.s32 $0x36A00, s0  }
0x7: {  	s7 =	sadd.s32 $0x4A600, s0;
	s8 =	sand.u32 $0x1, s8;
	s16 =	smul.u32 $0x270, s26  }
0x8: {  	s0 =	sadd.s32 $0x54400, s0;
	s12 =	smul.u32 $0x4E000, s26;
	s9 =	ssub.s32 $0x2, s8  }
0x9: {  	_ =	strace $0x8000004D;
	s11 =	sshll.u32 s8, $0x4;
	s10 =	sshrl.u32 s9, $0x1  }
0xa: {  	s13 =	sor.u32 s26, s11;
	s18 =	sadd.s32 $0x68, s16;
	s21 =	sshrl.u32 s12, $0x2  }
0xb: {  	s19 =	sadd.s32 $0xD0, s16;
	s20 =	sadd.s32 $0x138, s16;
	s17 =	ssub.s32 s9, s10  }
0xc: {  	s22 =	sshll.u32 s18, $0x7;
	s9 =	sadd.s32 s21, s2;
	s23 =	sshll.u32 s19, $0x7  }
0xd: {  	s21 =	sadd.s32 $0x1A0, s16;
	s14 =	sshll.u32 s20, $0x7;
	s24 =	smul.u32 $0x4E, s13  }
0xe: {  	p0 =	slt.u32 s13, $0x4;
	s13 =	smin.u32 s13, $0x4;
	s10 =	sadd.s32 s22, s2  }
0xf: {  	s11 =	sadd.s32 s23, s2;
	s15 =	sshll.u32 s21, $0x7;
	s22 =	sadd.s32 $0x208, s16  }
0x10: {  	s23 =	sshll.u32 s22, $0x7;
	s12 =	sadd.s32 s13, s24;
	s24 =	smul.u32 $0x2710, s8  }
0x11: {  	s13 =	sadd.s32 s14, s2;
	s14 =	sadd.s32 s15, s2;
	s8 =	smul.u32 $0x138800, s8  }
0x12: {  	s15 =	sadd.s32 s23, s2;
	s25 =	sadd.s32 s16, s24;
	s18 =	sadd.s32 s24, s18  }
0x13: {  	s19 =	sadd.s32 s24, s19;
	s20 =	sadd.s32 s24, s20;
	s21 =	sadd.s32 s24, s21  }
0x14: {  	s22 =	sadd.s32 s24, s22;
	s16 =	simm.s32 $0x4F;
	s8 =	sshrl.u32 s8, $0x3  }
0x15: {  	s23 =	sshll.u32 s25, $0x4;
	s18 =	sshll.u32 s18, $0x4;
	s19 =	sshll.u32 s19, $0x4  }
0x16: {  	s20 =	sshll.u32 s20, $0x4;
	s24 =	sshll.u32 s22, $0x4;
	s23 =	sadd.s32 s0, s23  }
0x17: {  	s16 =	simm.s32 @!p0 $0x4E;
	s18 =	sadd.s32 s0, s18;
	[dreg:$0x4] =	wrdreg s23  }
0x18: {  	p0 =	sne.s32 s26, $0x0;
	s25 =	sadd.s32 s0, s24;
	[dreg:$0x5] =	wrdreg s18  }
0x19: {  	s26 =	simm.s32 $0x13A00;
	s18 =	sadd.s32 s0, s19;
	[dreg:$0x9] =	wrdreg s25  }
0x1a: {  	s23 =	sshll.u32 s21, $0x4;
	[dreg:$0x6] =	wrdreg s18;
	s18 =	sadd.s32 s0, s20  }
0x1b: {  	s25 =	smax.u32 s17, $0x1;
	s17 =	simm.s32 $0x1;
	[dreg:$0x7] =	wrdreg s18  }
0x1c: {  	s18 =	sadd.s32 s0, s23;
	s0 =	sadd.s32 s0, s8;
	s23 =	sadd.s32 $0x138000, s2  }
0x1d: {  	s8 =	simm.s32 $0x17A00;
	[dreg:$0x8] =	wrdreg s18;
	s0 =	sadd.s32 $0x27000, s0  }
0x1e: {  	v0 =	vimm.f32 $0.0e+00;
	s18 =	simm.s32 $0x2;
	[dreg:$0xa] =	wrdreg s0;
	s0 =	simm.s32 $0x80  }
.LBB2_1:
0x1f: {  	s19 =	simm.s32 $0x0;
	s20 =	simm.s32 $0x200  }
.LBB2_2:
0x20: {  	p1 =	sne.s32 s20, $0xCE00;
	[tilespmem:s19+$0x13A70] =	vst v0  }
0x21: {  	[tilespmem:s19+$0x13A00] =	vst v0  }
0x22: {  	[tilespmem:s19+$0x13A10] =	vst v0  }
.Ltmp0:
0x23: {  	[tilespmem:s19+$0x13A20] =	vst v0;
	(pc) =	sbr.rel @p1 .LBB2_2-.Ltmp0, $4  }
0x24: {  	[tilespmem:s19+$0x13A30] =	vst v0  }
0x25: {  	[tilespmem:s19+$0x13A40] =	vst v0  }
0x26: {  	[tilespmem:s19+$0x13A50] =	vst v0  }
0x27: {  	[tilespmem:s19+$0x13A60] =	vst v0;
	s19 =	sshra.s32 s20, $0x2;
	s20 =	sadd.s32 $0x200, s20  }
0x28: {  	[tilespmem:s19+$0x13A70] =	vst v0  }
0x29: {  	[tilespmem:s19+$0x13A00] =	vst v0  }
0x2a: {  	[tilespmem:s19+$0x13A10] =	vst v0  }
0x2b: {  	[tilespmem:s19+$0x13A20] =	vst v0  }
0x2c: {  	[tilespmem:s19+$0x13A30] =	vst v0  }
0x2d: {  	[tilespmem:s19+$0x13A40] =	vst v0  }
0x2e: {  	[tilespmem:s19+$0x13A50] =	vst v0  }
0x2f: {  	[tilespmem:s19+$0x13A60] =	vst v0  }
0x30: {  	[spmem:s9] =	stream.linear.scatter [tilespmem:s26], [sflag:$0x3], $0x3400, $0x38;
	[tilespmem:$0x1BA00] =	vst v63  }
0x31: {  	_ =	swait.ge [sflag:s28], $0x3400  }
0x32: {  	[sflag:s28] =	ssyncset.done $0x0  }
0x33: {  	[sflag:s28] =	ssyncadd.s32 $0xFFFFCC00  }
0x34: {  	[spmem:s10] =	stream.linear.scatter [tilespmem:s26], [sflag:$0x3], $0x3400, $0x38;
	[tilespmem:$0x1BA00] =	vst v63  }
0x35: {  	_ =	swait.ge [sflag:s28], $0x3400  }
0x36: {  	[sflag:s28] =	ssyncset.done $0x0  }
0x37: {  	[sflag:s28] =	ssyncadd.s32 $0xFFFFCC00  }
0x38: {  	[spmem:s11] =	stream.linear.scatter [tilespmem:s26], [sflag:$0x3], $0x3400, $0x38;
	[tilespmem:$0x1BA00] =	vst v63  }
0x39: {  	_ =	swait.ge [sflag:s28], $0x3400  }
0x3a: {  	[sflag:s28] =	ssyncset.done $0x0  }
0x3b: {  	[sflag:s28] =	ssyncadd.s32 $0xFFFFCC00  }
0x3c: {  	[spmem:s13] =	stream.linear.scatter [tilespmem:s26], [sflag:$0x3], $0x3400, $0x38;
	[tilespmem:$0x1BA00] =	vst v63  }
0x3d: {  	_ =	swait.ge [sflag:s28], $0x3400  }
0x3e: {  	[sflag:s28] =	ssyncset.done $0x0  }
0x3f: {  	[sflag:s28] =	ssyncadd.s32 $0xFFFFCC00  }
0x40: {  	[spmem:s14] =	stream.linear.scatter [tilespmem:s26], [sflag:$0x3], $0x3400, $0x38;
	[tilespmem:$0x1BA00] =	vst v63  }
0x41: {  	_ =	swait.ge [sflag:s28], $0x3400  }
0x42: {  	[sflag:s28] =	ssyncset.done $0x0  }
0x43: {  	[sflag:s28] =	ssyncadd.s32 $0xFFFFCC00  }
0x44: {  	[spmem:s15] =	stream.linear.scatter [tilespmem:s26], [sflag:$0x3], $0x3400, $0x38;
	[tilespmem:$0x1BA00] =	vst v63  }
0x45: {  	_ =	swait.ge [sflag:s28], $0x3400  }
0x46: {  	[sflag:s28] =	ssyncset.done $0x0  }
0x47: {  	s19 =	simm.s32 @!p0 $0x13A00;
	[sflag:s28] =	ssyncadd.s32 $0xFFFFCC00  }
0x48: {  	[spmem:s23] =	stream.linear.scatter @!p0 [tilespmem:s19], [sflag:$0x3], $0x800, $0x38;
	[tilespmem:$0x1BA00] =	vst v63  }
0x49: {  	s19 =	simm.s32 @!p0 $0x3  }
0x4a: {  	_ =	swait.ge @!p0 [sflag:s19], $0x800  }
0x4b: {  	[sflag:s19] =	ssyncset.done @!p0 $0x0  }
0x4c: {  	[sflag:s19] =	ssyncadd.s32 @!p0 $0xFFFFF800  }
0x4d: {  	s20 =	simm.s32 $0x0;
	s19 =	simm.s32 $0x0;
	[bflag:$0x0] =	sbarrier.arrive $0xFFFF  }
.LBB2_4:
0x4e: {  	s21 =	sadd.s32 s20, s12  }
0x4f: {  	s21 =	sshll.u32 s21, $0x4  }
0x50: {  	s21 =	sand.u32 $0x1FFFFFF0, s21  }
0x51: {  	s22 =	sadd.s32 s5, s21  }
0x52: {  	[tilespmem:s29], [sflag:$0x3] =	stream.linear.gather [hbm4b:s22+s19], $0x80, $0x38;
	[tilespmem:$0x1BA00] =	vst v63  }
0x53: {  	_ =	swait.ge [sflag:s28], $0x80  }
0x54: {  	[sflag:s28] =	ssyncset.done $0x0  }
0x55: {  	s24 =	sadd.s32 s7, s21;
	[sflag:s28] =	ssyncadd.s32 $0xFFFFFF80  }
0x56: {  	[tilespmem:s30], [sflag:$0x3] =	stream.linear.gather [hbm4b:s24+s19], $0x80, $0x38;
	[tilespmem:$0x1BA00] =	vst v63  }
0x57: {  	_ =	swait.ge [sflag:s28], $0x80  }
0x58: {  	[sflag:s28] =	ssyncset.done $0x0  }
0x59: {  	s21 =	sadd.s32 s6, s21;
	[sflag:s28] =	ssyncadd.s32 $0xFFFFFF80  }
0x5a: {  	[tilespmem:s31], [sflag:$0x3] =	stream.linear.gather [hbm4b:s21+s19], $0x80, $0x38;
	[tilespmem:$0x1BA00] =	vst v63  }
0x5b: {  	_ =	swait.ge [sflag:s28], $0x80  }
0x5c: {  	[sflag:s28] =	ssyncset.done $0x0  }
0x5d: {  	[sflag:s28] =	ssyncadd.s32 $0xFFFFFF80  }
0x5e: {  	[tilespmem:s26], [sflag:$0x1] =	stream.indirect.gather [hbm4b:s1+s0], $0x80, s29, s0, $0xb8;
	[tilespmem:$0x1BA00] =	vst v63  }
0x5f: {  	_ = 	snop  }
0x60: {  	[tilespmem:s8], [sflag:$0x2] =	stream.indirect.gather [hbm4b:s4+s0], $0x80, s30, s0, $0xb8;
	[tilespmem:$0x1BA00] =	vst v63  }
0x61: {  	_ =	swait.ge [sflag:s17], $0x4000  }
0x62: {  	[sflag:s17] =	ssyncset.done $0x0  }
0x63: {  	[sflag:s17] =	ssyncadd.s32 $0xFFFFC000  }
0x64: {  	_ =	swait.ge [sflag:s18], $0x4000  }
0x65: {  	[sflag:s18] =	ssyncset.done $0x0  }
0x66: {  	s21 =	simm.s32 $0x0;
	[sflag:s18] =	ssyncadd.s32 $0xFFFFC000  }
0x67: {  	v7 =	vld [tilespmem:s21+$0x17A00]  }
0x68: {  	v12 =	vld [tilespmem:s21+$0x17A10]  }
0x69: {  	v6 =	vld [tilespmem:s21+$0x17A20]  }
0x6a: {  	v5 =	vld [tilespmem:s21+$0x17A30]  }
0x6b: {  	v4 =	vld [tilespmem:s21+$0x17A40]  }
0x6c: {  	v3 =	vld [tilespmem:s21+$0x17A50]  }
0x6d: {  	v2 =	vld [tilespmem:s21+$0x17A60]  }
0x6e: {  	v1 =	vld [tilespmem:s21+$0x17A70]  }
0x6f: {  	v13 =	vld [tilespmem:s21+$0x13A00]  }
0x70: {  	v14 =	vld [tilespmem:s21+$0x13A10]  }
0x71: {  	v11 =	vld [tilespmem:s21+$0x13A20]  }
0x72: {  	v10 =	vld [tilespmem:s21+$0x13A30]  }
0x73: {  	v9 =	vld [tilespmem:s21+$0x13A40]  }
0x74: {  	v8 =	vld [tilespmem:s21+$0x13A50];
	v13 =	vadd.f32 v7, v13  }
0x75: {  	s22 =	simm.s32 $0x200;
	v12 =	vadd.f32 v12, v14;
	v7 =	vld [tilespmem:s21+$0x13A60]  }
.LBB2_5:
0x76: {  	s24 =	sshra.s32 s22, $0x2;
	p1 =	sne.s32 s22, $0xFE00;
	v13 =	vmax.f32 v13, $0.0e+00;
	v6 =	vadd.f32 v6, v11;
	v11 =	vld [tilespmem:s21+$0x13A70]  }
0x77: {  	v14 =	vld [tilespmem:s24+$0x17A00];
	[tilespmem:s21+$0x13A00] =	vst v13;
	v12 =	vmax.f32 v12, $0.0e+00;
	v5 =	vadd.f32 v5, v10  }
0x78: {  	v15 =	vld [tilespmem:s24+$0x17A10];
	[tilespmem:s21+$0x13A10] =	vst v12;
	v10 =	vmax.f32 v6, $0.0e+00;
	v4 =	vadd.f32 v4, v9  }
0x79: {  	v6 =	vld [tilespmem:s24+$0x17A20];
	[tilespmem:s21+$0x13A20] =	vst v10;
	v9 =	vmax.f32 v5, $0.0e+00;
	v3 =	vadd.f32 v3, v8  }
0x7a: {  	v5 =	vld [tilespmem:s24+$0x17A30];
	[tilespmem:s21+$0x13A30] =	vst v9;
	v8 =	vmax.f32 v4, $0.0e+00;
	v2 =	vadd.f32 v2, v7  }
0x7b: {  	v4 =	vld [tilespmem:s24+$0x17A40];
	[tilespmem:s21+$0x13A40] =	vst v8;
	v7 =	vmax.f32 v3, $0.0e+00;
	v1 =	vadd.f32 v1, v11  }
0x7c: {  	v3 =	vld [tilespmem:s24+$0x17A50];
	[tilespmem:s21+$0x13A50] =	vst v7;
	v7 =	vmax.f32 v2, $0.0e+00  }
0x7d: {  	v2 =	vld [tilespmem:s24+$0x17A60];
	[tilespmem:s21+$0x13A60] =	vst v7;
	v7 =	vmax.f32 v1, $0.0e+00  }
0x7e: {  	v1 =	vld [tilespmem:s24+$0x17A70];
	[tilespmem:s21+$0x13A70] =	vst v7;
	s21 =	smov.u32 s24  }
0x7f: {  	v7 =	vld [tilespmem:s21+$0x13A00]  }
0x80: {  	v12 =	vld [tilespmem:s21+$0x13A10]  }
.Ltmp1:
0x81: {  	v11 =	vld [tilespmem:s21+$0x13A20];
	(pc) =	sbr.rel @p1 .LBB2_5-.Ltmp1, $4  }
0x82: {  	v10 =	vld [tilespmem:s21+$0x13A30]  }
0x83: {  	v9 =	vld [tilespmem:s21+$0x13A40]  }
0x84: {  	v13 =	vadd.f32 v14, v7;
	v8 =	vld [tilespmem:s21+$0x13A50]  }
0x85: {  	s22 =	sadd.s32 $0x200, s22;
	v12 =	vadd.f32 v15, v12;
	v7 =	vld [tilespmem:s21+$0x13A60]  }
0x86: {  	v13 =	vmax.f32 v13, $0.0e+00;
	v6 =	vadd.f32 v6, v11;
	v63 =	vld [tilespmem:s21+$0x13A70]  }
0x87: {  	[tilespmem:s21+$0x13A00] =	vst v13;
	v12 =	vmax.f32 v12, $0.0e+00;
	v5 =	vadd.f32 v5, v10  }
0x88: {  	[tilespmem:s21+$0x13A10] =	vst v12;
	v6 =	vmax.f32 v6, $0.0e+00;
	v4 =	vadd.f32 v4, v9  }
0x89: {  	[tilespmem:s21+$0x13A20] =	vst v6;
	v5 =	vmax.f32 v5, $0.0e+00;
	v3 =	vadd.f32 v3, v8  }
0x8a: {  	[tilespmem:s21+$0x13A30] =	vst v5;
	v4 =	vmax.f32 v4, $0.0e+00;
	v2 =	vadd.f32 v2, v7  }
0x8b: {  	[tilespmem:s21+$0x13A40] =	vst v4;
	v3 =	vmax.f32 v3, $0.0e+00;
	v1 =	vadd.f32 v1, v63  }
0x8c: {  	s20 =	sadd.s32 $0x1, s20;
	[tilespmem:s21+$0x13A50] =	vst v3;
	v2 =	vmax.f32 v2, $0.0e+00  }
0x8d: {  	p1 =	sne.s32 s20, s16;
	[tilespmem:s21+$0x13A60] =	vst v2;
	v1 =	vmax.f32 v1, $0.0e+00  }
.Ltmp2:
0x8e: {  	[tilespmem:s21+$0x13A70] =	vst v1;
	(pc) =	sbr.rel @p1 .LBB2_4-.Ltmp2, $4  }
0x8f: {  	[spmem:s2] =	stream.indirect.scatter.add.f32 [tilespmem:s26], [sflag:$0x3], $0x80, s31, s0, $0xb8;
	[tilespmem:$0x1BA00] =	vst v63  }
0x90: {  	_ =	swait.ge [sflag:s28], $0x4000  }
0x91: {  	[sflag:s28] =	ssyncset.done $0x0  }
0x92: {  	[sflag:s28] =	ssyncadd.s32 $0xFFFFC000  }
0x93: {  	s19 =	stileid.u32  }
0x94: {  	[bflag:$0x0] =	sbarrier.arrive $0xFFFF;
	s19 =	sshll.u32 s19, $0x6  }
0x95: {  	s20 =	sshrl.u32 s9, $0x3;
	s21 =	rddreg [dreg:$0x4];
	s19 =	sor.u32 $0x1C03, s19  }
0x96: {  	[hbm:s21], [sflag:s19] =	dma.local [spmem:s20], $0x680  }
0x97: {  	_ =	swait.ge [sflag:s28], $0x680  }
0x98: {  	[sflag:s28] =	ssyncset.done $0x0  }
0x99: {  	s22 =	sshrl.u32 s10, $0x3;
	s24 =	rddreg [dreg:$0x5];
	[sflag:s28] =	ssyncadd.s32 $0xFFFFF980  }
0x9a: {  	[hbm:s24], [sflag:s19] =	dma.local [spmem:s22], $0x680  }
0x9b: {  	_ =	swait.ge [sflag:s28], $0x680  }
0x9c: {  	[sflag:s28] =	ssyncset.done $0x0  }
0x9d: {  	s22 =	sshrl.u32 s11, $0x3;
	s24 =	rddreg [dreg:$0x6];
	[sflag:s28] =	ssyncadd.s32 $0xFFFFF980  }
0x9e: {  	[hbm:s24], [sflag:s19] =	dma.local [spmem:s22], $0x680  }
0x9f: {  	_ =	swait.ge [sflag:s28], $0x680  }
0xa0: {  	[sflag:s28] =	ssyncset.done $0x0  }
0xa1: {  	s22 =	sshrl.u32 s13, $0x3;
	s24 =	rddreg [dreg:$0x7];
	[sflag:s28] =	ssyncadd.s32 $0xFFFFF980  }
0xa2: {  	[hbm:s24], [sflag:s19] =	dma.local [spmem:s22], $0x680  }
0xa3: {  	_ =	swait.ge [sflag:s28], $0x680  }
0xa4: {  	[sflag:s28] =	ssyncset.done $0x0  }
0xa5: {  	s22 =	sshrl.u32 s14, $0x3;
	s24 =	rddreg [dreg:$0x8];
	[sflag:s28] =	ssyncadd.s32 $0xFFFFF980  }
0xa6: {  	[hbm:s24], [sflag:s19] =	dma.local [spmem:s22], $0x680  }
0xa7: {  	_ =	swait.ge [sflag:s28], $0x680  }
0xa8: {  	[sflag:s28] =	ssyncset.done $0x0  }
0xa9: {  	s22 =	sshrl.u32 s15, $0x3;
	s24 =	rddreg [dreg:$0x9];
	[sflag:s28] =	ssyncadd.s32 $0xFFFFF980  }
0xaa: {  	[hbm:s24], [sflag:s19] =	dma.local [spmem:s22], $0x680  }
0xab: {  	s3 =	sadd.s32 $0x1, s3;
	_ =	swait.ge [sflag:s28], $0x680  }
0xac: {  	p1 =	sne.s32 s3, s25;
	[sflag:s28] =	ssyncset.done $0x0  }
0xad: {  	s20 =	sshrl.u32 @!p0 s23, $0x3;
	s21 =	rddreg [dreg:$0xa];
	[sflag:s28] =	ssyncadd.s32 $0xFFFFF980  }
0xae: {  	[hbm:s21], [sflag:s19] =	dma.local @!p0 [spmem:s20], $0x100  }
.Ltmp3:
0xaf: {  	_ = 	snop;
	(pc) =	sbr.rel @p1 .LBB2_1-.Ltmp3, $4  }
0xb0: {  	s19 =	simm.s32 @!p0 $0x3  }
0xb1: {  	_ =	swait.ge @!p0 [sflag:s19], $0x100  }
0xb2: {  	[sflag:s19] =	ssyncset.done @!p0 $0x0  }
0xb3: {  	[sflag:s19] =	ssyncadd.s32 @!p0 $0xFFFFFF00  }
0xb4: {  	_ =	sfence.sel $0x180000  }
0xb5: {  	[bflag:$0x0] =	sbarrier.arrive $0xFFFF  }
0xb6: {  	_ =	strace $0x9000004D  }
0xb7: {  	[bflag:$0x2] =	sbarrier.arrive $0xFFFF  }
0xb8: {  	s0 =	rddreg [dreg:$0x3]  }
0xb9: {  	s0 =	sadd.s32 @!p0 $0x100000, s0  }
0xba: {  	[sflag:s0] =	ssyncadd.tile.s32 @!p0 $0x1;
	_ =	shalt  }
.Lfunc_end2:
_tile_overlayer_lowered:
.L_overlay_start_2:
0xbb: {  	(tag) =	ssettag $0x2  }
0xbc: {  	s0 =	rddreg [dreg:$0x0];
	s2 =	stileid.u32  }
0xbd: {  	s1 =	rddreg [dreg:$0x1];
	p0 =	sne.s32 s2, $0x0  }
0xbe: {  	s3 =	rddreg [dreg:$0x2];
	[bflag:$0x3] =	sbarrier.arrive $0xFFFF;
	s2 =	simm.s32 @!p0 $0x1C03  }
0xbf: {  	[timem:s3], [sflag:s2] =	dma.local @!p0 [hbm:s0], s1  }
0xc0: {  	s0 =	simm.s32 @!p0 $0x3  }
0xc1: {  	_ =	swait.ge @!p0 [sflag:s0], s1  }
0xc2: {  	s1 =	ssub.s32 @!p0 $0x0, s1;
	[sflag:s0] =	ssyncset.done @!p0 $0x0  }
0xc3: {  	[sflag:s0] =	ssyncadd.s32 @!p0 s1  }
0xc4: {  	[bflag:$0x3] =	sbarrier.arrive $0xFFFF  }
0xc5: {  	_ =	shalt  }

</sc_bundles>
